<compile_context>
chip_gen: v7x
topology: tpu7x:2x2x1
jax: 0.10.2.dev20260603
libtpu: 0.0.44.dev20260713+nightly
codegen_flags: <defaults>
</compile_context>

<pallas_src>
import functools

import jax
import jax.numpy as jnp
from jax import lax
from jax.experimental import pallas as pl
from jax.experimental.pallas import tpu as pltpu
from jax.experimental.pallas import tpu_sc as plsc

NC = 2
NS = 16
CH = 64


RB = 4
DI = 8
STEP = 8


def _agg_body(n_rows, cpt, x_hbm, src_hbm, dst_hbm, out0_hbm, out1_hbm,
              src_r, dst_r, rows_v, agg_sh, gsems, ssems, issems, idsems):
    h = rows_v.shape[-1]
    c = lax.axis_index("c")
    s = lax.axis_index("s")
    rpt = ((-(-n_rows // NS) + 7) // 8) * 8
    rbase = jnp.minimum(s * rpt, n_rows - rpt)
    col = c * h

    def stage_src(j, sl):
        pltpu.async_copy(src_hbm.at[s, j], src_r.at[sl], issems.at[sl])

    def stage_dst(j, sl):
        pltpu.async_copy(dst_hbm.at[s, j], dst_r.at[sl], idsems.at[sl])

    def start_gather(sl, b):
        pltpu.async_copy(x_hbm.at[src_r.at[sl], pl.ds(col, h)], rows_v.at[b],
                         gsems.at[b])

    def wait_gather(sl, b):
        pltpu.make_async_copy(x_hbm.at[src_r.at[sl], pl.ds(col, h)],
                              rows_v.at[b], gsems.at[b]).wait()

    def start_scatter(sl, b):
        pltpu.async_copy(rows_v.at[b], agg_sh.at[dst_r.at[sl]], ssems.at[b],
                         add=True)

    def wait_scatter(sl, b):
        pltpu.make_async_copy(rows_v.at[b], agg_sh.at[dst_r.at[sl]],
                              ssems.at[b]).wait()

    for t in range(DI):
        stage_src(t, t)
    for t in range(DI - 2):
        stage_dst(t, t)
    pltpu.sync_copy(x_hbm.at[pl.ds(rbase, rpt), pl.ds(col, h)],
                    agg_sh.at[pl.ds(rbase, rpt)])
    plsc.subcore_barrier()
    for t in range(3):
        pltpu.make_async_copy(src_hbm.at[s, t], src_r.at[t], issems.at[t]).wait()
        start_gather(t, t)

    def outer(g, carry):
        for t in range(STEP):
            j = g * STEP + t
            b = t % RB
            pltpu.make_async_copy(dst_hbm.at[s, j], dst_r.at[t],
                                  idsems.at[t]).wait()
            wait_gather(t, b)

            @pl.when(j >= 1)
            def _():
                wait_scatter((t - 1) % DI, (t - 1) % RB)

            start_scatter(t, b)

            @pl.when(j + DI - 2 < cpt)
            def _():
                stage_dst(j + DI - 2, (t + DI - 2) % DI)

            @pl.when(j + DI < cpt)
            def _():
                stage_src(j + DI, t)

            @pl.when(j + 3 < cpt)
            def _():
                pltpu.make_async_copy(src_hbm.at[s, j + 3],
                                      src_r.at[(t + 3) % DI],
                                      issems.at[(t + 3) % DI]).wait()
                start_gather((t + 3) % DI, (t + 3) % RB)
        return carry

    lax.fori_loop(0, cpt // STEP, outer, 0)
    wait_scatter((cpt - 1) % DI, (cpt - 1) % RB)
    plsc.subcore_barrier()

    @pl.when(c == 0)
    def _():
        pltpu.sync_copy(agg_sh.at[pl.ds(rbase, rpt)], out0_hbm.at[pl.ds(rbase, rpt)])

    @pl.when(c == 1)
    def _():
        pltpu.sync_copy(agg_sh.at[pl.ds(rbase, rpt)], out1_hbm.at[pl.ds(rbase, rpt)])


def _sc_aggregate(x, srcs, dsts):
    n_rows, d = x.shape
    h = d // NC
    cpt = srcs.shape[1]
    mesh = plsc.VectorSubcoreMesh(
        core_axis_name="c", subcore_axis_name="s", num_cores=NC, num_subcores=NS)
    kern = pl.kernel(
        functools.partial(_agg_body, n_rows, cpt),
        out_type=(jax.ShapeDtypeStruct((n_rows, h), jnp.float32),
                  jax.ShapeDtypeStruct((n_rows, h), jnp.float32)),
        mesh=mesh,
        scratch_types=[
            pltpu.VMEM((DI, CH), jnp.int32),
            pltpu.VMEM((DI, CH), jnp.int32),
            pltpu.VMEM((RB, CH, h), jnp.float32),
            pltpu.VMEM_SHARED((n_rows + 8, h), jnp.float32),
            pltpu.SemaphoreType.DMA((RB,)),
            pltpu.SemaphoreType.DMA((RB,)),
            pltpu.SemaphoreType.DMA((DI,)),
            pltpu.SemaphoreType.DMA((DI,)),
        ],
    )
    return kern(x, srcs, dsts)


def _mlp_body(h0_ref, h1_ref, w1a_ref, w1b_ref, b1_ref, w2_ref, b2_ref, o_ref):
    h = jnp.dot(h0_ref[...], w1a_ref[...], preferred_element_type=jnp.float32)
    h = h + jnp.dot(h1_ref[...], w1b_ref[...], preferred_element_type=jnp.float32)
    h = jnp.maximum(h + b1_ref[...], 0.0)
    o_ref[...] = jnp.dot(h, w2_ref[...], preferred_element_type=jnp.float32) + b2_ref[...]


def _mlp(h0, h1, w1a, w1b, b1, w2, b2):
    n_rows, h = h0.shape
    d = w2.shape[0]
    rb = 2000
    grid = (n_rows // rb,)
    return pl.pallas_call(
        _mlp_body,
        grid=grid,
        in_specs=[
            pl.BlockSpec((rb, h), lambda i: (i, 0)),
            pl.BlockSpec((rb, h), lambda i: (i, 0)),
            pl.BlockSpec((h, d), lambda i: (0, 0)),
            pl.BlockSpec((h, d), lambda i: (0, 0)),
            pl.BlockSpec((1, d), lambda i: (0, 0)),
            pl.BlockSpec((d, d), lambda i: (0, 0)),
            pl.BlockSpec((1, d), lambda i: (0, 0)),
        ],
        out_specs=pl.BlockSpec((rb, d), lambda i: (i, 0)),
        out_shape=jax.ShapeDtypeStruct((n_rows, d), jnp.float32),
    )(h0, h1, w1a, w1b, b1, w2, b2)


def kernel(x, edge_index, W1, b1, W2, b2):
    n_rows, d = x.shape
    h = d // 2
    e = edge_index.shape[1]
    cpt = ((-(-e // (NS * CH)) + STEP - 1) // STEP) * STEP
    e_pad = NS * cpt * CH

    src = edge_index[0]
    dst = edge_index[1]
    pad = e_pad - e
    src_p = jnp.concatenate([src, jnp.zeros((pad,), jnp.int32)]).reshape(NS, cpt, CH)
    dst_p = jnp.concatenate([dst, jnp.full((pad,), n_rows, jnp.int32)]).reshape(NS, cpt, CH)

    agg0, agg1 = _sc_aggregate(x, src_p, dst_p)
    return _mlp(agg0, agg1, W1[:h], W1[h:], b1.reshape(1, d), W2,
                b2.reshape(1, d))

# --- scband reference (transcript-rebuilt; emitter-appended) ---
"""Pipeline reference for scband-ginlayer-28647431864954 (READ-ONLY COPY).

The authoritative reference and input builder live on the scoring server;
editing this copy changes nothing except your own understanding.
"""

import jax, jax.numpy as jnp
import numpy as np

N = 10000
E = 160000
D = 256

def setup_inputs(seed: int = 0) -> dict:
    key = jax.random.key(seed)
    ks = jax.random.split(key, 6)
    x = jax.random.normal(ks[0], (N, D), dtype=jnp.float32)
    edge_index = jax.random.randint(ks[1], (2, E), 0, N, dtype=jnp.int32)
    # MLP params: Linear(D, D) -> ReLU -> Linear(D, D), per GINLayer default nn
    lim1 = 1.0 / np.sqrt(D)
    W1 = jax.random.uniform(ks[2], (D, D), dtype=jnp.float32, minval=-lim1, maxval=lim1)
    b1 = jax.random.uniform(ks[3], (D,), dtype=jnp.float32, minval=-lim1, maxval=lim1)
    lim2 = 1.0 / np.sqrt(D)
    W2 = jax.random.uniform(ks[4], (D, D), dtype=jnp.float32, minval=-lim2, maxval=lim2)
    b2 = jax.random.uniform(ks[5], (D,), dtype=jnp.float32, minval=-lim2, maxval=lim2)
    return {"x": x, "edge_index": edge_index, "W1": W1, "b1": b1, "W2": W2, "b2": b2}

def reference(x, edge_index, W1, b1, W2, b2):
    # GINConv: out = MLP((1 + eps) * x_i + sum_{j in N(i)} x_j), eps = 0.0 (buffer, not trained)
    eps = 0.0
    src = edge_index[0]
    dst = edge_index[1]
    msgs = jnp.take(x, src, axis=0)            # gather source node features per edge
    agg = jax.ops.segment_sum(msgs, dst, num_segments=x.shape[0])  # scatter-add to dst nodes
    h = (1.0 + eps) * x + agg
    h = h @ W1 + b1
    h = jax.nn.relu(h)
    out = h @ W2 + b2
    return out

if __name__ == "__main__":
    import jax
    _d = setup_inputs()
    print(jax.jit(kernel)(*tuple(_d.values())))

</pallas_src>

<mosaic_0001>
#map = affine_map<(d0, d1) -> (0, 0)>
#map1 = affine_map<(d0, d1) -> (0, 0, 0)>
module attributes {stable_mosaic.version = 14 : i64} {
  func.func @_agg_body(%arg0: i32, %arg1: i32, %arg2: memref<10000x256xf32, #tpu.memory_space<hbm>>, %arg3: memref<16x160x64xi32, #tpu.memory_space<hbm>>, %arg4: memref<16x160x64xi32, #tpu.memory_space<hbm>>, %arg5: memref<10000x128xf32, #tpu.memory_space<hbm>>, %arg6: memref<10000x128xf32, #tpu.memory_space<hbm>>, %arg7: memref<8x64xi32, #tpu.memory_space<vmem>>, %arg8: memref<8x64xi32, #tpu.memory_space<vmem>>, %arg9: memref<4x64x128xf32, #tpu.memory_space<vmem>>, %arg10: memref<10008x128xf32, #tpu.memory_space<vmem_shared>>, %arg11: memref<4x!tpu.dma_semaphore, #tpu.memory_space<semaphore_mem>>, %arg12: memref<4x!tpu.dma_semaphore, #tpu.memory_space<semaphore_mem>>, %arg13: memref<8x!tpu.dma_semaphore, #tpu.memory_space<semaphore_mem>>, %arg14: memref<8x!tpu.dma_semaphore, #tpu.memory_space<semaphore_mem>>) attributes {dimension_semantics = [#tpu.dimension_semantics<core_parallel>, #tpu.dimension_semantics<subcore_parallel>], iteration_bounds = array<i64: 2, 16>, scalar_prefetch = 0 : i64, scratch_operands = 8 : i64, tpu.core_type = #tpu.core_type<sc_vector_subcore>, window_params = [{transform_indices = #map}, {transform_indices = #map1}, {transform_indices = #map1}, {transform_indices = #map}, {transform_indices = #map}]} {
    %mul3A = arith.constant 632 : i32
    %mul3A_0 = arith.muli %arg1, %mul3A : i32
    %min3A = arith.constant 9368 : i32
    %min3A_1 = arith.minsi %mul3A_0, %min3A : i32
    %mul3A_2 = arith.constant 128 : i32
    %mul3A_3 = arith.muli %arg0, %mul3A_2 : i32
    %dma_start3A = arith.constant 0 : i32
    %dma_start3A_4 = arith.constant 0 : i32
    %dma_start3A_5 = arith.constant 0 : i32
    %dma_start3A_6 = arith.constant 0 : i32
    %dma_start3A_7 = tpu.memref_slice %arg7[%dma_start3A_4, %dma_start3A_6] : memref<8x64xi32, #tpu.memory_space<vmem>> -> memref<1x64xi32, #tpu.memory_space<vmem>>
    %dma_start3A_8 = tpu.memref_squeeze %dma_start3A_7 : memref<1x64xi32, #tpu.memory_space<vmem>> -> memref<64xi32, #tpu.memory_space<vmem>>
    %dma_start3A_9 = arith.constant 0 : i32
    %dma_start3A_10 = tpu.memref_slice %arg3[%arg1, %dma_start3A, %dma_start3A_9] : memref<16x160x64xi32, #tpu.memory_space<hbm>> -> memref<1x1x64xi32, #tpu.memory_space<hbm>>
    %dma_start3A_11 = tpu.memref_squeeze %dma_start3A_10 : memref<1x1x64xi32, #tpu.memory_space<hbm>> -> memref<64xi32, #tpu.memory_space<hbm>>
    %dma_start3A_12 = tpu.memref_slice %arg13[%dma_start3A_5] : memref<8x!tpu.dma_semaphore, #tpu.memory_space<semaphore_mem>> -> memref<1x!tpu.dma_semaphore, #tpu.memory_space<semaphore_mem>>
    %dma_start3A_13 = tpu.memref_squeeze %dma_start3A_12 : memref<1x!tpu.dma_semaphore, #tpu.memory_space<semaphore_mem>> -> memref<!tpu.dma_semaphore, #tpu.memory_space<semaphore_mem>>
    %dma_start3A_14 = arith.constant 0 : i32
    %dma_start3A_15 = tpu.memref_slice %arg7[%dma_start3A_4, %dma_start3A_14] : memref<8x64xi32, #tpu.memory_space<vmem>> -> memref<1x64xi32, #tpu.memory_space<vmem>>
    %dma_start3A_16 = tpu.memref_squeeze %dma_start3A_15 : memref<1x64xi32, #tpu.memory_space<vmem>> -> memref<64xi32, #tpu.memory_space<vmem>>
    %dma_start3A_17 = arith.constant 0 : i32
    %dma_start3A_18 = tpu.memref_slice %arg3[%arg1, %dma_start3A, %dma_start3A_17] : memref<16x160x64xi32, #tpu.memory_space<hbm>> -> memref<1x1x64xi32, #tpu.memory_space<hbm>>
    %dma_start3A_19 = tpu.memref_squeeze %dma_start3A_18 : memref<1x1x64xi32, #tpu.memory_space<hbm>> -> memref<64xi32, #tpu.memory_space<hbm>>
    tpu.enqueue_dma source(%dma_start3A_19 : memref<64xi32, #tpu.memory_space<hbm>>) target(%dma_start3A_16 : memref<64xi32, #tpu.memory_space<vmem>>) target_semaphore(%dma_start3A_13 : memref<!tpu.dma_semaphore, #tpu.memory_space<semaphore_mem>>)
    %dma_start3A_20 = arith.constant 1 : i32
    %dma_start3A_21 = arith.constant 1 : i32
    %dma_start3A_22 = arith.constant 1 : i32
    %dma_start3A_23 = arith.constant 0 : i32
    %dma_start3A_24 = tpu.memref_slice %arg7[%dma_start3A_21, %dma_start3A_23] : memref<8x64xi32, #tpu.memory_space<vmem>> -> memref<1x64xi32, #tpu.memory_space<vmem>>
    %dma_start3A_25 = tpu.memref_squeeze %dma_start3A_24 : memref<1x64xi32, #tpu.memory_space<vmem>> -> memref<64xi32, #tpu.memory_space<vmem>>
    %dma_start3A_26 = arith.constant 0 : i32
    %dma_start3A_27 = tpu.memref_slice %arg3[%arg1, %dma_start3A_20, %dma_start3A_26] : memref<16x160x64xi32, #tpu.memory_space<hbm>> -> memref<1x1x64xi32, #tpu.memory_space<hbm>>
    %dma_start3A_28 = tpu.memref_squeeze %dma_start3A_27 : memref<1x1x64xi32, #tpu.memory_space<hbm>> -> memref<64xi32, #tpu.memory_space<hbm>>
    %dma_start3A_29 = tpu.memref_slice %arg13[%dma_start3A_22] : memref<8x!tpu.dma_semaphore, #tpu.memory_space<semaphore_mem>> -> memref<1x!tpu.dma_semaphore, #tpu.memory_space<semaphore_mem>>
    %dma_start3A_30 = tpu.memref_squeeze %dma_start3A_29 : memref<1x!tpu.dma_semaphore, #tpu.memory_space<semaphore_mem>> -> memref<!tpu.dma_semaphore, #tpu.memory_space<semaphore_mem>>
    %dma_start3A_31 = arith.constant 0 : i32
    %dma_start3A_32 = tpu.memref_slice %arg7[%dma_start3A_21, %dma_start3A_31] : memref<8x64xi32, #tpu.memory_space<vmem>> -> memref<1x64xi32, #tpu.memory_space<vmem>>
    %dma_start3A_33 = tpu.memref_squeeze %dma_start3A_32 : memref<1x64xi32, #tpu.memory_space<vmem>> -> memref<64xi32, #tpu.memory_space<vmem>>
    %dma_start3A_34 = arith.constant 0 : i32
    %dma_start3A_35 = tpu.memref_slice %arg3[%arg1, %dma_start3A_20, %dma_start3A_34] : memref<16x160x64xi32, #tpu.memory_space<hbm>> -> memref<1x1x64xi32, #tpu.memory_space<hbm>>
    %dma_start3A_36 = tpu.memref_squeeze %dma_start3A_35 : memref<1x1x64xi32, #tpu.memory_space<hbm>> -> memref<64xi32, #tpu.memory_space<hbm>>
    tpu.enqueue_dma source(%dma_start3A_36 : memref<64xi32, #tpu.memory_space<hbm>>) target(%dma_start3A_33 : memref<64xi32, #tpu.memory_space<vmem>>) target_semaphore(%dma_start3A_30 : memref<!tpu.dma_semaphore, #tpu.memory_space<semaphore_mem>>)
    %dma_start3A_37 = arith.constant 2 : i32
    %dma_start3A_38 = arith.constant 2 : i32
    %dma_start3A_39 = arith.constant 2 : i32
    %dma_start3A_40 = arith.constant 0 : i32
    %dma_start3A_41 = tpu.memref_slice %arg7[%dma_start3A_38, %dma_start3A_40] : memref<8x64xi32, #tpu.memory_space<vmem>> -> memref<1x64xi32, #tpu.memory_space<vmem>>
    %dma_start3A_42 = tpu.memref_squeeze %dma_start3A_41 : memref<1x64xi32, #tpu.memory_space<vmem>> -> memref<64xi32, #tpu.memory_space<vmem>>
    %dma_start3A_43 = arith.constant 0 : i32
    %dma_start3A_44 = tpu.memref_slice %arg3[%arg1, %dma_start3A_37, %dma_start3A_43] : memref<16x160x64xi32, #tpu.memory_space<hbm>> -> memref<1x1x64xi32, #tpu.memory_space<hbm>>
    %dma_start3A_45 = tpu.memref_squeeze %dma_start3A_44 : memref<1x1x64xi32, #tpu.memory_space<hbm>> -> memref<64xi32, #tpu.memory_space<hbm>>
    %dma_start3A_46 = tpu.memref_slice %arg13[%dma_start3A_39] : memref<8x!tpu.dma_semaphore, #tpu.memory_space<semaphore_mem>> -> memref<1x!tpu.dma_semaphore, #tpu.memory_space<semaphore_mem>>
    %dma_start3A_47 = tpu.memref_squeeze %dma_start3A_46 : memref<1x!tpu.dma_semaphore, #tpu.memory_space<semaphore_mem>> -> memref<!tpu.dma_semaphore, #tpu.memory_space<semaphore_mem>>
    %dma_start3A_48 = arith.constant 0 : i32
    %dma_start3A_49 = tpu.memref_slice %arg7[%dma_start3A_38, %dma_start3A_48] : memref<8x64xi32, #tpu.memory_space<vmem>> -> memref<1x64xi32, #tpu.memory_space<vmem>>
    %dma_start3A_50 = tpu.memref_squeeze %dma_start3A_49 : memref<1x64xi32, #tpu.memory_space<vmem>> -> memref<64xi32, #tpu.memory_space<vmem>>
    %dma_start3A_51 = arith.constant 0 : i32
    %dma_start3A_52 = tpu.memref_slice %arg3[%arg1, %dma_start3A_37, %dma_start3A_51] : memref<16x160x64xi32, #tpu.memory_space<hbm>> -> memref<1x1x64xi32, #tpu.memory_space<hbm>>
    %dma_start3A_53 = tpu.memref_squeeze %dma_start3A_52 : memref<1x1x64xi32, #tpu.memory_space<hbm>> -> memref<64xi32, #tpu.memory_space<hbm>>
    tpu.enqueue_dma source(%dma_start3A_53 : memref<64xi32, #tpu.memory_space<hbm>>) target(%dma_start3A_50 : memref<64xi32, #tpu.memory_space<vmem>>) target_semaphore(%dma_start3A_47 : memref<!tpu.dma_semaphore, #tpu.memory_space<semaphore_mem>>)
    %dma_start3A_54 = arith.constant 3 : i32
    %dma_start3A_55 = arith.constant 3 : i32
    %dma_start3A_56 = arith.constant 3 : i32
    %dma_start3A_57 = arith.constant 0 : i32
    %dma_start3A_58 = tpu.memref_slice %arg7[%dma_start3A_55, %dma_start3A_57] : memref<8x64xi32, #tpu.memory_space<vmem>> -> memref<1x64xi32, #tpu.memory_space<vmem>>
    %dma_start3A_59 = tpu.memref_squeeze %dma_start3A_58 : memref<1x64xi32, #tpu.memory_space<vmem>> -> memref<64xi32, #tpu.memory_space<vmem>>
    %dma_start3A_60 = arith.constant 0 : i32
    %dma_start3A_61 = tpu.memref_slice %arg3[%arg1, %dma_start3A_54, %dma_start3A_60] : memref<16x160x64xi32, #tpu.memory_space<hbm>> -> memref<1x1x64xi32, #tpu.memory_space<hbm>>
    %dma_start3A_62 = tpu.memref_squeeze %dma_start3A_61 : memref<1x1x64xi32, #tpu.memory_space<hbm>> -> memref<64xi32, #tpu.memory_space<hbm>>
    %dma_start3A_63 = tpu.memref_slice %arg13[%dma_start3A_56] : memref<8x!tpu.dma_semaphore, #tpu.memory_space<semaphore_mem>> -> memref<1x!tpu.dma_semaphore, #tpu.memory_space<semaphore_mem>>
    %dma_start3A_64 = tpu.memref_squeeze %dma_start3A_63 : memref<1x!tpu.dma_semaphore, #tpu.memory_space<semaphore_mem>> -> memref<!tpu.dma_semaphore, #tpu.memory_space<semaphore_mem>>
    %dma_start3A_65 = arith.constant 0 : i32
    %dma_start3A_66 = tpu.memref_slice %arg7[%dma_start3A_55, %dma_start3A_65] : memref<8x64xi32, #tpu.memory_space<vmem>> -> memref<1x64xi32, #tpu.memory_space<vmem>>
    %dma_start3A_67 = tpu.memref_squeeze %dma_start3A_66 : memref<1x64xi32, #tpu.memory_space<vmem>> -> memref<64xi32, #tpu.memory_space<vmem>>
    %dma_start3A_68 = arith.constant 0 : i32
    %dma_start3A_69 = tpu.memref_slice %arg3[%arg1, %dma_start3A_54, %dma_start3A_68] : memref<16x160x64xi32, #tpu.memory_space<hbm>> -> memref<1x1x64xi32, #tpu.memory_space<hbm>>
    %dma_start3A_70 = tpu.memref_squeeze %dma_start3A_69 : memref<1x1x64xi32, #tpu.memory_space<hbm>> -> memref<64xi32, #tpu.memory_space<hbm>>
    tpu.enqueue_dma source(%dma_start3A_70 : memref<64xi32, #tpu.memory_space<hbm>>) target(%dma_start3A_67 : memref<64xi32, #tpu.memory_space<vmem>>) target_semaphore(%dma_start3A_64 : memref<!tpu.dma_semaphore, #tpu.memory_space<semaphore_mem>>)
    %dma_start3A_71 = arith.constant 4 : i32
    %dma_start3A_72 = arith.constant 4 : i32
    %dma_start3A_73 = arith.constant 4 : i32
    %dma_start3A_74 = arith.constant 0 : i32
    %dma_start3A_75 = tpu.memref_slice %arg7[%dma_start3A_72, %dma_start3A_74] : memref<8x64xi32, #tpu.memory_space<vmem>> -> memref<1x64xi32, #tpu.memory_space<vmem>>
    %dma_start3A_76 = tpu.memref_squeeze %dma_start3A_75 : memref<1x64xi32, #tpu.memory_space<vmem>> -> memref<64xi32, #tpu.memory_space<vmem>>
    %dma_start3A_77 = arith.constant 0 : i32
    %dma_start3A_78 = tpu.memref_slice %arg3[%arg1, %dma_start3A_71, %dma_start3A_77] : memref<16x160x64xi32, #tpu.memory_space<hbm>> -> memref<1x1x64xi32, #tpu.memory_space<hbm>>
    %dma_start3A_79 = tpu.memref_squeeze %dma_start3A_78 : memref<1x1x64xi32, #tpu.memory_space<hbm>> -> memref<64xi32, #tpu.memory_space<hbm>>
    %dma_start3A_80 = tpu.memref_slice %arg13[%dma_start3A_73] : memref<8x!tpu.dma_semaphore, #tpu.memory_space<semaphore_mem>> -> memref<1x!tpu.dma_semaphore, #tpu.memory_space<semaphore_mem>>
    %dma_start3A_81 = tpu.memref_squeeze %dma_start3A_80 : memref<1x!tpu.dma_semaphore, #tpu.memory_space<semaphore_mem>> -> memref<!tpu.dma_semaphore, #tpu.memory_space<semaphore_mem>>
    %dma_start3A_82 = arith.constant 0 : i32
    %dma_start3A_83 = tpu.memref_slice %arg7[%dma_start3A_72, %dma_start3A_82] : memref<8x64xi32, #tpu.memory_space<vmem>> -> memref<1x64xi32, #tpu.memory_space<vmem>>
    %dma_start3A_84 = tpu.memref_squeeze %dma_start3A_83 : memref<1x64xi32, #tpu.memory_space<vmem>> -> memref<64xi32, #tpu.memory_space<vmem>>
    %dma_start3A_85 = arith.constant 0 : i32
    %dma_start3A_86 = tpu.memref_slice %arg3[%arg1, %dma_start3A_71, %dma_start3A_85] : memref<16x160x64xi32, #tpu.memory_space<hbm>> -> memref<1x1x64xi32, #tpu.memory_space<hbm>>
    %dma_start3A_87 = tpu.memref_squeeze %dma_start3A_86 : memref<1x1x64xi32, #tpu.memory_space<hbm>> -> memref<64xi32, #tpu.memory_space<hbm>>
    tpu.enqueue_dma source(%dma_start3A_87 : memref<64xi32, #tpu.memory_space<hbm>>) target(%dma_start3A_84 : memref<64xi32, #tpu.memory_space<vmem>>) target_semaphore(%dma_start3A_81 : memref<!tpu.dma_semaphore, #tpu.memory_space<semaphore_mem>>)
    %dma_start3A_88 = arith.constant 5 : i32
    %dma_start3A_89 = arith.constant 5 : i32
    %dma_start3A_90 = arith.constant 5 : i32
    %dma_start3A_91 = arith.constant 0 : i32
    %dma_start3A_92 = tpu.memref_slice %arg7[%dma_start3A_89, %dma_start3A_91] : memref<8x64xi32, #tpu.memory_space<vmem>> -> memref<1x64xi32, #tpu.memory_space<vmem>>
    %dma_start3A_93 = tpu.memref_squeeze %dma_start3A_92 : memref<1x64xi32, #tpu.memory_space<vmem>> -> memref<64xi32, #tpu.memory_space<vmem>>
    %dma_start3A_94 = arith.constant 0 : i32
    %dma_start3A_95 = tpu.memref_slice %arg3[%arg1, %dma_start3A_88, %dma_start3A_94] : memref<16x160x64xi32, #tpu.memory_space<hbm>> -> memref<1x1x64xi32, #tpu.memory_space<hbm>>
    %dma_start3A_96 = tpu.memref_squeeze %dma_start3A_95 : memref<1x1x64xi32, #tpu.memory_space<hbm>> -> memref<64xi32, #tpu.memory_space<hbm>>
    %dma_start3A_97 = tpu.memref_slice %arg13[%dma_start3A_90] : memref<8x!tpu.dma_semaphore, #tpu.memory_space<semaphore_mem>> -> memref<1x!tpu.dma_semaphore, #tpu.memory_space<semaphore_mem>>
    %dma_start3A_98 = tpu.memref_squeeze %dma_start3A_97 : memref<1x!tpu.dma_semaphore, #tpu.memory_space<semaphore_mem>> -> memref<!tpu.dma_semaphore, #tpu.memory_space<semaphore_mem>>
    %dma_start3A_99 = arith.constant 0 : i32
    %dma_start3A_100 = tpu.memref_slice %arg7[%dma_start3A_89, %dma_start3A_99] : memref<8x64xi32, #tpu.memory_space<vmem>> -> memref<1x64xi32, #tpu.memory_space<vmem>>
    %dma_start3A_101 = tpu.memref_squeeze %dma_start3A_100 : memref<1x64xi32, #tpu.memory_space<vmem>> -> memref<64xi32, #tpu.memory_space<vmem>>
    %dma_start3A_102 = arith.constant 0 : i32
    %dma_start3A_103 = tpu.memref_slice %arg3[%arg1, %dma_start3A_88, %dma_start3A_102] : memref<16x160x64xi32, #tpu.memory_space<hbm>> -> memref<1x1x64xi32, #tpu.memory_space<hbm>>
    %dma_start3A_104 = tpu.memref_squeeze %dma_start3A_103 : memref<1x1x64xi32, #tpu.memory_space<hbm>> -> memref<64xi32, #tpu.memory_space<hbm>>
    tpu.enqueue_dma source(%dma_start3A_104 : memref<64xi32, #tpu.memory_space<hbm>>) target(%dma_start3A_101 : memref<64xi32, #tpu.memory_space<vmem>>) target_semaphore(%dma_start3A_98 : memref<!tpu.dma_semaphore, #tpu.memory_space<semaphore_mem>>)
    %dma_start3A_105 = arith.constant 6 : i32
    %dma_start3A_106 = arith.constant 6 : i32
    %dma_start3A_107 = arith.constant 6 : i32
    %dma_start3A_108 = arith.constant 0 : i32
    %dma_start3A_109 = tpu.memref_slice %arg7[%dma_start3A_106, %dma_start3A_108] : memref<8x64xi32, #tpu.memory_space<vmem>> -> memref<1x64xi32, #tpu.memory_space<vmem>>
    %dma_start3A_110 = tpu.memref_squeeze %dma_start3A_109 : memref<1x64xi32, #tpu.memory_space<vmem>> -> memref<64xi32, #tpu.memory_space<vmem>>
    %dma_start3A_111 = arith.constant 0 : i32
    %dma_start3A_112 = tpu.memref_slice %arg3[%arg1, %dma_start3A_105, %dma_start3A_111] : memref<16x160x64xi32, #tpu.memory_space<hbm>> -> memref<1x1x64xi32, #tpu.memory_space<hbm>>
    %dma_start3A_113 = tpu.memref_squeeze %dma_start3A_112 : memref<1x1x64xi32, #tpu.memory_space<hbm>> -> memref<64xi32, #tpu.memory_space<hbm>>
    %dma_start3A_114 = tpu.memref_slice %arg13[%dma_start3A_107] : memref<8x!tpu.dma_semaphore, #tpu.memory_space<semaphore_mem>> -> memref<1x!tpu.dma_semaphore, #tpu.memory_space<semaphore_mem>>
    %dma_start3A_115 = tpu.memref_squeeze %dma_start3A_114 : memref<1x!tpu.dma_semaphore, #tpu.memory_space<semaphore_mem>> -> memref<!tpu.dma_semaphore, #tpu.memory_space<semaphore_mem>>
    %dma_start3A_116 = arith.constant 0 : i32
    %dma_start3A_117 = tpu.memref_slice %arg7[%dma_start3A_106, %dma_start3A_116] : memref<8x64xi32, #tpu.memory_space<vmem>> -> memref<1x64xi32, #tpu.memory_space<vmem>>
    %dma_start3A_118 = tpu.memref_squeeze %dma_start3A_117 : memref<1x64xi32, #tpu.memory_space<vmem>> -> memref<64xi32, #tpu.memory_space<vmem>>
    %dma_start3A_119 = arith.constant 0 : i32
    %dma_start3A_120 = tpu.memref_slice %arg3[%arg1, %dma_start3A_105, %dma_start3A_119] : memref<16x160x64xi32, #tpu.memory_space<hbm>> -> memref<1x1x64xi32, #tpu.memory_space<hbm>>
    %dma_start3A_121 = tpu.memref_squeeze %dma_start3A_120 : memref<1x1x64xi32, #tpu.memory_space<hbm>> -> memref<64xi32, #tpu.memory_space<hbm>>
    tpu.enqueue_dma source(%dma_start3A_121 : memref<64xi32, #tpu.memory_space<hbm>>) target(%dma_start3A_118 : memref<64xi32, #tpu.memory_space<vmem>>) target_semaphore(%dma_start3A_115 : memref<!tpu.dma_semaphore, #tpu.memory_space<semaphore_mem>>)
    %dma_start3A_122 = arith.constant 7 : i32
    %dma_start3A_123 = arith.constant 7 : i32
    %dma_start3A_124 = arith.constant 7 : i32
    %dma_start3A_125 = arith.constant 0 : i32
    %dma_start3A_126 = tpu.memref_slice %arg7[%dma_start3A_123, %dma_start3A_125] : memref<8x64xi32, #tpu.memory_space<vmem>> -> memref<1x64xi32, #tpu.memory_space<vmem>>
    %dma_start3A_127 = tpu.memref_squeeze %dma_start3A_126 : memref<1x64xi32, #tpu.memory_space<vmem>> -> memref<64xi32, #tpu.memory_space<vmem>>
    %dma_start3A_128 = arith.constant 0 : i32
    %dma_start3A_129 = tpu.memref_slice %arg3[%arg1, %dma_start3A_122, %dma_start3A_128] : memref<16x160x64xi32, #tpu.memory_space<hbm>> -> memref<1x1x64xi32, #tpu.memory_space<hbm>>
    %dma_start3A_130 = tpu.memref_squeeze %dma_start3A_129 : memref<1x1x64xi32, #tpu.memory_space<hbm>> -> memref<64xi32, #tpu.memory_space<hbm>>
    %dma_start3A_131 = tpu.memref_slice %arg13[%dma_start3A_124] : memref<8x!tpu.dma_semaphore, #tpu.memory_space<semaphore_mem>> -> memref<1x!tpu.dma_semaphore, #tpu.memory_space<semaphore_mem>>
    %dma_start3A_132 = tpu.memref_squeeze %dma_start3A_131 : memref<1x!tpu.dma_semaphore, #tpu.memory_space<semaphore_mem>> -> memref<!tpu.dma_semaphore, #tpu.memory_space<semaphore_mem>>
    %dma_start3A_133 = arith.constant 0 : i32
    %dma_start3A_134 = tpu.memref_slice %arg7[%dma_start3A_123, %dma_start3A_133] : memref<8x64xi32, #tpu.memory_space<vmem>> -> memref<1x64xi32, #tpu.memory_space<vmem>>
    %dma_start3A_135 = tpu.memref_squeeze %dma_start3A_134 : memref<1x64xi32, #tpu.memory_space<vmem>> -> memref<64xi32, #tpu.memory_space<vmem>>
    %dma_start3A_136 = arith.constant 0 : i32
    %dma_start3A_137 = tpu.memref_slice %arg3[%arg1, %dma_start3A_122, %dma_start3A_136] : memref<16x160x64xi32, #tpu.memory_space<hbm>> -> memref<1x1x64xi32, #tpu.memory_space<hbm>>
    %dma_start3A_138 = tpu.memref_squeeze %dma_start3A_137 : memref<1x1x64xi32, #tpu.memory_space<hbm>> -> memref<64xi32, #tpu.memory_space<hbm>>
    tpu.enqueue_dma source(%dma_start3A_138 : memref<64xi32, #tpu.memory_space<hbm>>) target(%dma_start3A_135 : memref<64xi32, #tpu.memory_space<vmem>>) target_semaphore(%dma_start3A_132 : memref<!tpu.dma_semaphore, #tpu.memory_space<semaphore_mem>>)
    %dma_start3A_139 = arith.constant 0 : i32
    %dma_start3A_140 = arith.constant 0 : i32
    %dma_start3A_141 = arith.constant 0 : i32
    %dma_start3A_142 = arith.constant 0 : i32
    %dma_start3A_143 = tpu.memref_slice %arg8[%dma_start3A_140, %dma_start3A_142] : memref<8x64xi32, #tpu.memory_space<vmem>> -> memref<1x64xi32, #tpu.memory_space<vmem>>
    %dma_start3A_144 = tpu.memref_squeeze %dma_start3A_143 : memref<1x64xi32, #tpu.memory_space<vmem>> -> memref<64xi32, #tpu.memory_space<vmem>>
    %dma_start3A_145 = arith.constant 0 : i32
    %dma_start3A_146 = tpu.memref_slice %arg4[%arg1, %dma_start3A_139, %dma_start3A_145] : memref<16x160x64xi32, #tpu.memory_space<hbm>> -> memref<1x1x64xi32, #tpu.memory_space<hbm>>
    %dma_start3A_147 = tpu.memref_squeeze %dma_start3A_146 : memref<1x1x64xi32, #tpu.memory_space<hbm>> -> memref<64xi32, #tpu.memory_space<hbm>>
    %dma_start3A_148 = tpu.memref_slice %arg14[%dma_start3A_141] : memref<8x!tpu.dma_semaphore, #tpu.memory_space<semaphore_mem>> -> memref<1x!tpu.dma_semaphore, #tpu.memory_space<semaphore_mem>>
    %dma_start3A_149 = tpu.memref_squeeze %dma_start3A_148 : memref<1x!tpu.dma_semaphore, #tpu.memory_space<semaphore_mem>> -> memref<!tpu.dma_semaphore, #tpu.memory_space<semaphore_mem>>
    %dma_start3A_150 = arith.constant 0 : i32
    %dma_start3A_151 = tpu.memref_slice %arg8[%dma_start3A_140, %dma_start3A_150] : memref<8x64xi32, #tpu.memory_space<vmem>> -> memref<1x64xi32, #tpu.memory_space<vmem>>
    %dma_start3A_152 = tpu.memref_squeeze %dma_start3A_151 : memref<1x64xi32, #tpu.memory_space<vmem>> -> memref<64xi32, #tpu.memory_space<vmem>>
    %dma_start3A_153 = arith.constant 0 : i32
    %dma_start3A_154 = tpu.memref_slice %arg4[%arg1, %dma_start3A_139, %dma_start3A_153] : memref<16x160x64xi32, #tpu.memory_space<hbm>> -> memref<1x1x64xi32, #tpu.memory_space<hbm>>
    %dma_start3A_155 = tpu.memref_squeeze %dma_start3A_154 : memref<1x1x64xi32, #tpu.memory_space<hbm>> -> memref<64xi32, #tpu.memory_space<hbm>>
    tpu.enqueue_dma source(%dma_start3A_155 : memref<64xi32, #tpu.memory_space<hbm>>) target(%dma_start3A_152 : memref<64xi32, #tpu.memory_space<vmem>>) target_semaphore(%dma_start3A_149 : memref<!tpu.dma_semaphore, #tpu.memory_space<semaphore_mem>>)
    %dma_start3A_156 = arith.constant 1 : i32
    %dma_start3A_157 = arith.constant 1 : i32
    %dma_start3A_158 = arith.constant 1 : i32
    %dma_start3A_159 = arith.constant 0 : i32
    %dma_start3A_160 = tpu.memref_slice %arg8[%dma_start3A_157, %dma_start3A_159] : memref<8x64xi32, #tpu.memory_space<vmem>> -> memref<1x64xi32, #tpu.memory_space<vmem>>
    %dma_start3A_161 = tpu.memref_squeeze %dma_start3A_160 : memref<1x64xi32, #tpu.memory_space<vmem>> -> memref<64xi32, #tpu.memory_space<vmem>>
    %dma_start3A_162 = arith.constant 0 : i32
    %dma_start3A_163 = tpu.memref_slice %arg4[%arg1, %dma_start3A_156, %dma_start3A_162] : memref<16x160x64xi32, #tpu.memory_space<hbm>> -> memref<1x1x64xi32, #tpu.memory_space<hbm>>
    %dma_start3A_164 = tpu.memref_squeeze %dma_start3A_163 : memref<1x1x64xi32, #tpu.memory_space<hbm>> -> memref<64xi32, #tpu.memory_space<hbm>>
    %dma_start3A_165 = tpu.memref_slice %arg14[%dma_start3A_158] : memref<8x!tpu.dma_semaphore, #tpu.memory_space<semaphore_mem>> -> memref<1x!tpu.dma_semaphore, #tpu.memory_space<semaphore_mem>>
    %dma_start3A_166 = tpu.memref_squeeze %dma_start3A_165 : memref<1x!tpu.dma_semaphore, #tpu.memory_space<semaphore_mem>> -> memref<!tpu.dma_semaphore, #tpu.memory_space<semaphore_mem>>
    %dma_start3A_167 = arith.constant 0 : i32
    %dma_start3A_168 = tpu.memref_slice %arg8[%dma_start3A_157, %dma_start3A_167] : memref<8x64xi32, #tpu.memory_space<vmem>> -> memref<1x64xi32, #tpu.memory_space<vmem>>
    %dma_start3A_169 = tpu.memref_squeeze %dma_start3A_168 : memref<1x64xi32, #tpu.memory_space<vmem>> -> memref<64xi32, #tpu.memory_space<vmem>>
    %dma_start3A_170 = arith.constant 0 : i32
    %dma_start3A_171 = tpu.memref_slice %arg4[%arg1, %dma_start3A_156, %dma_start3A_170] : memref<16x160x64xi32, #tpu.memory_space<hbm>> -> memref<1x1x64xi32, #tpu.memory_space<hbm>>
    %dma_start3A_172 = tpu.memref_squeeze %dma_start3A_171 : memref<1x1x64xi32, #tpu.memory_space<hbm>> -> memref<64xi32, #tpu.memory_space<hbm>>
    tpu.enqueue_dma source(%dma_start3A_172 : memref<64xi32, #tpu.memory_space<hbm>>) target(%dma_start3A_169 : memref<64xi32, #tpu.memory_space<vmem>>) target_semaphore(%dma_start3A_166 : memref<!tpu.dma_semaphore, #tpu.memory_space<semaphore_mem>>)
    %dma_start3A_173 = arith.constant 2 : i32
    %dma_start3A_174 = arith.constant 2 : i32
    %dma_start3A_175 = arith.constant 2 : i32
    %dma_start3A_176 = arith.constant 0 : i32
    %dma_start3A_177 = tpu.memref_slice %arg8[%dma_start3A_174, %dma_start3A_176] : memref<8x64xi32, #tpu.memory_space<vmem>> -> memref<1x64xi32, #tpu.memory_space<vmem>>
    %dma_start3A_178 = tpu.memref_squeeze %dma_start3A_177 : memref<1x64xi32, #tpu.memory_space<vmem>> -> memref<64xi32, #tpu.memory_space<vmem>>
    %dma_start3A_179 = arith.constant 0 : i32
    %dma_start3A_180 = tpu.memref_slice %arg4[%arg1, %dma_start3A_173, %dma_start3A_179] : memref<16x160x64xi32, #tpu.memory_space<hbm>> -> memref<1x1x64xi32, #tpu.memory_space<hbm>>
    %dma_start3A_181 = tpu.memref_squeeze %dma_start3A_180 : memref<1x1x64xi32, #tpu.memory_space<hbm>> -> memref<64xi32, #tpu.memory_space<hbm>>
    %dma_start3A_182 = tpu.memref_slice %arg14[%dma_start3A_175] : memref<8x!tpu.dma_semaphore, #tpu.memory_space<semaphore_mem>> -> memref<1x!tpu.dma_semaphore, #tpu.memory_space<semaphore_mem>>
    %dma_start3A_183 = tpu.memref_squeeze %dma_start3A_182 : memref<1x!tpu.dma_semaphore, #tpu.memory_space<semaphore_mem>> -> memref<!tpu.dma_semaphore, #tpu.memory_space<semaphore_mem>>
    %dma_start3A_184 = arith.constant 0 : i32
    %dma_start3A_185 = tpu.memref_slice %arg8[%dma_start3A_174, %dma_start3A_184] : memref<8x64xi32, #tpu.memory_space<vmem>> -> memref<1x64xi32, #tpu.memory_space<vmem>>
    %dma_start3A_186 = tpu.memref_squeeze %dma_start3A_185 : memref<1x64xi32, #tpu.memory_space<vmem>> -> memref<64xi32, #tpu.memory_space<vmem>>
    %dma_start3A_187 = arith.constant 0 : i32
    %dma_start3A_188 = tpu.memref_slice %arg4[%arg1, %dma_start3A_173, %dma_start3A_187] : memref<16x160x64xi32, #tpu.memory_space<hbm>> -> memref<1x1x64xi32, #tpu.memory_space<hbm>>
    %dma_start3A_189 = tpu.memref_squeeze %dma_start3A_188 : memref<1x1x64xi32, #tpu.memory_space<hbm>> -> memref<64xi32, #tpu.memory_space<hbm>>
    tpu.enqueue_dma source(%dma_start3A_189 : memref<64xi32, #tpu.memory_space<hbm>>) target(%dma_start3A_186 : memref<64xi32, #tpu.memory_space<vmem>>) target_semaphore(%dma_start3A_183 : memref<!tpu.dma_semaphore, #tpu.memory_space<semaphore_mem>>)
    %dma_start3A_190 = arith.constant 3 : i32
    %dma_start3A_191 = arith.constant 3 : i32
    %dma_start3A_192 = arith.constant 3 : i32
    %dma_start3A_193 = arith.constant 0 : i32
    %dma_start3A_194 = tpu.memref_slice %arg8[%dma_start3A_191, %dma_start3A_193] : memref<8x64xi32, #tpu.memory_space<vmem>> -> memref<1x64xi32, #tpu.memory_space<vmem>>
    %dma_start3A_195 = tpu.memref_squeeze %dma_start3A_194 : memref<1x64xi32, #tpu.memory_space<vmem>> -> memref<64xi32, #tpu.memory_space<vmem>>
    %dma_start3A_196 = arith.constant 0 : i32
    %dma_start3A_197 = tpu.memref_slice %arg4[%arg1, %dma_start3A_190, %dma_start3A_196] : memref<16x160x64xi32, #tpu.memory_space<hbm>> -> memref<1x1x64xi32, #tpu.memory_space<hbm>>
    %dma_start3A_198 = tpu.memref_squeeze %dma_start3A_197 : memref<1x1x64xi32, #tpu.memory_space<hbm>> -> memref<64xi32, #tpu.memory_space<hbm>>
    %dma_start3A_199 = tpu.memref_slice %arg14[%dma_start3A_192] : memref<8x!tpu.dma_semaphore, #tpu.memory_space<semaphore_mem>> -> memref<1x!tpu.dma_semaphore, #tpu.memory_space<semaphore_mem>>
    %dma_start3A_200 = tpu.memref_squeeze %dma_start3A_199 : memref<1x!tpu.dma_semaphore, #tpu.memory_space<semaphore_mem>> -> memref<!tpu.dma_semaphore, #tpu.memory_space<semaphore_mem>>
    %dma_start3A_201 = arith.constant 0 : i32
    %dma_start3A_202 = tpu.memref_slice %arg8[%dma_start3A_191, %dma_start3A_201] : memref<8x64xi32, #tpu.memory_space<vmem>> -> memref<1x64xi32, #tpu.memory_space<vmem>>
    %dma_start3A_203 = tpu.memref_squeeze %dma_start3A_202 : memref<1x64xi32, #tpu.memory_space<vmem>> -> memref<64xi32, #tpu.memory_space<vmem>>
    %dma_start3A_204 = arith.constant 0 : i32
    %dma_start3A_205 = tpu.memref_slice %arg4[%arg1, %dma_start3A_190, %dma_start3A_204] : memref<16x160x64xi32, #tpu.memory_space<hbm>> -> memref<1x1x64xi32, #tpu.memory_space<hbm>>
    %dma_start3A_206 = tpu.memref_squeeze %dma_start3A_205 : memref<1x1x64xi32, #tpu.memory_space<hbm>> -> memref<64xi32, #tpu.memory_space<hbm>>
    tpu.enqueue_dma source(%dma_start3A_206 : memref<64xi32, #tpu.memory_space<hbm>>) target(%dma_start3A_203 : memref<64xi32, #tpu.memory_space<vmem>>) target_semaphore(%dma_start3A_200 : memref<!tpu.dma_semaphore, #tpu.memory_space<semaphore_mem>>)
    %dma_start3A_207 = arith.constant 4 : i32
    %dma_start3A_208 = arith.constant 4 : i32
    %dma_start3A_209 = arith.constant 4 : i32
    %dma_start3A_210 = arith.constant 0 : i32
    %dma_start3A_211 = tpu.memref_slice %arg8[%dma_start3A_208, %dma_start3A_210] : memref<8x64xi32, #tpu.memory_space<vmem>> -> memref<1x64xi32, #tpu.memory_space<vmem>>
    %dma_start3A_212 = tpu.memref_squeeze %dma_start3A_211 : memref<1x64xi32, #tpu.memory_space<vmem>> -> memref<64xi32, #tpu.memory_space<vmem>>
    %dma_start3A_213 = arith.constant 0 : i32
    %dma_start3A_214 = tpu.memref_slice %arg4[%arg1, %dma_start3A_207, %dma_start3A_213] : memref<16x160x64xi32, #tpu.memory_space<hbm>> -> memref<1x1x64xi32, #tpu.memory_space<hbm>>
    %dma_start3A_215 = tpu.memref_squeeze %dma_start3A_214 : memref<1x1x64xi32, #tpu.memory_space<hbm>> -> memref<64xi32, #tpu.memory_space<hbm>>
    %dma_start3A_216 = tpu.memref_slice %arg14[%dma_start3A_209] : memref<8x!tpu.dma_semaphore, #tpu.memory_space<semaphore_mem>> -> memref<1x!tpu.dma_semaphore, #tpu.memory_space<semaphore_mem>>
    %dma_start3A_217 = tpu.memref_squeeze %dma_start3A_216 : memref<1x!tpu.dma_semaphore, #tpu.memory_space<semaphore_mem>> -> memref<!tpu.dma_semaphore, #tpu.memory_space<semaphore_mem>>
    %dma_start3A_218 = arith.constant 0 : i32
    %dma_start3A_219 = tpu.memref_slice %arg8[%dma_start3A_208, %dma_start3A_218] : memref<8x64xi32, #tpu.memory_space<vmem>> -> memref<1x64xi32, #tpu.memory_space<vmem>>
    %dma_start3A_220 = tpu.memref_squeeze %dma_start3A_219 : memref<1x64xi32, #tpu.memory_space<vmem>> -> memref<64xi32, #tpu.memory_space<vmem>>
    %dma_start3A_221 = arith.constant 0 : i32
    %dma_start3A_222 = tpu.memref_slice %arg4[%arg1, %dma_start3A_207, %dma_start3A_221] : memref<16x160x64xi32, #tpu.memory_space<hbm>> -> memref<1x1x64xi32, #tpu.memory_space<hbm>>
    %dma_start3A_223 = tpu.memref_squeeze %dma_start3A_222 : memref<1x1x64xi32, #tpu.memory_space<hbm>> -> memref<64xi32, #tpu.memory_space<hbm>>
    tpu.enqueue_dma source(%dma_start3A_223 : memref<64xi32, #tpu.memory_space<hbm>>) target(%dma_start3A_220 : memref<64xi32, #tpu.memory_space<vmem>>) target_semaphore(%dma_start3A_217 : memref<!tpu.dma_semaphore, #tpu.memory_space<semaphore_mem>>)
    %dma_start3A_224 = arith.constant 5 : i32
    %dma_start3A_225 = arith.constant 5 : i32
    %dma_start3A_226 = arith.constant 5 : i32
    %dma_start3A_227 = arith.constant 0 : i32
    %dma_start3A_228 = tpu.memref_slice %arg8[%dma_start3A_225, %dma_start3A_227] : memref<8x64xi32, #tpu.memory_space<vmem>> -> memref<1x64xi32, #tpu.memory_space<vmem>>
    %dma_start3A_229 = tpu.memref_squeeze %dma_start3A_228 : memref<1x64xi32, #tpu.memory_space<vmem>> -> memref<64xi32, #tpu.memory_space<vmem>>
    %dma_start3A_230 = arith.constant 0 : i32
    %dma_start3A_231 = tpu.memref_slice %arg4[%arg1, %dma_start3A_224, %dma_start3A_230] : memref<16x160x64xi32, #tpu.memory_space<hbm>> -> memref<1x1x64xi32, #tpu.memory_space<hbm>>
    %dma_start3A_232 = tpu.memref_squeeze %dma_start3A_231 : memref<1x1x64xi32, #tpu.memory_space<hbm>> -> memref<64xi32, #tpu.memory_space<hbm>>
    %dma_start3A_233 = tpu.memref_slice %arg14[%dma_start3A_226] : memref<8x!tpu.dma_semaphore, #tpu.memory_space<semaphore_mem>> -> memref<1x!tpu.dma_semaphore, #tpu.memory_space<semaphore_mem>>
    %dma_start3A_234 = tpu.memref_squeeze %dma_start3A_233 : memref<1x!tpu.dma_semaphore, #tpu.memory_space<semaphore_mem>> -> memref<!tpu.dma_semaphore, #tpu.memory_space<semaphore_mem>>
    %dma_start3A_235 = arith.constant 0 : i32
    %dma_start3A_236 = tpu.memref_slice %arg8[%dma_start3A_225, %dma_start3A_235] : memref<8x64xi32, #tpu.memory_space<vmem>> -> memref<1x64xi32, #tpu.memory_space<vmem>>
    %dma_start3A_237 = tpu.memref_squeeze %dma_start3A_236 : memref<1x64xi32, #tpu.memory_space<vmem>> -> memref<64xi32, #tpu.memory_space<vmem>>
    %dma_start3A_238 = arith.constant 0 : i32
    %dma_start3A_239 = tpu.memref_slice %arg4[%arg1, %dma_start3A_224, %dma_start3A_238] : memref<16x160x64xi32, #tpu.memory_space<hbm>> -> memref<1x1x64xi32, #tpu.memory_space<hbm>>
    %dma_start3A_240 = tpu.memref_squeeze %dma_start3A_239 : memref<1x1x64xi32, #tpu.memory_space<hbm>> -> memref<64xi32, #tpu.memory_space<hbm>>
    tpu.enqueue_dma source(%dma_start3A_240 : memref<64xi32, #tpu.memory_space<hbm>>) target(%dma_start3A_237 : memref<64xi32, #tpu.memory_space<vmem>>) target_semaphore(%dma_start3A_234 : memref<!tpu.dma_semaphore, #tpu.memory_space<semaphore_mem>>)
    "tpu.region"() ({
      %run_scoped3A = tpu.sem_alloc : memref<!tpu.dma_semaphore, #tpu.memory_space<semaphore_mem>>
      %dma_start3A_361 = arith.constant 0 : i32
      %dma_start3A_362 = tpu.memref_slice %arg10[%min3A_1, %dma_start3A_361] : memref<10008x128xf32, #tpu.memory_space<vmem_shared>> -> memref<632x128xf32, #tpu.memory_space<vmem_shared>>
      %dma_start3A_363 = tpu.memref_slice %arg2[%min3A_1, %mul3A_3] : memref<10000x256xf32, #tpu.memory_space<hbm>> -> memref<632x128xf32, #tpu.memory_space<hbm>>
      tpu.enqueue_dma source(%dma_start3A_363 : memref<632x128xf32, #tpu.memory_space<hbm>>) target(%dma_start3A_362 : memref<632x128xf32, #tpu.memory_space<vmem_shared>>) target_semaphore(%run_scoped3A : memref<!tpu.dma_semaphore, #tpu.memory_space<semaphore_mem>>)
      %dma_wait3A_364 = arith.constant 0 : i32
      %dma_wait3A_365 = tpu.memref_slice %arg10[%min3A_1, %dma_wait3A_364] : memref<10008x128xf32, #tpu.memory_space<vmem_shared>> -> memref<632x128xf32, #tpu.memory_space<vmem_shared>>
      %dma_wait3A_366 = tpu.memref_slice %arg2[%min3A_1, %mul3A_3] : memref<10000x256xf32, #tpu.memory_space<hbm>> -> memref<632x128xf32, #tpu.memory_space<hbm>>
      tpu.wait_dma2 semaphore(%run_scoped3A : memref<!tpu.dma_semaphore, #tpu.memory_space<semaphore_mem>>) src(%dma_wait3A_366 : memref<632x128xf32, #tpu.memory_space<hbm>>) dst(%dma_wait3A_365 : memref<632x128xf32, #tpu.memory_space<vmem_shared>>)
      tpu.yield
    }) : () -> ()
    %barrier3A = arith.constant 0 : index
    tpu.barrier barrier_id(%barrier3A)
    %dma_wait3A = arith.constant 0 : i32
    %dma_wait3A_241 = arith.constant 0 : i32
    %dma_wait3A_242 = arith.constant 0 : i32
    %dma_wait3A_243 = arith.constant 0 : i32
    %dma_wait3A_244 = tpu.memref_slice %arg7[%dma_wait3A_241, %dma_wait3A_243] : memref<8x64xi32, #tpu.memory_space<vmem>> -> memref<1x64xi32, #tpu.memory_space<vmem>>
    %dma_wait3A_245 = tpu.memref_squeeze %dma_wait3A_244 : memref<1x64xi32, #tpu.memory_space<vmem>> -> memref<64xi32, #tpu.memory_space<vmem>>
    %dma_wait3A_246 = arith.constant 0 : i32
    %dma_wait3A_247 = tpu.memref_slice %arg3[%arg1, %dma_wait3A, %dma_wait3A_246] : memref<16x160x64xi32, #tpu.memory_space<hbm>> -> memref<1x1x64xi32, #tpu.memory_space<hbm>>
    %dma_wait3A_248 = tpu.memref_squeeze %dma_wait3A_247 : memref<1x1x64xi32, #tpu.memory_space<hbm>> -> memref<64xi32, #tpu.memory_space<hbm>>
    %dma_wait3A_249 = tpu.memref_slice %arg13[%dma_wait3A_242] : memref<8x!tpu.dma_semaphore, #tpu.memory_space<semaphore_mem>> -> memref<1x!tpu.dma_semaphore, #tpu.memory_space<semaphore_mem>>
    %dma_wait3A_250 = tpu.memref_squeeze %dma_wait3A_249 : memref<1x!tpu.dma_semaphore, #tpu.memory_space<semaphore_mem>> -> memref<!tpu.dma_semaphore, #tpu.memory_space<semaphore_mem>>
    %dma_wait3A_251 = arith.constant 0 : i32
    %dma_wait3A_252 = tpu.memref_slice %arg7[%dma_wait3A_241, %dma_wait3A_251] : memref<8x64xi32, #tpu.memory_space<vmem>> -> memref<1x64xi32, #tpu.memory_space<vmem>>
    %dma_wait3A_253 = tpu.memref_squeeze %dma_wait3A_252 : memref<1x64xi32, #tpu.memory_space<vmem>> -> memref<64xi32, #tpu.memory_space<vmem>>
    %dma_wait3A_254 = arith.constant 0 : i32
    %dma_wait3A_255 = tpu.memref_slice %arg3[%arg1, %dma_wait3A, %dma_wait3A_254] : memref<16x160x64xi32, #tpu.memory_space<hbm>> -> memref<1x1x64xi32, #tpu.memory_space<hbm>>
    %dma_wait3A_256 = tpu.memref_squeeze %dma_wait3A_255 : memref<1x1x64xi32, #tpu.memory_space<hbm>> -> memref<64xi32, #tpu.memory_space<hbm>>
    tpu.wait_dma2 semaphore(%dma_wait3A_250 : memref<!tpu.dma_semaphore, #tpu.memory_space<semaphore_mem>>) src(%dma_wait3A_256 : memref<64xi32, #tpu.memory_space<hbm>>) dst(%dma_wait3A_253 : memref<64xi32, #tpu.memory_space<vmem>>)
    %dma_start3A_257 = arith.constant 0 : i32
    %dma_start3A_258 = arith.constant 0 : i32
    %dma_start3A_259 = arith.constant 0 : i32
    %dma_start3A_260 = arith.constant 0 : i32
    %dma_start3A_261 = arith.constant 0 : i32
    %dma_start3A_262 = tpu.memref_slice %arg9[%dma_start3A_258, %dma_start3A_260, %dma_start3A_261] : memref<4x64x128xf32, #tpu.memory_space<vmem>> -> memref<1x64x128xf32, #tpu.memory_space<vmem>>
    %dma_start3A_263 = tpu.memref_squeeze %dma_start3A_262 : memref<1x64x128xf32, #tpu.memory_space<vmem>> -> memref<64x128xf32, #tpu.memory_space<vmem>>
    %dma_start3A_264 = arith.constant 0 : i32
    %dma_start3A_265 = tpu.memref_slice %arg7[%dma_start3A_257, %dma_start3A_264] : memref<8x64xi32, #tpu.memory_space<vmem>> -> memref<1x64xi32, #tpu.memory_space<vmem>>
    %dma_start3A_266 = tpu.memref_squeeze %dma_start3A_265 : memref<1x64xi32, #tpu.memory_space<vmem>> -> memref<64xi32, #tpu.memory_space<vmem>>
    %dma_start3A_267 = arith.constant 0 : i32
    %dma_start3A_268 = tpu.memref_slice %arg2[%dma_start3A_267, %mul3A_3] : memref<10000x256xf32, #tpu.memory_space<hbm>> -> memref<10000x128xf32, #tpu.memory_space<hbm>>
    %dma_start3A_269 = tpu.memref_slice %arg11[%dma_start3A_259] : memref<4x!tpu.dma_semaphore, #tpu.memory_space<semaphore_mem>> -> memref<1x!tpu.dma_semaphore, #tpu.memory_space<semaphore_mem>>
    %dma_start3A_270 = tpu.memref_squeeze %dma_start3A_269 : memref<1x!tpu.dma_semaphore, #tpu.memory_space<semaphore_mem>> -> memref<!tpu.dma_semaphore, #tpu.memory_space<semaphore_mem>>
    tpu.enqueue_indirect_dma source(%dma_start3A_268 : memref<10000x128xf32, #tpu.memory_space<hbm>>) target(%dma_start3A_263 : memref<64x128xf32, #tpu.memory_space<vmem>>) offsets(%dma_start3A_266 : memref<64xi32, #tpu.memory_space<vmem>>) semaphore(%dma_start3A_270 : memref<!tpu.dma_semaphore, #tpu.memory_space<semaphore_mem>>)
    %dma_wait3A_271 = arith.constant 1 : i32
    %dma_wait3A_272 = arith.constant 1 : i32
    %dma_wait3A_273 = arith.constant 1 : i32
    %dma_wait3A_274 = arith.constant 0 : i32
    %dma_wait3A_275 = tpu.memref_slice %arg7[%dma_wait3A_272, %dma_wait3A_274] : memref<8x64xi32, #tpu.memory_space<vmem>> -> memref<1x64xi32, #tpu.memory_space<vmem>>
    %dma_wait3A_276 = tpu.memref_squeeze %dma_wait3A_275 : memref<1x64xi32, #tpu.memory_space<vmem>> -> memref<64xi32, #tpu.memory_space<vmem>>
    %dma_wait3A_277 = arith.constant 0 : i32
    %dma_wait3A_278 = tpu.memref_slice %arg3[%arg1, %dma_wait3A_271, %dma_wait3A_277] : memref<16x160x64xi32, #tpu.memory_space<hbm>> -> memref<1x1x64xi32, #tpu.memory_space<hbm>>
    %dma_wait3A_279 = tpu.memref_squeeze %dma_wait3A_278 : memref<1x1x64xi32, #tpu.memory_space<hbm>> -> memref<64xi32, #tpu.memory_space<hbm>>
    %dma_wait3A_280 = tpu.memref_slice %arg13[%dma_wait3A_273] : memref<8x!tpu.dma_semaphore, #tpu.memory_space<semaphore_mem>> -> memref<1x!tpu.dma_semaphore, #tpu.memory_space<semaphore_mem>>
    %dma_wait3A_281 = tpu.memref_squeeze %dma_wait3A_280 : memref<1x!tpu.dma_semaphore, #tpu.memory_space<semaphore_mem>> -> memref<!tpu.dma_semaphore, #tpu.memory_space<semaphore_mem>>
    %dma_wait3A_282 = arith.constant 0 : i32
    %dma_wait3A_283 = tpu.memref_slice %arg7[%dma_wait3A_272, %dma_wait3A_282] : memref<8x64xi32, #tpu.memory_space<vmem>> -> memref<1x64xi32, #tpu.memory_space<vmem>>
    %dma_wait3A_284 = tpu.memref_squeeze %dma_wait3A_283 : memref<1x64xi32, #tpu.memory_space<vmem>> -> memref<64xi32, #tpu.memory_space<vmem>>
    %dma_wait3A_285 = arith.constant 0 : i32
    %dma_wait3A_286 = tpu.memref_slice %arg3[%arg1, %dma_wait3A_271, %dma_wait3A_285] : memref<16x160x64xi32, #tpu.memory_space<hbm>> -> memref<1x1x64xi32, #tpu.memory_space<hbm>>
    %dma_wait3A_287 = tpu.memref_squeeze %dma_wait3A_286 : memref<1x1x64xi32, #tpu.memory_space<hbm>> -> memref<64xi32, #tpu.memory_space<hbm>>
    tpu.wait_dma2 semaphore(%dma_wait3A_281 : memref<!tpu.dma_semaphore, #tpu.memory_space<semaphore_mem>>) src(%dma_wait3A_287 : memref<64xi32, #tpu.memory_space<hbm>>) dst(%dma_wait3A_284 : memref<64xi32, #tpu.memory_space<vmem>>)
    %dma_start3A_288 = arith.constant 1 : i32
    %dma_start3A_289 = arith.constant 1 : i32
    %dma_start3A_290 = arith.constant 1 : i32
    %dma_start3A_291 = arith.constant 0 : i32
    %dma_start3A_292 = arith.constant 0 : i32
    %dma_start3A_293 = tpu.memref_slice %arg9[%dma_start3A_289, %dma_start3A_291, %dma_start3A_292] : memref<4x64x128xf32, #tpu.memory_space<vmem>> -> memref<1x64x128xf32, #tpu.memory_space<vmem>>
    %dma_start3A_294 = tpu.memref_squeeze %dma_start3A_293 : memref<1x64x128xf32, #tpu.memory_space<vmem>> -> memref<64x128xf32, #tpu.memory_space<vmem>>
    %dma_start3A_295 = arith.constant 0 : i32
    %dma_start3A_296 = tpu.memref_slice %arg7[%dma_start3A_288, %dma_start3A_295] : memref<8x64xi32, #tpu.memory_space<vmem>> -> memref<1x64xi32, #tpu.memory_space<vmem>>
    %dma_start3A_297 = tpu.memref_squeeze %dma_start3A_296 : memref<1x64xi32, #tpu.memory_space<vmem>> -> memref<64xi32, #tpu.memory_space<vmem>>
    %dma_start3A_298 = arith.constant 0 : i32
    %dma_start3A_299 = tpu.memref_slice %arg2[%dma_start3A_298, %mul3A_3] : memref<10000x256xf32, #tpu.memory_space<hbm>> -> memref<10000x128xf32, #tpu.memory_space<hbm>>
    %dma_start3A_300 = tpu.memref_slice %arg11[%dma_start3A_290] : memref<4x!tpu.dma_semaphore, #tpu.memory_space<semaphore_mem>> -> memref<1x!tpu.dma_semaphore, #tpu.memory_space<semaphore_mem>>
    %dma_start3A_301 = tpu.memref_squeeze %dma_start3A_300 : memref<1x!tpu.dma_semaphore, #tpu.memory_space<semaphore_mem>> -> memref<!tpu.dma_semaphore, #tpu.memory_space<semaphore_mem>>
    tpu.enqueue_indirect_dma source(%dma_start3A_299 : memref<10000x128xf32, #tpu.memory_space<hbm>>) target(%dma_start3A_294 : memref<64x128xf32, #tpu.memory_space<vmem>>) offsets(%dma_start3A_297 : memref<64xi32, #tpu.memory_space<vmem>>) semaphore(%dma_start3A_301 : memref<!tpu.dma_semaphore, #tpu.memory_space<semaphore_mem>>)
    %dma_wait3A_302 = arith.constant 2 : i32
    %dma_wait3A_303 = arith.constant 2 : i32
    %dma_wait3A_304 = arith.constant 2 : i32
    %dma_wait3A_305 = arith.constant 0 : i32
    %dma_wait3A_306 = tpu.memref_slice %arg7[%dma_wait3A_303, %dma_wait3A_305] : memref<8x64xi32, #tpu.memory_space<vmem>> -> memref<1x64xi32, #tpu.memory_space<vmem>>
    %dma_wait3A_307 = tpu.memref_squeeze %dma_wait3A_306 : memref<1x64xi32, #tpu.memory_space<vmem>> -> memref<64xi32, #tpu.memory_space<vmem>>
    %dma_wait3A_308 = arith.constant 0 : i32
    %dma_wait3A_309 = tpu.memref_slice %arg3[%arg1, %dma_wait3A_302, %dma_wait3A_308] : memref<16x160x64xi32, #tpu.memory_space<hbm>> -> memref<1x1x64xi32, #tpu.memory_space<hbm>>
    %dma_wait3A_310 = tpu.memref_squeeze %dma_wait3A_309 : memref<1x1x64xi32, #tpu.memory_space<hbm>> -> memref<64xi32, #tpu.memory_space<hbm>>
    %dma_wait3A_311 = tpu.memref_slice %arg13[%dma_wait3A_304] : memref<8x!tpu.dma_semaphore, #tpu.memory_space<semaphore_mem>> -> memref<1x!tpu.dma_semaphore, #tpu.memory_space<semaphore_mem>>
    %dma_wait3A_312 = tpu.memref_squeeze %dma_wait3A_311 : memref<1x!tpu.dma_semaphore, #tpu.memory_space<semaphore_mem>> -> memref<!tpu.dma_semaphore, #tpu.memory_space<semaphore_mem>>
    %dma_wait3A_313 = arith.constant 0 : i32
    %dma_wait3A_314 = tpu.memref_slice %arg7[%dma_wait3A_303, %dma_wait3A_313] : memref<8x64xi32, #tpu.memory_space<vmem>> -> memref<1x64xi32, #tpu.memory_space<vmem>>
    %dma_wait3A_315 = tpu.memref_squeeze %dma_wait3A_314 : memref<1x64xi32, #tpu.memory_space<vmem>> -> memref<64xi32, #tpu.memory_space<vmem>>
    %dma_wait3A_316 = arith.constant 0 : i32
    %dma_wait3A_317 = tpu.memref_slice %arg3[%arg1, %dma_wait3A_302, %dma_wait3A_316] : memref<16x160x64xi32, #tpu.memory_space<hbm>> -> memref<1x1x64xi32, #tpu.memory_space<hbm>>
    %dma_wait3A_318 = tpu.memref_squeeze %dma_wait3A_317 : memref<1x1x64xi32, #tpu.memory_space<hbm>> -> memref<64xi32, #tpu.memory_space<hbm>>
    tpu.wait_dma2 semaphore(%dma_wait3A_312 : memref<!tpu.dma_semaphore, #tpu.memory_space<semaphore_mem>>) src(%dma_wait3A_318 : memref<64xi32, #tpu.memory_space<hbm>>) dst(%dma_wait3A_315 : memref<64xi32, #tpu.memory_space<vmem>>)
    %dma_start3A_319 = arith.constant 2 : i32
    %dma_start3A_320 = arith.constant 2 : i32
    %dma_start3A_321 = arith.constant 2 : i32
    %dma_start3A_322 = arith.constant 0 : i32
    %dma_start3A_323 = arith.constant 0 : i32
    %dma_start3A_324 = tpu.memref_slice %arg9[%dma_start3A_320, %dma_start3A_322, %dma_start3A_323] : memref<4x64x128xf32, #tpu.memory_space<vmem>> -> memref<1x64x128xf32, #tpu.memory_space<vmem>>
    %dma_start3A_325 = tpu.memref_squeeze %dma_start3A_324 : memref<1x64x128xf32, #tpu.memory_space<vmem>> -> memref<64x128xf32, #tpu.memory_space<vmem>>
    %dma_start3A_326 = arith.constant 0 : i32
    %dma_start3A_327 = tpu.memref_slice %arg7[%dma_start3A_319, %dma_start3A_326] : memref<8x64xi32, #tpu.memory_space<vmem>> -> memref<1x64xi32, #tpu.memory_space<vmem>>
    %dma_start3A_328 = tpu.memref_squeeze %dma_start3A_327 : memref<1x64xi32, #tpu.memory_space<vmem>> -> memref<64xi32, #tpu.memory_space<vmem>>
    %dma_start3A_329 = arith.constant 0 : i32
    %dma_start3A_330 = tpu.memref_slice %arg2[%dma_start3A_329, %mul3A_3] : memref<10000x256xf32, #tpu.memory_space<hbm>> -> memref<10000x128xf32, #tpu.memory_space<hbm>>
    %dma_start3A_331 = tpu.memref_slice %arg11[%dma_start3A_321] : memref<4x!tpu.dma_semaphore, #tpu.memory_space<semaphore_mem>> -> memref<1x!tpu.dma_semaphore, #tpu.memory_space<semaphore_mem>>
    %dma_start3A_332 = tpu.memref_squeeze %dma_start3A_331 : memref<1x!tpu.dma_semaphore, #tpu.memory_space<semaphore_mem>> -> memref<!tpu.dma_semaphore, #tpu.memory_space<semaphore_mem>>
    tpu.enqueue_indirect_dma source(%dma_start3A_330 : memref<10000x128xf32, #tpu.memory_space<hbm>>) target(%dma_start3A_325 : memref<64x128xf32, #tpu.memory_space<vmem>>) offsets(%dma_start3A_328 : memref<64xi32, #tpu.memory_space<vmem>>) semaphore(%dma_start3A_332 : memref<!tpu.dma_semaphore, #tpu.memory_space<semaphore_mem>>)
    %scan3A = arith.constant 0 : i32
    %scan3A_333 = arith.constant 0 : i32
    %scan3A_334 = arith.constant 20 : i32
    %scan3A_335 = arith.addi %scan3A_333, %scan3A_334 : i32
    %scan3A_336 = arith.constant 1 : i32
    scf.for %scan3A_361 = %scan3A_333 to %scan3A_335 step %scan3A_336  : i32 {
      %mul3A_362 = arith.constant 8 : i32
      %mul3A_363 = arith.muli %scan3A_361, %mul3A_362 : i32
      %add3A = arith.constant 0 : i32
      %add3A_364 = arith.addi %mul3A_363, %add3A : i32
      %dma_wait3A_365 = arith.constant 0 : i32
      %dma_wait3A_366 = arith.constant 0 : i32
      %dma_wait3A_367 = arith.constant 0 : i32
      %dma_wait3A_368 = tpu.memref_slice %arg8[%dma_wait3A_365, %dma_wait3A_367] : memref<8x64xi32, #tpu.memory_space<vmem>> -> memref<1x64xi32, #tpu.memory_space<vmem>>
      %dma_wait3A_369 = tpu.memref_squeeze %dma_wait3A_368 : memref<1x64xi32, #tpu.memory_space<vmem>> -> memref<64xi32, #tpu.memory_space<vmem>>
      %dma_wait3A_370 = arith.constant 0 : i32
      %dma_wait3A_371 = tpu.memref_slice %arg4[%arg1, %add3A_364, %dma_wait3A_370] : memref<16x160x64xi32, #tpu.memory_space<hbm>> -> memref<1x1x64xi32, #tpu.memory_space<hbm>>
      %dma_wait3A_372 = tpu.memref_squeeze %dma_wait3A_371 : memref<1x1x64xi32, #tpu.memory_space<hbm>> -> memref<64xi32, #tpu.memory_space<hbm>>
      %dma_wait3A_373 = tpu.memref_slice %arg14[%dma_wait3A_366] : memref<8x!tpu.dma_semaphore, #tpu.memory_space<semaphore_mem>> -> memref<1x!tpu.dma_semaphore, #tpu.memory_space<semaphore_mem>>
      %dma_wait3A_374 = tpu.memref_squeeze %dma_wait3A_373 : memref<1x!tpu.dma_semaphore, #tpu.memory_space<semaphore_mem>> -> memref<!tpu.dma_semaphore, #tpu.memory_space<semaphore_mem>>
      %dma_wait3A_375 = arith.constant 0 : i32
      %dma_wait3A_376 = tpu.memref_slice %arg8[%dma_wait3A_365, %dma_wait3A_375] : memref<8x64xi32, #tpu.memory_space<vmem>> -> memref<1x64xi32, #tpu.memory_space<vmem>>
      %dma_wait3A_377 = tpu.memref_squeeze %dma_wait3A_376 : memref<1x64xi32, #tpu.memory_space<vmem>> -> memref<64xi32, #tpu.memory_space<vmem>>
      %dma_wait3A_378 = arith.constant 0 : i32
      %dma_wait3A_379 = tpu.memref_slice %arg4[%arg1, %add3A_364, %dma_wait3A_378] : memref<16x160x64xi32, #tpu.memory_space<hbm>> -> memref<1x1x64xi32, #tpu.memory_space<hbm>>
      %dma_wait3A_380 = tpu.memref_squeeze %dma_wait3A_379 : memref<1x1x64xi32, #tpu.memory_space<hbm>> -> memref<64xi32, #tpu.memory_space<hbm>>
      tpu.wait_dma2 semaphore(%dma_wait3A_374 : memref<!tpu.dma_semaphore, #tpu.memory_space<semaphore_mem>>) src(%dma_wait3A_380 : memref<64xi32, #tpu.memory_space<hbm>>) dst(%dma_wait3A_377 : memref<64xi32, #tpu.memory_space<vmem>>)
      %dma_wait3A_381 = arith.constant 0 : i32
      %dma_wait3A_382 = arith.constant 0 : i32
      %dma_wait3A_383 = arith.constant 0 : i32
      %dma_wait3A_384 = arith.constant 0 : i32
      %dma_wait3A_385 = arith.constant 0 : i32
      %dma_wait3A_386 = tpu.memref_slice %arg9[%dma_wait3A_382, %dma_wait3A_384, %dma_wait3A_385] : memref<4x64x128xf32, #tpu.memory_space<vmem>> -> memref<1x64x128xf32, #tpu.memory_space<vmem>>
      %dma_wait3A_387 = tpu.memref_squeeze %dma_wait3A_386 : memref<1x64x128xf32, #tpu.memory_space<vmem>> -> memref<64x128xf32, #tpu.memory_space<vmem>>
      %dma_wait3A_388 = arith.constant 0 : i32
      %dma_wait3A_389 = tpu.memref_slice %arg7[%dma_wait3A_381, %dma_wait3A_388] : memref<8x64xi32, #tpu.memory_space<vmem>> -> memref<1x64xi32, #tpu.memory_space<vmem>>
      %dma_wait3A_390 = tpu.memref_squeeze %dma_wait3A_389 : memref<1x64xi32, #tpu.memory_space<vmem>> -> memref<64xi32, #tpu.memory_space<vmem>>
      %dma_wait3A_391 = arith.constant 0 : i32
      %dma_wait3A_392 = tpu.memref_slice %arg2[%dma_wait3A_391, %mul3A_3] : memref<10000x256xf32, #tpu.memory_space<hbm>> -> memref<10000x128xf32, #tpu.memory_space<hbm>>
      %dma_wait3A_393 = tpu.memref_slice %arg11[%dma_wait3A_383] : memref<4x!tpu.dma_semaphore, #tpu.memory_space<semaphore_mem>> -> memref<1x!tpu.dma_semaphore, #tpu.memory_space<semaphore_mem>>
      %dma_wait3A_394 = tpu.memref_squeeze %dma_wait3A_393 : memref<1x!tpu.dma_semaphore, #tpu.memory_space<semaphore_mem>> -> memref<!tpu.dma_semaphore, #tpu.memory_space<semaphore_mem>>
      tpu.wait_indirect_dma semaphore(%dma_wait3A_394 : memref<!tpu.dma_semaphore, #tpu.memory_space<semaphore_mem>>) src(%dma_wait3A_392 : memref<10000x128xf32, #tpu.memory_space<hbm>>) dst(%dma_wait3A_387 : memref<64x128xf32, #tpu.memory_space<vmem>>)
      %ge3A = arith.constant 1 : i32
      %ge3A_395 = arith.cmpi sge, %add3A_364, %ge3A : i32
      %convert_element_type3A_396 = arith.extui %ge3A_395 : i1 to i32
      %cond3A_397 = arith.constant 0 : i32
      %cond3A_398 = arith.cmpi ne, %convert_element_type3A_396, %cond3A_397 : i32
      scf.if %cond3A_398 {
        %dma_wait3A_974 = arith.constant 3 : i32
        %dma_wait3A_975 = arith.constant 7 : i32
        %dma_wait3A_976 = arith.constant 3 : i32
        %dma_wait3A_977 = arith.constant 0 : i32
        %dma_wait3A_978 = arith.constant 0 : i32
        %dma_wait3A_979 = tpu.memref_slice %arg9[%dma_wait3A_974, %dma_wait3A_977, %dma_wait3A_978] : memref<4x64x128xf32, #tpu.memory_space<vmem>> -> memref<1x64x128xf32, #tpu.memory_space<vmem>>
        %dma_wait3A_980 = tpu.memref_squeeze %dma_wait3A_979 : memref<1x64x128xf32, #tpu.memory_space<vmem>> -> memref<64x128xf32, #tpu.memory_space<vmem>>
        %dma_wait3A_981 = arith.constant 0 : i32
        %dma_wait3A_982 = tpu.memref_slice %arg8[%dma_wait3A_975, %dma_wait3A_981] : memref<8x64xi32, #tpu.memory_space<vmem>> -> memref<1x64xi32, #tpu.memory_space<vmem>>
        %dma_wait3A_983 = tpu.memref_squeeze %dma_wait3A_982 : memref<1x64xi32, #tpu.memory_space<vmem>> -> memref<64xi32, #tpu.memory_space<vmem>>
        %dma_wait3A_984 = arith.constant 0 : i32
        %dma_wait3A_985 = arith.constant 0 : i32
        %dma_wait3A_986 = tpu.memref_slice %arg10[%dma_wait3A_984, %dma_wait3A_985] : memref<10008x128xf32, #tpu.memory_space<vmem_shared>> -> memref<10008x128xf32, #tpu.memory_space<vmem_shared>>
        %dma_wait3A_987 = tpu.memref_slice %arg12[%dma_wait3A_976] : memref<4x!tpu.dma_semaphore, #tpu.memory_space<semaphore_mem>> -> memref<1x!tpu.dma_semaphore, #tpu.memory_space<semaphore_mem>>
        %dma_wait3A_988 = tpu.memref_squeeze %dma_wait3A_987 : memref<1x!tpu.dma_semaphore, #tpu.memory_space<semaphore_mem>> -> memref<!tpu.dma_semaphore, #tpu.memory_space<semaphore_mem>>
        tpu.wait_indirect_dma semaphore(%dma_wait3A_988 : memref<!tpu.dma_semaphore, #tpu.memory_space<semaphore_mem>>) src(%dma_wait3A_980 : memref<64x128xf32, #tpu.memory_space<vmem>>) dst(%dma_wait3A_986 : memref<10008x128xf32, #tpu.memory_space<vmem_shared>>)
      } else {
      }
      %dma_start3A_399 = arith.constant 0 : i32
      %dma_start3A_400 = arith.constant 0 : i32
      %dma_start3A_401 = arith.constant 0 : i32
      %dma_start3A_402 = arith.constant 0 : i32
      %dma_start3A_403 = arith.constant 0 : i32
      %dma_start3A_404 = tpu.memref_slice %arg9[%dma_start3A_399, %dma_start3A_402, %dma_start3A_403] : memref<4x64x128xf32, #tpu.memory_space<vmem>> -> memref<1x64x128xf32, #tpu.memory_space<vmem>>
      %dma_start3A_405 = tpu.memref_squeeze %dma_start3A_404 : memref<1x64x128xf32, #tpu.memory_space<vmem>> -> memref<64x128xf32, #tpu.memory_space<vmem>>
      %dma_start3A_406 = arith.constant 0 : i32
      %dma_start3A_407 = tpu.memref_slice %arg8[%dma_start3A_400, %dma_start3A_406] : memref<8x64xi32, #tpu.memory_space<vmem>> -> memref<1x64xi32, #tpu.memory_space<vmem>>
      %dma_start3A_408 = tpu.memref_squeeze %dma_start3A_407 : memref<1x64xi32, #tpu.memory_space<vmem>> -> memref<64xi32, #tpu.memory_space<vmem>>
      %dma_start3A_409 = arith.constant 0 : i32
      %dma_start3A_410 = arith.constant 0 : i32
      %dma_start3A_411 = tpu.memref_slice %arg10[%dma_start3A_409, %dma_start3A_410] : memref<10008x128xf32, #tpu.memory_space<vmem_shared>> -> memref<10008x128xf32, #tpu.memory_space<vmem_shared>>
      %dma_start3A_412 = tpu.memref_slice %arg12[%dma_start3A_401] : memref<4x!tpu.dma_semaphore, #tpu.memory_space<semaphore_mem>> -> memref<1x!tpu.dma_semaphore, #tpu.memory_space<semaphore_mem>>
      %dma_start3A_413 = tpu.memref_squeeze %dma_start3A_412 : memref<1x!tpu.dma_semaphore, #tpu.memory_space<semaphore_mem>> -> memref<!tpu.dma_semaphore, #tpu.memory_space<semaphore_mem>>
      tpu.enqueue_indirect_dma source(%dma_start3A_405 : memref<64x128xf32, #tpu.memory_space<vmem>>) target(%dma_start3A_411 : memref<10008x128xf32, #tpu.memory_space<vmem_shared>>) offsets(%dma_start3A_408 : memref<64xi32, #tpu.memory_space<vmem>>) semaphore(%dma_start3A_413 : memref<!tpu.dma_semaphore, #tpu.memory_space<semaphore_mem>>) {add = true}
      %add3A_414 = arith.constant 8 : i32
      %add3A_415 = arith.addi %add3A_364, %add3A_414 : i32
      %sub3A = arith.constant 2 : i32
      %sub3A_416 = arith.subi %add3A_415, %sub3A : i32
      %lt3A = arith.constant 160 : i32
      %lt3A_417 = arith.cmpi slt, %sub3A_416, %lt3A : i32
      %convert_element_type3A_418 = arith.extui %lt3A_417 : i1 to i32
      %cond3A_419 = arith.constant 0 : i32
      %cond3A_420 = arith.cmpi ne, %convert_element_type3A_418, %cond3A_419 : i32
      scf.if %cond3A_420 {
        %add3A_974 = arith.constant 8 : i32
        %add3A_975 = arith.addi %add3A_364, %add3A_974 : i32
        %sub3A_976 = arith.constant 2 : i32
        %sub3A_977 = arith.subi %add3A_975, %sub3A_976 : i32
        %dma_start3A_978 = arith.constant 6 : i32
        %dma_start3A_979 = arith.constant 6 : i32
        %dma_start3A_980 = arith.constant 0 : i32
        %dma_start3A_981 = tpu.memref_slice %arg8[%dma_start3A_978, %dma_start3A_980] : memref<8x64xi32, #tpu.memory_space<vmem>> -> memref<1x64xi32, #tpu.memory_space<vmem>>
        %dma_start3A_982 = tpu.memref_squeeze %dma_start3A_981 : memref<1x64xi32, #tpu.memory_space<vmem>> -> memref<64xi32, #tpu.memory_space<vmem>>
        %dma_start3A_983 = arith.constant 0 : i32
        %dma_start3A_984 = tpu.memref_slice %arg4[%arg1, %sub3A_977, %dma_start3A_983] : memref<16x160x64xi32, #tpu.memory_space<hbm>> -> memref<1x1x64xi32, #tpu.memory_space<hbm>>
        %dma_start3A_985 = tpu.memref_squeeze %dma_start3A_984 : memref<1x1x64xi32, #tpu.memory_space<hbm>> -> memref<64xi32, #tpu.memory_space<hbm>>
        %dma_start3A_986 = tpu.memref_slice %arg14[%dma_start3A_979] : memref<8x!tpu.dma_semaphore, #tpu.memory_space<semaphore_mem>> -> memref<1x!tpu.dma_semaphore, #tpu.memory_space<semaphore_mem>>
        %dma_start3A_987 = tpu.memref_squeeze %dma_start3A_986 : memref<1x!tpu.dma_semaphore, #tpu.memory_space<semaphore_mem>> -> memref<!tpu.dma_semaphore, #tpu.memory_space<semaphore_mem>>
        %dma_start3A_988 = arith.constant 0 : i32
        %dma_start3A_989 = tpu.memref_slice %arg8[%dma_start3A_978, %dma_start3A_988] : memref<8x64xi32, #tpu.memory_space<vmem>> -> memref<1x64xi32, #tpu.memory_space<vmem>>
        %dma_start3A_990 = tpu.memref_squeeze %dma_start3A_989 : memref<1x64xi32, #tpu.memory_space<vmem>> -> memref<64xi32, #tpu.memory_space<vmem>>
        %dma_start3A_991 = arith.constant 0 : i32
        %dma_start3A_992 = tpu.memref_slice %arg4[%arg1, %sub3A_977, %dma_start3A_991] : memref<16x160x64xi32, #tpu.memory_space<hbm>> -> memref<1x1x64xi32, #tpu.memory_space<hbm>>
        %dma_start3A_993 = tpu.memref_squeeze %dma_start3A_992 : memref<1x1x64xi32, #tpu.memory_space<hbm>> -> memref<64xi32, #tpu.memory_space<hbm>>
        tpu.enqueue_dma source(%dma_start3A_993 : memref<64xi32, #tpu.memory_space<hbm>>) target(%dma_start3A_990 : memref<64xi32, #tpu.memory_space<vmem>>) target_semaphore(%dma_start3A_987 : memref<!tpu.dma_semaphore, #tpu.memory_space<semaphore_mem>>)
      } else {
      }
      %add3A_421 = arith.constant 8 : i32
      %add3A_422 = arith.addi %add3A_364, %add3A_421 : i32
      %lt3A_423 = arith.constant 160 : i32
      %lt3A_424 = arith.cmpi slt, %add3A_422, %lt3A_423 : i32
      %convert_element_type3A_425 = arith.extui %lt3A_424 : i1 to i32
      %cond3A_426 = arith.constant 0 : i32
      %cond3A_427 = arith.cmpi ne, %convert_element_type3A_425, %cond3A_426 : i32
      scf.if %cond3A_427 {
        %add3A_974 = arith.constant 8 : i32
        %add3A_975 = arith.addi %add3A_364, %add3A_974 : i32
        %dma_start3A_976 = arith.constant 0 : i32
        %dma_start3A_977 = arith.constant 0 : i32
        %dma_start3A_978 = arith.constant 0 : i32
        %dma_start3A_979 = tpu.memref_slice %arg7[%dma_start3A_976, %dma_start3A_978] : memref<8x64xi32, #tpu.memory_space<vmem>> -> memref<1x64xi32, #tpu.memory_space<vmem>>
        %dma_start3A_980 = tpu.memref_squeeze %dma_start3A_979 : memref<1x64xi32, #tpu.memory_space<vmem>> -> memref<64xi32, #tpu.memory_space<vmem>>
        %dma_start3A_981 = arith.constant 0 : i32
        %dma_start3A_982 = tpu.memref_slice %arg3[%arg1, %add3A_975, %dma_start3A_981] : memref<16x160x64xi32, #tpu.memory_space<hbm>> -> memref<1x1x64xi32, #tpu.memory_space<hbm>>
        %dma_start3A_983 = tpu.memref_squeeze %dma_start3A_982 : memref<1x1x64xi32, #tpu.memory_space<hbm>> -> memref<64xi32, #tpu.memory_space<hbm>>
        %dma_start3A_984 = tpu.memref_slice %arg13[%dma_start3A_977] : memref<8x!tpu.dma_semaphore, #tpu.memory_space<semaphore_mem>> -> memref<1x!tpu.dma_semaphore, #tpu.memory_space<semaphore_mem>>
        %dma_start3A_985 = tpu.memref_squeeze %dma_start3A_984 : memref<1x!tpu.dma_semaphore, #tpu.memory_space<semaphore_mem>> -> memref<!tpu.dma_semaphore, #tpu.memory_space<semaphore_mem>>
        %dma_start3A_986 = arith.constant 0 : i32
        %dma_start3A_987 = tpu.memref_slice %arg7[%dma_start3A_976, %dma_start3A_986] : memref<8x64xi32, #tpu.memory_space<vmem>> -> memref<1x64xi32, #tpu.memory_space<vmem>>
        %dma_start3A_988 = tpu.memref_squeeze %dma_start3A_987 : memref<1x64xi32, #tpu.memory_space<vmem>> -> memref<64xi32, #tpu.memory_space<vmem>>
        %dma_start3A_989 = arith.constant 0 : i32
        %dma_start3A_990 = tpu.memref_slice %arg3[%arg1, %add3A_975, %dma_start3A_989] : memref<16x160x64xi32, #tpu.memory_space<hbm>> -> memref<1x1x64xi32, #tpu.memory_space<hbm>>
        %dma_start3A_991 = tpu.memref_squeeze %dma_start3A_990 : memref<1x1x64xi32, #tpu.memory_space<hbm>> -> memref<64xi32, #tpu.memory_space<hbm>>
        tpu.enqueue_dma source(%dma_start3A_991 : memref<64xi32, #tpu.memory_space<hbm>>) target(%dma_start3A_988 : memref<64xi32, #tpu.memory_space<vmem>>) target_semaphore(%dma_start3A_985 : memref<!tpu.dma_semaphore, #tpu.memory_space<semaphore_mem>>)
      } else {
      }
      %add3A_428 = arith.constant 3 : i32
      %add3A_429 = arith.addi %add3A_364, %add3A_428 : i32
      %lt3A_430 = arith.constant 160 : i32
      %lt3A_431 = arith.cmpi slt, %add3A_429, %lt3A_430 : i32
      %convert_element_type3A_432 = arith.extui %lt3A_431 : i1 to i32
      %cond3A_433 = arith.constant 0 : i32
      %cond3A_434 = arith.cmpi ne, %convert_element_type3A_432, %cond3A_433 : i32
      scf.if %cond3A_434 {
        %add3A_974 = arith.constant 3 : i32
        %add3A_975 = arith.addi %add3A_364, %add3A_974 : i32
        %dma_wait3A_976 = arith.constant 3 : i32
        %dma_wait3A_977 = arith.constant 3 : i32
        %dma_wait3A_978 = arith.constant 0 : i32
        %dma_wait3A_979 = tpu.memref_slice %arg7[%dma_wait3A_976, %dma_wait3A_978] : memref<8x64xi32, #tpu.memory_space<vmem>> -> memref<1x64xi32, #tpu.memory_space<vmem>>
        %dma_wait3A_980 = tpu.memref_squeeze %dma_wait3A_979 : memref<1x64xi32, #tpu.memory_space<vmem>> -> memref<64xi32, #tpu.memory_space<vmem>>
        %dma_wait3A_981 = arith.constant 0 : i32
        %dma_wait3A_982 = tpu.memref_slice %arg3[%arg1, %add3A_975, %dma_wait3A_981] : memref<16x160x64xi32, #tpu.memory_space<hbm>> -> memref<1x1x64xi32, #tpu.memory_space<hbm>>
        %dma_wait3A_983 = tpu.memref_squeeze %dma_wait3A_982 : memref<1x1x64xi32, #tpu.memory_space<hbm>> -> memref<64xi32, #tpu.memory_space<hbm>>
        %dma_wait3A_984 = tpu.memref_slice %arg13[%dma_wait3A_977] : memref<8x!tpu.dma_semaphore, #tpu.memory_space<semaphore_mem>> -> memref<1x!tpu.dma_semaphore, #tpu.memory_space<semaphore_mem>>
        %dma_wait3A_985 = tpu.memref_squeeze %dma_wait3A_984 : memref<1x!tpu.dma_semaphore, #tpu.memory_space<semaphore_mem>> -> memref<!tpu.dma_semaphore, #tpu.memory_space<semaphore_mem>>
        %dma_wait3A_986 = arith.constant 0 : i32
        %dma_wait3A_987 = tpu.memref_slice %arg7[%dma_wait3A_976, %dma_wait3A_986] : memref<8x64xi32, #tpu.memory_space<vmem>> -> memref<1x64xi32, #tpu.memory_space<vmem>>
        %dma_wait3A_988 = tpu.memref_squeeze %dma_wait3A_987 : memref<1x64xi32, #tpu.memory_space<vmem>> -> memref<64xi32, #tpu.memory_space<vmem>>
        %dma_wait3A_989 = arith.constant 0 : i32
        %dma_wait3A_990 = tpu.memref_slice %arg3[%arg1, %add3A_975, %dma_wait3A_989] : memref<16x160x64xi32, #tpu.memory_space<hbm>> -> memref<1x1x64xi32, #tpu.memory_space<hbm>>
        %dma_wait3A_991 = tpu.memref_squeeze %dma_wait3A_990 : memref<1x1x64xi32, #tpu.memory_space<hbm>> -> memref<64xi32, #tpu.memory_space<hbm>>
        tpu.wait_dma2 semaphore(%dma_wait3A_985 : memref<!tpu.dma_semaphore, #tpu.memory_space<semaphore_mem>>) src(%dma_wait3A_991 : memref<64xi32, #tpu.memory_space<hbm>>) dst(%dma_wait3A_988 : memref<64xi32, #tpu.memory_space<vmem>>)
        %dma_start3A_992 = arith.constant 3 : i32
        %dma_start3A_993 = arith.constant 3 : i32
        %dma_start3A_994 = arith.constant 3 : i32
        %dma_start3A_995 = arith.constant 0 : i32
        %dma_start3A_996 = arith.constant 0 : i32
        %dma_start3A_997 = tpu.memref_slice %arg9[%dma_start3A_993, %dma_start3A_995, %dma_start3A_996] : memref<4x64x128xf32, #tpu.memory_space<vmem>> -> memref<1x64x128xf32, #tpu.memory_space<vmem>>
        %dma_start3A_998 = tpu.memref_squeeze %dma_start3A_997 : memref<1x64x128xf32, #tpu.memory_space<vmem>> -> memref<64x128xf32, #tpu.memory_space<vmem>>
        %dma_start3A_999 = arith.constant 0 : i32
        %dma_start3A_1000 = tpu.memref_slice %arg7[%dma_start3A_992, %dma_start3A_999] : memref<8x64xi32, #tpu.memory_space<vmem>> -> memref<1x64xi32, #tpu.memory_space<vmem>>
        %dma_start3A_1001 = tpu.memref_squeeze %dma_start3A_1000 : memref<1x64xi32, #tpu.memory_space<vmem>> -> memref<64xi32, #tpu.memory_space<vmem>>
        %dma_start3A_1002 = arith.constant 0 : i32
        %dma_start3A_1003 = tpu.memref_slice %arg2[%dma_start3A_1002, %mul3A_3] : memref<10000x256xf32, #tpu.memory_space<hbm>> -> memref<10000x128xf32, #tpu.memory_space<hbm>>
        %dma_start3A_1004 = tpu.memref_slice %arg11[%dma_start3A_994] : memref<4x!tpu.dma_semaphore, #tpu.memory_space<semaphore_mem>> -> memref<1x!tpu.dma_semaphore, #tpu.memory_space<semaphore_mem>>
        %dma_start3A_1005 = tpu.memref_squeeze %dma_start3A_1004 : memref<1x!tpu.dma_semaphore, #tpu.memory_space<semaphore_mem>> -> memref<!tpu.dma_semaphore, #tpu.memory_space<semaphore_mem>>
        tpu.enqueue_indirect_dma source(%dma_start3A_1003 : memref<10000x128xf32, #tpu.memory_space<hbm>>) target(%dma_start3A_998 : memref<64x128xf32, #tpu.memory_space<vmem>>) offsets(%dma_start3A_1001 : memref<64xi32, #tpu.memory_space<vmem>>) semaphore(%dma_start3A_1005 : memref<!tpu.dma_semaphore, #tpu.memory_space<semaphore_mem>>)
      } else {
      }
      %mul3A_435 = arith.constant 8 : i32
      %mul3A_436 = arith.muli %scan3A_361, %mul3A_435 : i32
      %add3A_437 = arith.constant 1 : i32
      %add3A_438 = arith.addi %mul3A_436, %add3A_437 : i32
      %dma_wait3A_439 = arith.constant 1 : i32
      %dma_wait3A_440 = arith.constant 1 : i32
      %dma_wait3A_441 = arith.constant 0 : i32
      %dma_wait3A_442 = tpu.memref_slice %arg8[%dma_wait3A_439, %dma_wait3A_441] : memref<8x64xi32, #tpu.memory_space<vmem>> -> memref<1x64xi32, #tpu.memory_space<vmem>>
      %dma_wait3A_443 = tpu.memref_squeeze %dma_wait3A_442 : memref<1x64xi32, #tpu.memory_space<vmem>> -> memref<64xi32, #tpu.memory_space<vmem>>
      %dma_wait3A_444 = arith.constant 0 : i32
      %dma_wait3A_445 = tpu.memref_slice %arg4[%arg1, %add3A_438, %dma_wait3A_444] : memref<16x160x64xi32, #tpu.memory_space<hbm>> -> memref<1x1x64xi32, #tpu.memory_space<hbm>>
      %dma_wait3A_446 = tpu.memref_squeeze %dma_wait3A_445 : memref<1x1x64xi32, #tpu.memory_space<hbm>> -> memref<64xi32, #tpu.memory_space<hbm>>
      %dma_wait3A_447 = tpu.memref_slice %arg14[%dma_wait3A_440] : memref<8x!tpu.dma_semaphore, #tpu.memory_space<semaphore_mem>> -> memref<1x!tpu.dma_semaphore, #tpu.memory_space<semaphore_mem>>
      %dma_wait3A_448 = tpu.memref_squeeze %dma_wait3A_447 : memref<1x!tpu.dma_semaphore, #tpu.memory_space<semaphore_mem>> -> memref<!tpu.dma_semaphore, #tpu.memory_space<semaphore_mem>>
      %dma_wait3A_449 = arith.constant 0 : i32
      %dma_wait3A_450 = tpu.memref_slice %arg8[%dma_wait3A_439, %dma_wait3A_449] : memref<8x64xi32, #tpu.memory_space<vmem>> -> memref<1x64xi32, #tpu.memory_space<vmem>>
      %dma_wait3A_451 = tpu.memref_squeeze %dma_wait3A_450 : memref<1x64xi32, #tpu.memory_space<vmem>> -> memref<64xi32, #tpu.memory_space<vmem>>
      %dma_wait3A_452 = arith.constant 0 : i32
      %dma_wait3A_453 = tpu.memref_slice %arg4[%arg1, %add3A_438, %dma_wait3A_452] : memref<16x160x64xi32, #tpu.memory_space<hbm>> -> memref<1x1x64xi32, #tpu.memory_space<hbm>>
      %dma_wait3A_454 = tpu.memref_squeeze %dma_wait3A_453 : memref<1x1x64xi32, #tpu.memory_space<hbm>> -> memref<64xi32, #tpu.memory_space<hbm>>
      tpu.wait_dma2 semaphore(%dma_wait3A_448 : memref<!tpu.dma_semaphore, #tpu.memory_space<semaphore_mem>>) src(%dma_wait3A_454 : memref<64xi32, #tpu.memory_space<hbm>>) dst(%dma_wait3A_451 : memref<64xi32, #tpu.memory_space<vmem>>)
      %dma_wait3A_455 = arith.constant 1 : i32
      %dma_wait3A_456 = arith.constant 1 : i32
      %dma_wait3A_457 = arith.constant 1 : i32
      %dma_wait3A_458 = arith.constant 0 : i32
      %dma_wait3A_459 = arith.constant 0 : i32
      %dma_wait3A_460 = tpu.memref_slice %arg9[%dma_wait3A_456, %dma_wait3A_458, %dma_wait3A_459] : memref<4x64x128xf32, #tpu.memory_space<vmem>> -> memref<1x64x128xf32, #tpu.memory_space<vmem>>
      %dma_wait3A_461 = tpu.memref_squeeze %dma_wait3A_460 : memref<1x64x128xf32, #tpu.memory_space<vmem>> -> memref<64x128xf32, #tpu.memory_space<vmem>>
      %dma_wait3A_462 = arith.constant 0 : i32
      %dma_wait3A_463 = tpu.memref_slice %arg7[%dma_wait3A_455, %dma_wait3A_462] : memref<8x64xi32, #tpu.memory_space<vmem>> -> memref<1x64xi32, #tpu.memory_space<vmem>>
      %dma_wait3A_464 = tpu.memref_squeeze %dma_wait3A_463 : memref<1x64xi32, #tpu.memory_space<vmem>> -> memref<64xi32, #tpu.memory_space<vmem>>
      %dma_wait3A_465 = arith.constant 0 : i32
      %dma_wait3A_466 = tpu.memref_slice %arg2[%dma_wait3A_465, %mul3A_3] : memref<10000x256xf32, #tpu.memory_space<hbm>> -> memref<10000x128xf32, #tpu.memory_space<hbm>>
      %dma_wait3A_467 = tpu.memref_slice %arg11[%dma_wait3A_457] : memref<4x!tpu.dma_semaphore, #tpu.memory_space<semaphore_mem>> -> memref<1x!tpu.dma_semaphore, #tpu.memory_space<semaphore_mem>>
      %dma_wait3A_468 = tpu.memref_squeeze %dma_wait3A_467 : memref<1x!tpu.dma_semaphore, #tpu.memory_space<semaphore_mem>> -> memref<!tpu.dma_semaphore, #tpu.memory_space<semaphore_mem>>
      tpu.wait_indirect_dma semaphore(%dma_wait3A_468 : memref<!tpu.dma_semaphore, #tpu.memory_space<semaphore_mem>>) src(%dma_wait3A_466 : memref<10000x128xf32, #tpu.memory_space<hbm>>) dst(%dma_wait3A_461 : memref<64x128xf32, #tpu.memory_space<vmem>>)
      %ge3A_469 = arith.constant 1 : i32
      %ge3A_470 = arith.cmpi sge, %add3A_438, %ge3A_469 : i32
      %convert_element_type3A_471 = arith.extui %ge3A_470 : i1 to i32
      %cond3A_472 = arith.constant 0 : i32
      %cond3A_473 = arith.cmpi ne, %convert_element_type3A_471, %cond3A_472 : i32
      scf.if %cond3A_473 {
        %dma_wait3A_974 = arith.constant 0 : i32
        %dma_wait3A_975 = arith.constant 0 : i32
        %dma_wait3A_976 = arith.constant 0 : i32
        %dma_wait3A_977 = arith.constant 0 : i32
        %dma_wait3A_978 = arith.constant 0 : i32
        %dma_wait3A_979 = tpu.memref_slice %arg9[%dma_wait3A_974, %dma_wait3A_977, %dma_wait3A_978] : memref<4x64x128xf32, #tpu.memory_space<vmem>> -> memref<1x64x128xf32, #tpu.memory_space<vmem>>
        %dma_wait3A_980 = tpu.memref_squeeze %dma_wait3A_979 : memref<1x64x128xf32, #tpu.memory_space<vmem>> -> memref<64x128xf32, #tpu.memory_space<vmem>>
        %dma_wait3A_981 = arith.constant 0 : i32
        %dma_wait3A_982 = tpu.memref_slice %arg8[%dma_wait3A_975, %dma_wait3A_981] : memref<8x64xi32, #tpu.memory_space<vmem>> -> memref<1x64xi32, #tpu.memory_space<vmem>>
        %dma_wait3A_983 = tpu.memref_squeeze %dma_wait3A_982 : memref<1x64xi32, #tpu.memory_space<vmem>> -> memref<64xi32, #tpu.memory_space<vmem>>
        %dma_wait3A_984 = arith.constant 0 : i32
        %dma_wait3A_985 = arith.constant 0 : i32
        %dma_wait3A_986 = tpu.memref_slice %arg10[%dma_wait3A_984, %dma_wait3A_985] : memref<10008x128xf32, #tpu.memory_space<vmem_shared>> -> memref<10008x128xf32, #tpu.memory_space<vmem_shared>>
        %dma_wait3A_987 = tpu.memref_slice %arg12[%dma_wait3A_976] : memref<4x!tpu.dma_semaphore, #tpu.memory_space<semaphore_mem>> -> memref<1x!tpu.dma_semaphore, #tpu.memory_space<semaphore_mem>>
        %dma_wait3A_988 = tpu.memref_squeeze %dma_wait3A_987 : memref<1x!tpu.dma_semaphore, #tpu.memory_space<semaphore_mem>> -> memref<!tpu.dma_semaphore, #tpu.memory_space<semaphore_mem>>
        tpu.wait_indirect_dma semaphore(%dma_wait3A_988 : memref<!tpu.dma_semaphore, #tpu.memory_space<semaphore_mem>>) src(%dma_wait3A_980 : memref<64x128xf32, #tpu.memory_space<vmem>>) dst(%dma_wait3A_986 : memref<10008x128xf32, #tpu.memory_space<vmem_shared>>)
      } else {
      }
      %dma_start3A_474 = arith.constant 1 : i32
      %dma_start3A_475 = arith.constant 1 : i32
      %dma_start3A_476 = arith.constant 1 : i32
      %dma_start3A_477 = arith.constant 0 : i32
      %dma_start3A_478 = arith.constant 0 : i32
      %dma_start3A_479 = tpu.memref_slice %arg9[%dma_start3A_474, %dma_start3A_477, %dma_start3A_478] : memref<4x64x128xf32, #tpu.memory_space<vmem>> -> memref<1x64x128xf32, #tpu.memory_space<vmem>>
      %dma_start3A_480 = tpu.memref_squeeze %dma_start3A_479 : memref<1x64x128xf32, #tpu.memory_space<vmem>> -> memref<64x128xf32, #tpu.memory_space<vmem>>
      %dma_start3A_481 = arith.constant 0 : i32
      %dma_start3A_482 = tpu.memref_slice %arg8[%dma_start3A_475, %dma_start3A_481] : memref<8x64xi32, #tpu.memory_space<vmem>> -> memref<1x64xi32, #tpu.memory_space<vmem>>
      %dma_start3A_483 = tpu.memref_squeeze %dma_start3A_482 : memref<1x64xi32, #tpu.memory_space<vmem>> -> memref<64xi32, #tpu.memory_space<vmem>>
      %dma_start3A_484 = arith.constant 0 : i32
      %dma_start3A_485 = arith.constant 0 : i32
      %dma_start3A_486 = tpu.memref_slice %arg10[%dma_start3A_484, %dma_start3A_485] : memref<10008x128xf32, #tpu.memory_space<vmem_shared>> -> memref<10008x128xf32, #tpu.memory_space<vmem_shared>>
      %dma_start3A_487 = tpu.memref_slice %arg12[%dma_start3A_476] : memref<4x!tpu.dma_semaphore, #tpu.memory_space<semaphore_mem>> -> memref<1x!tpu.dma_semaphore, #tpu.memory_space<semaphore_mem>>
      %dma_start3A_488 = tpu.memref_squeeze %dma_start3A_487 : memref<1x!tpu.dma_semaphore, #tpu.memory_space<semaphore_mem>> -> memref<!tpu.dma_semaphore, #tpu.memory_space<semaphore_mem>>
      tpu.enqueue_indirect_dma source(%dma_start3A_480 : memref<64x128xf32, #tpu.memory_space<vmem>>) target(%dma_start3A_486 : memref<10008x128xf32, #tpu.memory_space<vmem_shared>>) offsets(%dma_start3A_483 : memref<64xi32, #tpu.memory_space<vmem>>) semaphore(%dma_start3A_488 : memref<!tpu.dma_semaphore, #tpu.memory_space<semaphore_mem>>) {add = true}
      %add3A_489 = arith.constant 8 : i32
      %add3A_490 = arith.addi %add3A_438, %add3A_489 : i32
      %sub3A_491 = arith.constant 2 : i32
      %sub3A_492 = arith.subi %add3A_490, %sub3A_491 : i32
      %lt3A_493 = arith.constant 160 : i32
      %lt3A_494 = arith.cmpi slt, %sub3A_492, %lt3A_493 : i32
      %convert_element_type3A_495 = arith.extui %lt3A_494 : i1 to i32
      %cond3A_496 = arith.constant 0 : i32
      %cond3A_497 = arith.cmpi ne, %convert_element_type3A_495, %cond3A_496 : i32
      scf.if %cond3A_497 {
        %add3A_974 = arith.constant 8 : i32
        %add3A_975 = arith.addi %add3A_438, %add3A_974 : i32
        %sub3A_976 = arith.constant 2 : i32
        %sub3A_977 = arith.subi %add3A_975, %sub3A_976 : i32
        %dma_start3A_978 = arith.constant 7 : i32
        %dma_start3A_979 = arith.constant 7 : i32
        %dma_start3A_980 = arith.constant 0 : i32
        %dma_start3A_981 = tpu.memref_slice %arg8[%dma_start3A_978, %dma_start3A_980] : memref<8x64xi32, #tpu.memory_space<vmem>> -> memref<1x64xi32, #tpu.memory_space<vmem>>
        %dma_start3A_982 = tpu.memref_squeeze %dma_start3A_981 : memref<1x64xi32, #tpu.memory_space<vmem>> -> memref<64xi32, #tpu.memory_space<vmem>>
        %dma_start3A_983 = arith.constant 0 : i32
        %dma_start3A_984 = tpu.memref_slice %arg4[%arg1, %sub3A_977, %dma_start3A_983] : memref<16x160x64xi32, #tpu.memory_space<hbm>> -> memref<1x1x64xi32, #tpu.memory_space<hbm>>
        %dma_start3A_985 = tpu.memref_squeeze %dma_start3A_984 : memref<1x1x64xi32, #tpu.memory_space<hbm>> -> memref<64xi32, #tpu.memory_space<hbm>>
        %dma_start3A_986 = tpu.memref_slice %arg14[%dma_start3A_979] : memref<8x!tpu.dma_semaphore, #tpu.memory_space<semaphore_mem>> -> memref<1x!tpu.dma_semaphore, #tpu.memory_space<semaphore_mem>>
        %dma_start3A_987 = tpu.memref_squeeze %dma_start3A_986 : memref<1x!tpu.dma_semaphore, #tpu.memory_space<semaphore_mem>> -> memref<!tpu.dma_semaphore, #tpu.memory_space<semaphore_mem>>
        %dma_start3A_988 = arith.constant 0 : i32
        %dma_start3A_989 = tpu.memref_slice %arg8[%dma_start3A_978, %dma_start3A_988] : memref<8x64xi32, #tpu.memory_space<vmem>> -> memref<1x64xi32, #tpu.memory_space<vmem>>
        %dma_start3A_990 = tpu.memref_squeeze %dma_start3A_989 : memref<1x64xi32, #tpu.memory_space<vmem>> -> memref<64xi32, #tpu.memory_space<vmem>>
        %dma_start3A_991 = arith.constant 0 : i32
        %dma_start3A_992 = tpu.memref_slice %arg4[%arg1, %sub3A_977, %dma_start3A_991] : memref<16x160x64xi32, #tpu.memory_space<hbm>> -> memref<1x1x64xi32, #tpu.memory_space<hbm>>
        %dma_start3A_993 = tpu.memref_squeeze %dma_start3A_992 : memref<1x1x64xi32, #tpu.memory_space<hbm>> -> memref<64xi32, #tpu.memory_space<hbm>>
        tpu.enqueue_dma source(%dma_start3A_993 : memref<64xi32, #tpu.memory_space<hbm>>) target(%dma_start3A_990 : memref<64xi32, #tpu.memory_space<vmem>>) target_semaphore(%dma_start3A_987 : memref<!tpu.dma_semaphore, #tpu.memory_space<semaphore_mem>>)
      } else {
      }
      %add3A_498 = arith.constant 8 : i32
      %add3A_499 = arith.addi %add3A_438, %add3A_498 : i32
      %lt3A_500 = arith.constant 160 : i32
      %lt3A_501 = arith.cmpi slt, %add3A_499, %lt3A_500 : i32
      %convert_element_type3A_502 = arith.extui %lt3A_501 : i1 to i32
      %cond3A_503 = arith.constant 0 : i32
      %cond3A_504 = arith.cmpi ne, %convert_element_type3A_502, %cond3A_503 : i32
      scf.if %cond3A_504 {
        %add3A_974 = arith.constant 8 : i32
        %add3A_975 = arith.addi %add3A_438, %add3A_974 : i32
        %dma_start3A_976 = arith.constant 1 : i32
        %dma_start3A_977 = arith.constant 1 : i32
        %dma_start3A_978 = arith.constant 0 : i32
        %dma_start3A_979 = tpu.memref_slice %arg7[%dma_start3A_976, %dma_start3A_978] : memref<8x64xi32, #tpu.memory_space<vmem>> -> memref<1x64xi32, #tpu.memory_space<vmem>>
        %dma_start3A_980 = tpu.memref_squeeze %dma_start3A_979 : memref<1x64xi32, #tpu.memory_space<vmem>> -> memref<64xi32, #tpu.memory_space<vmem>>
        %dma_start3A_981 = arith.constant 0 : i32
        %dma_start3A_982 = tpu.memref_slice %arg3[%arg1, %add3A_975, %dma_start3A_981] : memref<16x160x64xi32, #tpu.memory_space<hbm>> -> memref<1x1x64xi32, #tpu.memory_space<hbm>>
        %dma_start3A_983 = tpu.memref_squeeze %dma_start3A_982 : memref<1x1x64xi32, #tpu.memory_space<hbm>> -> memref<64xi32, #tpu.memory_space<hbm>>
        %dma_start3A_984 = tpu.memref_slice %arg13[%dma_start3A_977] : memref<8x!tpu.dma_semaphore, #tpu.memory_space<semaphore_mem>> -> memref<1x!tpu.dma_semaphore, #tpu.memory_space<semaphore_mem>>
        %dma_start3A_985 = tpu.memref_squeeze %dma_start3A_984 : memref<1x!tpu.dma_semaphore, #tpu.memory_space<semaphore_mem>> -> memref<!tpu.dma_semaphore, #tpu.memory_space<semaphore_mem>>
        %dma_start3A_986 = arith.constant 0 : i32
        %dma_start3A_987 = tpu.memref_slice %arg7[%dma_start3A_976, %dma_start3A_986] : memref<8x64xi32, #tpu.memory_space<vmem>> -> memref<1x64xi32, #tpu.memory_space<vmem>>
        %dma_start3A_988 = tpu.memref_squeeze %dma_start3A_987 : memref<1x64xi32, #tpu.memory_space<vmem>> -> memref<64xi32, #tpu.memory_space<vmem>>
        %dma_start3A_989 = arith.constant 0 : i32
        %dma_start3A_990 = tpu.memref_slice %arg3[%arg1, %add3A_975, %dma_start3A_989] : memref<16x160x64xi32, #tpu.memory_space<hbm>> -> memref<1x1x64xi32, #tpu.memory_space<hbm>>
        %dma_start3A_991 = tpu.memref_squeeze %dma_start3A_990 : memref<1x1x64xi32, #tpu.memory_space<hbm>> -> memref<64xi32, #tpu.memory_space<hbm>>
        tpu.enqueue_dma source(%dma_start3A_991 : memref<64xi32, #tpu.memory_space<hbm>>) target(%dma_start3A_988 : memref<64xi32, #tpu.memory_space<vmem>>) target_semaphore(%dma_start3A_985 : memref<!tpu.dma_semaphore, #tpu.memory_space<semaphore_mem>>)
      } else {
      }
      %add3A_505 = arith.constant 3 : i32
      %add3A_506 = arith.addi %add3A_438, %add3A_505 : i32
      %lt3A_507 = arith.constant 160 : i32
      %lt3A_508 = arith.cmpi slt, %add3A_506, %lt3A_507 : i32
      %convert_element_type3A_509 = arith.extui %lt3A_508 : i1 to i32
      %cond3A_510 = arith.constant 0 : i32
      %cond3A_511 = arith.cmpi ne, %convert_element_type3A_509, %cond3A_510 : i32
      scf.if %cond3A_511 {
        %add3A_974 = arith.constant 3 : i32
        %add3A_975 = arith.addi %add3A_438, %add3A_974 : i32
        %dma_wait3A_976 = arith.constant 4 : i32
        %dma_wait3A_977 = arith.constant 4 : i32
        %dma_wait3A_978 = arith.constant 0 : i32
        %dma_wait3A_979 = tpu.memref_slice %arg7[%dma_wait3A_976, %dma_wait3A_978] : memref<8x64xi32, #tpu.memory_space<vmem>> -> memref<1x64xi32, #tpu.memory_space<vmem>>
        %dma_wait3A_980 = tpu.memref_squeeze %dma_wait3A_979 : memref<1x64xi32, #tpu.memory_space<vmem>> -> memref<64xi32, #tpu.memory_space<vmem>>
        %dma_wait3A_981 = arith.constant 0 : i32
        %dma_wait3A_982 = tpu.memref_slice %arg3[%arg1, %add3A_975, %dma_wait3A_981] : memref<16x160x64xi32, #tpu.memory_space<hbm>> -> memref<1x1x64xi32, #tpu.memory_space<hbm>>
        %dma_wait3A_983 = tpu.memref_squeeze %dma_wait3A_982 : memref<1x1x64xi32, #tpu.memory_space<hbm>> -> memref<64xi32, #tpu.memory_space<hbm>>
        %dma_wait3A_984 = tpu.memref_slice %arg13[%dma_wait3A_977] : memref<8x!tpu.dma_semaphore, #tpu.memory_space<semaphore_mem>> -> memref<1x!tpu.dma_semaphore, #tpu.memory_space<semaphore_mem>>
        %dma_wait3A_985 = tpu.memref_squeeze %dma_wait3A_984 : memref<1x!tpu.dma_semaphore, #tpu.memory_space<semaphore_mem>> -> memref<!tpu.dma_semaphore, #tpu.memory_space<semaphore_mem>>
        %dma_wait3A_986 = arith.constant 0 : i32
        %dma_wait3A_987 = tpu.memref_slice %arg7[%dma_wait3A_976, %dma_wait3A_986] : memref<8x64xi32, #tpu.memory_space<vmem>> -> memref<1x64xi32, #tpu.memory_space<vmem>>
        %dma_wait3A_988 = tpu.memref_squeeze %dma_wait3A_987 : memref<1x64xi32, #tpu.memory_space<vmem>> -> memref<64xi32, #tpu.memory_space<vmem>>
        %dma_wait3A_989 = arith.constant 0 : i32
        %dma_wait3A_990 = tpu.memref_slice %arg3[%arg1, %add3A_975, %dma_wait3A_989] : memref<16x160x64xi32, #tpu.memory_space<hbm>> -> memref<1x1x64xi32, #tpu.memory_space<hbm>>
        %dma_wait3A_991 = tpu.memref_squeeze %dma_wait3A_990 : memref<1x1x64xi32, #tpu.memory_space<hbm>> -> memref<64xi32, #tpu.memory_space<hbm>>
        tpu.wait_dma2 semaphore(%dma_wait3A_985 : memref<!tpu.dma_semaphore, #tpu.memory_space<semaphore_mem>>) src(%dma_wait3A_991 : memref<64xi32, #tpu.memory_space<hbm>>) dst(%dma_wait3A_988 : memref<64xi32, #tpu.memory_space<vmem>>)
        %dma_start3A_992 = arith.constant 4 : i32
        %dma_start3A_993 = arith.constant 0 : i32
        %dma_start3A_994 = arith.constant 0 : i32
        %dma_start3A_995 = arith.constant 0 : i32
        %dma_start3A_996 = arith.constant 0 : i32
        %dma_start3A_997 = tpu.memref_slice %arg9[%dma_start3A_993, %dma_start3A_995, %dma_start3A_996] : memref<4x64x128xf32, #tpu.memory_space<vmem>> -> memref<1x64x128xf32, #tpu.memory_space<vmem>>
        %dma_start3A_998 = tpu.memref_squeeze %dma_start3A_997 : memref<1x64x128xf32, #tpu.memory_space<vmem>> -> memref<64x128xf32, #tpu.memory_space<vmem>>
        %dma_start3A_999 = arith.constant 0 : i32
        %dma_start3A_1000 = tpu.memref_slice %arg7[%dma_start3A_992, %dma_start3A_999] : memref<8x64xi32, #tpu.memory_space<vmem>> -> memref<1x64xi32, #tpu.memory_space<vmem>>
        %dma_start3A_1001 = tpu.memref_squeeze %dma_start3A_1000 : memref<1x64xi32, #tpu.memory_space<vmem>> -> memref<64xi32, #tpu.memory_space<vmem>>
        %dma_start3A_1002 = arith.constant 0 : i32
        %dma_start3A_1003 = tpu.memref_slice %arg2[%dma_start3A_1002, %mul3A_3] : memref<10000x256xf32, #tpu.memory_space<hbm>> -> memref<10000x128xf32, #tpu.memory_space<hbm>>
        %dma_start3A_1004 = tpu.memref_slice %arg11[%dma_start3A_994] : memref<4x!tpu.dma_semaphore, #tpu.memory_space<semaphore_mem>> -> memref<1x!tpu.dma_semaphore, #tpu.memory_space<semaphore_mem>>
        %dma_start3A_1005 = tpu.memref_squeeze %dma_start3A_1004 : memref<1x!tpu.dma_semaphore, #tpu.memory_space<semaphore_mem>> -> memref<!tpu.dma_semaphore, #tpu.memory_space<semaphore_mem>>
        tpu.enqueue_indirect_dma source(%dma_start3A_1003 : memref<10000x128xf32, #tpu.memory_space<hbm>>) target(%dma_start3A_998 : memref<64x128xf32, #tpu.memory_space<vmem>>) offsets(%dma_start3A_1001 : memref<64xi32, #tpu.memory_space<vmem>>) semaphore(%dma_start3A_1005 : memref<!tpu.dma_semaphore, #tpu.memory_space<semaphore_mem>>)
      } else {
      }
      %mul3A_512 = arith.constant 8 : i32
      %mul3A_513 = arith.muli %scan3A_361, %mul3A_512 : i32
      %add3A_514 = arith.constant 2 : i32
      %add3A_515 = arith.addi %mul3A_513, %add3A_514 : i32
      %dma_wait3A_516 = arith.constant 2 : i32
      %dma_wait3A_517 = arith.constant 2 : i32
      %dma_wait3A_518 = arith.constant 0 : i32
      %dma_wait3A_519 = tpu.memref_slice %arg8[%dma_wait3A_516, %dma_wait3A_518] : memref<8x64xi32, #tpu.memory_space<vmem>> -> memref<1x64xi32, #tpu.memory_space<vmem>>
      %dma_wait3A_520 = tpu.memref_squeeze %dma_wait3A_519 : memref<1x64xi32, #tpu.memory_space<vmem>> -> memref<64xi32, #tpu.memory_space<vmem>>
      %dma_wait3A_521 = arith.constant 0 : i32
      %dma_wait3A_522 = tpu.memref_slice %arg4[%arg1, %add3A_515, %dma_wait3A_521] : memref<16x160x64xi32, #tpu.memory_space<hbm>> -> memref<1x1x64xi32, #tpu.memory_space<hbm>>
      %dma_wait3A_523 = tpu.memref_squeeze %dma_wait3A_522 : memref<1x1x64xi32, #tpu.memory_space<hbm>> -> memref<64xi32, #tpu.memory_space<hbm>>
      %dma_wait3A_524 = tpu.memref_slice %arg14[%dma_wait3A_517] : memref<8x!tpu.dma_semaphore, #tpu.memory_space<semaphore_mem>> -> memref<1x!tpu.dma_semaphore, #tpu.memory_space<semaphore_mem>>
      %dma_wait3A_525 = tpu.memref_squeeze %dma_wait3A_524 : memref<1x!tpu.dma_semaphore, #tpu.memory_space<semaphore_mem>> -> memref<!tpu.dma_semaphore, #tpu.memory_space<semaphore_mem>>
      %dma_wait3A_526 = arith.constant 0 : i32
      %dma_wait3A_527 = tpu.memref_slice %arg8[%dma_wait3A_516, %dma_wait3A_526] : memref<8x64xi32, #tpu.memory_space<vmem>> -> memref<1x64xi32, #tpu.memory_space<vmem>>
      %dma_wait3A_528 = tpu.memref_squeeze %dma_wait3A_527 : memref<1x64xi32, #tpu.memory_space<vmem>> -> memref<64xi32, #tpu.memory_space<vmem>>
      %dma_wait3A_529 = arith.constant 0 : i32
      %dma_wait3A_530 = tpu.memref_slice %arg4[%arg1, %add3A_515, %dma_wait3A_529] : memref<16x160x64xi32, #tpu.memory_space<hbm>> -> memref<1x1x64xi32, #tpu.memory_space<hbm>>
      %dma_wait3A_531 = tpu.memref_squeeze %dma_wait3A_530 : memref<1x1x64xi32, #tpu.memory_space<hbm>> -> memref<64xi32, #tpu.memory_space<hbm>>
      tpu.wait_dma2 semaphore(%dma_wait3A_525 : memref<!tpu.dma_semaphore, #tpu.memory_space<semaphore_mem>>) src(%dma_wait3A_531 : memref<64xi32, #tpu.memory_space<hbm>>) dst(%dma_wait3A_528 : memref<64xi32, #tpu.memory_space<vmem>>)
      %dma_wait3A_532 = arith.constant 2 : i32
      %dma_wait3A_533 = arith.constant 2 : i32
      %dma_wait3A_534 = arith.constant 2 : i32
      %dma_wait3A_535 = arith.constant 0 : i32
      %dma_wait3A_536 = arith.constant 0 : i32
      %dma_wait3A_537 = tpu.memref_slice %arg9[%dma_wait3A_533, %dma_wait3A_535, %dma_wait3A_536] : memref<4x64x128xf32, #tpu.memory_space<vmem>> -> memref<1x64x128xf32, #tpu.memory_space<vmem>>
      %dma_wait3A_538 = tpu.memref_squeeze %dma_wait3A_537 : memref<1x64x128xf32, #tpu.memory_space<vmem>> -> memref<64x128xf32, #tpu.memory_space<vmem>>
      %dma_wait3A_539 = arith.constant 0 : i32
      %dma_wait3A_540 = tpu.memref_slice %arg7[%dma_wait3A_532, %dma_wait3A_539] : memref<8x64xi32, #tpu.memory_space<vmem>> -> memref<1x64xi32, #tpu.memory_space<vmem>>
      %dma_wait3A_541 = tpu.memref_squeeze %dma_wait3A_540 : memref<1x64xi32, #tpu.memory_space<vmem>> -> memref<64xi32, #tpu.memory_space<vmem>>
      %dma_wait3A_542 = arith.constant 0 : i32
      %dma_wait3A_543 = tpu.memref_slice %arg2[%dma_wait3A_542, %mul3A_3] : memref<10000x256xf32, #tpu.memory_space<hbm>> -> memref<10000x128xf32, #tpu.memory_space<hbm>>
      %dma_wait3A_544 = tpu.memref_slice %arg11[%dma_wait3A_534] : memref<4x!tpu.dma_semaphore, #tpu.memory_space<semaphore_mem>> -> memref<1x!tpu.dma_semaphore, #tpu.memory_space<semaphore_mem>>
      %dma_wait3A_545 = tpu.memref_squeeze %dma_wait3A_544 : memref<1x!tpu.dma_semaphore, #tpu.memory_space<semaphore_mem>> -> memref<!tpu.dma_semaphore, #tpu.memory_space<semaphore_mem>>
      tpu.wait_indirect_dma semaphore(%dma_wait3A_545 : memref<!tpu.dma_semaphore, #tpu.memory_space<semaphore_mem>>) src(%dma_wait3A_543 : memref<10000x128xf32, #tpu.memory_space<hbm>>) dst(%dma_wait3A_538 : memref<64x128xf32, #tpu.memory_space<vmem>>)
      %ge3A_546 = arith.constant 1 : i32
      %ge3A_547 = arith.cmpi sge, %add3A_515, %ge3A_546 : i32
      %convert_element_type3A_548 = arith.extui %ge3A_547 : i1 to i32
      %cond3A_549 = arith.constant 0 : i32
      %cond3A_550 = arith.cmpi ne, %convert_element_type3A_548, %cond3A_549 : i32
      scf.if %cond3A_550 {
        %dma_wait3A_974 = arith.constant 1 : i32
        %dma_wait3A_975 = arith.constant 1 : i32
        %dma_wait3A_976 = arith.constant 1 : i32
        %dma_wait3A_977 = arith.constant 0 : i32
        %dma_wait3A_978 = arith.constant 0 : i32
        %dma_wait3A_979 = tpu.memref_slice %arg9[%dma_wait3A_974, %dma_wait3A_977, %dma_wait3A_978] : memref<4x64x128xf32, #tpu.memory_space<vmem>> -> memref<1x64x128xf32, #tpu.memory_space<vmem>>
        %dma_wait3A_980 = tpu.memref_squeeze %dma_wait3A_979 : memref<1x64x128xf32, #tpu.memory_space<vmem>> -> memref<64x128xf32, #tpu.memory_space<vmem>>
        %dma_wait3A_981 = arith.constant 0 : i32
        %dma_wait3A_982 = tpu.memref_slice %arg8[%dma_wait3A_975, %dma_wait3A_981] : memref<8x64xi32, #tpu.memory_space<vmem>> -> memref<1x64xi32, #tpu.memory_space<vmem>>
        %dma_wait3A_983 = tpu.memref_squeeze %dma_wait3A_982 : memref<1x64xi32, #tpu.memory_space<vmem>> -> memref<64xi32, #tpu.memory_space<vmem>>
        %dma_wait3A_984 = arith.constant 0 : i32
        %dma_wait3A_985 = arith.constant 0 : i32
        %dma_wait3A_986 = tpu.memref_slice %arg10[%dma_wait3A_984, %dma_wait3A_985] : memref<10008x128xf32, #tpu.memory_space<vmem_shared>> -> memref<10008x128xf32, #tpu.memory_space<vmem_shared>>
        %dma_wait3A_987 = tpu.memref_slice %arg12[%dma_wait3A_976] : memref<4x!tpu.dma_semaphore, #tpu.memory_space<semaphore_mem>> -> memref<1x!tpu.dma_semaphore, #tpu.memory_space<semaphore_mem>>
        %dma_wait3A_988 = tpu.memref_squeeze %dma_wait3A_987 : memref<1x!tpu.dma_semaphore, #tpu.memory_space<semaphore_mem>> -> memref<!tpu.dma_semaphore, #tpu.memory_space<semaphore_mem>>
        tpu.wait_indirect_dma semaphore(%dma_wait3A_988 : memref<!tpu.dma_semaphore, #tpu.memory_space<semaphore_mem>>) src(%dma_wait3A_980 : memref<64x128xf32, #tpu.memory_space<vmem>>) dst(%dma_wait3A_986 : memref<10008x128xf32, #tpu.memory_space<vmem_shared>>)
      } else {
      }
      %dma_start3A_551 = arith.constant 2 : i32
      %dma_start3A_552 = arith.constant 2 : i32
      %dma_start3A_553 = arith.constant 2 : i32
      %dma_start3A_554 = arith.constant 0 : i32
      %dma_start3A_555 = arith.constant 0 : i32
      %dma_start3A_556 = tpu.memref_slice %arg9[%dma_start3A_551, %dma_start3A_554, %dma_start3A_555] : memref<4x64x128xf32, #tpu.memory_space<vmem>> -> memref<1x64x128xf32, #tpu.memory_space<vmem>>
      %dma_start3A_557 = tpu.memref_squeeze %dma_start3A_556 : memref<1x64x128xf32, #tpu.memory_space<vmem>> -> memref<64x128xf32, #tpu.memory_space<vmem>>
      %dma_start3A_558 = arith.constant 0 : i32
      %dma_start3A_559 = tpu.memref_slice %arg8[%dma_start3A_552, %dma_start3A_558] : memref<8x64xi32, #tpu.memory_space<vmem>> -> memref<1x64xi32, #tpu.memory_space<vmem>>
      %dma_start3A_560 = tpu.memref_squeeze %dma_start3A_559 : memref<1x64xi32, #tpu.memory_space<vmem>> -> memref<64xi32, #tpu.memory_space<vmem>>
      %dma_start3A_561 = arith.constant 0 : i32
      %dma_start3A_562 = arith.constant 0 : i32
      %dma_start3A_563 = tpu.memref_slice %arg10[%dma_start3A_561, %dma_start3A_562] : memref<10008x128xf32, #tpu.memory_space<vmem_shared>> -> memref<10008x128xf32, #tpu.memory_space<vmem_shared>>
      %dma_start3A_564 = tpu.memref_slice %arg12[%dma_start3A_553] : memref<4x!tpu.dma_semaphore, #tpu.memory_space<semaphore_mem>> -> memref<1x!tpu.dma_semaphore, #tpu.memory_space<semaphore_mem>>
      %dma_start3A_565 = tpu.memref_squeeze %dma_start3A_564 : memref<1x!tpu.dma_semaphore, #tpu.memory_space<semaphore_mem>> -> memref<!tpu.dma_semaphore, #tpu.memory_space<semaphore_mem>>
      tpu.enqueue_indirect_dma source(%dma_start3A_557 : memref<64x128xf32, #tpu.memory_space<vmem>>) target(%dma_start3A_563 : memref<10008x128xf32, #tpu.memory_space<vmem_shared>>) offsets(%dma_start3A_560 : memref<64xi32, #tpu.memory_space<vmem>>) semaphore(%dma_start3A_565 : memref<!tpu.dma_semaphore, #tpu.memory_space<semaphore_mem>>) {add = true}
      %add3A_566 = arith.constant 8 : i32
      %add3A_567 = arith.addi %add3A_515, %add3A_566 : i32
      %sub3A_568 = arith.constant 2 : i32
      %sub3A_569 = arith.subi %add3A_567, %sub3A_568 : i32
      %lt3A_570 = arith.constant 160 : i32
      %lt3A_571 = arith.cmpi slt, %sub3A_569, %lt3A_570 : i32
      %convert_element_type3A_572 = arith.extui %lt3A_571 : i1 to i32
      %cond3A_573 = arith.constant 0 : i32
      %cond3A_574 = arith.cmpi ne, %convert_element_type3A_572, %cond3A_573 : i32
      scf.if %cond3A_574 {
        %add3A_974 = arith.constant 8 : i32
        %add3A_975 = arith.addi %add3A_515, %add3A_974 : i32
        %sub3A_976 = arith.constant 2 : i32
        %sub3A_977 = arith.subi %add3A_975, %sub3A_976 : i32
        %dma_start3A_978 = arith.constant 0 : i32
        %dma_start3A_979 = arith.constant 0 : i32
        %dma_start3A_980 = arith.constant 0 : i32
        %dma_start3A_981 = tpu.memref_slice %arg8[%dma_start3A_978, %dma_start3A_980] : memref<8x64xi32, #tpu.memory_space<vmem>> -> memref<1x64xi32, #tpu.memory_space<vmem>>
        %dma_start3A_982 = tpu.memref_squeeze %dma_start3A_981 : memref<1x64xi32, #tpu.memory_space<vmem>> -> memref<64xi32, #tpu.memory_space<vmem>>
        %dma_start3A_983 = arith.constant 0 : i32
        %dma_start3A_984 = tpu.memref_slice %arg4[%arg1, %sub3A_977, %dma_start3A_983] : memref<16x160x64xi32, #tpu.memory_space<hbm>> -> memref<1x1x64xi32, #tpu.memory_space<hbm>>
        %dma_start3A_985 = tpu.memref_squeeze %dma_start3A_984 : memref<1x1x64xi32, #tpu.memory_space<hbm>> -> memref<64xi32, #tpu.memory_space<hbm>>
        %dma_start3A_986 = tpu.memref_slice %arg14[%dma_start3A_979] : memref<8x!tpu.dma_semaphore, #tpu.memory_space<semaphore_mem>> -> memref<1x!tpu.dma_semaphore, #tpu.memory_space<semaphore_mem>>
        %dma_start3A_987 = tpu.memref_squeeze %dma_start3A_986 : memref<1x!tpu.dma_semaphore, #tpu.memory_space<semaphore_mem>> -> memref<!tpu.dma_semaphore, #tpu.memory_space<semaphore_mem>>
        %dma_start3A_988 = arith.constant 0 : i32
        %dma_start3A_989 = tpu.memref_slice %arg8[%dma_start3A_978, %dma_start3A_988] : memref<8x64xi32, #tpu.memory_space<vmem>> -> memref<1x64xi32, #tpu.memory_space<vmem>>
        %dma_start3A_990 = tpu.memref_squeeze %dma_start3A_989 : memref<1x64xi32, #tpu.memory_space<vmem>> -> memref<64xi32, #tpu.memory_space<vmem>>
        %dma_start3A_991 = arith.constant 0 : i32
        %dma_start3A_992 = tpu.memref_slice %arg4[%arg1, %sub3A_977, %dma_start3A_991] : memref<16x160x64xi32, #tpu.memory_space<hbm>> -> memref<1x1x64xi32, #tpu.memory_space<hbm>>
        %dma_start3A_993 = tpu.memref_squeeze %dma_start3A_992 : memref<1x1x64xi32, #tpu.memory_space<hbm>> -> memref<64xi32, #tpu.memory_space<hbm>>
        tpu.enqueue_dma source(%dma_start3A_993 : memref<64xi32, #tpu.memory_space<hbm>>) target(%dma_start3A_990 : memref<64xi32, #tpu.memory_space<vmem>>) target_semaphore(%dma_start3A_987 : memref<!tpu.dma_semaphore, #tpu.memory_space<semaphore_mem>>)
      } else {
      }
      %add3A_575 = arith.constant 8 : i32
      %add3A_576 = arith.addi %add3A_515, %add3A_575 : i32
      %lt3A_577 = arith.constant 160 : i32
      %lt3A_578 = arith.cmpi slt, %add3A_576, %lt3A_577 : i32
      %convert_element_type3A_579 = arith.extui %lt3A_578 : i1 to i32
      %cond3A_580 = arith.constant 0 : i32
      %cond3A_581 = arith.cmpi ne, %convert_element_type3A_579, %cond3A_580 : i32
      scf.if %cond3A_581 {
        %add3A_974 = arith.constant 8 : i32
        %add3A_975 = arith.addi %add3A_515, %add3A_974 : i32
        %dma_start3A_976 = arith.constant 2 : i32
        %dma_start3A_977 = arith.constant 2 : i32
        %dma_start3A_978 = arith.constant 0 : i32
        %dma_start3A_979 = tpu.memref_slice %arg7[%dma_start3A_976, %dma_start3A_978] : memref<8x64xi32, #tpu.memory_space<vmem>> -> memref<1x64xi32, #tpu.memory_space<vmem>>
        %dma_start3A_980 = tpu.memref_squeeze %dma_start3A_979 : memref<1x64xi32, #tpu.memory_space<vmem>> -> memref<64xi32, #tpu.memory_space<vmem>>
        %dma_start3A_981 = arith.constant 0 : i32
        %dma_start3A_982 = tpu.memref_slice %arg3[%arg1, %add3A_975, %dma_start3A_981] : memref<16x160x64xi32, #tpu.memory_space<hbm>> -> memref<1x1x64xi32, #tpu.memory_space<hbm>>
        %dma_start3A_983 = tpu.memref_squeeze %dma_start3A_982 : memref<1x1x64xi32, #tpu.memory_space<hbm>> -> memref<64xi32, #tpu.memory_space<hbm>>
        %dma_start3A_984 = tpu.memref_slice %arg13[%dma_start3A_977] : memref<8x!tpu.dma_semaphore, #tpu.memory_space<semaphore_mem>> -> memref<1x!tpu.dma_semaphore, #tpu.memory_space<semaphore_mem>>
        %dma_start3A_985 = tpu.memref_squeeze %dma_start3A_984 : memref<1x!tpu.dma_semaphore, #tpu.memory_space<semaphore_mem>> -> memref<!tpu.dma_semaphore, #tpu.memory_space<semaphore_mem>>
        %dma_start3A_986 = arith.constant 0 : i32
        %dma_start3A_987 = tpu.memref_slice %arg7[%dma_start3A_976, %dma_start3A_986] : memref<8x64xi32, #tpu.memory_space<vmem>> -> memref<1x64xi32, #tpu.memory_space<vmem>>
        %dma_start3A_988 = tpu.memref_squeeze %dma_start3A_987 : memref<1x64xi32, #tpu.memory_space<vmem>> -> memref<64xi32, #tpu.memory_space<vmem>>
        %dma_start3A_989 = arith.constant 0 : i32
        %dma_start3A_990 = tpu.memref_slice %arg3[%arg1, %add3A_975, %dma_start3A_989] : memref<16x160x64xi32, #tpu.memory_space<hbm>> -> memref<1x1x64xi32, #tpu.memory_space<hbm>>
        %dma_start3A_991 = tpu.memref_squeeze %dma_start3A_990 : memref<1x1x64xi32, #tpu.memory_space<hbm>> -> memref<64xi32, #tpu.memory_space<hbm>>
        tpu.enqueue_dma source(%dma_start3A_991 : memref<64xi32, #tpu.memory_space<hbm>>) target(%dma_start3A_988 : memref<64xi32, #tpu.memory_space<vmem>>) target_semaphore(%dma_start3A_985 : memref<!tpu.dma_semaphore, #tpu.memory_space<semaphore_mem>>)
      } else {
      }
      %add3A_582 = arith.constant 3 : i32
      %add3A_583 = arith.addi %add3A_515, %add3A_582 : i32
      %lt3A_584 = arith.constant 160 : i32
      %lt3A_585 = arith.cmpi slt, %add3A_583, %lt3A_584 : i32
      %convert_element_type3A_586 = arith.extui %lt3A_585 : i1 to i32
      %cond3A_587 = arith.constant 0 : i32
      %cond3A_588 = arith.cmpi ne, %convert_element_type3A_586, %cond3A_587 : i32
      scf.if %cond3A_588 {
        %add3A_974 = arith.constant 3 : i32
        %add3A_975 = arith.addi %add3A_515, %add3A_974 : i32
        %dma_wait3A_976 = arith.constant 5 : i32
        %dma_wait3A_977 = arith.constant 5 : i32
        %dma_wait3A_978 = arith.constant 0 : i32
        %dma_wait3A_979 = tpu.memref_slice %arg7[%dma_wait3A_976, %dma_wait3A_978] : memref<8x64xi32, #tpu.memory_space<vmem>> -> memref<1x64xi32, #tpu.memory_space<vmem>>
        %dma_wait3A_980 = tpu.memref_squeeze %dma_wait3A_979 : memref<1x64xi32, #tpu.memory_space<vmem>> -> memref<64xi32, #tpu.memory_space<vmem>>
        %dma_wait3A_981 = arith.constant 0 : i32
        %dma_wait3A_982 = tpu.memref_slice %arg3[%arg1, %add3A_975, %dma_wait3A_981] : memref<16x160x64xi32, #tpu.memory_space<hbm>> -> memref<1x1x64xi32, #tpu.memory_space<hbm>>
        %dma_wait3A_983 = tpu.memref_squeeze %dma_wait3A_982 : memref<1x1x64xi32, #tpu.memory_space<hbm>> -> memref<64xi32, #tpu.memory_space<hbm>>
        %dma_wait3A_984 = tpu.memref_slice %arg13[%dma_wait3A_977] : memref<8x!tpu.dma_semaphore, #tpu.memory_space<semaphore_mem>> -> memref<1x!tpu.dma_semaphore, #tpu.memory_space<semaphore_mem>>
        %dma_wait3A_985 = tpu.memref_squeeze %dma_wait3A_984 : memref<1x!tpu.dma_semaphore, #tpu.memory_space<semaphore_mem>> -> memref<!tpu.dma_semaphore, #tpu.memory_space<semaphore_mem>>
        %dma_wait3A_986 = arith.constant 0 : i32
        %dma_wait3A_987 = tpu.memref_slice %arg7[%dma_wait3A_976, %dma_wait3A_986] : memref<8x64xi32, #tpu.memory_space<vmem>> -> memref<1x64xi32, #tpu.memory_space<vmem>>
        %dma_wait3A_988 = tpu.memref_squeeze %dma_wait3A_987 : memref<1x64xi32, #tpu.memory_space<vmem>> -> memref<64xi32, #tpu.memory_space<vmem>>
        %dma_wait3A_989 = arith.constant 0 : i32
        %dma_wait3A_990 = tpu.memref_slice %arg3[%arg1, %add3A_975, %dma_wait3A_989] : memref<16x160x64xi32, #tpu.memory_space<hbm>> -> memref<1x1x64xi32, #tpu.memory_space<hbm>>
        %dma_wait3A_991 = tpu.memref_squeeze %dma_wait3A_990 : memref<1x1x64xi32, #tpu.memory_space<hbm>> -> memref<64xi32, #tpu.memory_space<hbm>>
        tpu.wait_dma2 semaphore(%dma_wait3A_985 : memref<!tpu.dma_semaphore, #tpu.memory_space<semaphore_mem>>) src(%dma_wait3A_991 : memref<64xi32, #tpu.memory_space<hbm>>) dst(%dma_wait3A_988 : memref<64xi32, #tpu.memory_space<vmem>>)
        %dma_start3A_992 = arith.constant 5 : i32
        %dma_start3A_993 = arith.constant 1 : i32
        %dma_start3A_994 = arith.constant 1 : i32
        %dma_start3A_995 = arith.constant 0 : i32
        %dma_start3A_996 = arith.constant 0 : i32
        %dma_start3A_997 = tpu.memref_slice %arg9[%dma_start3A_993, %dma_start3A_995, %dma_start3A_996] : memref<4x64x128xf32, #tpu.memory_space<vmem>> -> memref<1x64x128xf32, #tpu.memory_space<vmem>>
        %dma_start3A_998 = tpu.memref_squeeze %dma_start3A_997 : memref<1x64x128xf32, #tpu.memory_space<vmem>> -> memref<64x128xf32, #tpu.memory_space<vmem>>
        %dma_start3A_999 = arith.constant 0 : i32
        %dma_start3A_1000 = tpu.memref_slice %arg7[%dma_start3A_992, %dma_start3A_999] : memref<8x64xi32, #tpu.memory_space<vmem>> -> memref<1x64xi32, #tpu.memory_space<vmem>>
        %dma_start3A_1001 = tpu.memref_squeeze %dma_start3A_1000 : memref<1x64xi32, #tpu.memory_space<vmem>> -> memref<64xi32, #tpu.memory_space<vmem>>
        %dma_start3A_1002 = arith.constant 0 : i32
        %dma_start3A_1003 = tpu.memref_slice %arg2[%dma_start3A_1002, %mul3A_3] : memref<10000x256xf32, #tpu.memory_space<hbm>> -> memref<10000x128xf32, #tpu.memory_space<hbm>>
        %dma_start3A_1004 = tpu.memref_slice %arg11[%dma_start3A_994] : memref<4x!tpu.dma_semaphore, #tpu.memory_space<semaphore_mem>> -> memref<1x!tpu.dma_semaphore, #tpu.memory_space<semaphore_mem>>
        %dma_start3A_1005 = tpu.memref_squeeze %dma_start3A_1004 : memref<1x!tpu.dma_semaphore, #tpu.memory_space<semaphore_mem>> -> memref<!tpu.dma_semaphore, #tpu.memory_space<semaphore_mem>>
        tpu.enqueue_indirect_dma source(%dma_start3A_1003 : memref<10000x128xf32, #tpu.memory_space<hbm>>) target(%dma_start3A_998 : memref<64x128xf32, #tpu.memory_space<vmem>>) offsets(%dma_start3A_1001 : memref<64xi32, #tpu.memory_space<vmem>>) semaphore(%dma_start3A_1005 : memref<!tpu.dma_semaphore, #tpu.memory_space<semaphore_mem>>)
      } else {
      }
      %mul3A_589 = arith.constant 8 : i32
      %mul3A_590 = arith.muli %scan3A_361, %mul3A_589 : i32
      %add3A_591 = arith.constant 3 : i32
      %add3A_592 = arith.addi %mul3A_590, %add3A_591 : i32
      %dma_wait3A_593 = arith.constant 3 : i32
      %dma_wait3A_594 = arith.constant 3 : i32
      %dma_wait3A_595 = arith.constant 0 : i32
      %dma_wait3A_596 = tpu.memref_slice %arg8[%dma_wait3A_593, %dma_wait3A_595] : memref<8x64xi32, #tpu.memory_space<vmem>> -> memref<1x64xi32, #tpu.memory_space<vmem>>
      %dma_wait3A_597 = tpu.memref_squeeze %dma_wait3A_596 : memref<1x64xi32, #tpu.memory_space<vmem>> -> memref<64xi32, #tpu.memory_space<vmem>>
      %dma_wait3A_598 = arith.constant 0 : i32
      %dma_wait3A_599 = tpu.memref_slice %arg4[%arg1, %add3A_592, %dma_wait3A_598] : memref<16x160x64xi32, #tpu.memory_space<hbm>> -> memref<1x1x64xi32, #tpu.memory_space<hbm>>
      %dma_wait3A_600 = tpu.memref_squeeze %dma_wait3A_599 : memref<1x1x64xi32, #tpu.memory_space<hbm>> -> memref<64xi32, #tpu.memory_space<hbm>>
      %dma_wait3A_601 = tpu.memref_slice %arg14[%dma_wait3A_594] : memref<8x!tpu.dma_semaphore, #tpu.memory_space<semaphore_mem>> -> memref<1x!tpu.dma_semaphore, #tpu.memory_space<semaphore_mem>>
      %dma_wait3A_602 = tpu.memref_squeeze %dma_wait3A_601 : memref<1x!tpu.dma_semaphore, #tpu.memory_space<semaphore_mem>> -> memref<!tpu.dma_semaphore, #tpu.memory_space<semaphore_mem>>
      %dma_wait3A_603 = arith.constant 0 : i32
      %dma_wait3A_604 = tpu.memref_slice %arg8[%dma_wait3A_593, %dma_wait3A_603] : memref<8x64xi32, #tpu.memory_space<vmem>> -> memref<1x64xi32, #tpu.memory_space<vmem>>
      %dma_wait3A_605 = tpu.memref_squeeze %dma_wait3A_604 : memref<1x64xi32, #tpu.memory_space<vmem>> -> memref<64xi32, #tpu.memory_space<vmem>>
      %dma_wait3A_606 = arith.constant 0 : i32
      %dma_wait3A_607 = tpu.memref_slice %arg4[%arg1, %add3A_592, %dma_wait3A_606] : memref<16x160x64xi32, #tpu.memory_space<hbm>> -> memref<1x1x64xi32, #tpu.memory_space<hbm>>
      %dma_wait3A_608 = tpu.memref_squeeze %dma_wait3A_607 : memref<1x1x64xi32, #tpu.memory_space<hbm>> -> memref<64xi32, #tpu.memory_space<hbm>>
      tpu.wait_dma2 semaphore(%dma_wait3A_602 : memref<!tpu.dma_semaphore, #tpu.memory_space<semaphore_mem>>) src(%dma_wait3A_608 : memref<64xi32, #tpu.memory_space<hbm>>) dst(%dma_wait3A_605 : memref<64xi32, #tpu.memory_space<vmem>>)
      %dma_wait3A_609 = arith.constant 3 : i32
      %dma_wait3A_610 = arith.constant 3 : i32
      %dma_wait3A_611 = arith.constant 3 : i32
      %dma_wait3A_612 = arith.constant 0 : i32
      %dma_wait3A_613 = arith.constant 0 : i32
      %dma_wait3A_614 = tpu.memref_slice %arg9[%dma_wait3A_610, %dma_wait3A_612, %dma_wait3A_613] : memref<4x64x128xf32, #tpu.memory_space<vmem>> -> memref<1x64x128xf32, #tpu.memory_space<vmem>>
      %dma_wait3A_615 = tpu.memref_squeeze %dma_wait3A_614 : memref<1x64x128xf32, #tpu.memory_space<vmem>> -> memref<64x128xf32, #tpu.memory_space<vmem>>
      %dma_wait3A_616 = arith.constant 0 : i32
      %dma_wait3A_617 = tpu.memref_slice %arg7[%dma_wait3A_609, %dma_wait3A_616] : memref<8x64xi32, #tpu.memory_space<vmem>> -> memref<1x64xi32, #tpu.memory_space<vmem>>
      %dma_wait3A_618 = tpu.memref_squeeze %dma_wait3A_617 : memref<1x64xi32, #tpu.memory_space<vmem>> -> memref<64xi32, #tpu.memory_space<vmem>>
      %dma_wait3A_619 = arith.constant 0 : i32
      %dma_wait3A_620 = tpu.memref_slice %arg2[%dma_wait3A_619, %mul3A_3] : memref<10000x256xf32, #tpu.memory_space<hbm>> -> memref<10000x128xf32, #tpu.memory_space<hbm>>
      %dma_wait3A_621 = tpu.memref_slice %arg11[%dma_wait3A_611] : memref<4x!tpu.dma_semaphore, #tpu.memory_space<semaphore_mem>> -> memref<1x!tpu.dma_semaphore, #tpu.memory_space<semaphore_mem>>
      %dma_wait3A_622 = tpu.memref_squeeze %dma_wait3A_621 : memref<1x!tpu.dma_semaphore, #tpu.memory_space<semaphore_mem>> -> memref<!tpu.dma_semaphore, #tpu.memory_space<semaphore_mem>>
      tpu.wait_indirect_dma semaphore(%dma_wait3A_622 : memref<!tpu.dma_semaphore, #tpu.memory_space<semaphore_mem>>) src(%dma_wait3A_620 : memref<10000x128xf32, #tpu.memory_space<hbm>>) dst(%dma_wait3A_615 : memref<64x128xf32, #tpu.memory_space<vmem>>)
      %ge3A_623 = arith.constant 1 : i32
      %ge3A_624 = arith.cmpi sge, %add3A_592, %ge3A_623 : i32
      %convert_element_type3A_625 = arith.extui %ge3A_624 : i1 to i32
      %cond3A_626 = arith.constant 0 : i32
      %cond3A_627 = arith.cmpi ne, %convert_element_type3A_625, %cond3A_626 : i32
      scf.if %cond3A_627 {
        %dma_wait3A_974 = arith.constant 2 : i32
        %dma_wait3A_975 = arith.constant 2 : i32
        %dma_wait3A_976 = arith.constant 2 : i32
        %dma_wait3A_977 = arith.constant 0 : i32
        %dma_wait3A_978 = arith.constant 0 : i32
        %dma_wait3A_979 = tpu.memref_slice %arg9[%dma_wait3A_974, %dma_wait3A_977, %dma_wait3A_978] : memref<4x64x128xf32, #tpu.memory_space<vmem>> -> memref<1x64x128xf32, #tpu.memory_space<vmem>>
        %dma_wait3A_980 = tpu.memref_squeeze %dma_wait3A_979 : memref<1x64x128xf32, #tpu.memory_space<vmem>> -> memref<64x128xf32, #tpu.memory_space<vmem>>
        %dma_wait3A_981 = arith.constant 0 : i32
        %dma_wait3A_982 = tpu.memref_slice %arg8[%dma_wait3A_975, %dma_wait3A_981] : memref<8x64xi32, #tpu.memory_space<vmem>> -> memref<1x64xi32, #tpu.memory_space<vmem>>
        %dma_wait3A_983 = tpu.memref_squeeze %dma_wait3A_982 : memref<1x64xi32, #tpu.memory_space<vmem>> -> memref<64xi32, #tpu.memory_space<vmem>>
        %dma_wait3A_984 = arith.constant 0 : i32
        %dma_wait3A_985 = arith.constant 0 : i32
        %dma_wait3A_986 = tpu.memref_slice %arg10[%dma_wait3A_984, %dma_wait3A_985] : memref<10008x128xf32, #tpu.memory_space<vmem_shared>> -> memref<10008x128xf32, #tpu.memory_space<vmem_shared>>
        %dma_wait3A_987 = tpu.memref_slice %arg12[%dma_wait3A_976] : memref<4x!tpu.dma_semaphore, #tpu.memory_space<semaphore_mem>> -> memref<1x!tpu.dma_semaphore, #tpu.memory_space<semaphore_mem>>
        %dma_wait3A_988 = tpu.memref_squeeze %dma_wait3A_987 : memref<1x!tpu.dma_semaphore, #tpu.memory_space<semaphore_mem>> -> memref<!tpu.dma_semaphore, #tpu.memory_space<semaphore_mem>>
        tpu.wait_indirect_dma semaphore(%dma_wait3A_988 : memref<!tpu.dma_semaphore, #tpu.memory_space<semaphore_mem>>) src(%dma_wait3A_980 : memref<64x128xf32, #tpu.memory_space<vmem>>) dst(%dma_wait3A_986 : memref<10008x128xf32, #tpu.memory_space<vmem_shared>>)
      } else {
      }
      %dma_start3A_628 = arith.constant 3 : i32
      %dma_start3A_629 = arith.constant 3 : i32
      %dma_start3A_630 = arith.constant 3 : i32
      %dma_start3A_631 = arith.constant 0 : i32
      %dma_start3A_632 = arith.constant 0 : i32
      %dma_start3A_633 = tpu.memref_slice %arg9[%dma_start3A_628, %dma_start3A_631, %dma_start3A_632] : memref<4x64x128xf32, #tpu.memory_space<vmem>> -> memref<1x64x128xf32, #tpu.memory_space<vmem>>
      %dma_start3A_634 = tpu.memref_squeeze %dma_start3A_633 : memref<1x64x128xf32, #tpu.memory_space<vmem>> -> memref<64x128xf32, #tpu.memory_space<vmem>>
      %dma_start3A_635 = arith.constant 0 : i32
      %dma_start3A_636 = tpu.memref_slice %arg8[%dma_start3A_629, %dma_start3A_635] : memref<8x64xi32, #tpu.memory_space<vmem>> -> memref<1x64xi32, #tpu.memory_space<vmem>>
      %dma_start3A_637 = tpu.memref_squeeze %dma_start3A_636 : memref<1x64xi32, #tpu.memory_space<vmem>> -> memref<64xi32, #tpu.memory_space<vmem>>
      %dma_start3A_638 = arith.constant 0 : i32
      %dma_start3A_639 = arith.constant 0 : i32
      %dma_start3A_640 = tpu.memref_slice %arg10[%dma_start3A_638, %dma_start3A_639] : memref<10008x128xf32, #tpu.memory_space<vmem_shared>> -> memref<10008x128xf32, #tpu.memory_space<vmem_shared>>
      %dma_start3A_641 = tpu.memref_slice %arg12[%dma_start3A_630] : memref<4x!tpu.dma_semaphore, #tpu.memory_space<semaphore_mem>> -> memref<1x!tpu.dma_semaphore, #tpu.memory_space<semaphore_mem>>
      %dma_start3A_642 = tpu.memref_squeeze %dma_start3A_641 : memref<1x!tpu.dma_semaphore, #tpu.memory_space<semaphore_mem>> -> memref<!tpu.dma_semaphore, #tpu.memory_space<semaphore_mem>>
      tpu.enqueue_indirect_dma source(%dma_start3A_634 : memref<64x128xf32, #tpu.memory_space<vmem>>) target(%dma_start3A_640 : memref<10008x128xf32, #tpu.memory_space<vmem_shared>>) offsets(%dma_start3A_637 : memref<64xi32, #tpu.memory_space<vmem>>) semaphore(%dma_start3A_642 : memref<!tpu.dma_semaphore, #tpu.memory_space<semaphore_mem>>) {add = true}
      %add3A_643 = arith.constant 8 : i32
      %add3A_644 = arith.addi %add3A_592, %add3A_643 : i32
      %sub3A_645 = arith.constant 2 : i32
      %sub3A_646 = arith.subi %add3A_644, %sub3A_645 : i32
      %lt3A_647 = arith.constant 160 : i32
      %lt3A_648 = arith.cmpi slt, %sub3A_646, %lt3A_647 : i32
      %convert_element_type3A_649 = arith.extui %lt3A_648 : i1 to i32
      %cond3A_650 = arith.constant 0 : i32
      %cond3A_651 = arith.cmpi ne, %convert_element_type3A_649, %cond3A_650 : i32
      scf.if %cond3A_651 {
        %add3A_974 = arith.constant 8 : i32
        %add3A_975 = arith.addi %add3A_592, %add3A_974 : i32
        %sub3A_976 = arith.constant 2 : i32
        %sub3A_977 = arith.subi %add3A_975, %sub3A_976 : i32
        %dma_start3A_978 = arith.constant 1 : i32
        %dma_start3A_979 = arith.constant 1 : i32
        %dma_start3A_980 = arith.constant 0 : i32
        %dma_start3A_981 = tpu.memref_slice %arg8[%dma_start3A_978, %dma_start3A_980] : memref<8x64xi32, #tpu.memory_space<vmem>> -> memref<1x64xi32, #tpu.memory_space<vmem>>
        %dma_start3A_982 = tpu.memref_squeeze %dma_start3A_981 : memref<1x64xi32, #tpu.memory_space<vmem>> -> memref<64xi32, #tpu.memory_space<vmem>>
        %dma_start3A_983 = arith.constant 0 : i32
        %dma_start3A_984 = tpu.memref_slice %arg4[%arg1, %sub3A_977, %dma_start3A_983] : memref<16x160x64xi32, #tpu.memory_space<hbm>> -> memref<1x1x64xi32, #tpu.memory_space<hbm>>
        %dma_start3A_985 = tpu.memref_squeeze %dma_start3A_984 : memref<1x1x64xi32, #tpu.memory_space<hbm>> -> memref<64xi32, #tpu.memory_space<hbm>>
        %dma_start3A_986 = tpu.memref_slice %arg14[%dma_start3A_979] : memref<8x!tpu.dma_semaphore, #tpu.memory_space<semaphore_mem>> -> memref<1x!tpu.dma_semaphore, #tpu.memory_space<semaphore_mem>>
        %dma_start3A_987 = tpu.memref_squeeze %dma_start3A_986 : memref<1x!tpu.dma_semaphore, #tpu.memory_space<semaphore_mem>> -> memref<!tpu.dma_semaphore, #tpu.memory_space<semaphore_mem>>
        %dma_start3A_988 = arith.constant 0 : i32
        %dma_start3A_989 = tpu.memref_slice %arg8[%dma_start3A_978, %dma_start3A_988] : memref<8x64xi32, #tpu.memory_space<vmem>> -> memref<1x64xi32, #tpu.memory_space<vmem>>
        %dma_start3A_990 = tpu.memref_squeeze %dma_start3A_989 : memref<1x64xi32, #tpu.memory_space<vmem>> -> memref<64xi32, #tpu.memory_space<vmem>>
        %dma_start3A_991 = arith.constant 0 : i32
        %dma_start3A_992 = tpu.memref_slice %arg4[%arg1, %sub3A_977, %dma_start3A_991] : memref<16x160x64xi32, #tpu.memory_space<hbm>> -> memref<1x1x64xi32, #tpu.memory_space<hbm>>
        %dma_start3A_993 = tpu.memref_squeeze %dma_start3A_992 : memref<1x1x64xi32, #tpu.memory_space<hbm>> -> memref<64xi32, #tpu.memory_space<hbm>>
        tpu.enqueue_dma source(%dma_start3A_993 : memref<64xi32, #tpu.memory_space<hbm>>) target(%dma_start3A_990 : memref<64xi32, #tpu.memory_space<vmem>>) target_semaphore(%dma_start3A_987 : memref<!tpu.dma_semaphore, #tpu.memory_space<semaphore_mem>>)
      } else {
      }
      %add3A_652 = arith.constant 8 : i32
      %add3A_653 = arith.addi %add3A_592, %add3A_652 : i32
      %lt3A_654 = arith.constant 160 : i32
      %lt3A_655 = arith.cmpi slt, %add3A_653, %lt3A_654 : i32
      %convert_element_type3A_656 = arith.extui %lt3A_655 : i1 to i32
      %cond3A_657 = arith.constant 0 : i32
      %cond3A_658 = arith.cmpi ne, %convert_element_type3A_656, %cond3A_657 : i32
      scf.if %cond3A_658 {
        %add3A_974 = arith.constant 8 : i32
        %add3A_975 = arith.addi %add3A_592, %add3A_974 : i32
        %dma_start3A_976 = arith.constant 3 : i32
        %dma_start3A_977 = arith.constant 3 : i32
        %dma_start3A_978 = arith.constant 0 : i32
        %dma_start3A_979 = tpu.memref_slice %arg7[%dma_start3A_976, %dma_start3A_978] : memref<8x64xi32, #tpu.memory_space<vmem>> -> memref<1x64xi32, #tpu.memory_space<vmem>>
        %dma_start3A_980 = tpu.memref_squeeze %dma_start3A_979 : memref<1x64xi32, #tpu.memory_space<vmem>> -> memref<64xi32, #tpu.memory_space<vmem>>
        %dma_start3A_981 = arith.constant 0 : i32
        %dma_start3A_982 = tpu.memref_slice %arg3[%arg1, %add3A_975, %dma_start3A_981] : memref<16x160x64xi32, #tpu.memory_space<hbm>> -> memref<1x1x64xi32, #tpu.memory_space<hbm>>
        %dma_start3A_983 = tpu.memref_squeeze %dma_start3A_982 : memref<1x1x64xi32, #tpu.memory_space<hbm>> -> memref<64xi32, #tpu.memory_space<hbm>>
        %dma_start3A_984 = tpu.memref_slice %arg13[%dma_start3A_977] : memref<8x!tpu.dma_semaphore, #tpu.memory_space<semaphore_mem>> -> memref<1x!tpu.dma_semaphore, #tpu.memory_space<semaphore_mem>>
        %dma_start3A_985 = tpu.memref_squeeze %dma_start3A_984 : memref<1x!tpu.dma_semaphore, #tpu.memory_space<semaphore_mem>> -> memref<!tpu.dma_semaphore, #tpu.memory_space<semaphore_mem>>
        %dma_start3A_986 = arith.constant 0 : i32
        %dma_start3A_987 = tpu.memref_slice %arg7[%dma_start3A_976, %dma_start3A_986] : memref<8x64xi32, #tpu.memory_space<vmem>> -> memref<1x64xi32, #tpu.memory_space<vmem>>
        %dma_start3A_988 = tpu.memref_squeeze %dma_start3A_987 : memref<1x64xi32, #tpu.memory_space<vmem>> -> memref<64xi32, #tpu.memory_space<vmem>>
        %dma_start3A_989 = arith.constant 0 : i32
        %dma_start3A_990 = tpu.memref_slice %arg3[%arg1, %add3A_975, %dma_start3A_989] : memref<16x160x64xi32, #tpu.memory_space<hbm>> -> memref<1x1x64xi32, #tpu.memory_space<hbm>>
        %dma_start3A_991 = tpu.memref_squeeze %dma_start3A_990 : memref<1x1x64xi32, #tpu.memory_space<hbm>> -> memref<64xi32, #tpu.memory_space<hbm>>
        tpu.enqueue_dma source(%dma_start3A_991 : memref<64xi32, #tpu.memory_space<hbm>>) target(%dma_start3A_988 : memref<64xi32, #tpu.memory_space<vmem>>) target_semaphore(%dma_start3A_985 : memref<!tpu.dma_semaphore, #tpu.memory_space<semaphore_mem>>)
      } else {
      }
      %add3A_659 = arith.constant 3 : i32
      %add3A_660 = arith.addi %add3A_592, %add3A_659 : i32
      %lt3A_661 = arith.constant 160 : i32
      %lt3A_662 = arith.cmpi slt, %add3A_660, %lt3A_661 : i32
      %convert_element_type3A_663 = arith.extui %lt3A_662 : i1 to i32
      %cond3A_664 = arith.constant 0 : i32
      %cond3A_665 = arith.cmpi ne, %convert_element_type3A_663, %cond3A_664 : i32
      scf.if %cond3A_665 {
        %add3A_974 = arith.constant 3 : i32
        %add3A_975 = arith.addi %add3A_592, %add3A_974 : i32
        %dma_wait3A_976 = arith.constant 6 : i32
        %dma_wait3A_977 = arith.constant 6 : i32
        %dma_wait3A_978 = arith.constant 0 : i32
        %dma_wait3A_979 = tpu.memref_slice %arg7[%dma_wait3A_976, %dma_wait3A_978] : memref<8x64xi32, #tpu.memory_space<vmem>> -> memref<1x64xi32, #tpu.memory_space<vmem>>
        %dma_wait3A_980 = tpu.memref_squeeze %dma_wait3A_979 : memref<1x64xi32, #tpu.memory_space<vmem>> -> memref<64xi32, #tpu.memory_space<vmem>>
        %dma_wait3A_981 = arith.constant 0 : i32
        %dma_wait3A_982 = tpu.memref_slice %arg3[%arg1, %add3A_975, %dma_wait3A_981] : memref<16x160x64xi32, #tpu.memory_space<hbm>> -> memref<1x1x64xi32, #tpu.memory_space<hbm>>
        %dma_wait3A_983 = tpu.memref_squeeze %dma_wait3A_982 : memref<1x1x64xi32, #tpu.memory_space<hbm>> -> memref<64xi32, #tpu.memory_space<hbm>>
        %dma_wait3A_984 = tpu.memref_slice %arg13[%dma_wait3A_977] : memref<8x!tpu.dma_semaphore, #tpu.memory_space<semaphore_mem>> -> memref<1x!tpu.dma_semaphore, #tpu.memory_space<semaphore_mem>>
        %dma_wait3A_985 = tpu.memref_squeeze %dma_wait3A_984 : memref<1x!tpu.dma_semaphore, #tpu.memory_space<semaphore_mem>> -> memref<!tpu.dma_semaphore, #tpu.memory_space<semaphore_mem>>
        %dma_wait3A_986 = arith.constant 0 : i32
        %dma_wait3A_987 = tpu.memref_slice %arg7[%dma_wait3A_976, %dma_wait3A_986] : memref<8x64xi32, #tpu.memory_space<vmem>> -> memref<1x64xi32, #tpu.memory_space<vmem>>
        %dma_wait3A_988 = tpu.memref_squeeze %dma_wait3A_987 : memref<1x64xi32, #tpu.memory_space<vmem>> -> memref<64xi32, #tpu.memory_space<vmem>>
        %dma_wait3A_989 = arith.constant 0 : i32
        %dma_wait3A_990 = tpu.memref_slice %arg3[%arg1, %add3A_975, %dma_wait3A_989] : memref<16x160x64xi32, #tpu.memory_space<hbm>> -> memref<1x1x64xi32, #tpu.memory_space<hbm>>
        %dma_wait3A_991 = tpu.memref_squeeze %dma_wait3A_990 : memref<1x1x64xi32, #tpu.memory_space<hbm>> -> memref<64xi32, #tpu.memory_space<hbm>>
        tpu.wait_dma2 semaphore(%dma_wait3A_985 : memref<!tpu.dma_semaphore, #tpu.memory_space<semaphore_mem>>) src(%dma_wait3A_991 : memref<64xi32, #tpu.memory_space<hbm>>) dst(%dma_wait3A_988 : memref<64xi32, #tpu.memory_space<vmem>>)
        %dma_start3A_992 = arith.constant 6 : i32
        %dma_start3A_993 = arith.constant 2 : i32
        %dma_start3A_994 = arith.constant 2 : i32
        %dma_start3A_995 = arith.constant 0 : i32
        %dma_start3A_996 = arith.constant 0 : i32
        %dma_start3A_997 = tpu.memref_slice %arg9[%dma_start3A_993, %dma_start3A_995, %dma_start3A_996] : memref<4x64x128xf32, #tpu.memory_space<vmem>> -> memref<1x64x128xf32, #tpu.memory_space<vmem>>
        %dma_start3A_998 = tpu.memref_squeeze %dma_start3A_997 : memref<1x64x128xf32, #tpu.memory_space<vmem>> -> memref<64x128xf32, #tpu.memory_space<vmem>>
        %dma_start3A_999 = arith.constant 0 : i32
        %dma_start3A_1000 = tpu.memref_slice %arg7[%dma_start3A_992, %dma_start3A_999] : memref<8x64xi32, #tpu.memory_space<vmem>> -> memref<1x64xi32, #tpu.memory_space<vmem>>
        %dma_start3A_1001 = tpu.memref_squeeze %dma_start3A_1000 : memref<1x64xi32, #tpu.memory_space<vmem>> -> memref<64xi32, #tpu.memory_space<vmem>>
        %dma_start3A_1002 = arith.constant 0 : i32
        %dma_start3A_1003 = tpu.memref_slice %arg2[%dma_start3A_1002, %mul3A_3] : memref<10000x256xf32, #tpu.memory_space<hbm>> -> memref<10000x128xf32, #tpu.memory_space<hbm>>
        %dma_start3A_1004 = tpu.memref_slice %arg11[%dma_start3A_994] : memref<4x!tpu.dma_semaphore, #tpu.memory_space<semaphore_mem>> -> memref<1x!tpu.dma_semaphore, #tpu.memory_space<semaphore_mem>>
        %dma_start3A_1005 = tpu.memref_squeeze %dma_start3A_1004 : memref<1x!tpu.dma_semaphore, #tpu.memory_space<semaphore_mem>> -> memref<!tpu.dma_semaphore, #tpu.memory_space<semaphore_mem>>
        tpu.enqueue_indirect_dma source(%dma_start3A_1003 : memref<10000x128xf32, #tpu.memory_space<hbm>>) target(%dma_start3A_998 : memref<64x128xf32, #tpu.memory_space<vmem>>) offsets(%dma_start3A_1001 : memref<64xi32, #tpu.memory_space<vmem>>) semaphore(%dma_start3A_1005 : memref<!tpu.dma_semaphore, #tpu.memory_space<semaphore_mem>>)
      } else {
      }
      %mul3A_666 = arith.constant 8 : i32
      %mul3A_667 = arith.muli %scan3A_361, %mul3A_666 : i32
      %add3A_668 = arith.constant 4 : i32
      %add3A_669 = arith.addi %mul3A_667, %add3A_668 : i32
      %dma_wait3A_670 = arith.constant 4 : i32
      %dma_wait3A_671 = arith.constant 4 : i32
      %dma_wait3A_672 = arith.constant 0 : i32
      %dma_wait3A_673 = tpu.memref_slice %arg8[%dma_wait3A_670, %dma_wait3A_672] : memref<8x64xi32, #tpu.memory_space<vmem>> -> memref<1x64xi32, #tpu.memory_space<vmem>>
      %dma_wait3A_674 = tpu.memref_squeeze %dma_wait3A_673 : memref<1x64xi32, #tpu.memory_space<vmem>> -> memref<64xi32, #tpu.memory_space<vmem>>
      %dma_wait3A_675 = arith.constant 0 : i32
      %dma_wait3A_676 = tpu.memref_slice %arg4[%arg1, %add3A_669, %dma_wait3A_675] : memref<16x160x64xi32, #tpu.memory_space<hbm>> -> memref<1x1x64xi32, #tpu.memory_space<hbm>>
      %dma_wait3A_677 = tpu.memref_squeeze %dma_wait3A_676 : memref<1x1x64xi32, #tpu.memory_space<hbm>> -> memref<64xi32, #tpu.memory_space<hbm>>
      %dma_wait3A_678 = tpu.memref_slice %arg14[%dma_wait3A_671] : memref<8x!tpu.dma_semaphore, #tpu.memory_space<semaphore_mem>> -> memref<1x!tpu.dma_semaphore, #tpu.memory_space<semaphore_mem>>
      %dma_wait3A_679 = tpu.memref_squeeze %dma_wait3A_678 : memref<1x!tpu.dma_semaphore, #tpu.memory_space<semaphore_mem>> -> memref<!tpu.dma_semaphore, #tpu.memory_space<semaphore_mem>>
      %dma_wait3A_680 = arith.constant 0 : i32
      %dma_wait3A_681 = tpu.memref_slice %arg8[%dma_wait3A_670, %dma_wait3A_680] : memref<8x64xi32, #tpu.memory_space<vmem>> -> memref<1x64xi32, #tpu.memory_space<vmem>>
      %dma_wait3A_682 = tpu.memref_squeeze %dma_wait3A_681 : memref<1x64xi32, #tpu.memory_space<vmem>> -> memref<64xi32, #tpu.memory_space<vmem>>
      %dma_wait3A_683 = arith.constant 0 : i32
      %dma_wait3A_684 = tpu.memref_slice %arg4[%arg1, %add3A_669, %dma_wait3A_683] : memref<16x160x64xi32, #tpu.memory_space<hbm>> -> memref<1x1x64xi32, #tpu.memory_space<hbm>>
      %dma_wait3A_685 = tpu.memref_squeeze %dma_wait3A_684 : memref<1x1x64xi32, #tpu.memory_space<hbm>> -> memref<64xi32, #tpu.memory_space<hbm>>
      tpu.wait_dma2 semaphore(%dma_wait3A_679 : memref<!tpu.dma_semaphore, #tpu.memory_space<semaphore_mem>>) src(%dma_wait3A_685 : memref<64xi32, #tpu.memory_space<hbm>>) dst(%dma_wait3A_682 : memref<64xi32, #tpu.memory_space<vmem>>)
      %dma_wait3A_686 = arith.constant 4 : i32
      %dma_wait3A_687 = arith.constant 0 : i32
      %dma_wait3A_688 = arith.constant 0 : i32
      %dma_wait3A_689 = arith.constant 0 : i32
      %dma_wait3A_690 = arith.constant 0 : i32
      %dma_wait3A_691 = tpu.memref_slice %arg9[%dma_wait3A_687, %dma_wait3A_689, %dma_wait3A_690] : memref<4x64x128xf32, #tpu.memory_space<vmem>> -> memref<1x64x128xf32, #tpu.memory_space<vmem>>
      %dma_wait3A_692 = tpu.memref_squeeze %dma_wait3A_691 : memref<1x64x128xf32, #tpu.memory_space<vmem>> -> memref<64x128xf32, #tpu.memory_space<vmem>>
      %dma_wait3A_693 = arith.constant 0 : i32
      %dma_wait3A_694 = tpu.memref_slice %arg7[%dma_wait3A_686, %dma_wait3A_693] : memref<8x64xi32, #tpu.memory_space<vmem>> -> memref<1x64xi32, #tpu.memory_space<vmem>>
      %dma_wait3A_695 = tpu.memref_squeeze %dma_wait3A_694 : memref<1x64xi32, #tpu.memory_space<vmem>> -> memref<64xi32, #tpu.memory_space<vmem>>
      %dma_wait3A_696 = arith.constant 0 : i32
      %dma_wait3A_697 = tpu.memref_slice %arg2[%dma_wait3A_696, %mul3A_3] : memref<10000x256xf32, #tpu.memory_space<hbm>> -> memref<10000x128xf32, #tpu.memory_space<hbm>>
      %dma_wait3A_698 = tpu.memref_slice %arg11[%dma_wait3A_688] : memref<4x!tpu.dma_semaphore, #tpu.memory_space<semaphore_mem>> -> memref<1x!tpu.dma_semaphore, #tpu.memory_space<semaphore_mem>>
      %dma_wait3A_699 = tpu.memref_squeeze %dma_wait3A_698 : memref<1x!tpu.dma_semaphore, #tpu.memory_space<semaphore_mem>> -> memref<!tpu.dma_semaphore, #tpu.memory_space<semaphore_mem>>
      tpu.wait_indirect_dma semaphore(%dma_wait3A_699 : memref<!tpu.dma_semaphore, #tpu.memory_space<semaphore_mem>>) src(%dma_wait3A_697 : memref<10000x128xf32, #tpu.memory_space<hbm>>) dst(%dma_wait3A_692 : memref<64x128xf32, #tpu.memory_space<vmem>>)
      %ge3A_700 = arith.constant 1 : i32
      %ge3A_701 = arith.cmpi sge, %add3A_669, %ge3A_700 : i32
      %convert_element_type3A_702 = arith.extui %ge3A_701 : i1 to i32
      %cond3A_703 = arith.constant 0 : i32
      %cond3A_704 = arith.cmpi ne, %convert_element_type3A_702, %cond3A_703 : i32
      scf.if %cond3A_704 {
        %dma_wait3A_974 = arith.constant 3 : i32
        %dma_wait3A_975 = arith.constant 3 : i32
        %dma_wait3A_976 = arith.constant 3 : i32
        %dma_wait3A_977 = arith.constant 0 : i32
        %dma_wait3A_978 = arith.constant 0 : i32
        %dma_wait3A_979 = tpu.memref_slice %arg9[%dma_wait3A_974, %dma_wait3A_977, %dma_wait3A_978] : memref<4x64x128xf32, #tpu.memory_space<vmem>> -> memref<1x64x128xf32, #tpu.memory_space<vmem>>
        %dma_wait3A_980 = tpu.memref_squeeze %dma_wait3A_979 : memref<1x64x128xf32, #tpu.memory_space<vmem>> -> memref<64x128xf32, #tpu.memory_space<vmem>>
        %dma_wait3A_981 = arith.constant 0 : i32
        %dma_wait3A_982 = tpu.memref_slice %arg8[%dma_wait3A_975, %dma_wait3A_981] : memref<8x64xi32, #tpu.memory_space<vmem>> -> memref<1x64xi32, #tpu.memory_space<vmem>>
        %dma_wait3A_983 = tpu.memref_squeeze %dma_wait3A_982 : memref<1x64xi32, #tpu.memory_space<vmem>> -> memref<64xi32, #tpu.memory_space<vmem>>
        %dma_wait3A_984 = arith.constant 0 : i32
        %dma_wait3A_985 = arith.constant 0 : i32
        %dma_wait3A_986 = tpu.memref_slice %arg10[%dma_wait3A_984, %dma_wait3A_985] : memref<10008x128xf32, #tpu.memory_space<vmem_shared>> -> memref<10008x128xf32, #tpu.memory_space<vmem_shared>>
        %dma_wait3A_987 = tpu.memref_slice %arg12[%dma_wait3A_976] : memref<4x!tpu.dma_semaphore, #tpu.memory_space<semaphore_mem>> -> memref<1x!tpu.dma_semaphore, #tpu.memory_space<semaphore_mem>>
        %dma_wait3A_988 = tpu.memref_squeeze %dma_wait3A_987 : memref<1x!tpu.dma_semaphore, #tpu.memory_space<semaphore_mem>> -> memref<!tpu.dma_semaphore, #tpu.memory_space<semaphore_mem>>
        tpu.wait_indirect_dma semaphore(%dma_wait3A_988 : memref<!tpu.dma_semaphore, #tpu.memory_space<semaphore_mem>>) src(%dma_wait3A_980 : memref<64x128xf32, #tpu.memory_space<vmem>>) dst(%dma_wait3A_986 : memref<10008x128xf32, #tpu.memory_space<vmem_shared>>)
      } else {
      }
      %dma_start3A_705 = arith.constant 0 : i32
      %dma_start3A_706 = arith.constant 4 : i32
      %dma_start3A_707 = arith.constant 0 : i32
      %dma_start3A_708 = arith.constant 0 : i32
      %dma_start3A_709 = arith.constant 0 : i32
      %dma_start3A_710 = tpu.memref_slice %arg9[%dma_start3A_705, %dma_start3A_708, %dma_start3A_709] : memref<4x64x128xf32, #tpu.memory_space<vmem>> -> memref<1x64x128xf32, #tpu.memory_space<vmem>>
      %dma_start3A_711 = tpu.memref_squeeze %dma_start3A_710 : memref<1x64x128xf32, #tpu.memory_space<vmem>> -> memref<64x128xf32, #tpu.memory_space<vmem>>
      %dma_start3A_712 = arith.constant 0 : i32
      %dma_start3A_713 = tpu.memref_slice %arg8[%dma_start3A_706, %dma_start3A_712] : memref<8x64xi32, #tpu.memory_space<vmem>> -> memref<1x64xi32, #tpu.memory_space<vmem>>
      %dma_start3A_714 = tpu.memref_squeeze %dma_start3A_713 : memref<1x64xi32, #tpu.memory_space<vmem>> -> memref<64xi32, #tpu.memory_space<vmem>>
      %dma_start3A_715 = arith.constant 0 : i32
      %dma_start3A_716 = arith.constant 0 : i32
      %dma_start3A_717 = tpu.memref_slice %arg10[%dma_start3A_715, %dma_start3A_716] : memref<10008x128xf32, #tpu.memory_space<vmem_shared>> -> memref<10008x128xf32, #tpu.memory_space<vmem_shared>>
      %dma_start3A_718 = tpu.memref_slice %arg12[%dma_start3A_707] : memref<4x!tpu.dma_semaphore, #tpu.memory_space<semaphore_mem>> -> memref<1x!tpu.dma_semaphore, #tpu.memory_space<semaphore_mem>>
      %dma_start3A_719 = tpu.memref_squeeze %dma_start3A_718 : memref<1x!tpu.dma_semaphore, #tpu.memory_space<semaphore_mem>> -> memref<!tpu.dma_semaphore, #tpu.memory_space<semaphore_mem>>
      tpu.enqueue_indirect_dma source(%dma_start3A_711 : memref<64x128xf32, #tpu.memory_space<vmem>>) target(%dma_start3A_717 : memref<10008x128xf32, #tpu.memory_space<vmem_shared>>) offsets(%dma_start3A_714 : memref<64xi32, #tpu.memory_space<vmem>>) semaphore(%dma_start3A_719 : memref<!tpu.dma_semaphore, #tpu.memory_space<semaphore_mem>>) {add = true}
      %add3A_720 = arith.constant 8 : i32
      %add3A_721 = arith.addi %add3A_669, %add3A_720 : i32
      %sub3A_722 = arith.constant 2 : i32
      %sub3A_723 = arith.subi %add3A_721, %sub3A_722 : i32
      %lt3A_724 = arith.constant 160 : i32
      %lt3A_725 = arith.cmpi slt, %sub3A_723, %lt3A_724 : i32
      %convert_element_type3A_726 = arith.extui %lt3A_725 : i1 to i32
      %cond3A_727 = arith.constant 0 : i32
      %cond3A_728 = arith.cmpi ne, %convert_element_type3A_726, %cond3A_727 : i32
      scf.if %cond3A_728 {
        %add3A_974 = arith.constant 8 : i32
        %add3A_975 = arith.addi %add3A_669, %add3A_974 : i32
        %sub3A_976 = arith.constant 2 : i32
        %sub3A_977 = arith.subi %add3A_975, %sub3A_976 : i32
        %dma_start3A_978 = arith.constant 2 : i32
        %dma_start3A_979 = arith.constant 2 : i32
        %dma_start3A_980 = arith.constant 0 : i32
        %dma_start3A_981 = tpu.memref_slice %arg8[%dma_start3A_978, %dma_start3A_980] : memref<8x64xi32, #tpu.memory_space<vmem>> -> memref<1x64xi32, #tpu.memory_space<vmem>>
        %dma_start3A_982 = tpu.memref_squeeze %dma_start3A_981 : memref<1x64xi32, #tpu.memory_space<vmem>> -> memref<64xi32, #tpu.memory_space<vmem>>
        %dma_start3A_983 = arith.constant 0 : i32
        %dma_start3A_984 = tpu.memref_slice %arg4[%arg1, %sub3A_977, %dma_start3A_983] : memref<16x160x64xi32, #tpu.memory_space<hbm>> -> memref<1x1x64xi32, #tpu.memory_space<hbm>>
        %dma_start3A_985 = tpu.memref_squeeze %dma_start3A_984 : memref<1x1x64xi32, #tpu.memory_space<hbm>> -> memref<64xi32, #tpu.memory_space<hbm>>
        %dma_start3A_986 = tpu.memref_slice %arg14[%dma_start3A_979] : memref<8x!tpu.dma_semaphore, #tpu.memory_space<semaphore_mem>> -> memref<1x!tpu.dma_semaphore, #tpu.memory_space<semaphore_mem>>
        %dma_start3A_987 = tpu.memref_squeeze %dma_start3A_986 : memref<1x!tpu.dma_semaphore, #tpu.memory_space<semaphore_mem>> -> memref<!tpu.dma_semaphore, #tpu.memory_space<semaphore_mem>>
        %dma_start3A_988 = arith.constant 0 : i32
        %dma_start3A_989 = tpu.memref_slice %arg8[%dma_start3A_978, %dma_start3A_988] : memref<8x64xi32, #tpu.memory_space<vmem>> -> memref<1x64xi32, #tpu.memory_space<vmem>>
        %dma_start3A_990 = tpu.memref_squeeze %dma_start3A_989 : memref<1x64xi32, #tpu.memory_space<vmem>> -> memref<64xi32, #tpu.memory_space<vmem>>
        %dma_start3A_991 = arith.constant 0 : i32
        %dma_start3A_992 = tpu.memref_slice %arg4[%arg1, %sub3A_977, %dma_start3A_991] : memref<16x160x64xi32, #tpu.memory_space<hbm>> -> memref<1x1x64xi32, #tpu.memory_space<hbm>>
        %dma_start3A_993 = tpu.memref_squeeze %dma_start3A_992 : memref<1x1x64xi32, #tpu.memory_space<hbm>> -> memref<64xi32, #tpu.memory_space<hbm>>
        tpu.enqueue_dma source(%dma_start3A_993 : memref<64xi32, #tpu.memory_space<hbm>>) target(%dma_start3A_990 : memref<64xi32, #tpu.memory_space<vmem>>) target_semaphore(%dma_start3A_987 : memref<!tpu.dma_semaphore, #tpu.memory_space<semaphore_mem>>)
      } else {
      }
      %add3A_729 = arith.constant 8 : i32
      %add3A_730 = arith.addi %add3A_669, %add3A_729 : i32
      %lt3A_731 = arith.constant 160 : i32
      %lt3A_732 = arith.cmpi slt, %add3A_730, %lt3A_731 : i32
      %convert_element_type3A_733 = arith.extui %lt3A_732 : i1 to i32
      %cond3A_734 = arith.constant 0 : i32
      %cond3A_735 = arith.cmpi ne, %convert_element_type3A_733, %cond3A_734 : i32
      scf.if %cond3A_735 {
        %add3A_974 = arith.constant 8 : i32
        %add3A_975 = arith.addi %add3A_669, %add3A_974 : i32
        %dma_start3A_976 = arith.constant 4 : i32
        %dma_start3A_977 = arith.constant 4 : i32
        %dma_start3A_978 = arith.constant 0 : i32
        %dma_start3A_979 = tpu.memref_slice %arg7[%dma_start3A_976, %dma_start3A_978] : memref<8x64xi32, #tpu.memory_space<vmem>> -> memref<1x64xi32, #tpu.memory_space<vmem>>
        %dma_start3A_980 = tpu.memref_squeeze %dma_start3A_979 : memref<1x64xi32, #tpu.memory_space<vmem>> -> memref<64xi32, #tpu.memory_space<vmem>>
        %dma_start3A_981 = arith.constant 0 : i32
        %dma_start3A_982 = tpu.memref_slice %arg3[%arg1, %add3A_975, %dma_start3A_981] : memref<16x160x64xi32, #tpu.memory_space<hbm>> -> memref<1x1x64xi32, #tpu.memory_space<hbm>>
        %dma_start3A_983 = tpu.memref_squeeze %dma_start3A_982 : memref<1x1x64xi32, #tpu.memory_space<hbm>> -> memref<64xi32, #tpu.memory_space<hbm>>
        %dma_start3A_984 = tpu.memref_slice %arg13[%dma_start3A_977] : memref<8x!tpu.dma_semaphore, #tpu.memory_space<semaphore_mem>> -> memref<1x!tpu.dma_semaphore, #tpu.memory_space<semaphore_mem>>
        %dma_start3A_985 = tpu.memref_squeeze %dma_start3A_984 : memref<1x!tpu.dma_semaphore, #tpu.memory_space<semaphore_mem>> -> memref<!tpu.dma_semaphore, #tpu.memory_space<semaphore_mem>>
        %dma_start3A_986 = arith.constant 0 : i32
        %dma_start3A_987 = tpu.memref_slice %arg7[%dma_start3A_976, %dma_start3A_986] : memref<8x64xi32, #tpu.memory_space<vmem>> -> memref<1x64xi32, #tpu.memory_space<vmem>>
        %dma_start3A_988 = tpu.memref_squeeze %dma_start3A_987 : memref<1x64xi32, #tpu.memory_space<vmem>> -> memref<64xi32, #tpu.memory_space<vmem>>
        %dma_start3A_989 = arith.constant 0 : i32
        %dma_start3A_990 = tpu.memref_slice %arg3[%arg1, %add3A_975, %dma_start3A_989] : memref<16x160x64xi32, #tpu.memory_space<hbm>> -> memref<1x1x64xi32, #tpu.memory_space<hbm>>
        %dma_start3A_991 = tpu.memref_squeeze %dma_start3A_990 : memref<1x1x64xi32, #tpu.memory_space<hbm>> -> memref<64xi32, #tpu.memory_space<hbm>>
        tpu.enqueue_dma source(%dma_start3A_991 : memref<64xi32, #tpu.memory_space<hbm>>) target(%dma_start3A_988 : memref<64xi32, #tpu.memory_space<vmem>>) target_semaphore(%dma_start3A_985 : memref<!tpu.dma_semaphore, #tpu.memory_space<semaphore_mem>>)
      } else {
      }
      %add3A_736 = arith.constant 3 : i32
      %add3A_737 = arith.addi %add3A_669, %add3A_736 : i32
      %lt3A_738 = arith.constant 160 : i32
      %lt3A_739 = arith.cmpi slt, %add3A_737, %lt3A_738 : i32
      %convert_element_type3A_740 = arith.extui %lt3A_739 : i1 to i32
      %cond3A_741 = arith.constant 0 : i32
      %cond3A_742 = arith.cmpi ne, %convert_element_type3A_740, %cond3A_741 : i32
      scf.if %cond3A_742 {
        %add3A_974 = arith.constant 3 : i32
        %add3A_975 = arith.addi %add3A_669, %add3A_974 : i32
        %dma_wait3A_976 = arith.constant 7 : i32
        %dma_wait3A_977 = arith.constant 7 : i32
        %dma_wait3A_978 = arith.constant 0 : i32
        %dma_wait3A_979 = tpu.memref_slice %arg7[%dma_wait3A_976, %dma_wait3A_978] : memref<8x64xi32, #tpu.memory_space<vmem>> -> memref<1x64xi32, #tpu.memory_space<vmem>>
        %dma_wait3A_980 = tpu.memref_squeeze %dma_wait3A_979 : memref<1x64xi32, #tpu.memory_space<vmem>> -> memref<64xi32, #tpu.memory_space<vmem>>
        %dma_wait3A_981 = arith.constant 0 : i32
        %dma_wait3A_982 = tpu.memref_slice %arg3[%arg1, %add3A_975, %dma_wait3A_981] : memref<16x160x64xi32, #tpu.memory_space<hbm>> -> memref<1x1x64xi32, #tpu.memory_space<hbm>>
        %dma_wait3A_983 = tpu.memref_squeeze %dma_wait3A_982 : memref<1x1x64xi32, #tpu.memory_space<hbm>> -> memref<64xi32, #tpu.memory_space<hbm>>
        %dma_wait3A_984 = tpu.memref_slice %arg13[%dma_wait3A_977] : memref<8x!tpu.dma_semaphore, #tpu.memory_space<semaphore_mem>> -> memref<1x!tpu.dma_semaphore, #tpu.memory_space<semaphore_mem>>
        %dma_wait3A_985 = tpu.memref_squeeze %dma_wait3A_984 : memref<1x!tpu.dma_semaphore, #tpu.memory_space<semaphore_mem>> -> memref<!tpu.dma_semaphore, #tpu.memory_space<semaphore_mem>>
        %dma_wait3A_986 = arith.constant 0 : i32
        %dma_wait3A_987 = tpu.memref_slice %arg7[%dma_wait3A_976, %dma_wait3A_986] : memref<8x64xi32, #tpu.memory_space<vmem>> -> memref<1x64xi32, #tpu.memory_space<vmem>>
        %dma_wait3A_988 = tpu.memref_squeeze %dma_wait3A_987 : memref<1x64xi32, #tpu.memory_space<vmem>> -> memref<64xi32, #tpu.memory_space<vmem>>
        %dma_wait3A_989 = arith.constant 0 : i32
        %dma_wait3A_990 = tpu.memref_slice %arg3[%arg1, %add3A_975, %dma_wait3A_989] : memref<16x160x64xi32, #tpu.memory_space<hbm>> -> memref<1x1x64xi32, #tpu.memory_space<hbm>>
        %dma_wait3A_991 = tpu.memref_squeeze %dma_wait3A_990 : memref<1x1x64xi32, #tpu.memory_space<hbm>> -> memref<64xi32, #tpu.memory_space<hbm>>
        tpu.wait_dma2 semaphore(%dma_wait3A_985 : memref<!tpu.dma_semaphore, #tpu.memory_space<semaphore_mem>>) src(%dma_wait3A_991 : memref<64xi32, #tpu.memory_space<hbm>>) dst(%dma_wait3A_988 : memref<64xi32, #tpu.memory_space<vmem>>)
        %dma_start3A_992 = arith.constant 7 : i32
        %dma_start3A_993 = arith.constant 3 : i32
        %dma_start3A_994 = arith.constant 3 : i32
        %dma_start3A_995 = arith.constant 0 : i32
        %dma_start3A_996 = arith.constant 0 : i32
        %dma_start3A_997 = tpu.memref_slice %arg9[%dma_start3A_993, %dma_start3A_995, %dma_start3A_996] : memref<4x64x128xf32, #tpu.memory_space<vmem>> -> memref<1x64x128xf32, #tpu.memory_space<vmem>>
        %dma_start3A_998 = tpu.memref_squeeze %dma_start3A_997 : memref<1x64x128xf32, #tpu.memory_space<vmem>> -> memref<64x128xf32, #tpu.memory_space<vmem>>
        %dma_start3A_999 = arith.constant 0 : i32
        %dma_start3A_1000 = tpu.memref_slice %arg7[%dma_start3A_992, %dma_start3A_999] : memref<8x64xi32, #tpu.memory_space<vmem>> -> memref<1x64xi32, #tpu.memory_space<vmem>>
        %dma_start3A_1001 = tpu.memref_squeeze %dma_start3A_1000 : memref<1x64xi32, #tpu.memory_space<vmem>> -> memref<64xi32, #tpu.memory_space<vmem>>
        %dma_start3A_1002 = arith.constant 0 : i32
        %dma_start3A_1003 = tpu.memref_slice %arg2[%dma_start3A_1002, %mul3A_3] : memref<10000x256xf32, #tpu.memory_space<hbm>> -> memref<10000x128xf32, #tpu.memory_space<hbm>>
        %dma_start3A_1004 = tpu.memref_slice %arg11[%dma_start3A_994] : memref<4x!tpu.dma_semaphore, #tpu.memory_space<semaphore_mem>> -> memref<1x!tpu.dma_semaphore, #tpu.memory_space<semaphore_mem>>
        %dma_start3A_1005 = tpu.memref_squeeze %dma_start3A_1004 : memref<1x!tpu.dma_semaphore, #tpu.memory_space<semaphore_mem>> -> memref<!tpu.dma_semaphore, #tpu.memory_space<semaphore_mem>>
        tpu.enqueue_indirect_dma source(%dma_start3A_1003 : memref<10000x128xf32, #tpu.memory_space<hbm>>) target(%dma_start3A_998 : memref<64x128xf32, #tpu.memory_space<vmem>>) offsets(%dma_start3A_1001 : memref<64xi32, #tpu.memory_space<vmem>>) semaphore(%dma_start3A_1005 : memref<!tpu.dma_semaphore, #tpu.memory_space<semaphore_mem>>)
      } else {
      }
      %mul3A_743 = arith.constant 8 : i32
      %mul3A_744 = arith.muli %scan3A_361, %mul3A_743 : i32
      %add3A_745 = arith.constant 5 : i32
      %add3A_746 = arith.addi %mul3A_744, %add3A_745 : i32
      %dma_wait3A_747 = arith.constant 5 : i32
      %dma_wait3A_748 = arith.constant 5 : i32
      %dma_wait3A_749 = arith.constant 0 : i32
      %dma_wait3A_750 = tpu.memref_slice %arg8[%dma_wait3A_747, %dma_wait3A_749] : memref<8x64xi32, #tpu.memory_space<vmem>> -> memref<1x64xi32, #tpu.memory_space<vmem>>
      %dma_wait3A_751 = tpu.memref_squeeze %dma_wait3A_750 : memref<1x64xi32, #tpu.memory_space<vmem>> -> memref<64xi32, #tpu.memory_space<vmem>>
      %dma_wait3A_752 = arith.constant 0 : i32
      %dma_wait3A_753 = tpu.memref_slice %arg4[%arg1, %add3A_746, %dma_wait3A_752] : memref<16x160x64xi32, #tpu.memory_space<hbm>> -> memref<1x1x64xi32, #tpu.memory_space<hbm>>
      %dma_wait3A_754 = tpu.memref_squeeze %dma_wait3A_753 : memref<1x1x64xi32, #tpu.memory_space<hbm>> -> memref<64xi32, #tpu.memory_space<hbm>>
      %dma_wait3A_755 = tpu.memref_slice %arg14[%dma_wait3A_748] : memref<8x!tpu.dma_semaphore, #tpu.memory_space<semaphore_mem>> -> memref<1x!tpu.dma_semaphore, #tpu.memory_space<semaphore_mem>>
      %dma_wait3A_756 = tpu.memref_squeeze %dma_wait3A_755 : memref<1x!tpu.dma_semaphore, #tpu.memory_space<semaphore_mem>> -> memref<!tpu.dma_semaphore, #tpu.memory_space<semaphore_mem>>
      %dma_wait3A_757 = arith.constant 0 : i32
      %dma_wait3A_758 = tpu.memref_slice %arg8[%dma_wait3A_747, %dma_wait3A_757] : memref<8x64xi32, #tpu.memory_space<vmem>> -> memref<1x64xi32, #tpu.memory_space<vmem>>
      %dma_wait3A_759 = tpu.memref_squeeze %dma_wait3A_758 : memref<1x64xi32, #tpu.memory_space<vmem>> -> memref<64xi32, #tpu.memory_space<vmem>>
      %dma_wait3A_760 = arith.constant 0 : i32
      %dma_wait3A_761 = tpu.memref_slice %arg4[%arg1, %add3A_746, %dma_wait3A_760] : memref<16x160x64xi32, #tpu.memory_space<hbm>> -> memref<1x1x64xi32, #tpu.memory_space<hbm>>
      %dma_wait3A_762 = tpu.memref_squeeze %dma_wait3A_761 : memref<1x1x64xi32, #tpu.memory_space<hbm>> -> memref<64xi32, #tpu.memory_space<hbm>>
      tpu.wait_dma2 semaphore(%dma_wait3A_756 : memref<!tpu.dma_semaphore, #tpu.memory_space<semaphore_mem>>) src(%dma_wait3A_762 : memref<64xi32, #tpu.memory_space<hbm>>) dst(%dma_wait3A_759 : memref<64xi32, #tpu.memory_space<vmem>>)
      %dma_wait3A_763 = arith.constant 5 : i32
      %dma_wait3A_764 = arith.constant 1 : i32
      %dma_wait3A_765 = arith.constant 1 : i32
      %dma_wait3A_766 = arith.constant 0 : i32
      %dma_wait3A_767 = arith.constant 0 : i32
      %dma_wait3A_768 = tpu.memref_slice %arg9[%dma_wait3A_764, %dma_wait3A_766, %dma_wait3A_767] : memref<4x64x128xf32, #tpu.memory_space<vmem>> -> memref<1x64x128xf32, #tpu.memory_space<vmem>>
      %dma_wait3A_769 = tpu.memref_squeeze %dma_wait3A_768 : memref<1x64x128xf32, #tpu.memory_space<vmem>> -> memref<64x128xf32, #tpu.memory_space<vmem>>
      %dma_wait3A_770 = arith.constant 0 : i32
      %dma_wait3A_771 = tpu.memref_slice %arg7[%dma_wait3A_763, %dma_wait3A_770] : memref<8x64xi32, #tpu.memory_space<vmem>> -> memref<1x64xi32, #tpu.memory_space<vmem>>
      %dma_wait3A_772 = tpu.memref_squeeze %dma_wait3A_771 : memref<1x64xi32, #tpu.memory_space<vmem>> -> memref<64xi32, #tpu.memory_space<vmem>>
      %dma_wait3A_773 = arith.constant 0 : i32
      %dma_wait3A_774 = tpu.memref_slice %arg2[%dma_wait3A_773, %mul3A_3] : memref<10000x256xf32, #tpu.memory_space<hbm>> -> memref<10000x128xf32, #tpu.memory_space<hbm>>
      %dma_wait3A_775 = tpu.memref_slice %arg11[%dma_wait3A_765] : memref<4x!tpu.dma_semaphore, #tpu.memory_space<semaphore_mem>> -> memref<1x!tpu.dma_semaphore, #tpu.memory_space<semaphore_mem>>
      %dma_wait3A_776 = tpu.memref_squeeze %dma_wait3A_775 : memref<1x!tpu.dma_semaphore, #tpu.memory_space<semaphore_mem>> -> memref<!tpu.dma_semaphore, #tpu.memory_space<semaphore_mem>>
      tpu.wait_indirect_dma semaphore(%dma_wait3A_776 : memref<!tpu.dma_semaphore, #tpu.memory_space<semaphore_mem>>) src(%dma_wait3A_774 : memref<10000x128xf32, #tpu.memory_space<hbm>>) dst(%dma_wait3A_769 : memref<64x128xf32, #tpu.memory_space<vmem>>)
      %ge3A_777 = arith.constant 1 : i32
      %ge3A_778 = arith.cmpi sge, %add3A_746, %ge3A_777 : i32
      %convert_element_type3A_779 = arith.extui %ge3A_778 : i1 to i32
      %cond3A_780 = arith.constant 0 : i32
      %cond3A_781 = arith.cmpi ne, %convert_element_type3A_779, %cond3A_780 : i32
      scf.if %cond3A_781 {
        %dma_wait3A_974 = arith.constant 0 : i32
        %dma_wait3A_975 = arith.constant 4 : i32
        %dma_wait3A_976 = arith.constant 0 : i32
        %dma_wait3A_977 = arith.constant 0 : i32
        %dma_wait3A_978 = arith.constant 0 : i32
        %dma_wait3A_979 = tpu.memref_slice %arg9[%dma_wait3A_974, %dma_wait3A_977, %dma_wait3A_978] : memref<4x64x128xf32, #tpu.memory_space<vmem>> -> memref<1x64x128xf32, #tpu.memory_space<vmem>>
        %dma_wait3A_980 = tpu.memref_squeeze %dma_wait3A_979 : memref<1x64x128xf32, #tpu.memory_space<vmem>> -> memref<64x128xf32, #tpu.memory_space<vmem>>
        %dma_wait3A_981 = arith.constant 0 : i32
        %dma_wait3A_982 = tpu.memref_slice %arg8[%dma_wait3A_975, %dma_wait3A_981] : memref<8x64xi32, #tpu.memory_space<vmem>> -> memref<1x64xi32, #tpu.memory_space<vmem>>
        %dma_wait3A_983 = tpu.memref_squeeze %dma_wait3A_982 : memref<1x64xi32, #tpu.memory_space<vmem>> -> memref<64xi32, #tpu.memory_space<vmem>>
        %dma_wait3A_984 = arith.constant 0 : i32
        %dma_wait3A_985 = arith.constant 0 : i32
        %dma_wait3A_986 = tpu.memref_slice %arg10[%dma_wait3A_984, %dma_wait3A_985] : memref<10008x128xf32, #tpu.memory_space<vmem_shared>> -> memref<10008x128xf32, #tpu.memory_space<vmem_shared>>
        %dma_wait3A_987 = tpu.memref_slice %arg12[%dma_wait3A_976] : memref<4x!tpu.dma_semaphore, #tpu.memory_space<semaphore_mem>> -> memref<1x!tpu.dma_semaphore, #tpu.memory_space<semaphore_mem>>
        %dma_wait3A_988 = tpu.memref_squeeze %dma_wait3A_987 : memref<1x!tpu.dma_semaphore, #tpu.memory_space<semaphore_mem>> -> memref<!tpu.dma_semaphore, #tpu.memory_space<semaphore_mem>>
        tpu.wait_indirect_dma semaphore(%dma_wait3A_988 : memref<!tpu.dma_semaphore, #tpu.memory_space<semaphore_mem>>) src(%dma_wait3A_980 : memref<64x128xf32, #tpu.memory_space<vmem>>) dst(%dma_wait3A_986 : memref<10008x128xf32, #tpu.memory_space<vmem_shared>>)
      } else {
      }
      %dma_start3A_782 = arith.constant 1 : i32
      %dma_start3A_783 = arith.constant 5 : i32
      %dma_start3A_784 = arith.constant 1 : i32
      %dma_start3A_785 = arith.constant 0 : i32
      %dma_start3A_786 = arith.constant 0 : i32
      %dma_start3A_787 = tpu.memref_slice %arg9[%dma_start3A_782, %dma_start3A_785, %dma_start3A_786] : memref<4x64x128xf32, #tpu.memory_space<vmem>> -> memref<1x64x128xf32, #tpu.memory_space<vmem>>
      %dma_start3A_788 = tpu.memref_squeeze %dma_start3A_787 : memref<1x64x128xf32, #tpu.memory_space<vmem>> -> memref<64x128xf32, #tpu.memory_space<vmem>>
      %dma_start3A_789 = arith.constant 0 : i32
      %dma_start3A_790 = tpu.memref_slice %arg8[%dma_start3A_783, %dma_start3A_789] : memref<8x64xi32, #tpu.memory_space<vmem>> -> memref<1x64xi32, #tpu.memory_space<vmem>>
      %dma_start3A_791 = tpu.memref_squeeze %dma_start3A_790 : memref<1x64xi32, #tpu.memory_space<vmem>> -> memref<64xi32, #tpu.memory_space<vmem>>
      %dma_start3A_792 = arith.constant 0 : i32
      %dma_start3A_793 = arith.constant 0 : i32
      %dma_start3A_794 = tpu.memref_slice %arg10[%dma_start3A_792, %dma_start3A_793] : memref<10008x128xf32, #tpu.memory_space<vmem_shared>> -> memref<10008x128xf32, #tpu.memory_space<vmem_shared>>
      %dma_start3A_795 = tpu.memref_slice %arg12[%dma_start3A_784] : memref<4x!tpu.dma_semaphore, #tpu.memory_space<semaphore_mem>> -> memref<1x!tpu.dma_semaphore, #tpu.memory_space<semaphore_mem>>
      %dma_start3A_796 = tpu.memref_squeeze %dma_start3A_795 : memref<1x!tpu.dma_semaphore, #tpu.memory_space<semaphore_mem>> -> memref<!tpu.dma_semaphore, #tpu.memory_space<semaphore_mem>>
      tpu.enqueue_indirect_dma source(%dma_start3A_788 : memref<64x128xf32, #tpu.memory_space<vmem>>) target(%dma_start3A_794 : memref<10008x128xf32, #tpu.memory_space<vmem_shared>>) offsets(%dma_start3A_791 : memref<64xi32, #tpu.memory_space<vmem>>) semaphore(%dma_start3A_796 : memref<!tpu.dma_semaphore, #tpu.memory_space<semaphore_mem>>) {add = true}
      %add3A_797 = arith.constant 8 : i32
      %add3A_798 = arith.addi %add3A_746, %add3A_797 : i32
      %sub3A_799 = arith.constant 2 : i32
      %sub3A_800 = arith.subi %add3A_798, %sub3A_799 : i32
      %lt3A_801 = arith.constant 160 : i32
      %lt3A_802 = arith.cmpi slt, %sub3A_800, %lt3A_801 : i32
      %convert_element_type3A_803 = arith.extui %lt3A_802 : i1 to i32
      %cond3A_804 = arith.constant 0 : i32
      %cond3A_805 = arith.cmpi ne, %convert_element_type3A_803, %cond3A_804 : i32
      scf.if %cond3A_805 {
        %add3A_974 = arith.constant 8 : i32
        %add3A_975 = arith.addi %add3A_746, %add3A_974 : i32
        %sub3A_976 = arith.constant 2 : i32
        %sub3A_977 = arith.subi %add3A_975, %sub3A_976 : i32
        %dma_start3A_978 = arith.constant 3 : i32
        %dma_start3A_979 = arith.constant 3 : i32
        %dma_start3A_980 = arith.constant 0 : i32
        %dma_start3A_981 = tpu.memref_slice %arg8[%dma_start3A_978, %dma_start3A_980] : memref<8x64xi32, #tpu.memory_space<vmem>> -> memref<1x64xi32, #tpu.memory_space<vmem>>
        %dma_start3A_982 = tpu.memref_squeeze %dma_start3A_981 : memref<1x64xi32, #tpu.memory_space<vmem>> -> memref<64xi32, #tpu.memory_space<vmem>>
        %dma_start3A_983 = arith.constant 0 : i32
        %dma_start3A_984 = tpu.memref_slice %arg4[%arg1, %sub3A_977, %dma_start3A_983] : memref<16x160x64xi32, #tpu.memory_space<hbm>> -> memref<1x1x64xi32, #tpu.memory_space<hbm>>
        %dma_start3A_985 = tpu.memref_squeeze %dma_start3A_984 : memref<1x1x64xi32, #tpu.memory_space<hbm>> -> memref<64xi32, #tpu.memory_space<hbm>>
        %dma_start3A_986 = tpu.memref_slice %arg14[%dma_start3A_979] : memref<8x!tpu.dma_semaphore, #tpu.memory_space<semaphore_mem>> -> memref<1x!tpu.dma_semaphore, #tpu.memory_space<semaphore_mem>>
        %dma_start3A_987 = tpu.memref_squeeze %dma_start3A_986 : memref<1x!tpu.dma_semaphore, #tpu.memory_space<semaphore_mem>> -> memref<!tpu.dma_semaphore, #tpu.memory_space<semaphore_mem>>
        %dma_start3A_988 = arith.constant 0 : i32
        %dma_start3A_989 = tpu.memref_slice %arg8[%dma_start3A_978, %dma_start3A_988] : memref<8x64xi32, #tpu.memory_space<vmem>> -> memref<1x64xi32, #tpu.memory_space<vmem>>
        %dma_start3A_990 = tpu.memref_squeeze %dma_start3A_989 : memref<1x64xi32, #tpu.memory_space<vmem>> -> memref<64xi32, #tpu.memory_space<vmem>>
        %dma_start3A_991 = arith.constant 0 : i32
        %dma_start3A_992 = tpu.memref_slice %arg4[%arg1, %sub3A_977, %dma_start3A_991] : memref<16x160x64xi32, #tpu.memory_space<hbm>> -> memref<1x1x64xi32, #tpu.memory_space<hbm>>
        %dma_start3A_993 = tpu.memref_squeeze %dma_start3A_992 : memref<1x1x64xi32, #tpu.memory_space<hbm>> -> memref<64xi32, #tpu.memory_space<hbm>>
        tpu.enqueue_dma source(%dma_start3A_993 : memref<64xi32, #tpu.memory_space<hbm>>) target(%dma_start3A_990 : memref<64xi32, #tpu.memory_space<vmem>>) target_semaphore(%dma_start3A_987 : memref<!tpu.dma_semaphore, #tpu.memory_space<semaphore_mem>>)
      } else {
      }
      %add3A_806 = arith.constant 8 : i32
      %add3A_807 = arith.addi %add3A_746, %add3A_806 : i32
      %lt3A_808 = arith.constant 160 : i32
      %lt3A_809 = arith.cmpi slt, %add3A_807, %lt3A_808 : i32
      %convert_element_type3A_810 = arith.extui %lt3A_809 : i1 to i32
      %cond3A_811 = arith.constant 0 : i32
      %cond3A_812 = arith.cmpi ne, %convert_element_type3A_810, %cond3A_811 : i32
      scf.if %cond3A_812 {
        %add3A_974 = arith.constant 8 : i32
        %add3A_975 = arith.addi %add3A_746, %add3A_974 : i32
        %dma_start3A_976 = arith.constant 5 : i32
        %dma_start3A_977 = arith.constant 5 : i32
        %dma_start3A_978 = arith.constant 0 : i32
        %dma_start3A_979 = tpu.memref_slice %arg7[%dma_start3A_976, %dma_start3A_978] : memref<8x64xi32, #tpu.memory_space<vmem>> -> memref<1x64xi32, #tpu.memory_space<vmem>>
        %dma_start3A_980 = tpu.memref_squeeze %dma_start3A_979 : memref<1x64xi32, #tpu.memory_space<vmem>> -> memref<64xi32, #tpu.memory_space<vmem>>
        %dma_start3A_981 = arith.constant 0 : i32
        %dma_start3A_982 = tpu.memref_slice %arg3[%arg1, %add3A_975, %dma_start3A_981] : memref<16x160x64xi32, #tpu.memory_space<hbm>> -> memref<1x1x64xi32, #tpu.memory_space<hbm>>
        %dma_start3A_983 = tpu.memref_squeeze %dma_start3A_982 : memref<1x1x64xi32, #tpu.memory_space<hbm>> -> memref<64xi32, #tpu.memory_space<hbm>>
        %dma_start3A_984 = tpu.memref_slice %arg13[%dma_start3A_977] : memref<8x!tpu.dma_semaphore, #tpu.memory_space<semaphore_mem>> -> memref<1x!tpu.dma_semaphore, #tpu.memory_space<semaphore_mem>>
        %dma_start3A_985 = tpu.memref_squeeze %dma_start3A_984 : memref<1x!tpu.dma_semaphore, #tpu.memory_space<semaphore_mem>> -> memref<!tpu.dma_semaphore, #tpu.memory_space<semaphore_mem>>
        %dma_start3A_986 = arith.constant 0 : i32
        %dma_start3A_987 = tpu.memref_slice %arg7[%dma_start3A_976, %dma_start3A_986] : memref<8x64xi32, #tpu.memory_space<vmem>> -> memref<1x64xi32, #tpu.memory_space<vmem>>
        %dma_start3A_988 = tpu.memref_squeeze %dma_start3A_987 : memref<1x64xi32, #tpu.memory_space<vmem>> -> memref<64xi32, #tpu.memory_space<vmem>>
        %dma_start3A_989 = arith.constant 0 : i32
        %dma_start3A_990 = tpu.memref_slice %arg3[%arg1, %add3A_975, %dma_start3A_989] : memref<16x160x64xi32, #tpu.memory_space<hbm>> -> memref<1x1x64xi32, #tpu.memory_space<hbm>>
        %dma_start3A_991 = tpu.memref_squeeze %dma_start3A_990 : memref<1x1x64xi32, #tpu.memory_space<hbm>> -> memref<64xi32, #tpu.memory_space<hbm>>
        tpu.enqueue_dma source(%dma_start3A_991 : memref<64xi32, #tpu.memory_space<hbm>>) target(%dma_start3A_988 : memref<64xi32, #tpu.memory_space<vmem>>) target_semaphore(%dma_start3A_985 : memref<!tpu.dma_semaphore, #tpu.memory_space<semaphore_mem>>)
      } else {
      }
      %add3A_813 = arith.constant 3 : i32
      %add3A_814 = arith.addi %add3A_746, %add3A_813 : i32
      %lt3A_815 = arith.constant 160 : i32
      %lt3A_816 = arith.cmpi slt, %add3A_814, %lt3A_815 : i32
      %convert_element_type3A_817 = arith.extui %lt3A_816 : i1 to i32
      %cond3A_818 = arith.constant 0 : i32
      %cond3A_819 = arith.cmpi ne, %convert_element_type3A_817, %cond3A_818 : i32
      scf.if %cond3A_819 {
        %add3A_974 = arith.constant 3 : i32
        %add3A_975 = arith.addi %add3A_746, %add3A_974 : i32
        %dma_wait3A_976 = arith.constant 0 : i32
        %dma_wait3A_977 = arith.constant 0 : i32
        %dma_wait3A_978 = arith.constant 0 : i32
        %dma_wait3A_979 = tpu.memref_slice %arg7[%dma_wait3A_976, %dma_wait3A_978] : memref<8x64xi32, #tpu.memory_space<vmem>> -> memref<1x64xi32, #tpu.memory_space<vmem>>
        %dma_wait3A_980 = tpu.memref_squeeze %dma_wait3A_979 : memref<1x64xi32, #tpu.memory_space<vmem>> -> memref<64xi32, #tpu.memory_space<vmem>>
        %dma_wait3A_981 = arith.constant 0 : i32
        %dma_wait3A_982 = tpu.memref_slice %arg3[%arg1, %add3A_975, %dma_wait3A_981] : memref<16x160x64xi32, #tpu.memory_space<hbm>> -> memref<1x1x64xi32, #tpu.memory_space<hbm>>
        %dma_wait3A_983 = tpu.memref_squeeze %dma_wait3A_982 : memref<1x1x64xi32, #tpu.memory_space<hbm>> -> memref<64xi32, #tpu.memory_space<hbm>>
        %dma_wait3A_984 = tpu.memref_slice %arg13[%dma_wait3A_977] : memref<8x!tpu.dma_semaphore, #tpu.memory_space<semaphore_mem>> -> memref<1x!tpu.dma_semaphore, #tpu.memory_space<semaphore_mem>>
        %dma_wait3A_985 = tpu.memref_squeeze %dma_wait3A_984 : memref<1x!tpu.dma_semaphore, #tpu.memory_space<semaphore_mem>> -> memref<!tpu.dma_semaphore, #tpu.memory_space<semaphore_mem>>
        %dma_wait3A_986 = arith.constant 0 : i32
        %dma_wait3A_987 = tpu.memref_slice %arg7[%dma_wait3A_976, %dma_wait3A_986] : memref<8x64xi32, #tpu.memory_space<vmem>> -> memref<1x64xi32, #tpu.memory_space<vmem>>
        %dma_wait3A_988 = tpu.memref_squeeze %dma_wait3A_987 : memref<1x64xi32, #tpu.memory_space<vmem>> -> memref<64xi32, #tpu.memory_space<vmem>>
        %dma_wait3A_989 = arith.constant 0 : i32
        %dma_wait3A_990 = tpu.memref_slice %arg3[%arg1, %add3A_975, %dma_wait3A_989] : memref<16x160x64xi32, #tpu.memory_space<hbm>> -> memref<1x1x64xi32, #tpu.memory_space<hbm>>
        %dma_wait3A_991 = tpu.memref_squeeze %dma_wait3A_990 : memref<1x1x64xi32, #tpu.memory_space<hbm>> -> memref<64xi32, #tpu.memory_space<hbm>>
        tpu.wait_dma2 semaphore(%dma_wait3A_985 : memref<!tpu.dma_semaphore, #tpu.memory_space<semaphore_mem>>) src(%dma_wait3A_991 : memref<64xi32, #tpu.memory_space<hbm>>) dst(%dma_wait3A_988 : memref<64xi32, #tpu.memory_space<vmem>>)
        %dma_start3A_992 = arith.constant 0 : i32
        %dma_start3A_993 = arith.constant 0 : i32
        %dma_start3A_994 = arith.constant 0 : i32
        %dma_start3A_995 = arith.constant 0 : i32
        %dma_start3A_996 = arith.constant 0 : i32
        %dma_start3A_997 = tpu.memref_slice %arg9[%dma_start3A_993, %dma_start3A_995, %dma_start3A_996] : memref<4x64x128xf32, #tpu.memory_space<vmem>> -> memref<1x64x128xf32, #tpu.memory_space<vmem>>
        %dma_start3A_998 = tpu.memref_squeeze %dma_start3A_997 : memref<1x64x128xf32, #tpu.memory_space<vmem>> -> memref<64x128xf32, #tpu.memory_space<vmem>>
        %dma_start3A_999 = arith.constant 0 : i32
        %dma_start3A_1000 = tpu.memref_slice %arg7[%dma_start3A_992, %dma_start3A_999] : memref<8x64xi32, #tpu.memory_space<vmem>> -> memref<1x64xi32, #tpu.memory_space<vmem>>
        %dma_start3A_1001 = tpu.memref_squeeze %dma_start3A_1000 : memref<1x64xi32, #tpu.memory_space<vmem>> -> memref<64xi32, #tpu.memory_space<vmem>>
        %dma_start3A_1002 = arith.constant 0 : i32
        %dma_start3A_1003 = tpu.memref_slice %arg2[%dma_start3A_1002, %mul3A_3] : memref<10000x256xf32, #tpu.memory_space<hbm>> -> memref<10000x128xf32, #tpu.memory_space<hbm>>
        %dma_start3A_1004 = tpu.memref_slice %arg11[%dma_start3A_994] : memref<4x!tpu.dma_semaphore, #tpu.memory_space<semaphore_mem>> -> memref<1x!tpu.dma_semaphore, #tpu.memory_space<semaphore_mem>>
        %dma_start3A_1005 = tpu.memref_squeeze %dma_start3A_1004 : memref<1x!tpu.dma_semaphore, #tpu.memory_space<semaphore_mem>> -> memref<!tpu.dma_semaphore, #tpu.memory_space<semaphore_mem>>
        tpu.enqueue_indirect_dma source(%dma_start3A_1003 : memref<10000x128xf32, #tpu.memory_space<hbm>>) target(%dma_start3A_998 : memref<64x128xf32, #tpu.memory_space<vmem>>) offsets(%dma_start3A_1001 : memref<64xi32, #tpu.memory_space<vmem>>) semaphore(%dma_start3A_1005 : memref<!tpu.dma_semaphore, #tpu.memory_space<semaphore_mem>>)
      } else {
      }
      %mul3A_820 = arith.constant 8 : i32
      %mul3A_821 = arith.muli %scan3A_361, %mul3A_820 : i32
      %add3A_822 = arith.constant 6 : i32
      %add3A_823 = arith.addi %mul3A_821, %add3A_822 : i32
      %dma_wait3A_824 = arith.constant 6 : i32
      %dma_wait3A_825 = arith.constant 6 : i32
      %dma_wait3A_826 = arith.constant 0 : i32
      %dma_wait3A_827 = tpu.memref_slice %arg8[%dma_wait3A_824, %dma_wait3A_826] : memref<8x64xi32, #tpu.memory_space<vmem>> -> memref<1x64xi32, #tpu.memory_space<vmem>>
      %dma_wait3A_828 = tpu.memref_squeeze %dma_wait3A_827 : memref<1x64xi32, #tpu.memory_space<vmem>> -> memref<64xi32, #tpu.memory_space<vmem>>
      %dma_wait3A_829 = arith.constant 0 : i32
      %dma_wait3A_830 = tpu.memref_slice %arg4[%arg1, %add3A_823, %dma_wait3A_829] : memref<16x160x64xi32, #tpu.memory_space<hbm>> -> memref<1x1x64xi32, #tpu.memory_space<hbm>>
      %dma_wait3A_831 = tpu.memref_squeeze %dma_wait3A_830 : memref<1x1x64xi32, #tpu.memory_space<hbm>> -> memref<64xi32, #tpu.memory_space<hbm>>
      %dma_wait3A_832 = tpu.memref_slice %arg14[%dma_wait3A_825] : memref<8x!tpu.dma_semaphore, #tpu.memory_space<semaphore_mem>> -> memref<1x!tpu.dma_semaphore, #tpu.memory_space<semaphore_mem>>
      %dma_wait3A_833 = tpu.memref_squeeze %dma_wait3A_832 : memref<1x!tpu.dma_semaphore, #tpu.memory_space<semaphore_mem>> -> memref<!tpu.dma_semaphore, #tpu.memory_space<semaphore_mem>>
      %dma_wait3A_834 = arith.constant 0 : i32
      %dma_wait3A_835 = tpu.memref_slice %arg8[%dma_wait3A_824, %dma_wait3A_834] : memref<8x64xi32, #tpu.memory_space<vmem>> -> memref<1x64xi32, #tpu.memory_space<vmem>>
      %dma_wait3A_836 = tpu.memref_squeeze %dma_wait3A_835 : memref<1x64xi32, #tpu.memory_space<vmem>> -> memref<64xi32, #tpu.memory_space<vmem>>
      %dma_wait3A_837 = arith.constant 0 : i32
      %dma_wait3A_838 = tpu.memref_slice %arg4[%arg1, %add3A_823, %dma_wait3A_837] : memref<16x160x64xi32, #tpu.memory_space<hbm>> -> memref<1x1x64xi32, #tpu.memory_space<hbm>>
      %dma_wait3A_839 = tpu.memref_squeeze %dma_wait3A_838 : memref<1x1x64xi32, #tpu.memory_space<hbm>> -> memref<64xi32, #tpu.memory_space<hbm>>
      tpu.wait_dma2 semaphore(%dma_wait3A_833 : memref<!tpu.dma_semaphore, #tpu.memory_space<semaphore_mem>>) src(%dma_wait3A_839 : memref<64xi32, #tpu.memory_space<hbm>>) dst(%dma_wait3A_836 : memref<64xi32, #tpu.memory_space<vmem>>)
      %dma_wait3A_840 = arith.constant 6 : i32
      %dma_wait3A_841 = arith.constant 2 : i32
      %dma_wait3A_842 = arith.constant 2 : i32
      %dma_wait3A_843 = arith.constant 0 : i32
      %dma_wait3A_844 = arith.constant 0 : i32
      %dma_wait3A_845 = tpu.memref_slice %arg9[%dma_wait3A_841, %dma_wait3A_843, %dma_wait3A_844] : memref<4x64x128xf32, #tpu.memory_space<vmem>> -> memref<1x64x128xf32, #tpu.memory_space<vmem>>
      %dma_wait3A_846 = tpu.memref_squeeze %dma_wait3A_845 : memref<1x64x128xf32, #tpu.memory_space<vmem>> -> memref<64x128xf32, #tpu.memory_space<vmem>>
      %dma_wait3A_847 = arith.constant 0 : i32
      %dma_wait3A_848 = tpu.memref_slice %arg7[%dma_wait3A_840, %dma_wait3A_847] : memref<8x64xi32, #tpu.memory_space<vmem>> -> memref<1x64xi32, #tpu.memory_space<vmem>>
      %dma_wait3A_849 = tpu.memref_squeeze %dma_wait3A_848 : memref<1x64xi32, #tpu.memory_space<vmem>> -> memref<64xi32, #tpu.memory_space<vmem>>
      %dma_wait3A_850 = arith.constant 0 : i32
      %dma_wait3A_851 = tpu.memref_slice %arg2[%dma_wait3A_850, %mul3A_3] : memref<10000x256xf32, #tpu.memory_space<hbm>> -> memref<10000x128xf32, #tpu.memory_space<hbm>>
      %dma_wait3A_852 = tpu.memref_slice %arg11[%dma_wait3A_842] : memref<4x!tpu.dma_semaphore, #tpu.memory_space<semaphore_mem>> -> memref<1x!tpu.dma_semaphore, #tpu.memory_space<semaphore_mem>>
      %dma_wait3A_853 = tpu.memref_squeeze %dma_wait3A_852 : memref<1x!tpu.dma_semaphore, #tpu.memory_space<semaphore_mem>> -> memref<!tpu.dma_semaphore, #tpu.memory_space<semaphore_mem>>
      tpu.wait_indirect_dma semaphore(%dma_wait3A_853 : memref<!tpu.dma_semaphore, #tpu.memory_space<semaphore_mem>>) src(%dma_wait3A_851 : memref<10000x128xf32, #tpu.memory_space<hbm>>) dst(%dma_wait3A_846 : memref<64x128xf32, #tpu.memory_space<vmem>>)
      %ge3A_854 = arith.constant 1 : i32
      %ge3A_855 = arith.cmpi sge, %add3A_823, %ge3A_854 : i32
      %convert_element_type3A_856 = arith.extui %ge3A_855 : i1 to i32
      %cond3A_857 = arith.constant 0 : i32
      %cond3A_858 = arith.cmpi ne, %convert_element_type3A_856, %cond3A_857 : i32
      scf.if %cond3A_858 {
        %dma_wait3A_974 = arith.constant 1 : i32
        %dma_wait3A_975 = arith.constant 5 : i32
        %dma_wait3A_976 = arith.constant 1 : i32
        %dma_wait3A_977 = arith.constant 0 : i32
        %dma_wait3A_978 = arith.constant 0 : i32
        %dma_wait3A_979 = tpu.memref_slice %arg9[%dma_wait3A_974, %dma_wait3A_977, %dma_wait3A_978] : memref<4x64x128xf32, #tpu.memory_space<vmem>> -> memref<1x64x128xf32, #tpu.memory_space<vmem>>
        %dma_wait3A_980 = tpu.memref_squeeze %dma_wait3A_979 : memref<1x64x128xf32, #tpu.memory_space<vmem>> -> memref<64x128xf32, #tpu.memory_space<vmem>>
        %dma_wait3A_981 = arith.constant 0 : i32
        %dma_wait3A_982 = tpu.memref_slice %arg8[%dma_wait3A_975, %dma_wait3A_981] : memref<8x64xi32, #tpu.memory_space<vmem>> -> memref<1x64xi32, #tpu.memory_space<vmem>>
        %dma_wait3A_983 = tpu.memref_squeeze %dma_wait3A_982 : memref<1x64xi32, #tpu.memory_space<vmem>> -> memref<64xi32, #tpu.memory_space<vmem>>
        %dma_wait3A_984 = arith.constant 0 : i32
        %dma_wait3A_985 = arith.constant 0 : i32
        %dma_wait3A_986 = tpu.memref_slice %arg10[%dma_wait3A_984, %dma_wait3A_985] : memref<10008x128xf32, #tpu.memory_space<vmem_shared>> -> memref<10008x128xf32, #tpu.memory_space<vmem_shared>>
        %dma_wait3A_987 = tpu.memref_slice %arg12[%dma_wait3A_976] : memref<4x!tpu.dma_semaphore, #tpu.memory_space<semaphore_mem>> -> memref<1x!tpu.dma_semaphore, #tpu.memory_space<semaphore_mem>>
        %dma_wait3A_988 = tpu.memref_squeeze %dma_wait3A_987 : memref<1x!tpu.dma_semaphore, #tpu.memory_space<semaphore_mem>> -> memref<!tpu.dma_semaphore, #tpu.memory_space<semaphore_mem>>
        tpu.wait_indirect_dma semaphore(%dma_wait3A_988 : memref<!tpu.dma_semaphore, #tpu.memory_space<semaphore_mem>>) src(%dma_wait3A_980 : memref<64x128xf32, #tpu.memory_space<vmem>>) dst(%dma_wait3A_986 : memref<10008x128xf32, #tpu.memory_space<vmem_shared>>)
      } else {
      }
      %dma_start3A_859 = arith.constant 2 : i32
      %dma_start3A_860 = arith.constant 6 : i32
      %dma_start3A_861 = arith.constant 2 : i32
      %dma_start3A_862 = arith.constant 0 : i32
      %dma_start3A_863 = arith.constant 0 : i32
      %dma_start3A_864 = tpu.memref_slice %arg9[%dma_start3A_859, %dma_start3A_862, %dma_start3A_863] : memref<4x64x128xf32, #tpu.memory_space<vmem>> -> memref<1x64x128xf32, #tpu.memory_space<vmem>>
      %dma_start3A_865 = tpu.memref_squeeze %dma_start3A_864 : memref<1x64x128xf32, #tpu.memory_space<vmem>> -> memref<64x128xf32, #tpu.memory_space<vmem>>
      %dma_start3A_866 = arith.constant 0 : i32
      %dma_start3A_867 = tpu.memref_slice %arg8[%dma_start3A_860, %dma_start3A_866] : memref<8x64xi32, #tpu.memory_space<vmem>> -> memref<1x64xi32, #tpu.memory_space<vmem>>
      %dma_start3A_868 = tpu.memref_squeeze %dma_start3A_867 : memref<1x64xi32, #tpu.memory_space<vmem>> -> memref<64xi32, #tpu.memory_space<vmem>>
      %dma_start3A_869 = arith.constant 0 : i32
      %dma_start3A_870 = arith.constant 0 : i32
      %dma_start3A_871 = tpu.memref_slice %arg10[%dma_start3A_869, %dma_start3A_870] : memref<10008x128xf32, #tpu.memory_space<vmem_shared>> -> memref<10008x128xf32, #tpu.memory_space<vmem_shared>>
      %dma_start3A_872 = tpu.memref_slice %arg12[%dma_start3A_861] : memref<4x!tpu.dma_semaphore, #tpu.memory_space<semaphore_mem>> -> memref<1x!tpu.dma_semaphore, #tpu.memory_space<semaphore_mem>>
      %dma_start3A_873 = tpu.memref_squeeze %dma_start3A_872 : memref<1x!tpu.dma_semaphore, #tpu.memory_space<semaphore_mem>> -> memref<!tpu.dma_semaphore, #tpu.memory_space<semaphore_mem>>
      tpu.enqueue_indirect_dma source(%dma_start3A_865 : memref<64x128xf32, #tpu.memory_space<vmem>>) target(%dma_start3A_871 : memref<10008x128xf32, #tpu.memory_space<vmem_shared>>) offsets(%dma_start3A_868 : memref<64xi32, #tpu.memory_space<vmem>>) semaphore(%dma_start3A_873 : memref<!tpu.dma_semaphore, #tpu.memory_space<semaphore_mem>>) {add = true}
      %add3A_874 = arith.constant 8 : i32
      %add3A_875 = arith.addi %add3A_823, %add3A_874 : i32
      %sub3A_876 = arith.constant 2 : i32
      %sub3A_877 = arith.subi %add3A_875, %sub3A_876 : i32
      %lt3A_878 = arith.constant 160 : i32
      %lt3A_879 = arith.cmpi slt, %sub3A_877, %lt3A_878 : i32
      %convert_element_type3A_880 = arith.extui %lt3A_879 : i1 to i32
      %cond3A_881 = arith.constant 0 : i32
      %cond3A_882 = arith.cmpi ne, %convert_element_type3A_880, %cond3A_881 : i32
      scf.if %cond3A_882 {
        %add3A_974 = arith.constant 8 : i32
        %add3A_975 = arith.addi %add3A_823, %add3A_974 : i32
        %sub3A_976 = arith.constant 2 : i32
        %sub3A_977 = arith.subi %add3A_975, %sub3A_976 : i32
        %dma_start3A_978 = arith.constant 4 : i32
        %dma_start3A_979 = arith.constant 4 : i32
        %dma_start3A_980 = arith.constant 0 : i32
        %dma_start3A_981 = tpu.memref_slice %arg8[%dma_start3A_978, %dma_start3A_980] : memref<8x64xi32, #tpu.memory_space<vmem>> -> memref<1x64xi32, #tpu.memory_space<vmem>>
        %dma_start3A_982 = tpu.memref_squeeze %dma_start3A_981 : memref<1x64xi32, #tpu.memory_space<vmem>> -> memref<64xi32, #tpu.memory_space<vmem>>
        %dma_start3A_983 = arith.constant 0 : i32
        %dma_start3A_984 = tpu.memref_slice %arg4[%arg1, %sub3A_977, %dma_start3A_983] : memref<16x160x64xi32, #tpu.memory_space<hbm>> -> memref<1x1x64xi32, #tpu.memory_space<hbm>>
        %dma_start3A_985 = tpu.memref_squeeze %dma_start3A_984 : memref<1x1x64xi32, #tpu.memory_space<hbm>> -> memref<64xi32, #tpu.memory_space<hbm>>
        %dma_start3A_986 = tpu.memref_slice %arg14[%dma_start3A_979] : memref<8x!tpu.dma_semaphore, #tpu.memory_space<semaphore_mem>> -> memref<1x!tpu.dma_semaphore, #tpu.memory_space<semaphore_mem>>
        %dma_start3A_987 = tpu.memref_squeeze %dma_start3A_986 : memref<1x!tpu.dma_semaphore, #tpu.memory_space<semaphore_mem>> -> memref<!tpu.dma_semaphore, #tpu.memory_space<semaphore_mem>>
        %dma_start3A_988 = arith.constant 0 : i32
        %dma_start3A_989 = tpu.memref_slice %arg8[%dma_start3A_978, %dma_start3A_988] : memref<8x64xi32, #tpu.memory_space<vmem>> -> memref<1x64xi32, #tpu.memory_space<vmem>>
        %dma_start3A_990 = tpu.memref_squeeze %dma_start3A_989 : memref<1x64xi32, #tpu.memory_space<vmem>> -> memref<64xi32, #tpu.memory_space<vmem>>
        %dma_start3A_991 = arith.constant 0 : i32
        %dma_start3A_992 = tpu.memref_slice %arg4[%arg1, %sub3A_977, %dma_start3A_991] : memref<16x160x64xi32, #tpu.memory_space<hbm>> -> memref<1x1x64xi32, #tpu.memory_space<hbm>>
        %dma_start3A_993 = tpu.memref_squeeze %dma_start3A_992 : memref<1x1x64xi32, #tpu.memory_space<hbm>> -> memref<64xi32, #tpu.memory_space<hbm>>
        tpu.enqueue_dma source(%dma_start3A_993 : memref<64xi32, #tpu.memory_space<hbm>>) target(%dma_start3A_990 : memref<64xi32, #tpu.memory_space<vmem>>) target_semaphore(%dma_start3A_987 : memref<!tpu.dma_semaphore, #tpu.memory_space<semaphore_mem>>)
      } else {
      }
      %add3A_883 = arith.constant 8 : i32
      %add3A_884 = arith.addi %add3A_823, %add3A_883 : i32
      %lt3A_885 = arith.constant 160 : i32
      %lt3A_886 = arith.cmpi slt, %add3A_884, %lt3A_885 : i32
      %convert_element_type3A_887 = arith.extui %lt3A_886 : i1 to i32
      %cond3A_888 = arith.constant 0 : i32
      %cond3A_889 = arith.cmpi ne, %convert_element_type3A_887, %cond3A_888 : i32
      scf.if %cond3A_889 {
        %add3A_974 = arith.constant 8 : i32
        %add3A_975 = arith.addi %add3A_823, %add3A_974 : i32
        %dma_start3A_976 = arith.constant 6 : i32
        %dma_start3A_977 = arith.constant 6 : i32
        %dma_start3A_978 = arith.constant 0 : i32
        %dma_start3A_979 = tpu.memref_slice %arg7[%dma_start3A_976, %dma_start3A_978] : memref<8x64xi32, #tpu.memory_space<vmem>> -> memref<1x64xi32, #tpu.memory_space<vmem>>
        %dma_start3A_980 = tpu.memref_squeeze %dma_start3A_979 : memref<1x64xi32, #tpu.memory_space<vmem>> -> memref<64xi32, #tpu.memory_space<vmem>>
        %dma_start3A_981 = arith.constant 0 : i32
        %dma_start3A_982 = tpu.memref_slice %arg3[%arg1, %add3A_975, %dma_start3A_981] : memref<16x160x64xi32, #tpu.memory_space<hbm>> -> memref<1x1x64xi32, #tpu.memory_space<hbm>>
        %dma_start3A_983 = tpu.memref_squeeze %dma_start3A_982 : memref<1x1x64xi32, #tpu.memory_space<hbm>> -> memref<64xi32, #tpu.memory_space<hbm>>
        %dma_start3A_984 = tpu.memref_slice %arg13[%dma_start3A_977] : memref<8x!tpu.dma_semaphore, #tpu.memory_space<semaphore_mem>> -> memref<1x!tpu.dma_semaphore, #tpu.memory_space<semaphore_mem>>
        %dma_start3A_985 = tpu.memref_squeeze %dma_start3A_984 : memref<1x!tpu.dma_semaphore, #tpu.memory_space<semaphore_mem>> -> memref<!tpu.dma_semaphore, #tpu.memory_space<semaphore_mem>>
        %dma_start3A_986 = arith.constant 0 : i32
        %dma_start3A_987 = tpu.memref_slice %arg7[%dma_start3A_976, %dma_start3A_986] : memref<8x64xi32, #tpu.memory_space<vmem>> -> memref<1x64xi32, #tpu.memory_space<vmem>>
        %dma_start3A_988 = tpu.memref_squeeze %dma_start3A_987 : memref<1x64xi32, #tpu.memory_space<vmem>> -> memref<64xi32, #tpu.memory_space<vmem>>
        %dma_start3A_989 = arith.constant 0 : i32
        %dma_start3A_990 = tpu.memref_slice %arg3[%arg1, %add3A_975, %dma_start3A_989] : memref<16x160x64xi32, #tpu.memory_space<hbm>> -> memref<1x1x64xi32, #tpu.memory_space<hbm>>
        %dma_start3A_991 = tpu.memref_squeeze %dma_start3A_990 : memref<1x1x64xi32, #tpu.memory_space<hbm>> -> memref<64xi32, #tpu.memory_space<hbm>>
        tpu.enqueue_dma source(%dma_start3A_991 : memref<64xi32, #tpu.memory_space<hbm>>) target(%dma_start3A_988 : memref<64xi32, #tpu.memory_space<vmem>>) target_semaphore(%dma_start3A_985 : memref<!tpu.dma_semaphore, #tpu.memory_space<semaphore_mem>>)
      } else {
      }
      %add3A_890 = arith.constant 3 : i32
      %add3A_891 = arith.addi %add3A_823, %add3A_890 : i32
      %lt3A_892 = arith.constant 160 : i32
      %lt3A_893 = arith.cmpi slt, %add3A_891, %lt3A_892 : i32
      %convert_element_type3A_894 = arith.extui %lt3A_893 : i1 to i32
      %cond3A_895 = arith.constant 0 : i32
      %cond3A_896 = arith.cmpi ne, %convert_element_type3A_894, %cond3A_895 : i32
      scf.if %cond3A_896 {
        %add3A_974 = arith.constant 3 : i32
        %add3A_975 = arith.addi %add3A_823, %add3A_974 : i32
        %dma_wait3A_976 = arith.constant 1 : i32
        %dma_wait3A_977 = arith.constant 1 : i32
        %dma_wait3A_978 = arith.constant 0 : i32
        %dma_wait3A_979 = tpu.memref_slice %arg7[%dma_wait3A_976, %dma_wait3A_978] : memref<8x64xi32, #tpu.memory_space<vmem>> -> memref<1x64xi32, #tpu.memory_space<vmem>>
        %dma_wait3A_980 = tpu.memref_squeeze %dma_wait3A_979 : memref<1x64xi32, #tpu.memory_space<vmem>> -> memref<64xi32, #tpu.memory_space<vmem>>
        %dma_wait3A_981 = arith.constant 0 : i32
        %dma_wait3A_982 = tpu.memref_slice %arg3[%arg1, %add3A_975, %dma_wait3A_981] : memref<16x160x64xi32, #tpu.memory_space<hbm>> -> memref<1x1x64xi32, #tpu.memory_space<hbm>>
        %dma_wait3A_983 = tpu.memref_squeeze %dma_wait3A_982 : memref<1x1x64xi32, #tpu.memory_space<hbm>> -> memref<64xi32, #tpu.memory_space<hbm>>
        %dma_wait3A_984 = tpu.memref_slice %arg13[%dma_wait3A_977] : memref<8x!tpu.dma_semaphore, #tpu.memory_space<semaphore_mem>> -> memref<1x!tpu.dma_semaphore, #tpu.memory_space<semaphore_mem>>
        %dma_wait3A_985 = tpu.memref_squeeze %dma_wait3A_984 : memref<1x!tpu.dma_semaphore, #tpu.memory_space<semaphore_mem>> -> memref<!tpu.dma_semaphore, #tpu.memory_space<semaphore_mem>>
        %dma_wait3A_986 = arith.constant 0 : i32
        %dma_wait3A_987 = tpu.memref_slice %arg7[%dma_wait3A_976, %dma_wait3A_986] : memref<8x64xi32, #tpu.memory_space<vmem>> -> memref<1x64xi32, #tpu.memory_space<vmem>>
        %dma_wait3A_988 = tpu.memref_squeeze %dma_wait3A_987 : memref<1x64xi32, #tpu.memory_space<vmem>> -> memref<64xi32, #tpu.memory_space<vmem>>
        %dma_wait3A_989 = arith.constant 0 : i32
        %dma_wait3A_990 = tpu.memref_slice %arg3[%arg1, %add3A_975, %dma_wait3A_989] : memref<16x160x64xi32, #tpu.memory_space<hbm>> -> memref<1x1x64xi32, #tpu.memory_space<hbm>>
        %dma_wait3A_991 = tpu.memref_squeeze %dma_wait3A_990 : memref<1x1x64xi32, #tpu.memory_space<hbm>> -> memref<64xi32, #tpu.memory_space<hbm>>
        tpu.wait_dma2 semaphore(%dma_wait3A_985 : memref<!tpu.dma_semaphore, #tpu.memory_space<semaphore_mem>>) src(%dma_wait3A_991 : memref<64xi32, #tpu.memory_space<hbm>>) dst(%dma_wait3A_988 : memref<64xi32, #tpu.memory_space<vmem>>)
        %dma_start3A_992 = arith.constant 1 : i32
        %dma_start3A_993 = arith.constant 1 : i32
        %dma_start3A_994 = arith.constant 1 : i32
        %dma_start3A_995 = arith.constant 0 : i32
        %dma_start3A_996 = arith.constant 0 : i32
        %dma_start3A_997 = tpu.memref_slice %arg9[%dma_start3A_993, %dma_start3A_995, %dma_start3A_996] : memref<4x64x128xf32, #tpu.memory_space<vmem>> -> memref<1x64x128xf32, #tpu.memory_space<vmem>>
        %dma_start3A_998 = tpu.memref_squeeze %dma_start3A_997 : memref<1x64x128xf32, #tpu.memory_space<vmem>> -> memref<64x128xf32, #tpu.memory_space<vmem>>
        %dma_start3A_999 = arith.constant 0 : i32
        %dma_start3A_1000 = tpu.memref_slice %arg7[%dma_start3A_992, %dma_start3A_999] : memref<8x64xi32, #tpu.memory_space<vmem>> -> memref<1x64xi32, #tpu.memory_space<vmem>>
        %dma_start3A_1001 = tpu.memref_squeeze %dma_start3A_1000 : memref<1x64xi32, #tpu.memory_space<vmem>> -> memref<64xi32, #tpu.memory_space<vmem>>
        %dma_start3A_1002 = arith.constant 0 : i32
        %dma_start3A_1003 = tpu.memref_slice %arg2[%dma_start3A_1002, %mul3A_3] : memref<10000x256xf32, #tpu.memory_space<hbm>> -> memref<10000x128xf32, #tpu.memory_space<hbm>>
        %dma_start3A_1004 = tpu.memref_slice %arg11[%dma_start3A_994] : memref<4x!tpu.dma_semaphore, #tpu.memory_space<semaphore_mem>> -> memref<1x!tpu.dma_semaphore, #tpu.memory_space<semaphore_mem>>
        %dma_start3A_1005 = tpu.memref_squeeze %dma_start3A_1004 : memref<1x!tpu.dma_semaphore, #tpu.memory_space<semaphore_mem>> -> memref<!tpu.dma_semaphore, #tpu.memory_space<semaphore_mem>>
        tpu.enqueue_indirect_dma source(%dma_start3A_1003 : memref<10000x128xf32, #tpu.memory_space<hbm>>) target(%dma_start3A_998 : memref<64x128xf32, #tpu.memory_space<vmem>>) offsets(%dma_start3A_1001 : memref<64xi32, #tpu.memory_space<vmem>>) semaphore(%dma_start3A_1005 : memref<!tpu.dma_semaphore, #tpu.memory_space<semaphore_mem>>)
      } else {
      }
      %mul3A_897 = arith.constant 8 : i32
      %mul3A_898 = arith.muli %scan3A_361, %mul3A_897 : i32
      %add3A_899 = arith.constant 7 : i32
      %add3A_900 = arith.addi %mul3A_898, %add3A_899 : i32
      %dma_wait3A_901 = arith.constant 7 : i32
      %dma_wait3A_902 = arith.constant 7 : i32
      %dma_wait3A_903 = arith.constant 0 : i32
      %dma_wait3A_904 = tpu.memref_slice %arg8[%dma_wait3A_901, %dma_wait3A_903] : memref<8x64xi32, #tpu.memory_space<vmem>> -> memref<1x64xi32, #tpu.memory_space<vmem>>
      %dma_wait3A_905 = tpu.memref_squeeze %dma_wait3A_904 : memref<1x64xi32, #tpu.memory_space<vmem>> -> memref<64xi32, #tpu.memory_space<vmem>>
      %dma_wait3A_906 = arith.constant 0 : i32
      %dma_wait3A_907 = tpu.memref_slice %arg4[%arg1, %add3A_900, %dma_wait3A_906] : memref<16x160x64xi32, #tpu.memory_space<hbm>> -> memref<1x1x64xi32, #tpu.memory_space<hbm>>
      %dma_wait3A_908 = tpu.memref_squeeze %dma_wait3A_907 : memref<1x1x64xi32, #tpu.memory_space<hbm>> -> memref<64xi32, #tpu.memory_space<hbm>>
      %dma_wait3A_909 = tpu.memref_slice %arg14[%dma_wait3A_902] : memref<8x!tpu.dma_semaphore, #tpu.memory_space<semaphore_mem>> -> memref<1x!tpu.dma_semaphore, #tpu.memory_space<semaphore_mem>>
      %dma_wait3A_910 = tpu.memref_squeeze %dma_wait3A_909 : memref<1x!tpu.dma_semaphore, #tpu.memory_space<semaphore_mem>> -> memref<!tpu.dma_semaphore, #tpu.memory_space<semaphore_mem>>
      %dma_wait3A_911 = arith.constant 0 : i32
      %dma_wait3A_912 = tpu.memref_slice %arg8[%dma_wait3A_901, %dma_wait3A_911] : memref<8x64xi32, #tpu.memory_space<vmem>> -> memref<1x64xi32, #tpu.memory_space<vmem>>
      %dma_wait3A_913 = tpu.memref_squeeze %dma_wait3A_912 : memref<1x64xi32, #tpu.memory_space<vmem>> -> memref<64xi32, #tpu.memory_space<vmem>>
      %dma_wait3A_914 = arith.constant 0 : i32
      %dma_wait3A_915 = tpu.memref_slice %arg4[%arg1, %add3A_900, %dma_wait3A_914] : memref<16x160x64xi32, #tpu.memory_space<hbm>> -> memref<1x1x64xi32, #tpu.memory_space<hbm>>
      %dma_wait3A_916 = tpu.memref_squeeze %dma_wait3A_915 : memref<1x1x64xi32, #tpu.memory_space<hbm>> -> memref<64xi32, #tpu.memory_space<hbm>>
      tpu.wait_dma2 semaphore(%dma_wait3A_910 : memref<!tpu.dma_semaphore, #tpu.memory_space<semaphore_mem>>) src(%dma_wait3A_916 : memref<64xi32, #tpu.memory_space<hbm>>) dst(%dma_wait3A_913 : memref<64xi32, #tpu.memory_space<vmem>>)
      %dma_wait3A_917 = arith.constant 7 : i32
      %dma_wait3A_918 = arith.constant 3 : i32
      %dma_wait3A_919 = arith.constant 3 : i32
      %dma_wait3A_920 = arith.constant 0 : i32
      %dma_wait3A_921 = arith.constant 0 : i32
      %dma_wait3A_922 = tpu.memref_slice %arg9[%dma_wait3A_918, %dma_wait3A_920, %dma_wait3A_921] : memref<4x64x128xf32, #tpu.memory_space<vmem>> -> memref<1x64x128xf32, #tpu.memory_space<vmem>>
      %dma_wait3A_923 = tpu.memref_squeeze %dma_wait3A_922 : memref<1x64x128xf32, #tpu.memory_space<vmem>> -> memref<64x128xf32, #tpu.memory_space<vmem>>
      %dma_wait3A_924 = arith.constant 0 : i32
      %dma_wait3A_925 = tpu.memref_slice %arg7[%dma_wait3A_917, %dma_wait3A_924] : memref<8x64xi32, #tpu.memory_space<vmem>> -> memref<1x64xi32, #tpu.memory_space<vmem>>
      %dma_wait3A_926 = tpu.memref_squeeze %dma_wait3A_925 : memref<1x64xi32, #tpu.memory_space<vmem>> -> memref<64xi32, #tpu.memory_space<vmem>>
      %dma_wait3A_927 = arith.constant 0 : i32
      %dma_wait3A_928 = tpu.memref_slice %arg2[%dma_wait3A_927, %mul3A_3] : memref<10000x256xf32, #tpu.memory_space<hbm>> -> memref<10000x128xf32, #tpu.memory_space<hbm>>
      %dma_wait3A_929 = tpu.memref_slice %arg11[%dma_wait3A_919] : memref<4x!tpu.dma_semaphore, #tpu.memory_space<semaphore_mem>> -> memref<1x!tpu.dma_semaphore, #tpu.memory_space<semaphore_mem>>
      %dma_wait3A_930 = tpu.memref_squeeze %dma_wait3A_929 : memref<1x!tpu.dma_semaphore, #tpu.memory_space<semaphore_mem>> -> memref<!tpu.dma_semaphore, #tpu.memory_space<semaphore_mem>>
      tpu.wait_indirect_dma semaphore(%dma_wait3A_930 : memref<!tpu.dma_semaphore, #tpu.memory_space<semaphore_mem>>) src(%dma_wait3A_928 : memref<10000x128xf32, #tpu.memory_space<hbm>>) dst(%dma_wait3A_923 : memref<64x128xf32, #tpu.memory_space<vmem>>)
      %ge3A_931 = arith.constant 1 : i32
      %ge3A_932 = arith.cmpi sge, %add3A_900, %ge3A_931 : i32
      %convert_element_type3A_933 = arith.extui %ge3A_932 : i1 to i32
      %cond3A_934 = arith.constant 0 : i32
      %cond3A_935 = arith.cmpi ne, %convert_element_type3A_933, %cond3A_934 : i32
      scf.if %cond3A_935 {
        %dma_wait3A_974 = arith.constant 2 : i32
        %dma_wait3A_975 = arith.constant 6 : i32
        %dma_wait3A_976 = arith.constant 2 : i32
        %dma_wait3A_977 = arith.constant 0 : i32
        %dma_wait3A_978 = arith.constant 0 : i32
        %dma_wait3A_979 = tpu.memref_slice %arg9[%dma_wait3A_974, %dma_wait3A_977, %dma_wait3A_978] : memref<4x64x128xf32, #tpu.memory_space<vmem>> -> memref<1x64x128xf32, #tpu.memory_space<vmem>>
        %dma_wait3A_980 = tpu.memref_squeeze %dma_wait3A_979 : memref<1x64x128xf32, #tpu.memory_space<vmem>> -> memref<64x128xf32, #tpu.memory_space<vmem>>
        %dma_wait3A_981 = arith.constant 0 : i32
        %dma_wait3A_982 = tpu.memref_slice %arg8[%dma_wait3A_975, %dma_wait3A_981] : memref<8x64xi32, #tpu.memory_space<vmem>> -> memref<1x64xi32, #tpu.memory_space<vmem>>
        %dma_wait3A_983 = tpu.memref_squeeze %dma_wait3A_982 : memref<1x64xi32, #tpu.memory_space<vmem>> -> memref<64xi32, #tpu.memory_space<vmem>>
        %dma_wait3A_984 = arith.constant 0 : i32
        %dma_wait3A_985 = arith.constant 0 : i32
        %dma_wait3A_986 = tpu.memref_slice %arg10[%dma_wait3A_984, %dma_wait3A_985] : memref<10008x128xf32, #tpu.memory_space<vmem_shared>> -> memref<10008x128xf32, #tpu.memory_space<vmem_shared>>
        %dma_wait3A_987 = tpu.memref_slice %arg12[%dma_wait3A_976] : memref<4x!tpu.dma_semaphore, #tpu.memory_space<semaphore_mem>> -> memref<1x!tpu.dma_semaphore, #tpu.memory_space<semaphore_mem>>
        %dma_wait3A_988 = tpu.memref_squeeze %dma_wait3A_987 : memref<1x!tpu.dma_semaphore, #tpu.memory_space<semaphore_mem>> -> memref<!tpu.dma_semaphore, #tpu.memory_space<semaphore_mem>>
        tpu.wait_indirect_dma semaphore(%dma_wait3A_988 : memref<!tpu.dma_semaphore, #tpu.memory_space<semaphore_mem>>) src(%dma_wait3A_980 : memref<64x128xf32, #tpu.memory_space<vmem>>) dst(%dma_wait3A_986 : memref<10008x128xf32, #tpu.memory_space<vmem_shared>>)
      } else {
      }
      %dma_start3A_936 = arith.constant 3 : i32
      %dma_start3A_937 = arith.constant 7 : i32
      %dma_start3A_938 = arith.constant 3 : i32
      %dma_start3A_939 = arith.constant 0 : i32
      %dma_start3A_940 = arith.constant 0 : i32
      %dma_start3A_941 = tpu.memref_slice %arg9[%dma_start3A_936, %dma_start3A_939, %dma_start3A_940] : memref<4x64x128xf32, #tpu.memory_space<vmem>> -> memref<1x64x128xf32, #tpu.memory_space<vmem>>
      %dma_start3A_942 = tpu.memref_squeeze %dma_start3A_941 : memref<1x64x128xf32, #tpu.memory_space<vmem>> -> memref<64x128xf32, #tpu.memory_space<vmem>>
      %dma_start3A_943 = arith.constant 0 : i32
      %dma_start3A_944 = tpu.memref_slice %arg8[%dma_start3A_937, %dma_start3A_943] : memref<8x64xi32, #tpu.memory_space<vmem>> -> memref<1x64xi32, #tpu.memory_space<vmem>>
      %dma_start3A_945 = tpu.memref_squeeze %dma_start3A_944 : memref<1x64xi32, #tpu.memory_space<vmem>> -> memref<64xi32, #tpu.memory_space<vmem>>
      %dma_start3A_946 = arith.constant 0 : i32
      %dma_start3A_947 = arith.constant 0 : i32
      %dma_start3A_948 = tpu.memref_slice %arg10[%dma_start3A_946, %dma_start3A_947] : memref<10008x128xf32, #tpu.memory_space<vmem_shared>> -> memref<10008x128xf32, #tpu.memory_space<vmem_shared>>
      %dma_start3A_949 = tpu.memref_slice %arg12[%dma_start3A_938] : memref<4x!tpu.dma_semaphore, #tpu.memory_space<semaphore_mem>> -> memref<1x!tpu.dma_semaphore, #tpu.memory_space<semaphore_mem>>
      %dma_start3A_950 = tpu.memref_squeeze %dma_start3A_949 : memref<1x!tpu.dma_semaphore, #tpu.memory_space<semaphore_mem>> -> memref<!tpu.dma_semaphore, #tpu.memory_space<semaphore_mem>>
      tpu.enqueue_indirect_dma source(%dma_start3A_942 : memref<64x128xf32, #tpu.memory_space<vmem>>) target(%dma_start3A_948 : memref<10008x128xf32, #tpu.memory_space<vmem_shared>>) offsets(%dma_start3A_945 : memref<64xi32, #tpu.memory_space<vmem>>) semaphore(%dma_start3A_950 : memref<!tpu.dma_semaphore, #tpu.memory_space<semaphore_mem>>) {add = true}
      %add3A_951 = arith.constant 8 : i32
      %add3A_952 = arith.addi %add3A_900, %add3A_951 : i32
      %sub3A_953 = arith.constant 2 : i32
      %sub3A_954 = arith.subi %add3A_952, %sub3A_953 : i32
      %lt3A_955 = arith.constant 160 : i32
      %lt3A_956 = arith.cmpi slt, %sub3A_954, %lt3A_955 : i32
      %convert_element_type3A_957 = arith.extui %lt3A_956 : i1 to i32
      %cond3A_958 = arith.constant 0 : i32
      %cond3A_959 = arith.cmpi ne, %convert_element_type3A_957, %cond3A_958 : i32
      scf.if %cond3A_959 {
        %add3A_974 = arith.constant 8 : i32
        %add3A_975 = arith.addi %add3A_900, %add3A_974 : i32
        %sub3A_976 = arith.constant 2 : i32
        %sub3A_977 = arith.subi %add3A_975, %sub3A_976 : i32
        %dma_start3A_978 = arith.constant 5 : i32
        %dma_start3A_979 = arith.constant 5 : i32
        %dma_start3A_980 = arith.constant 0 : i32
        %dma_start3A_981 = tpu.memref_slice %arg8[%dma_start3A_978, %dma_start3A_980] : memref<8x64xi32, #tpu.memory_space<vmem>> -> memref<1x64xi32, #tpu.memory_space<vmem>>
        %dma_start3A_982 = tpu.memref_squeeze %dma_start3A_981 : memref<1x64xi32, #tpu.memory_space<vmem>> -> memref<64xi32, #tpu.memory_space<vmem>>
        %dma_start3A_983 = arith.constant 0 : i32
        %dma_start3A_984 = tpu.memref_slice %arg4[%arg1, %sub3A_977, %dma_start3A_983] : memref<16x160x64xi32, #tpu.memory_space<hbm>> -> memref<1x1x64xi32, #tpu.memory_space<hbm>>
        %dma_start3A_985 = tpu.memref_squeeze %dma_start3A_984 : memref<1x1x64xi32, #tpu.memory_space<hbm>> -> memref<64xi32, #tpu.memory_space<hbm>>
        %dma_start3A_986 = tpu.memref_slice %arg14[%dma_start3A_979] : memref<8x!tpu.dma_semaphore, #tpu.memory_space<semaphore_mem>> -> memref<1x!tpu.dma_semaphore, #tpu.memory_space<semaphore_mem>>
        %dma_start3A_987 = tpu.memref_squeeze %dma_start3A_986 : memref<1x!tpu.dma_semaphore, #tpu.memory_space<semaphore_mem>> -> memref<!tpu.dma_semaphore, #tpu.memory_space<semaphore_mem>>
        %dma_start3A_988 = arith.constant 0 : i32
        %dma_start3A_989 = tpu.memref_slice %arg8[%dma_start3A_978, %dma_start3A_988] : memref<8x64xi32, #tpu.memory_space<vmem>> -> memref<1x64xi32, #tpu.memory_space<vmem>>
        %dma_start3A_990 = tpu.memref_squeeze %dma_start3A_989 : memref<1x64xi32, #tpu.memory_space<vmem>> -> memref<64xi32, #tpu.memory_space<vmem>>
        %dma_start3A_991 = arith.constant 0 : i32
        %dma_start3A_992 = tpu.memref_slice %arg4[%arg1, %sub3A_977, %dma_start3A_991] : memref<16x160x64xi32, #tpu.memory_space<hbm>> -> memref<1x1x64xi32, #tpu.memory_space<hbm>>
        %dma_start3A_993 = tpu.memref_squeeze %dma_start3A_992 : memref<1x1x64xi32, #tpu.memory_space<hbm>> -> memref<64xi32, #tpu.memory_space<hbm>>
        tpu.enqueue_dma source(%dma_start3A_993 : memref<64xi32, #tpu.memory_space<hbm>>) target(%dma_start3A_990 : memref<64xi32, #tpu.memory_space<vmem>>) target_semaphore(%dma_start3A_987 : memref<!tpu.dma_semaphore, #tpu.memory_space<semaphore_mem>>)
      } else {
      }
      %add3A_960 = arith.constant 8 : i32
      %add3A_961 = arith.addi %add3A_900, %add3A_960 : i32
      %lt3A_962 = arith.constant 160 : i32
      %lt3A_963 = arith.cmpi slt, %add3A_961, %lt3A_962 : i32
      %convert_element_type3A_964 = arith.extui %lt3A_963 : i1 to i32
      %cond3A_965 = arith.constant 0 : i32
      %cond3A_966 = arith.cmpi ne, %convert_element_type3A_964, %cond3A_965 : i32
      scf.if %cond3A_966 {
        %add3A_974 = arith.constant 8 : i32
        %add3A_975 = arith.addi %add3A_900, %add3A_974 : i32
        %dma_start3A_976 = arith.constant 7 : i32
        %dma_start3A_977 = arith.constant 7 : i32
        %dma_start3A_978 = arith.constant 0 : i32
        %dma_start3A_979 = tpu.memref_slice %arg7[%dma_start3A_976, %dma_start3A_978] : memref<8x64xi32, #tpu.memory_space<vmem>> -> memref<1x64xi32, #tpu.memory_space<vmem>>
        %dma_start3A_980 = tpu.memref_squeeze %dma_start3A_979 : memref<1x64xi32, #tpu.memory_space<vmem>> -> memref<64xi32, #tpu.memory_space<vmem>>
        %dma_start3A_981 = arith.constant 0 : i32
        %dma_start3A_982 = tpu.memref_slice %arg3[%arg1, %add3A_975, %dma_start3A_981] : memref<16x160x64xi32, #tpu.memory_space<hbm>> -> memref<1x1x64xi32, #tpu.memory_space<hbm>>
        %dma_start3A_983 = tpu.memref_squeeze %dma_start3A_982 : memref<1x1x64xi32, #tpu.memory_space<hbm>> -> memref<64xi32, #tpu.memory_space<hbm>>
        %dma_start3A_984 = tpu.memref_slice %arg13[%dma_start3A_977] : memref<8x!tpu.dma_semaphore, #tpu.memory_space<semaphore_mem>> -> memref<1x!tpu.dma_semaphore, #tpu.memory_space<semaphore_mem>>
        %dma_start3A_985 = tpu.memref_squeeze %dma_start3A_984 : memref<1x!tpu.dma_semaphore, #tpu.memory_space<semaphore_mem>> -> memref<!tpu.dma_semaphore, #tpu.memory_space<semaphore_mem>>
        %dma_start3A_986 = arith.constant 0 : i32
        %dma_start3A_987 = tpu.memref_slice %arg7[%dma_start3A_976, %dma_start3A_986] : memref<8x64xi32, #tpu.memory_space<vmem>> -> memref<1x64xi32, #tpu.memory_space<vmem>>
        %dma_start3A_988 = tpu.memref_squeeze %dma_start3A_987 : memref<1x64xi32, #tpu.memory_space<vmem>> -> memref<64xi32, #tpu.memory_space<vmem>>
        %dma_start3A_989 = arith.constant 0 : i32
        %dma_start3A_990 = tpu.memref_slice %arg3[%arg1, %add3A_975, %dma_start3A_989] : memref<16x160x64xi32, #tpu.memory_space<hbm>> -> memref<1x1x64xi32, #tpu.memory_space<hbm>>
        %dma_start3A_991 = tpu.memref_squeeze %dma_start3A_990 : memref<1x1x64xi32, #tpu.memory_space<hbm>> -> memref<64xi32, #tpu.memory_space<hbm>>
        tpu.enqueue_dma source(%dma_start3A_991 : memref<64xi32, #tpu.memory_space<hbm>>) target(%dma_start3A_988 : memref<64xi32, #tpu.memory_space<vmem>>) target_semaphore(%dma_start3A_985 : memref<!tpu.dma_semaphore, #tpu.memory_space<semaphore_mem>>)
      } else {
      }
      %add3A_967 = arith.constant 3 : i32
      %add3A_968 = arith.addi %add3A_900, %add3A_967 : i32
      %lt3A_969 = arith.constant 160 : i32
      %lt3A_970 = arith.cmpi slt, %add3A_968, %lt3A_969 : i32
      %convert_element_type3A_971 = arith.extui %lt3A_970 : i1 to i32
      %cond3A_972 = arith.constant 0 : i32
      %cond3A_973 = arith.cmpi ne, %convert_element_type3A_971, %cond3A_972 : i32
      scf.if %cond3A_973 {
        %add3A_974 = arith.constant 3 : i32
        %add3A_975 = arith.addi %add3A_900, %add3A_974 : i32
        %dma_wait3A_976 = arith.constant 2 : i32
        %dma_wait3A_977 = arith.constant 2 : i32
        %dma_wait3A_978 = arith.constant 0 : i32
        %dma_wait3A_979 = tpu.memref_slice %arg7[%dma_wait3A_976, %dma_wait3A_978] : memref<8x64xi32, #tpu.memory_space<vmem>> -> memref<1x64xi32, #tpu.memory_space<vmem>>
        %dma_wait3A_980 = tpu.memref_squeeze %dma_wait3A_979 : memref<1x64xi32, #tpu.memory_space<vmem>> -> memref<64xi32, #tpu.memory_space<vmem>>
        %dma_wait3A_981 = arith.constant 0 : i32
        %dma_wait3A_982 = tpu.memref_slice %arg3[%arg1, %add3A_975, %dma_wait3A_981] : memref<16x160x64xi32, #tpu.memory_space<hbm>> -> memref<1x1x64xi32, #tpu.memory_space<hbm>>
        %dma_wait3A_983 = tpu.memref_squeeze %dma_wait3A_982 : memref<1x1x64xi32, #tpu.memory_space<hbm>> -> memref<64xi32, #tpu.memory_space<hbm>>
        %dma_wait3A_984 = tpu.memref_slice %arg13[%dma_wait3A_977] : memref<8x!tpu.dma_semaphore, #tpu.memory_space<semaphore_mem>> -> memref<1x!tpu.dma_semaphore, #tpu.memory_space<semaphore_mem>>
        %dma_wait3A_985 = tpu.memref_squeeze %dma_wait3A_984 : memref<1x!tpu.dma_semaphore, #tpu.memory_space<semaphore_mem>> -> memref<!tpu.dma_semaphore, #tpu.memory_space<semaphore_mem>>
        %dma_wait3A_986 = arith.constant 0 : i32
        %dma_wait3A_987 = tpu.memref_slice %arg7[%dma_wait3A_976, %dma_wait3A_986] : memref<8x64xi32, #tpu.memory_space<vmem>> -> memref<1x64xi32, #tpu.memory_space<vmem>>
        %dma_wait3A_988 = tpu.memref_squeeze %dma_wait3A_987 : memref<1x64xi32, #tpu.memory_space<vmem>> -> memref<64xi32, #tpu.memory_space<vmem>>
        %dma_wait3A_989 = arith.constant 0 : i32
        %dma_wait3A_990 = tpu.memref_slice %arg3[%arg1, %add3A_975, %dma_wait3A_989] : memref<16x160x64xi32, #tpu.memory_space<hbm>> -> memref<1x1x64xi32, #tpu.memory_space<hbm>>
        %dma_wait3A_991 = tpu.memref_squeeze %dma_wait3A_990 : memref<1x1x64xi32, #tpu.memory_space<hbm>> -> memref<64xi32, #tpu.memory_space<hbm>>
        tpu.wait_dma2 semaphore(%dma_wait3A_985 : memref<!tpu.dma_semaphore, #tpu.memory_space<semaphore_mem>>) src(%dma_wait3A_991 : memref<64xi32, #tpu.memory_space<hbm>>) dst(%dma_wait3A_988 : memref<64xi32, #tpu.memory_space<vmem>>)
        %dma_start3A_992 = arith.constant 2 : i32
        %dma_start3A_993 = arith.constant 2 : i32
        %dma_start3A_994 = arith.constant 2 : i32
        %dma_start3A_995 = arith.constant 0 : i32
        %dma_start3A_996 = arith.constant 0 : i32
        %dma_start3A_997 = tpu.memref_slice %arg9[%dma_start3A_993, %dma_start3A_995, %dma_start3A_996] : memref<4x64x128xf32, #tpu.memory_space<vmem>> -> memref<1x64x128xf32, #tpu.memory_space<vmem>>
        %dma_start3A_998 = tpu.memref_squeeze %dma_start3A_997 : memref<1x64x128xf32, #tpu.memory_space<vmem>> -> memref<64x128xf32, #tpu.memory_space<vmem>>
        %dma_start3A_999 = arith.constant 0 : i32
        %dma_start3A_1000 = tpu.memref_slice %arg7[%dma_start3A_992, %dma_start3A_999] : memref<8x64xi32, #tpu.memory_space<vmem>> -> memref<1x64xi32, #tpu.memory_space<vmem>>
        %dma_start3A_1001 = tpu.memref_squeeze %dma_start3A_1000 : memref<1x64xi32, #tpu.memory_space<vmem>> -> memref<64xi32, #tpu.memory_space<vmem>>
        %dma_start3A_1002 = arith.constant 0 : i32
        %dma_start3A_1003 = tpu.memref_slice %arg2[%dma_start3A_1002, %mul3A_3] : memref<10000x256xf32, #tpu.memory_space<hbm>> -> memref<10000x128xf32, #tpu.memory_space<hbm>>
        %dma_start3A_1004 = tpu.memref_slice %arg11[%dma_start3A_994] : memref<4x!tpu.dma_semaphore, #tpu.memory_space<semaphore_mem>> -> memref<1x!tpu.dma_semaphore, #tpu.memory_space<semaphore_mem>>
        %dma_start3A_1005 = tpu.memref_squeeze %dma_start3A_1004 : memref<1x!tpu.dma_semaphore, #tpu.memory_space<semaphore_mem>> -> memref<!tpu.dma_semaphore, #tpu.memory_space<semaphore_mem>>
        tpu.enqueue_indirect_dma source(%dma_start3A_1003 : memref<10000x128xf32, #tpu.memory_space<hbm>>) target(%dma_start3A_998 : memref<64x128xf32, #tpu.memory_space<vmem>>) offsets(%dma_start3A_1001 : memref<64xi32, #tpu.memory_space<vmem>>) semaphore(%dma_start3A_1005 : memref<!tpu.dma_semaphore, #tpu.memory_space<semaphore_mem>>)
      } else {
      }
    }
    %scan3A_337 = arith.constant 20 : i32
    %dma_wait3A_338 = arith.constant 3 : i32
    %dma_wait3A_339 = arith.constant 7 : i32
    %dma_wait3A_340 = arith.constant 3 : i32
    %dma_wait3A_341 = arith.constant 0 : i32
    %dma_wait3A_342 = arith.constant 0 : i32
    %dma_wait3A_343 = tpu.memref_slice %arg9[%dma_wait3A_338, %dma_wait3A_341, %dma_wait3A_342] : memref<4x64x128xf32, #tpu.memory_space<vmem>> -> memref<1x64x128xf32, #tpu.memory_space<vmem>>
    %dma_wait3A_344 = tpu.memref_squeeze %dma_wait3A_343 : memref<1x64x128xf32, #tpu.memory_space<vmem>> -> memref<64x128xf32, #tpu.memory_space<vmem>>
    %dma_wait3A_345 = arith.constant 0 : i32
    %dma_wait3A_346 = tpu.memref_slice %arg8[%dma_wait3A_339, %dma_wait3A_345] : memref<8x64xi32, #tpu.memory_space<vmem>> -> memref<1x64xi32, #tpu.memory_space<vmem>>
    %dma_wait3A_347 = tpu.memref_squeeze %dma_wait3A_346 : memref<1x64xi32, #tpu.memory_space<vmem>> -> memref<64xi32, #tpu.memory_space<vmem>>
    %dma_wait3A_348 = arith.constant 0 : i32
    %dma_wait3A_349 = arith.constant 0 : i32
    %dma_wait3A_350 = tpu.memref_slice %arg10[%dma_wait3A_348, %dma_wait3A_349] : memref<10008x128xf32, #tpu.memory_space<vmem_shared>> -> memref<10008x128xf32, #tpu.memory_space<vmem_shared>>
    %dma_wait3A_351 = tpu.memref_slice %arg12[%dma_wait3A_340] : memref<4x!tpu.dma_semaphore, #tpu.memory_space<semaphore_mem>> -> memref<1x!tpu.dma_semaphore, #tpu.memory_space<semaphore_mem>>
    %dma_wait3A_352 = tpu.memref_squeeze %dma_wait3A_351 : memref<1x!tpu.dma_semaphore, #tpu.memory_space<semaphore_mem>> -> memref<!tpu.dma_semaphore, #tpu.memory_space<semaphore_mem>>
    tpu.wait_indirect_dma semaphore(%dma_wait3A_352 : memref<!tpu.dma_semaphore, #tpu.memory_space<semaphore_mem>>) src(%dma_wait3A_344 : memref<64x128xf32, #tpu.memory_space<vmem>>) dst(%dma_wait3A_350 : memref<10008x128xf32, #tpu.memory_space<vmem_shared>>)
    %barrier3A_353 = arith.constant 0 : index
    tpu.barrier barrier_id(%barrier3A_353)
    %eq3A = arith.constant 0 : i32
    %eq3A_354 = arith.cmpi eq, %arg0, %eq3A : i32
    %convert_element_type3A = arith.extui %eq3A_354 : i1 to i32
    %cond3A = arith.constant 0 : i32
    %cond3A_355 = arith.cmpi ne, %convert_element_type3A, %cond3A : i32
    scf.if %cond3A_355 {
      "tpu.region"() ({
        %run_scoped3A = tpu.sem_alloc : memref<!tpu.dma_semaphore, #tpu.memory_space<semaphore_mem>>
        %dma_start3A_361 = arith.constant 0 : i32
        %dma_start3A_362 = tpu.memref_slice %arg5[%min3A_1, %dma_start3A_361] : memref<10000x128xf32, #tpu.memory_space<hbm>> -> memref<632x128xf32, #tpu.memory_space<hbm>>
        %dma_start3A_363 = arith.constant 0 : i32
        %dma_start3A_364 = tpu.memref_slice %arg10[%min3A_1, %dma_start3A_363] : memref<10008x128xf32, #tpu.memory_space<vmem_shared>> -> memref<632x128xf32, #tpu.memory_space<vmem_shared>>
        tpu.enqueue_dma source(%dma_start3A_364 : memref<632x128xf32, #tpu.memory_space<vmem_shared>>) target(%dma_start3A_362 : memref<632x128xf32, #tpu.memory_space<hbm>>) target_semaphore(%run_scoped3A : memref<!tpu.dma_semaphore, #tpu.memory_space<semaphore_mem>>)
        %dma_wait3A_365 = arith.constant 0 : i32
        %dma_wait3A_366 = tpu.memref_slice %arg5[%min3A_1, %dma_wait3A_365] : memref<10000x128xf32, #tpu.memory_space<hbm>> -> memref<632x128xf32, #tpu.memory_space<hbm>>
        %dma_wait3A_367 = arith.constant 0 : i32
        %dma_wait3A_368 = tpu.memref_slice %arg10[%min3A_1, %dma_wait3A_367] : memref<10008x128xf32, #tpu.memory_space<vmem_shared>> -> memref<632x128xf32, #tpu.memory_space<vmem_shared>>
        tpu.wait_dma2 semaphore(%run_scoped3A : memref<!tpu.dma_semaphore, #tpu.memory_space<semaphore_mem>>) src(%dma_wait3A_368 : memref<632x128xf32, #tpu.memory_space<vmem_shared>>) dst(%dma_wait3A_366 : memref<632x128xf32, #tpu.memory_space<hbm>>)
        tpu.yield
      }) : () -> ()
    } else {
    }
    %eq3A_356 = arith.constant 1 : i32
    %eq3A_357 = arith.cmpi eq, %arg0, %eq3A_356 : i32
    %convert_element_type3A_358 = arith.extui %eq3A_357 : i1 to i32
    %cond3A_359 = arith.constant 0 : i32
    %cond3A_360 = arith.cmpi ne, %convert_element_type3A_358, %cond3A_359 : i32
    scf.if %cond3A_360 {
      "tpu.region"() ({
        %run_scoped3A = tpu.sem_alloc : memref<!tpu.dma_semaphore, #tpu.memory_space<semaphore_mem>>
        %dma_start3A_361 = arith.constant 0 : i32
        %dma_start3A_362 = tpu.memref_slice %arg6[%min3A_1, %dma_start3A_361] : memref<10000x128xf32, #tpu.memory_space<hbm>> -> memref<632x128xf32, #tpu.memory_space<hbm>>
        %dma_start3A_363 = arith.constant 0 : i32
        %dma_start3A_364 = tpu.memref_slice %arg10[%min3A_1, %dma_start3A_363] : memref<10008x128xf32, #tpu.memory_space<vmem_shared>> -> memref<632x128xf32, #tpu.memory_space<vmem_shared>>
        tpu.enqueue_dma source(%dma_start3A_364 : memref<632x128xf32, #tpu.memory_space<vmem_shared>>) target(%dma_start3A_362 : memref<632x128xf32, #tpu.memory_space<hbm>>) target_semaphore(%run_scoped3A : memref<!tpu.dma_semaphore, #tpu.memory_space<semaphore_mem>>)
        %dma_wait3A_365 = arith.constant 0 : i32
        %dma_wait3A_366 = tpu.memref_slice %arg6[%min3A_1, %dma_wait3A_365] : memref<10000x128xf32, #tpu.memory_space<hbm>> -> memref<632x128xf32, #tpu.memory_space<hbm>>
        %dma_wait3A_367 = arith.constant 0 : i32
        %dma_wait3A_368 = tpu.memref_slice %arg10[%min3A_1, %dma_wait3A_367] : memref<10008x128xf32, #tpu.memory_space<vmem_shared>> -> memref<632x128xf32, #tpu.memory_space<vmem_shared>>
        tpu.wait_dma2 semaphore(%run_scoped3A : memref<!tpu.dma_semaphore, #tpu.memory_space<semaphore_mem>>) src(%dma_wait3A_368 : memref<632x128xf32, #tpu.memory_space<vmem_shared>>) dst(%dma_wait3A_366 : memref<632x128xf32, #tpu.memory_space<hbm>>)
        tpu.yield
      }) : () -> ()
    } else {
    }
    return
  }
}

module attributes {stable_mosaic.version = 14 : i64} {
  func.func @_mlp_body(%arg0: i32, %arg1: memref<2000x128xf32, #tpu.memory_space<vmem>>, %arg2: memref<2000x128xf32, #tpu.memory_space<vmem>>, %arg3: memref<128x256xf32, #tpu.memory_space<vmem>>, %arg4: memref<128x256xf32, #tpu.memory_space<vmem>>, %arg5: memref<1x256xf32, #tpu.memory_space<vmem>>, %arg6: memref<256x256xf32, #tpu.memory_space<vmem>>, %arg7: memref<1x256xf32, #tpu.memory_space<vmem>>, %arg8: memref<2000x256xf32, #tpu.memory_space<vmem>>) attributes {dimension_semantics = [#tpu.dimension_semantics<arbitrary>], iteration_bounds = array<i64: 5>, scalar_prefetch = 0 : i64, scratch_operands = 0 : i64, tpu.core_type = #tpu.core_type<tc>, window_params = [{transform_indices = @transform_0, window_bounds = array<i64: 2000, 128>}, {transform_indices = @transform_1, window_bounds = array<i64: 2000, 128>}, {pipeline_mode = #tpu.pipeline_mode<synchronous>, transform_indices = @transform_2, window_bounds = array<i64: 128, 256>}, {pipeline_mode = #tpu.pipeline_mode<synchronous>, transform_indices = @transform_3, window_bounds = array<i64: 128, 256>}, {pipeline_mode = #tpu.pipeline_mode<synchronous>, transform_indices = @transform_4, window_bounds = array<i64: 1, 256>}, {pipeline_mode = #tpu.pipeline_mode<synchronous>, transform_indices = @transform_5, window_bounds = array<i64: 256, 256>}, {pipeline_mode = #tpu.pipeline_mode<synchronous>, transform_indices = @transform_6, window_bounds = array<i64: 1, 256>}, {transform_indices = @transform_7, window_bounds = array<i64: 2000, 256>}]} {
    %get3A = arith.constant 0 : index
    %get3A_0 = arith.constant 0 : index
    %get3A_1 = vector.load %arg1[%get3A, %get3A_0] : memref<2000x128xf32, #tpu.memory_space<vmem>>, vector<2000x128xf32>
    %get3A_2 = arith.constant 0 : index
    %get3A_3 = arith.constant 0 : index
    %get3A_4 = vector.load %arg3[%get3A_2, %get3A_3] : memref<128x256xf32, #tpu.memory_space<vmem>>, vector<128x256xf32>
    %dot_general3A = arith.constant dense<0.000000e+00> : vector<2000x256xf32>
    %dot_general3A_5 = tpu.matmul %get3A_1, %get3A_4, %dot_general3A {dimension_numbers = #tpu.dot_dimension_numbers<[1], [0], [0], [1], [0, 0, 1, 1], [], []>, transpose_lhs_hint = false} : vector<2000x128xf32>, vector<128x256xf32>, vector<2000x256xf32> -> vector<2000x256xf32>
    %get3A_6 = arith.constant 0 : index
    %get3A_7 = arith.constant 0 : index
    %get3A_8 = vector.load %arg2[%get3A_6, %get3A_7] : memref<2000x128xf32, #tpu.memory_space<vmem>>, vector<2000x128xf32>
    %get3A_9 = arith.constant 0 : index
    %get3A_10 = arith.constant 0 : index
    %get3A_11 = vector.load %arg4[%get3A_9, %get3A_10] : memref<128x256xf32, #tpu.memory_space<vmem>>, vector<128x256xf32>
    %dot_general3A_12 = arith.constant dense<0.000000e+00> : vector<2000x256xf32>
    %dot_general3A_13 = tpu.matmul %get3A_8, %get3A_11, %dot_general3A_12 {dimension_numbers = #tpu.dot_dimension_numbers<[1], [0], [0], [1], [0, 0, 1, 1], [], []>, transpose_lhs_hint = false} : vector<2000x128xf32>, vector<128x256xf32>, vector<2000x256xf32> -> vector<2000x256xf32>
    %add3A = arith.addf %dot_general3A_5, %dot_general3A_13 : vector<2000x256xf32>
    %get3A_14 = arith.constant 0 : index
    %get3A_15 = arith.constant 0 : index
    %get3A_16 = vector.load %arg5[%get3A_14, %get3A_15] : memref<1x256xf32, #tpu.memory_space<vmem>>, vector<1x256xf32>
    %add3A_17 = vector.broadcast %get3A_16 : vector<1x256xf32> to vector<2000x256xf32>
    %add3A_18 = arith.addf %add3A, %add3A_17 : vector<2000x256xf32>
    %max3A = arith.constant 0.000000e+00 : f32
    %max3A_19 = vector.broadcast %max3A : f32 to vector<2000x256xf32>
    %max3A_20 = arith.maximumf %add3A_18, %max3A_19 : vector<2000x256xf32>
    %get3A_21 = arith.constant 0 : index
    %get3A_22 = arith.constant 0 : index
    %get3A_23 = vector.load %arg6[%get3A_21, %get3A_22] : memref<256x256xf32, #tpu.memory_space<vmem>>, vector<256x256xf32>
    %dot_general3A_24 = arith.constant dense<0.000000e+00> : vector<2000x256xf32>
    %dot_general3A_25 = tpu.matmul %max3A_20, %get3A_23, %dot_general3A_24 {dimension_numbers = #tpu.dot_dimension_numbers<[1], [0], [0], [1], [0, 0, 1, 1], [], []>, transpose_lhs_hint = false} : vector<2000x256xf32>, vector<256x256xf32>, vector<2000x256xf32> -> vector<2000x256xf32>
    %get3A_26 = arith.constant 0 : index
    %get3A_27 = arith.constant 0 : index
    %get3A_28 = vector.load %arg7[%get3A_26, %get3A_27] : memref<1x256xf32, #tpu.memory_space<vmem>>, vector<1x256xf32>
    %add3A_29 = vector.broadcast %get3A_28 : vector<1x256xf32> to vector<2000x256xf32>
    %add3A_30 = arith.addf %dot_general3A_25, %add3A_29 : vector<2000x256xf32>
    %swap3A = arith.constant 0 : index
    %swap3A_31 = arith.constant 0 : index
    %swap3A_32 = vector.load %arg8[%swap3A, %swap3A_31] : memref<2000x256xf32, #tpu.memory_space<vmem>>, vector<2000x256xf32>
    tpu.vector_store %arg8[%swap3A, %swap3A_31], %add3A_30 {strides = array<i32>} : memref<2000x256xf32, #tpu.memory_space<vmem>>, vector<2000x256xf32>,
    return
  }
  func.func @transform_0(%arg0: i32) -> (i32, i32) {
    %c0_i32 = arith.constant 0 : i32
    %c0_i32_0 = arith.constant 0 : i32
    return %arg0, %c0_i32 : i32, i32
  }
  func.func @transform_1(%arg0: i32) -> (i32, i32) {
    %c0_i32 = arith.constant 0 : i32
    %c0_i32_0 = arith.constant 0 : i32
    return %arg0, %c0_i32 : i32, i32
  }
  func.func @transform_2(%arg0: i32) -> (i32, i32) {
    %c0_i32 = arith.constant 0 : i32
    %c0_i32_0 = arith.constant 0 : i32
    %c0_i32_1 = arith.constant 0 : i32
    return %c0_i32, %c0_i32_0 : i32, i32
  }
  func.func @transform_3(%arg0: i32) -> (i32, i32) {
    %c0_i32 = arith.constant 0 : i32
    %c0_i32_0 = arith.constant 0 : i32
    %c0_i32_1 = arith.constant 0 : i32
    return %c0_i32, %c0_i32_0 : i32, i32
  }
  func.func @transform_4(%arg0: i32) -> (i32, i32) {
    %c0_i32 = arith.constant 0 : i32
    %c0_i32_0 = arith.constant 0 : i32
    %c0_i32_1 = arith.constant 0 : i32
    return %c0_i32, %c0_i32_0 : i32, i32
  }
  func.func @transform_5(%arg0: i32) -> (i32, i32) {
    %c0_i32 = arith.constant 0 : i32
    %c0_i32_0 = arith.constant 0 : i32
    %c0_i32_1 = arith.constant 0 : i32
    return %c0_i32, %c0_i32_0 : i32, i32
  }
  func.func @transform_6(%arg0: i32) -> (i32, i32) {
    %c0_i32 = arith.constant 0 : i32
    %c0_i32_0 = arith.constant 0 : i32
    %c0_i32_1 = arith.constant 0 : i32
    return %c0_i32, %c0_i32_0 : i32, i32
  }
  func.func @transform_7(%arg0: i32) -> (i32, i32) {
    %c0_i32 = arith.constant 0 : i32
    %c0_i32_0 = arith.constant 0 : i32
    return %arg0, %c0_i32 : i32, i32
  }
}

</mosaic_0001>

<sc_bundles>
// kernel: kernel.4.cloned.1.call-start
scs
__scs_entry_jumppad:
0x0: {  	(pc) =	sbr.rel $0x88, $3  }
0x1: {  	(tag) =	ssettag $0x0;
	lr =	simm.s32 $0x1  }
0x2: {  	[smem:$0x3F9B] =	sst lr;
	_ =	strace $0xD0000000  }
0x3: {  	_ = 	snop  }
0x4: {  	_ = 	snop  }
0x5: {  	_ = 	snop  }
0x6: {  	_ = 	snop  }
0x7: {  	_ = 	snop  }
__scs_overlays_trampoline_lowered:
0x8: {  	[smem:$0x3FAA] =	sst s0  }
0x9: {  	[smem:$0x3FAB] =	sst s1  }
0xa: {  	[smem:$0x3FAC] =	sst s2  }
0xb: {  	[smem:$0x3FAD] =	sst s3  }
0xc: {  	[smem:$0x3FAE] =	sst s4  }
0xd: {  	[smem:$0x3FAF] =	sst s5  }
0xe: {  	[smem:$0x3FB0] =	sst s6  }
0xf: {  	[smem:$0x3FB1] =	sst s7  }
0x10: {  	[smem:$0x3FB2] =	sst s8  }
0x11: {  	[smem:$0x3FB3] =	sst s9;
	s0 =	simm.s32 @!p0 $0x0  }
0x12: {  	s1 =	sld [smem:$0x3F99];
	s0 =	simm.s32 @p0 $0x1  }
0x13: {  	[smem:$0x3FB4] =	sst s0;
	s0 =	simm.s32 @!p1 $0x0  }
0x14: {  	s2 =	sld [smem:$0x3F98];
	s0 =	simm.s32 @p1 $0x1  }
0x15: {  	[smem:$0x3FB5] =	sst s0;
	s0 =	simm.s32 @!p2 $0x0  }
0x16: {  	s3 =	sld [smem:$0x3FDB];
	s0 =	simm.s32 @p2 $0x1  }
0x17: {  	s4 =	simm.s32 $0x1BF5;
	[smem:$0x3FB7] =	sst s0  }
0x18: {  	s0 =	sld [smem:$0x3F9A];
	_ =	swait.ge [sflag:s4], $0x0  }
0x19: {  	s7 =	sld [smem:$0x3F9B]  }
0x1a: {  	s8 =	sadd.s32 $0xFFFFE003, lr  }
0x1b: {  	s9 =	sadd.s32 $0xFFFFFEF7, lr;
	s5 =	simm.s32 $0xFFFFFFFF;
	p2 =	slt.u32 s8, $0xFFFFF086  }
0x1c: {  	p1 =	slt.u32 s9, $0xF7A;
	s5 =	simm.s32 @!p2 $0x0  }
0x1d: {  	s5 =	simm.s32 @p1 $0x1;
	p0 =	seq.s32 s7, s2  }
0x1e: {  	s7 =	smul.u32 @!p0 $0xF7A, s2;
	p2 =	seq.s32 @!p0 s5, $0x0  }
0x1f: {  	s9 =	smul.u32 $0xF7A, s1;
	s8 =	simm.s32 @!p0 $0x1BF5;
	p2 =	por !p2, p0  }
0x20: {  	[sflag:s8] =	ssyncset.s32 @!p0 $0xFFFFF086;
	s6 =	sadd.s32 @!p0 s3, s7;
	s7 =	simm.s32 @!p0 $0x108  }
0x21: {  	s3 =	sadd.s32 s3, s9;
	s6 =	sadd.s32 @!p0 $0x88, s6;
	s7 =	simm.s32 @p2 $0x1082  }
0x22: {  	[simem:s7], [sflag:s8] =	dma.local @!p0 [hbm:s6], $0xF7A  }
0x23: {  	s9 =	sor.u32 $0xD0000000, s2;
	s6 =	simm.s32 $0x108;
	_ =	swait.ge @!p0 [sflag:s8], $0x0  }
0x24: {  	s3 =	sadd.s32 $0x88, s3;
	s6 =	simm.s32 @!p1 $0x1082;
	[sflag:s4] =	ssyncset.s32 $0xFFFFF086  }
0x25: {  	[simem:s6], [sflag:s4] =	dma.local [hbm:s3], $0xF7A  }
0x26: {  	[smem:$0x3F9B] =	sst s1;
	(tag) =	ssettag s2;
	_ =	strace s9  }
0x27: {  	s1 =	sld [smem:$0x3FAB]  }
0x28: {  	s2 =	sld [smem:$0x3FAC]  }
0x29: {  	s4 =	sld [smem:$0x3FAE]  }
0x2a: {  	p0 =	seq.s32 s5, $0x0;
	s5 =	sld [smem:$0x3FAF]  }
0x2b: {  	s6 =	sld [smem:$0x3FB0]  }
0x2c: {  	s7 =	sld [smem:$0x3FB1]  }
0x2d: {  	s3 =	simm.s32 $0x108;
	s8 =	sld [smem:$0x3FB2]  }
0x2e: {  	s3 =	simm.s32 @!p0 $0x1082;
	s9 =	sld [smem:$0x3FB3]  }
0x2f: {  	lr =	sadd.s32 s0, s3;
	s0 =	sld [smem:$0x3FAA]  }
0x30: {  	s3 =	sld [smem:$0x3FAD]  }
0x31: {  	[smem:$0x3FB6] =	sst s10  }
0x32: {  	s10 =	sld [smem:$0x3FB4];
	_ =	sdelay $0x3  }
0x33: {  	p0 =	seq.s32 s10, $0x1;
	s10 =	sld [smem:$0x3FB6];
	_ =	sdelay $0x3  }
0x34: {  	[smem:$0x3FB6] =	sst s10  }
0x35: {  	s10 =	sld [smem:$0x3FB5];
	_ =	sdelay $0x3  }
0x36: {  	p1 =	seq.s32 s10, $0x1;
	s10 =	sld [smem:$0x3FB6];
	_ =	sdelay $0x3  }
0x37: {  	[smem:$0x3FB6] =	sst s10  }
0x38: {  	s10 =	sld [smem:$0x3FB7]  }
0x39: {  	_ = 	snop;
	(pc) =	sbr.ind lr, $3  }
0x3a: {  	_ = 	snop  }
0x3b: {  	_ = 	snop  }
0x3c: {  	p2 =	seq.s32 s10, $0x1;
	s10 =	sld [smem:$0x3FB6]  }
0x3d: {  	_ =	shalt  }
0x3e: {  	_ =	shalt  }
0x3f: {  	_ =	shalt  }
0x40: {  	_ =	shalt  }
0x41: {  	_ =	shalt  }
0x42: {  	_ =	shalt  }
0x43: {  	_ =	shalt  }
0x44: {  	_ =	shalt  }
0x45: {  	_ =	shalt  }
0x46: {  	_ =	shalt  }
0x47: {  	_ =	shalt  }
0x48: {  	_ =	shalt  }
0x49: {  	_ =	shalt  }
0x4a: {  	_ =	shalt  }
0x4b: {  	_ =	shalt  }
0x4c: {  	_ =	shalt  }
0x4d: {  	_ =	shalt  }
0x4e: {  	_ =	shalt  }
0x4f: {  	_ =	shalt  }
0x50: {  	_ =	shalt  }
0x51: {  	_ =	shalt  }
0x52: {  	_ =	shalt  }
0x53: {  	_ =	shalt  }
0x54: {  	_ =	shalt  }
0x55: {  	_ =	shalt  }
0x56: {  	_ =	shalt  }
0x57: {  	_ =	shalt  }
0x58: {  	_ =	shalt  }
0x59: {  	_ =	shalt  }
0x5a: {  	_ =	shalt  }
0x5b: {  	_ =	shalt  }
0x5c: {  	_ =	shalt  }
0x5d: {  	_ =	shalt  }
0x5e: {  	_ =	shalt  }
0x5f: {  	_ =	shalt  }
0x60: {  	_ =	shalt  }
0x61: {  	_ =	shalt  }
0x62: {  	_ =	shalt  }
0x63: {  	_ =	shalt  }
0x64: {  	_ =	shalt  }
0x65: {  	_ =	shalt  }
0x66: {  	_ =	shalt  }
0x67: {  	_ =	shalt  }
0x68: {  	_ =	shalt  }
0x69: {  	_ =	shalt  }
0x6a: {  	_ =	shalt  }
0x6b: {  	_ =	shalt  }
0x6c: {  	_ =	shalt  }
0x6d: {  	_ =	shalt  }
0x6e: {  	_ =	shalt  }
0x6f: {  	_ =	shalt  }
0x70: {  	_ =	shalt  }
0x71: {  	_ =	shalt  }
0x72: {  	_ =	shalt  }
0x73: {  	_ =	shalt  }
0x74: {  	_ =	shalt  }
0x75: {  	_ =	shalt  }
0x76: {  	_ =	shalt  }
0x77: {  	_ =	shalt  }
0x78: {  	_ =	shalt  }
0x79: {  	_ =	shalt  }
0x7a: {  	_ =	shalt  }
0x7b: {  	_ =	shalt  }
0x7c: {  	_ =	shalt  }
0x7d: {  	_ =	shalt  }
0x7e: {  	_ =	shalt  }
0x7f: {  	_ =	shalt  }
0x80: {  	_ =	shalt  }
0x81: {  	_ =	shalt  }
0x82: {  	_ =	shalt  }
0x83: {  	_ =	shalt  }
0x84: {  	_ =	shalt  }
0x85: {  	_ =	shalt  }
0x86: {  	_ =	shalt  }
0x87: {  	_ =	shalt  }
.Lfunc_end0:
.L_simem_size_0:
called_computation_lowered:
.L_overlay_start_0:
0x88: {  	s2 =	sld [smem:$0x3FD9]  }
0x89: {  	s3 =	sld [smem:$0x3FFE];
	_ =	sdelay $0x1  }
0x8a: {  	s1 =	srdreg.scid  }
0x8b: {  	s0 =	sand.u32 $0x1, s1  }
0x8c: {  	s17 =	sshll.u32 s0, $0xA;
	s2 =	sadd.s32 s3, s2  }
0x8d: {  	s2 =	sadd.s32 s2, s17  }
0x8e: {  	[smem:$0x3FC2] =	sst s2  }
0x8f: {  	_ = 	snop  }
0x90: {  	s2 =	sld [smem:$0x3FC9]  }
0x91: {  	s18 =	sld [smem:$0x3FD0];
	(tm) =	ssettm $0x1  }
0x92: {  	s4 =	sld [smem:$0x3FFB];
	_ =	sdelay $0x3  }
0x93: {  	_ =	strace s4  }
0x94: {  	s4 =	sld [smem:$0x3FFC];
	_ =	sdelay $0x3  }
0x95: {  	_ =	strace s4  }
0x96: {  	s4 =	sld [smem:$0x3FFD];
	_ =	sdelay $0x3  }
0x97: {  	_ =	strace s4  }
0x98: {  	_ =	strace $0x8FFFFFFF  }
0x99: {  	s19 =	sld [smem:$0x3FDB];
	_ =	sdelay $0x1  }
0x9a: {  	s5 =	simm.s32 $_scs_section_size  }
0x9b: {  	s6 =	simm.s32 $_size__tile_overlayer_lowered;
	s7 =	simm.s32 $_tile_overlayer_lowered  }
0x9c: {  	s22 =	simm.s32 $0x1BFF;
	s21 =	sshll.u32 s7, $0x1;
	s4 =	sadd.s32 s5, s19  }
0x9d: {  	s8 =	simm.s32 $0x0;
	s20 =	sshll.u32 s6, $0x1;
	s6 =	sadd.s32 s21, s4  }
0x9e: {  	[timem:s8], [sflag:s22] =	dma.local [hbm:s6], s20  }
0x9f: {  	_ =	swait.ge [sflag:s22], s20  }
0xa0: {  	s5 =	ssub.s32 $0x0, s20;
	[sflag:s22] =	ssyncset.done $0x0  }
0xa1: {  	[sflag:s22] =	ssyncadd.s32 s5;
	_ =	sdelay $0x1  }
0xa2: {  	s23 =	simm.s32 $0x1B8B  }
0xa3: {  	_ =	swait.ge [sflag:s23], $0x1  }
0xa4: {  	[sflag:s23] =	ssyncset.done $0x0  }
0xa5: {  	s25 =	simm.s32 $0x1B8E;
	s24 =	sld [smem:$0x3FFE];
	[sflag:s23] =	ssyncadd.s32 $0xFFFFFFFF  }
0xa6: {  	s26 =	simm.s32 $execute0_lowered;
	[smem:$0x3FD2] =	sst s25  }
0xa7: {  	s6 =	sshll.u32 s26, $0x1;
	_ =	strace $0x80000046;
	[dreg:$0x1] =	wrdreg $0xFFFFFFFF  }
0xa8: {  	s28 =	simm.s32 $_size_execute0_lowered;
	s4 =	sadd.s32 s4, s6;
	[dreg:$0x0] =	wrdreg $0x0  }
0xa9: {  	s6 =	sshll.u32 s28, $0x1;
	[dreg:$0x2] =	wrdreg s4  }
0xaa: {  	[dreg:$0x3] =	wrdreg s6  }
0xab: {  	[dreg:$0x4] =	wrdreg $0xC0  }
0xac: {  	_ =	task [dreg:s8], $0x5FFFF  }
0xad: {  	[dreg:$0x1] =	wrdreg $0xFFFFFFFF  }
0xae: {  	[dreg:$0x0] =	wrdreg $0x60  }
0xaf: {  	[dreg:$0x2] =	wrdreg s2  }
0xb0: {  	[dreg:$0x3] =	wrdreg s24  }
0xb1: {  	[dreg:$0x4] =	wrdreg s18  }
0xb2: {  	[dreg:$0x5] =	wrdreg $0x88000  }
0xb3: {  	[dreg:$0x6] =	wrdreg $0x9  }
0xb4: {  	_ =	task.clear_ibuf [dreg:s8], $0x7FFFF;
	_ =	strace $0x90000046  }
0xb5: {  	s29 =	simm.s32 $0x9;
	_ =	strace $0x80000048  }
0xb6: {  	_ =	swait.ge [sflag:s29], $0x1  }
0xb7: {  	[sflag:s29] =	ssyncadd.s32 $0xFFFFFFFF  }
0xb8: {  	_ =	strace $0x90000048  }
0xb9: {  	_ =	sfence  }
0xba: {  	s30 =	sld [smem:$0x0];
	_ =	sdelay $0x2  }
0xbb: {  	s31 =	sshll.u32 s1, $0xD;
	s1 =	sshrl.u32 s1, $0x2  }
0xbc: {  	s3 =	sand.u32 $0x4000, s31;
	s1 =	sadd.s32 s1, s30  }
0xbd: {  	s0 =	sor.u32 s3, s0;
	s1 =	sshll.u32 s1, $0x11  }
0xbe: {  	s0 =	sor.u32 s1, s0  }
0xbf: {  	s0 =	sadd.s32 $0x8F2B, s0  }
0xc0: {  	[sflag:s0] =	ssyncadd.remote.s32 $0x1  }
0xc1: {  	_ =	sfence.sel $0xFFFF  }
0xc2: {  	[dreg:$0x0] =	wrdreg $0xFFFFFFFF;
	(pc) =	sbr.abs _section_cstart, $3  }
0xc3: {  	[dreg:$0x1] =	wrdreg $0xFFFFFFFF  }
0xc4: {  	_ =	task.clear_ibuf [dreg:s8], $0x2FFFF;
	_ =	strace $0x9FFFFFFF  }
0xc5: {  	(tm) =	ssettm $0x7FFFFFFF  }
tec
execute0_lowered:
.L_overlay_start_1:
0x0: {  	(tag) =	ssettag $0x1  }
0x1: {  	s0 =	rddreg [dreg:$0x0]  }
0x2: {  	s2 =	rddreg [dreg:$0x1]  }
0x3: {  	s5 =	rddreg [dreg:$0x2]  }
0x4: {  	s1 =	rddreg [dreg:$0x3]  }
0x5: {  	s3 =	simm.s32 $0x0;
	s4 =	srdreg.scid;
	s18 =	stileid.u32  }
0x6: {  	s29 =	simm.s32 $0x600;
	s30 =	simm.s32 $0x680;
	s31 =	simm.s32 $0x8  }
0x7: {  	[smem:$0x7FF] =	sst s3;
	s6 =	sand.u32 $0x1, s4;
	s7 =	smul.u32 $0x278, s18  }
0x8: {  	s8 =	sadd.s32 $0xAE00, s2;
	s4 =	smul.u32 $0x5000, s18;
	s10 =	sadd.s32 $0xE00, s2  }
0x9: {  	s11 =	sadd.s32 $0x14E00, s2;
	_ =	strace $0x80000047;
	s9 =	ssub.s32 $0x2, s6  }
0xa: {  	p0 =	seq.s32 s6, $0x1;
	s6 =	sshll.u32 s6, $0x7;
	s12 =	sshrl.u32 s9, $0x1  }
0xb: {  	s7 =	smin.u32 s7, $0x2498;
	s28 =	sshrl.u32 s4, $0x3;
	s5 =	smov.u32 @p0 s11  }
0xc: {  	[dreg:$0x1e] =	wrdreg s4;
	s9 =	ssub.s32 s9, s12;
	s12 =	sadd.s32 s10, s28  }
0xd: {  	s19 =	sadd.s32 s8, s28;
	s13 =	sor.u32 $0x10, s28;
	[dreg:$0xb] =	wrdreg s12  }
0xe: {  	s14 =	sor.u32 $0x20, s28;
	s15 =	sadd.s32 s8, s13;
	[dreg:$0x5] =	wrdreg s19  }
0xf: {  	s21 =	sor.u32 $0x30, s28;
	s20 =	sadd.s32 s8, s14;
	[dreg:$0x6] =	wrdreg s15  }
0x10: {  	s17 =	sor.u32 $0x50, s28;
	s16 =	sadd.s32 s8, s21;
	[dreg:$0x7] =	wrdreg s20  }
0x11: {  	s11 =	simm.s32 $0x6800;
	s23 =	sadd.s32 s8, s17;
	[dreg:$0x8] =	wrdreg s16  }
0x12: {  	s22 =	sor.u32 $0x40, s28;
	s24 =	sadd.s32 s10, s13;
	[dreg:$0xa] =	wrdreg s23  }
0x13: {  	s25 =	sadd.s32 s10, s14;
	s26 =	sadd.s32 s10, s21;
	[dreg:$0xc] =	wrdreg s24  }
0x14: {  	s28 =	sadd.s32 s10, s22;
	s12 =	sshll.u32 s7, $0x7;
	[dreg:$0xd] =	wrdreg s25  }
0x15: {  	s13 =	smul.u32 $0xA00, s18;
	s14 =	sadd.s32 s10, s17;
	[dreg:$0xe] =	wrdreg s26  }
0x16: {  	s17 =	sshll.u32 s7, $0x5;
	s20 =	sadd.s32 s8, s22;
	[dreg:$0xf] =	wrdreg s28  }
0x17: {  	s16 =	sadd.s32 s0, s6;
	s6 =	sshll.u32 s7, $0x4;
	[dreg:$0x11] =	wrdreg s14  }
0x18: {  	s15 =	sadd.s32 s12, s1;
	s22 =	sadd.s32 $0xE20, s2;
	[dreg:$0x9] =	wrdreg s20  }
0x19: {  	s23 =	sadd.s32 $0xE30, s2;
	s24 =	sadd.s32 $0xE40, s2;
	[dreg:$0x12] =	wrdreg s15  }
0x1a: {  	s25 =	smax.u32 s9, $0x1;
	s26 =	sadd.s32 $0x60, s19;
	[dreg:$0x15] =	wrdreg s22  }
0x1b: {  	s28 =	sadd.s32 $0x70, s19;
	s7 =	simm.s32 $0x580;
	[dreg:$0x16] =	wrdreg s23  }
0x1c: {  	s14 =	simm.s32 $0x800;
	s9 =	simm.s32 $0x4800;
	[dreg:$0x17] =	wrdreg s24  }
0x1d: {  	s0 =	sadd.s32 s5, s6;
	s21 =	sadd.s32 s13, s8;
	[dreg:$0x18] =	wrdreg s25  }
0x1e: {  	v0 =	vimm.s32 $0x7;
	s20 =	sshll.u32 s18, $0x6;
	s5 =	sadd.s32 s17, s16;
	[dreg:$0x19] =	wrdreg s26  }
0x1f: {  	v1 =	vimm.s32 $0x1;
	v2 =	vimm.s32 $0x0;
	v3 =	vlaneseq.u32;
	[dreg:$0x1a] =	wrdreg s28;
	s8 =	simm.s32 $0x2800;
	s6 =	simm.s32 $0x40  }
.Ltmp0:
0x20: {  	vm0 =	vmmov $0x1;
	v4 =	vimm.s32 $0x2;
	v5 =	vimm.s32 $0x3;
	s25 =	simm.s32 $0x1;
	s18 =	simm.s32 $0x6980;
	(pc) =	sbr.rel .LBB2_1-.Ltmp0, $4  }
0x21: {  	v6 =	vimm.s32 $0x4;
	v7 =	vimm.s32 $0x5;
	v8 =	vimm.s32 $0x6;
	s24 =	simm.s32 $0x6A80;
	s22 =	simm.s32 $0x6C00;
	[dreg:$0x10] =	wrdreg s0  }
0x22: {  	v9 =	vimm.s32 $0x8;
	v10 =	vimm.s32 $0x9;
	v11 =	vimm.s32 $0xA;
	s0 =	sadd.s32 s13, s10;
	[dreg:$0x13] =	wrdreg s5;
	s12 =	sor.u32 $0x1C19, s20  }
0x23: {  	v12 =	vimm.s32 $0xB;
	v13 =	vimm.s32 $0xC;
	v14 =	vimm.s32 $0xD;
	s5 =	simm.s32 $0x0;
	s20 =	simm.s32 $0x6800;
	[dreg:$0x1b] =	wrdreg s0  }
0x24: {  	v15 =	vimm.s32 $0xE;
	v16 =	vimm.s32 $0xF;
	v3 =	vmul.u32 $0x8, v3;
	s10 =	simm.s32 $0x6B80;
	s13 =	simm.s32 $0x5;
	[dreg:$0x14] =	wrdreg s12  }
.LBB2_4:
0x25: {  	s0 =	simm.s32 $0x17  }
0x26: {  	_ =	swait.ge [sflag:s0], $0x80  }
0x27: {  	[sflag:s0] =	ssyncset.done $0x0  }
0x28: {  	s5 =	simm.s32 $0x3;
	[sflag:s0] =	ssyncadd.s32 $0xFFFFFF80  }
0x29: {  	_ =	swait.ge [sflag:s5], $0x2000  }
0x2a: {  	[sflag:s5] =	ssyncset.done $0x0  }
0x2b: {  	s7 =	simm.s32 $0x6;
	[sflag:s5] =	ssyncadd.s32 $0xFFFFE000  }
0x2c: {  	_ =	swait.ge [sflag:s7], $0x2000  }
0x2d: {  	[sflag:s7] =	ssyncset.done $0x0  }
0x2e: {  	s11 =	simm.s32 $0x700;
	s12 =	simm.s32 $0x18;
	[sflag:s7] =	ssyncadd.s32 $0xFFFFE000  }
0x2f: {  	[spmem:s1] =	stream.indirect.scatter.add.f32 [tilespmem:s9], [sflag:$0x7], $0x80, s11, s6, $0xb8;
	[tilespmem:$0x1C0C0] =	vst v63  }
0x30: {  	_ =	swait.ge [sflag:s12], $0x80  }
0x31: {  	[sflag:s12] =	ssyncset.done $0x0  }
0x32: {  	s15 =	simm.s32 $0x4;
	[sflag:s12] =	ssyncadd.s32 $0xFFFFFF80  }
0x33: {  	_ =	swait.ge [sflag:s15], $0x2000  }
0x34: {  	[sflag:s15] =	ssyncset.done $0x0  }
0x35: {  	s17 =	simm.s32 $0x7;
	[sflag:s15] =	ssyncadd.s32 $0xFFFFE000  }
0x36: {  	_ =	swait.ge [sflag:s17], $0x2000  }
0x37: {  	[sflag:s17] =	ssyncset.done $0x0  }
0x38: {  	s19 =	simm.s32 $0x780;
	s31 =	simm.s32 $0x8;
	[sflag:s17] =	ssyncadd.s32 $0xFFFFE000  }
0x39: {  	[spmem:s1] =	stream.indirect.scatter.add.f32 [tilespmem:s20], [sflag:$0x8], $0x80, s19, s6, $0xb8;
	[tilespmem:$0x1C0C0] =	vst v63  }
0x3a: {  	_ =	swait.ge [sflag:s31], $0x2000  }
0x3b: {  	[sflag:s31] =	ssyncset.done $0x0  }
0x3c: {  	[sflag:s31] =	ssyncadd.s32 $0xFFFFE000  }
0x3d: {  	[bflag:$0x0] =	sbarrier.arrive $0xFFFF  }
0x3e: {  	s23 =	rddreg [dreg:$0x10]  }
0x3f: {  	s12 =	rddreg [dreg:$0x14]  }
0x40: {  	s26 =	simm.s32 $0x19;
	s2 =	rddreg [dreg:$0x1d]  }
0x41: {  	[hbm:s23], [sflag:s12] =	dma.local [spmem:s2], $0x2780  }
0x42: {  	_ =	swait.ge [sflag:s26], $0x2780  }
0x43: {  	s5 =	rddreg [dreg:$0x1c]  }
0x44: {  	s28 =	rddreg [dreg:$0x18];
	s5 =	sadd.s32 $0x1, s5  }
0x45: {  	p0 =	sne.s32 s5, s28  }
.Ltmp1:
0x46: {  	_ = 	snop;
	(pc) =	sbr.rel @!p0 .LBB2_5-.Ltmp1, $3  }
0x47: {  	_ =	sdelay $0x1  }
0x48: {  	s29 =	simm.s32 $0x600;
	[sflag:s26] =	ssyncset.done $0x0  }
0x49: {  	s7 =	simm.s32 $0x580;
	s11 =	simm.s32 $0x6800;
	[sflag:s26] =	ssyncadd.s32 $0xFFFFD880  }
.LBB2_1:
0x4a: {  	[dreg:$0x1c] =	wrdreg s5  }
0x4b: {  	s0 =	rddreg [dreg:$0x5]  }
0x4c: {  	s15 =	rddreg [dreg:$0x6]  }
0x4d: {  	s17 =	rddreg [dreg:$0x7]  }
0x4e: {  	[tilespmem:s3], [sflag:$0x9] =	stream.linear.gather [hbm4b:s0+s3], $0x80, $0x38;
	[tilespmem:$0x1C0C0] =	vst v63  }
0x4f: {  	s2 =	simm.s32 $0x80;
	s19 =	rddreg [dreg:$0x8]  }
0x50: {  	[tilespmem:s2], [sflag:$0xA] =	stream.linear.gather [hbm4b:s15+s3], $0x80, $0x38;
	[tilespmem:$0x1C0C0] =	vst v63  }
0x51: {  	s23 =	simm.s32 $0x100;
	s5 =	rddreg [dreg:$0xa]  }
0x52: {  	[tilespmem:s23], [sflag:$0xB] =	stream.linear.gather [hbm4b:s17+s3], $0x80, $0x38;
	[tilespmem:$0x1C0C0] =	vst v63  }
0x53: {  	s26 =	simm.s32 $0x180;
	s17 =	rddreg [dreg:$0x19]  }
0x54: {  	[tilespmem:s26], [sflag:$0xC] =	stream.linear.gather [hbm4b:s19+s3], $0x80, $0x38;
	[tilespmem:$0x1C0C0] =	vst v63  }
0x55: {  	s4 =	simm.s32 $0x200;
	s26 =	rddreg [dreg:$0x9]  }
0x56: {  	[tilespmem:s4], [sflag:$0xD] =	stream.linear.gather [hbm4b:s26+s3], $0x80, $0x38;
	[tilespmem:$0x1C0C0] =	vst v63  }
0x57: {  	s15 =	simm.s32 $0x280;
	s26 =	rddreg [dreg:$0x1a]  }
0x58: {  	[tilespmem:s15], [sflag:$0xE] =	stream.linear.gather [hbm4b:s5+s3], $0x80, $0x38;
	[tilespmem:$0x1C0C0] =	vst v63  }
0x59: {  	s19 =	simm.s32 $0x300;
	s5 =	rddreg [dreg:$0xb]  }
0x5a: {  	[tilespmem:s19], [sflag:$0xF] =	stream.linear.gather [hbm4b:s17+s3], $0x80, $0x38;
	[tilespmem:$0x1C0C0] =	vst v63  }
0x5b: {  	s4 =	simm.s32 $0x380;
	s17 =	rddreg [dreg:$0xc]  }
0x5c: {  	[tilespmem:s4], [sflag:$0x10] =	stream.linear.gather [hbm4b:s26+s3], $0x80, $0x38;
	[tilespmem:$0x1C0C0] =	vst v63  }
0x5d: {  	s15 =	simm.s32 $0x400;
	s26 =	rddreg [dreg:$0xd]  }
0x5e: {  	[tilespmem:s15], [sflag:$0x11] =	stream.linear.gather [hbm4b:s5+s3], $0x80, $0x38;
	[tilespmem:$0x1C0C0] =	vst v63  }
0x5f: {  	s19 =	simm.s32 $0x480;
	s5 =	rddreg [dreg:$0xe]  }
0x60: {  	[tilespmem:s19], [sflag:$0x12] =	stream.linear.gather [hbm4b:s17+s3], $0x80, $0x38;
	[tilespmem:$0x1C0C0] =	vst v63  }
0x61: {  	s4 =	simm.s32 $0x500;
	s15 =	rddreg [dreg:$0xf]  }
0x62: {  	[tilespmem:s4], [sflag:$0x13] =	stream.linear.gather [hbm4b:s26+s3], $0x80, $0x38;
	[tilespmem:$0x1C0C0] =	vst v63  }
0x63: {  	s19 =	rddreg [dreg:$0x12]  }
0x64: {  	[tilespmem:s7], [sflag:$0x14] =	stream.linear.gather [hbm4b:s5+s3], $0x80, $0x38;
	[tilespmem:$0x1C0C0] =	vst v63  }
0x65: {  	s17 =	rddreg [dreg:$0x11];
	s26 =	sshrl.u32 s19, $0x3  }
0x66: {  	[tilespmem:s29], [sflag:$0x15] =	stream.linear.gather [hbm4b:s15+s3], $0x80, $0x38;
	[tilespmem:$0x1C0C0] =	vst v63  }
0x67: {  	[dreg:$0x1d] =	wrdreg s26  }
0x68: {  	[tilespmem:s30], [sflag:$0x16] =	stream.linear.gather [hbm4b:s17+s3], $0x80, $0x38;
	[tilespmem:$0x1C0C0] =	vst v63  }
0x69: {  	s28 =	simm.s32 $0x19;
	s30 =	rddreg [dreg:$0x13]  }
0x6a: {  	[spmem:s26@s2], [sflag:s12] =	dma.strided [hbm:s30@s23], $0x2780, s31, $0x10   }
0x6b: {  	_ =	swait.ge [sflag:s28], $0x2780  }
0x6c: {  	[sflag:s28] =	ssyncset.done $0x0  }
0x6d: {  	[sflag:s28] =	ssyncadd.s32 $0xFFFFD880  }
0x6e: {  	s4 =	simm.s32 $0x9;
	[bflag:$0x0] =	sbarrier.arrive $0xFFFF  }
0x6f: {  	_ =	swait.ge [sflag:s4], $0x80  }
0x70: {  	[sflag:s4] =	ssyncset.done $0x0  }
0x71: {  	[sflag:s4] =	ssyncadd.s32 $0xFFFFFF80  }
0x72: {  	v17 =	vld [tilespmem:$0x0];
	_ =	sdelay $0x4  }
0x73: {  	v18 =	vshll.u32 v17, $0x1  }
0x74: {  	v17 =	vand.u32 $0x7, v17;
	v18 =	vand.u32 $0xFFFFFFF0, v18  }
0x75: {  	v17 =	vor.u32 v17, v18  }
0x76: {  	v18 =	vperm.xlane v17, v2;
	_ =	sdelay $0x1  }
0x77: {  	v19 =	vperm.xlane v17, v1;
	v18 =	vadd.s32 v3, v18;
	_ =	sdelay $0x1  }
0x78: {  	v20 =	vperm.xlane v17, v4;
	v19 =	vadd.s32 v3, v19;
	_ =	sdelay $0x1  }
0x79: {  	v21 =	vperm.xlane v17, v5;
	v20 =	vadd.s32 v3, v20  }
0x7a: {  	[tilespmem:s14], [sflag:$0x1] =	stream.indirect_vreg.gather [hbm4b:s16+s3], $0x80, v18, vm0, $0xb8;
	[tilespmem:$0x1C0C0] =	vst v63  }
0x7b: {  	s5 =	simm.s32 $0x880;
	v62 =	vperm.xlane v17, v6;
	v18 =	vadd.s32 v3, v21  }
0x7c: {  	[tilespmem:s5], [sflag:$0x1] =	stream.indirect_vreg.gather [hbm4b:s16+s3], $0x80, v19, vm0, $0xb8;
	[tilespmem:$0x1C0C0] =	vst v63  }
0x7d: {  	s7 =	simm.s32 $0x900;
	v63 =	vperm.xlane v17, v7;
	v19 =	vadd.s32 v3, v62  }
0x7e: {  	[tilespmem:s7], [sflag:$0x1] =	stream.indirect_vreg.gather [hbm4b:s16+s3], $0x80, v20, vm0, $0xb8;
	[tilespmem:$0x1C0C0] =	vst v63  }
0x7f: {  	s12 =	simm.s32 $0x980;
	v25 =	vperm.xlane v17, v8;
	v24 =	vadd.s32 v3, v63  }
0x80: {  	[tilespmem:s12], [sflag:$0x1] =	stream.indirect_vreg.gather [hbm4b:s16+s3], $0x80, v18, vm0, $0xb8;
	[tilespmem:$0x1C0C0] =	vst v63  }
0x81: {  	s15 =	simm.s32 $0xA00;
	v26 =	vperm.xlane v17, v0;
	v18 =	vadd.s32 v3, v25  }
0x82: {  	[tilespmem:s15], [sflag:$0x1] =	stream.indirect_vreg.gather [hbm4b:s16+s3], $0x80, v19, vm0, $0xb8;
	[tilespmem:$0x1C0C0] =	vst v63  }
0x83: {  	s17 =	simm.s32 $0xA80;
	v27 =	vperm.xlane v17, v9;
	v19 =	vadd.s32 v3, v26  }
0x84: {  	[tilespmem:s17], [sflag:$0x1] =	stream.indirect_vreg.gather [hbm4b:s16+s3], $0x80, v24, vm0, $0xb8;
	[tilespmem:$0x1C0C0] =	vst v63  }
0x85: {  	s19 =	simm.s32 $0xB00;
	v29 =	vperm.xlane v17, v10;
	v28 =	vadd.s32 v3, v27  }
0x86: {  	[tilespmem:s19], [sflag:$0x1] =	stream.indirect_vreg.gather [hbm4b:s16+s3], $0x80, v18, vm0, $0xb8;
	[tilespmem:$0x1C0C0] =	vst v63  }
0x87: {  	s23 =	simm.s32 $0xB80;
	v30 =	vperm.xlane v17, v11;
	v18 =	vadd.s32 v3, v29  }
0x88: {  	[tilespmem:s23], [sflag:$0x1] =	stream.indirect_vreg.gather [hbm4b:s16+s3], $0x80, v19, vm0, $0xb8;
	[tilespmem:$0x1C0C0] =	vst v63  }
0x89: {  	s26 =	simm.s32 $0xC00;
	v31 =	vperm.xlane v17, v12;
	v19 =	vadd.s32 v3, v30  }
0x8a: {  	[tilespmem:s26], [sflag:$0x1] =	stream.indirect_vreg.gather [hbm4b:s16+s3], $0x80, v28, vm0, $0xb8;
	[tilespmem:$0x1C0C0] =	vst v63  }
0x8b: {  	s28 =	simm.s32 $0xC80;
	v33 =	vperm.xlane v17, v13;
	v32 =	vadd.s32 v3, v31  }
0x8c: {  	[tilespmem:s28], [sflag:$0x1] =	stream.indirect_vreg.gather [hbm4b:s16+s3], $0x80, v18, vm0, $0xb8;
	[tilespmem:$0x1C0C0] =	vst v63  }
0x8d: {  	s30 =	simm.s32 $0xD00;
	v34 =	vperm.xlane v17, v14;
	v18 =	vadd.s32 v3, v33  }
0x8e: {  	[tilespmem:s30], [sflag:$0x1] =	stream.indirect_vreg.gather [hbm4b:s16+s3], $0x80, v19, vm0, $0xb8;
	[tilespmem:$0x1C0C0] =	vst v63  }
0x8f: {  	s2 =	simm.s32 $0xD80;
	v35 =	vperm.xlane v17, v15;
	v19 =	vadd.s32 v3, v34  }
0x90: {  	[tilespmem:s2], [sflag:$0x1] =	stream.indirect_vreg.gather [hbm4b:s16+s3], $0x80, v32, vm0, $0xb8;
	[tilespmem:$0x1C0C0] =	vst v63  }
0x91: {  	s4 =	simm.s32 $0xE00;
	v17 =	vperm.xlane v17, v16;
	v36 =	vadd.s32 v3, v35  }
0x92: {  	[tilespmem:s4], [sflag:$0x1] =	stream.indirect_vreg.gather [hbm4b:s16+s3], $0x80, v18, vm0, $0xb8;
	[tilespmem:$0x1C0C0] =	vst v63  }
0x93: {  	v17 =	vadd.s32 v3, v17;
	s5 =	simm.s32 $0xE80  }
0x94: {  	[tilespmem:s5], [sflag:$0x1] =	stream.indirect_vreg.gather [hbm4b:s16+s3], $0x80, v19, vm0, $0xb8;
	[tilespmem:$0x1C0C0] =	vst v63  }
0x95: {  	s7 =	simm.s32 $0xF00  }
0x96: {  	[tilespmem:s7], [sflag:$0x1] =	stream.indirect_vreg.gather [hbm4b:s16+s3], $0x80, v36, vm0, $0xb8;
	[tilespmem:$0x1C0C0] =	vst v63  }
0x97: {  	s12 =	simm.s32 $0xF80  }
0x98: {  	[tilespmem:s12], [sflag:$0x1] =	stream.indirect_vreg.gather [hbm4b:s16+s3], $0x80, v17, vm0, $0xb8;
	[tilespmem:$0x1C0C0] =	vst v63  }
0x99: {  	v17 =	vld [tilespmem:$0x10];
	_ =	sdelay $0x4  }
0x9a: {  	v18 =	vshll.u32 v17, $0x1  }
0x9b: {  	v17 =	vand.u32 $0x7, v17;
	v18 =	vand.u32 $0xFFFFFFF0, v18  }
0x9c: {  	v17 =	vor.u32 v17, v18  }
0x9d: {  	v18 =	vperm.xlane v17, v2;
	_ =	sdelay $0x1  }
0x9e: {  	v19 =	vperm.xlane v17, v1;
	v18 =	vadd.s32 v3, v18;
	_ =	sdelay $0x1  }
0x9f: {  	v37 =	vperm.xlane v17, v4;
	v19 =	vadd.s32 v3, v19;
	_ =	sdelay $0x1  }
0xa0: {  	s15 =	simm.s32 $0x1000;
	v38 =	vperm.xlane v17, v5;
	v20 =	vadd.s32 v3, v37  }
0xa1: {  	[tilespmem:s15], [sflag:$0x1] =	stream.indirect_vreg.gather [hbm4b:s16+s3], $0x80, v18, vm0, $0xb8;
	[tilespmem:$0x1C0C0] =	vst v63  }
0xa2: {  	s17 =	simm.s32 $0x1080;
	v39 =	vperm.xlane v17, v6;
	v18 =	vadd.s32 v3, v38  }
0xa3: {  	[tilespmem:s17], [sflag:$0x1] =	stream.indirect_vreg.gather [hbm4b:s16+s3], $0x80, v19, vm0, $0xb8;
	[tilespmem:$0x1C0C0] =	vst v63  }
0xa4: {  	s19 =	simm.s32 $0x1100;
	v40 =	vperm.xlane v17, v7;
	v19 =	vadd.s32 v3, v39  }
0xa5: {  	[tilespmem:s19], [sflag:$0x1] =	stream.indirect_vreg.gather [hbm4b:s16+s3], $0x80, v20, vm0, $0xb8;
	[tilespmem:$0x1C0C0] =	vst v63  }
0xa6: {  	s23 =	simm.s32 $0x1180;
	v42 =	vperm.xlane v17, v8;
	v41 =	vadd.s32 v3, v40  }
0xa7: {  	[tilespmem:s23], [sflag:$0x1] =	stream.indirect_vreg.gather [hbm4b:s16+s3], $0x80, v18, vm0, $0xb8;
	[tilespmem:$0x1C0C0] =	vst v63  }
0xa8: {  	s26 =	simm.s32 $0x1200;
	v43 =	vperm.xlane v17, v0;
	v18 =	vadd.s32 v3, v42  }
0xa9: {  	[tilespmem:s26], [sflag:$0x1] =	stream.indirect_vreg.gather [hbm4b:s16+s3], $0x80, v19, vm0, $0xb8;
	[tilespmem:$0x1C0C0] =	vst v63  }
0xaa: {  	s28 =	simm.s32 $0x1280;
	v44 =	vperm.xlane v17, v9;
	v19 =	vadd.s32 v3, v43  }
0xab: {  	[tilespmem:s28], [sflag:$0x1] =	stream.indirect_vreg.gather [hbm4b:s16+s3], $0x80, v41, vm0, $0xb8;
	[tilespmem:$0x1C0C0] =	vst v63  }
0xac: {  	s30 =	simm.s32 $0x1300;
	v46 =	vperm.xlane v17, v10;
	v45 =	vadd.s32 v3, v44  }
0xad: {  	[tilespmem:s30], [sflag:$0x1] =	stream.indirect_vreg.gather [hbm4b:s16+s3], $0x80, v18, vm0, $0xb8;
	[tilespmem:$0x1C0C0] =	vst v63  }
0xae: {  	s2 =	simm.s32 $0x1380;
	v47 =	vperm.xlane v17, v11;
	v18 =	vadd.s32 v3, v46  }
0xaf: {  	[tilespmem:s2], [sflag:$0x1] =	stream.indirect_vreg.gather [hbm4b:s16+s3], $0x80, v19, vm0, $0xb8;
	[tilespmem:$0x1C0C0] =	vst v63  }
0xb0: {  	s4 =	simm.s32 $0x1400;
	v48 =	vperm.xlane v17, v12;
	v19 =	vadd.s32 v3, v47  }
0xb1: {  	[tilespmem:s4], [sflag:$0x1] =	stream.indirect_vreg.gather [hbm4b:s16+s3], $0x80, v45, vm0, $0xb8;
	[tilespmem:$0x1C0C0] =	vst v63  }
0xb2: {  	s5 =	simm.s32 $0x1480;
	v50 =	vperm.xlane v17, v13;
	v49 =	vadd.s32 v3, v48  }
0xb3: {  	[tilespmem:s5], [sflag:$0x1] =	stream.indirect_vreg.gather [hbm4b:s16+s3], $0x80, v18, vm0, $0xb8;
	[tilespmem:$0x1C0C0] =	vst v63  }
0xb4: {  	s7 =	simm.s32 $0x1500;
	v51 =	vperm.xlane v17, v14;
	v18 =	vadd.s32 v3, v50  }
0xb5: {  	[tilespmem:s7], [sflag:$0x1] =	stream.indirect_vreg.gather [hbm4b:s16+s3], $0x80, v19, vm0, $0xb8;
	[tilespmem:$0x1C0C0] =	vst v63  }
0xb6: {  	s12 =	simm.s32 $0x1580;
	v52 =	vperm.xlane v17, v15;
	v19 =	vadd.s32 v3, v51  }
0xb7: {  	[tilespmem:s12], [sflag:$0x1] =	stream.indirect_vreg.gather [hbm4b:s16+s3], $0x80, v49, vm0, $0xb8;
	[tilespmem:$0x1C0C0] =	vst v63  }
0xb8: {  	v17 =	vperm.xlane v17, v16;
	v53 =	vadd.s32 v3, v52;
	s15 =	simm.s32 $0x1600  }
0xb9: {  	[tilespmem:s15], [sflag:$0x1] =	stream.indirect_vreg.gather [hbm4b:s16+s3], $0x80, v18, vm0, $0xb8;
	[tilespmem:$0x1C0C0] =	vst v63  }
0xba: {  	v17 =	vadd.s32 v3, v17;
	s17 =	simm.s32 $0x1680  }
0xbb: {  	[tilespmem:s17], [sflag:$0x1] =	stream.indirect_vreg.gather [hbm4b:s16+s3], $0x80, v19, vm0, $0xb8;
	[tilespmem:$0x1C0C0] =	vst v63  }
0xbc: {  	s19 =	simm.s32 $0x1700  }
0xbd: {  	[tilespmem:s19], [sflag:$0x1] =	stream.indirect_vreg.gather [hbm4b:s16+s3], $0x80, v53, vm0, $0xb8;
	[tilespmem:$0x1C0C0] =	vst v63  }
0xbe: {  	s23 =	simm.s32 $0x1780  }
0xbf: {  	[tilespmem:s23], [sflag:$0x1] =	stream.indirect_vreg.gather [hbm4b:s16+s3], $0x80, v17, vm0, $0xb8;
	[tilespmem:$0x1C0C0] =	vst v63  }
0xc0: {  	v17 =	vld [tilespmem:$0x20];
	_ =	sdelay $0x4  }
0xc1: {  	v18 =	vshll.u32 v17, $0x1  }
0xc2: {  	v17 =	vand.u32 $0x7, v17;
	v18 =	vand.u32 $0xFFFFFFF0, v18  }
0xc3: {  	v17 =	vor.u32 v17, v18  }
0xc4: {  	v18 =	vperm.xlane v17, v2;
	_ =	sdelay $0x1  }
0xc5: {  	v19 =	vperm.xlane v17, v1;
	v18 =	vadd.s32 v3, v18;
	_ =	sdelay $0x1  }
0xc6: {  	v54 =	vperm.xlane v17, v4;
	v19 =	vadd.s32 v3, v19;
	_ =	sdelay $0x1  }
0xc7: {  	s26 =	simm.s32 $0x1800;
	v55 =	vperm.xlane v17, v5;
	v20 =	vadd.s32 v3, v54  }
0xc8: {  	[tilespmem:s26], [sflag:$0x1] =	stream.indirect_vreg.gather [hbm4b:s16+s3], $0x80, v18, vm0, $0xb8;
	[tilespmem:$0x1C0C0] =	vst v63  }
0xc9: {  	s28 =	simm.s32 $0x1880;
	v56 =	vperm.xlane v17, v6;
	v18 =	vadd.s32 v3, v55  }
0xca: {  	[tilespmem:s28], [sflag:$0x1] =	stream.indirect_vreg.gather [hbm4b:s16+s3], $0x80, v19, vm0, $0xb8;
	[tilespmem:$0x1C0C0] =	vst v63  }
0xcb: {  	s30 =	simm.s32 $0x1900;
	v57 =	vperm.xlane v17, v7;
	v19 =	vadd.s32 v3, v56  }
0xcc: {  	[tilespmem:s30], [sflag:$0x1] =	stream.indirect_vreg.gather [hbm4b:s16+s3], $0x80, v20, vm0, $0xb8;
	[tilespmem:$0x1C0C0] =	vst v63  }
0xcd: {  	s2 =	simm.s32 $0x1980;
	v59 =	vperm.xlane v17, v8;
	v58 =	vadd.s32 v3, v57  }
0xce: {  	[tilespmem:s2], [sflag:$0x1] =	stream.indirect_vreg.gather [hbm4b:s16+s3], $0x80, v18, vm0, $0xb8;
	[tilespmem:$0x1C0C0] =	vst v63  }
0xcf: {  	s4 =	simm.s32 $0x1A00;
	v60 =	vperm.xlane v17, v0;
	v18 =	vadd.s32 v3, v59  }
0xd0: {  	[tilespmem:s4], [sflag:$0x1] =	stream.indirect_vreg.gather [hbm4b:s16+s3], $0x80, v19, vm0, $0xb8;
	[tilespmem:$0x1C0C0] =	vst v63  }
0xd1: {  	s5 =	simm.s32 $0x1A80;
	v61 =	vperm.xlane v17, v9;
	v19 =	vadd.s32 v3, v60  }
0xd2: {  	[tilespmem:s5], [sflag:$0x1] =	stream.indirect_vreg.gather [hbm4b:s16+s3], $0x80, v58, vm0, $0xb8;
	[tilespmem:$0x1C0C0] =	vst v63  }
0xd3: {  	s7 =	simm.s32 $0x1B00;
	v63 =	vperm.xlane v17, v10;
	v62 =	vadd.s32 v3, v61  }
0xd4: {  	[tilespmem:s7], [sflag:$0x1] =	stream.indirect_vreg.gather [hbm4b:s16+s3], $0x80, v18, vm0, $0xb8;
	[tilespmem:$0x1C0C0] =	vst v63  }
0xd5: {  	s12 =	simm.s32 $0x1B80;
	v24 =	vperm.xlane v17, v11;
	v18 =	vadd.s32 v3, v63  }
0xd6: {  	[tilespmem:s12], [sflag:$0x1] =	stream.indirect_vreg.gather [hbm4b:s16+s3], $0x80, v19, vm0, $0xb8;
	[tilespmem:$0x1C0C0] =	vst v63  }
0xd7: {  	s15 =	simm.s32 $0x1C00;
	v25 =	vperm.xlane v17, v12;
	v19 =	vadd.s32 v3, v24  }
0xd8: {  	[tilespmem:s15], [sflag:$0x1] =	stream.indirect_vreg.gather [hbm4b:s16+s3], $0x80, v62, vm0, $0xb8;
	[tilespmem:$0x1C0C0] =	vst v63  }
0xd9: {  	s17 =	simm.s32 $0x1C80;
	v27 =	vperm.xlane v17, v13;
	v26 =	vadd.s32 v3, v25  }
0xda: {  	[tilespmem:s17], [sflag:$0x1] =	stream.indirect_vreg.gather [hbm4b:s16+s3], $0x80, v18, vm0, $0xb8;
	[tilespmem:$0x1C0C0] =	vst v63  }
0xdb: {  	s19 =	simm.s32 $0x1D00;
	v28 =	vperm.xlane v17, v14;
	v18 =	vadd.s32 v3, v27  }
0xdc: {  	[tilespmem:s19], [sflag:$0x1] =	stream.indirect_vreg.gather [hbm4b:s16+s3], $0x80, v19, vm0, $0xb8;
	[tilespmem:$0x1C0C0] =	vst v63  }
0xdd: {  	s23 =	simm.s32 $0x1D80;
	v29 =	vperm.xlane v17, v15;
	v19 =	vadd.s32 v3, v28  }
0xde: {  	[tilespmem:s23], [sflag:$0x1] =	stream.indirect_vreg.gather [hbm4b:s16+s3], $0x80, v26, vm0, $0xb8;
	[tilespmem:$0x1C0C0] =	vst v63  }
0xdf: {  	v17 =	vperm.xlane v17, v16;
	v30 =	vadd.s32 v3, v29;
	s26 =	simm.s32 $0x1E00  }
0xe0: {  	[tilespmem:s26], [sflag:$0x1] =	stream.indirect_vreg.gather [hbm4b:s16+s3], $0x80, v18, vm0, $0xb8;
	[tilespmem:$0x1C0C0] =	vst v63  }
0xe1: {  	v17 =	vadd.s32 v3, v17;
	s28 =	simm.s32 $0x1E80  }
0xe2: {  	[tilespmem:s28], [sflag:$0x1] =	stream.indirect_vreg.gather [hbm4b:s16+s3], $0x80, v19, vm0, $0xb8;
	[tilespmem:$0x1C0C0] =	vst v63  }
0xe3: {  	s30 =	simm.s32 $0x1F00  }
0xe4: {  	[tilespmem:s30], [sflag:$0x1] =	stream.indirect_vreg.gather [hbm4b:s16+s3], $0x80, v30, vm0, $0xb8;
	[tilespmem:$0x1C0C0] =	vst v63  }
0xe5: {  	s2 =	simm.s32 $0x1F80  }
0xe6: {  	[tilespmem:s2], [sflag:$0x1] =	stream.indirect_vreg.gather [hbm4b:s16+s3], $0x80, v17, vm0, $0xb8;
	[tilespmem:$0x1C0C0] =	vst v63  }
0xe7: {  	v17 =	vld [tilespmem:$0x30];
	_ =	sdelay $0x4  }
0xe8: {  	v18 =	vshll.u32 v17, $0x1  }
0xe9: {  	v17 =	vand.u32 $0x7, v17;
	v18 =	vand.u32 $0xFFFFFFF0, v18  }
0xea: {  	v17 =	vor.u32 v17, v18  }
0xeb: {  	v18 =	vperm.xlane v17, v2;
	_ =	sdelay $0x1  }
0xec: {  	v19 =	vperm.xlane v17, v1;
	v18 =	vadd.s32 v3, v18;
	_ =	sdelay $0x1  }
0xed: {  	v31 =	vperm.xlane v17, v4;
	v19 =	vadd.s32 v3, v19;
	_ =	sdelay $0x1  }
0xee: {  	s4 =	simm.s32 $0x2000;
	v32 =	vperm.xlane v17, v5;
	v20 =	vadd.s32 v3, v31  }
0xef: {  	[tilespmem:s4], [sflag:$0x1] =	stream.indirect_vreg.gather [hbm4b:s16+s3], $0x80, v18, vm0, $0xb8;
	[tilespmem:$0x1C0C0] =	vst v63  }
0xf0: {  	s5 =	simm.s32 $0x2080;
	v33 =	vperm.xlane v17, v6;
	v18 =	vadd.s32 v3, v32  }
0xf1: {  	[tilespmem:s5], [sflag:$0x1] =	stream.indirect_vreg.gather [hbm4b:s16+s3], $0x80, v19, vm0, $0xb8;
	[tilespmem:$0x1C0C0] =	vst v63  }
0xf2: {  	s7 =	simm.s32 $0x2100;
	v34 =	vperm.xlane v17, v7;
	v19 =	vadd.s32 v3, v33  }
0xf3: {  	[tilespmem:s7], [sflag:$0x1] =	stream.indirect_vreg.gather [hbm4b:s16+s3], $0x80, v20, vm0, $0xb8;
	[tilespmem:$0x1C0C0] =	vst v63  }
0xf4: {  	s12 =	simm.s32 $0x2180;
	v36 =	vperm.xlane v17, v8;
	v35 =	vadd.s32 v3, v34  }
0xf5: {  	[tilespmem:s12], [sflag:$0x1] =	stream.indirect_vreg.gather [hbm4b:s16+s3], $0x80, v18, vm0, $0xb8;
	[tilespmem:$0x1C0C0] =	vst v63  }
0xf6: {  	s15 =	simm.s32 $0x2200;
	v37 =	vperm.xlane v17, v0;
	v18 =	vadd.s32 v3, v36  }
0xf7: {  	[tilespmem:s15], [sflag:$0x1] =	stream.indirect_vreg.gather [hbm4b:s16+s3], $0x80, v19, vm0, $0xb8;
	[tilespmem:$0x1C0C0] =	vst v63  }
0xf8: {  	s17 =	simm.s32 $0x2280;
	v38 =	vperm.xlane v17, v9;
	v19 =	vadd.s32 v3, v37  }
0xf9: {  	[tilespmem:s17], [sflag:$0x1] =	stream.indirect_vreg.gather [hbm4b:s16+s3], $0x80, v35, vm0, $0xb8;
	[tilespmem:$0x1C0C0] =	vst v63  }
0xfa: {  	s19 =	simm.s32 $0x2300;
	v40 =	vperm.xlane v17, v10;
	v39 =	vadd.s32 v3, v38  }
0xfb: {  	[tilespmem:s19], [sflag:$0x1] =	stream.indirect_vreg.gather [hbm4b:s16+s3], $0x80, v18, vm0, $0xb8;
	[tilespmem:$0x1C0C0] =	vst v63  }
0xfc: {  	s23 =	simm.s32 $0x2380;
	v41 =	vperm.xlane v17, v11;
	v18 =	vadd.s32 v3, v40  }
0xfd: {  	[tilespmem:s23], [sflag:$0x1] =	stream.indirect_vreg.gather [hbm4b:s16+s3], $0x80, v19, vm0, $0xb8;
	[tilespmem:$0x1C0C0] =	vst v63  }
0xfe: {  	s26 =	simm.s32 $0x2400;
	v42 =	vperm.xlane v17, v12;
	v19 =	vadd.s32 v3, v41  }
0xff: {  	[tilespmem:s26], [sflag:$0x1] =	stream.indirect_vreg.gather [hbm4b:s16+s3], $0x80, v39, vm0, $0xb8;
	[tilespmem:$0x1C0C0] =	vst v63  }
0x100: {  	s28 =	simm.s32 $0x2480;
	v44 =	vperm.xlane v17, v13;
	v43 =	vadd.s32 v3, v42  }
0x101: {  	[tilespmem:s28], [sflag:$0x1] =	stream.indirect_vreg.gather [hbm4b:s16+s3], $0x80, v18, vm0, $0xb8;
	[tilespmem:$0x1C0C0] =	vst v63  }
0x102: {  	s30 =	simm.s32 $0x2500;
	v45 =	vperm.xlane v17, v14;
	v18 =	vadd.s32 v3, v44  }
0x103: {  	[tilespmem:s30], [sflag:$0x1] =	stream.indirect_vreg.gather [hbm4b:s16+s3], $0x80, v19, vm0, $0xb8;
	[tilespmem:$0x1C0C0] =	vst v63  }
0x104: {  	s2 =	simm.s32 $0x2580;
	v46 =	vperm.xlane v17, v15;
	v19 =	vadd.s32 v3, v45  }
0x105: {  	[tilespmem:s2], [sflag:$0x1] =	stream.indirect_vreg.gather [hbm4b:s16+s3], $0x80, v43, vm0, $0xb8;
	[tilespmem:$0x1C0C0] =	vst v63  }
0x106: {  	v17 =	vperm.xlane v17, v16;
	v47 =	vadd.s32 v3, v46;
	s4 =	simm.s32 $0x2600  }
0x107: {  	[tilespmem:s4], [sflag:$0x1] =	stream.indirect_vreg.gather [hbm4b:s16+s3], $0x80, v18, vm0, $0xb8;
	[tilespmem:$0x1C0C0] =	vst v63  }
0x108: {  	v17 =	vadd.s32 v3, v17;
	s5 =	simm.s32 $0x2680  }
0x109: {  	[tilespmem:s5], [sflag:$0x1] =	stream.indirect_vreg.gather [hbm4b:s16+s3], $0x80, v19, vm0, $0xb8;
	[tilespmem:$0x1C0C0] =	vst v63  }
0x10a: {  	s7 =	simm.s32 $0x2700  }
0x10b: {  	[tilespmem:s7], [sflag:$0x1] =	stream.indirect_vreg.gather [hbm4b:s16+s3], $0x80, v47, vm0, $0xb8;
	[tilespmem:$0x1C0C0] =	vst v63  }
0x10c: {  	s12 =	simm.s32 $0x2780;
	s15 =	simm.s32 $0xA  }
0x10d: {  	[tilespmem:s12], [sflag:$0x1] =	stream.indirect_vreg.gather [hbm4b:s16+s3], $0x80, v17, vm0, $0xb8;
	[tilespmem:$0x1C0C0] =	vst v63  }
0x10e: {  	_ =	swait.ge [sflag:s15], $0x80  }
0x10f: {  	[sflag:s15] =	ssyncset.done $0x0  }
0x110: {  	[sflag:s15] =	ssyncadd.s32 $0xFFFFFF80  }
0x111: {  	v17 =	vld [tilespmem:$0x80];
	_ =	sdelay $0x4  }
0x112: {  	v18 =	vshll.u32 v17, $0x1  }
0x113: {  	v17 =	vand.u32 $0x7, v17;
	v18 =	vand.u32 $0xFFFFFFF0, v18  }
0x114: {  	v17 =	vor.u32 v17, v18  }
0x115: {  	v18 =	vperm.xlane v17, v2;
	_ =	sdelay $0x1  }
0x116: {  	v19 =	vperm.xlane v17, v1;
	v18 =	vadd.s32 v3, v18;
	_ =	sdelay $0x1  }
0x117: {  	v48 =	vperm.xlane v17, v4;
	v19 =	vadd.s32 v3, v19;
	_ =	sdelay $0x1  }
0x118: {  	v49 =	vperm.xlane v17, v5;
	v20 =	vadd.s32 v3, v48  }
0x119: {  	[tilespmem:s8], [sflag:$0x2] =	stream.indirect_vreg.gather [hbm4b:s16+s3], $0x80, v18, vm0, $0xb8;
	[tilespmem:$0x1C0C0] =	vst v63  }
0x11a: {  	s17 =	simm.s32 $0x2880;
	v50 =	vperm.xlane v17, v6;
	v18 =	vadd.s32 v3, v49  }
0x11b: {  	[tilespmem:s17], [sflag:$0x2] =	stream.indirect_vreg.gather [hbm4b:s16+s3], $0x80, v19, vm0, $0xb8;
	[tilespmem:$0x1C0C0] =	vst v63  }
0x11c: {  	s19 =	simm.s32 $0x2900;
	v51 =	vperm.xlane v17, v7;
	v19 =	vadd.s32 v3, v50  }
0x11d: {  	[tilespmem:s19], [sflag:$0x2] =	stream.indirect_vreg.gather [hbm4b:s16+s3], $0x80, v20, vm0, $0xb8;
	[tilespmem:$0x1C0C0] =	vst v63  }
0x11e: {  	s23 =	simm.s32 $0x2980;
	v53 =	vperm.xlane v17, v8;
	v52 =	vadd.s32 v3, v51  }
0x11f: {  	[tilespmem:s23], [sflag:$0x2] =	stream.indirect_vreg.gather [hbm4b:s16+s3], $0x80, v18, vm0, $0xb8;
	[tilespmem:$0x1C0C0] =	vst v63  }
0x120: {  	s26 =	simm.s32 $0x2A00;
	v54 =	vperm.xlane v17, v0;
	v18 =	vadd.s32 v3, v53  }
0x121: {  	[tilespmem:s26], [sflag:$0x2] =	stream.indirect_vreg.gather [hbm4b:s16+s3], $0x80, v19, vm0, $0xb8;
	[tilespmem:$0x1C0C0] =	vst v63  }
0x122: {  	s28 =	simm.s32 $0x2A80;
	v55 =	vperm.xlane v17, v9;
	v19 =	vadd.s32 v3, v54  }
0x123: {  	[tilespmem:s28], [sflag:$0x2] =	stream.indirect_vreg.gather [hbm4b:s16+s3], $0x80, v52, vm0, $0xb8;
	[tilespmem:$0x1C0C0] =	vst v63  }
0x124: {  	s30 =	simm.s32 $0x2B00;
	v57 =	vperm.xlane v17, v10;
	v56 =	vadd.s32 v3, v55  }
0x125: {  	[tilespmem:s30], [sflag:$0x2] =	stream.indirect_vreg.gather [hbm4b:s16+s3], $0x80, v18, vm0, $0xb8;
	[tilespmem:$0x1C0C0] =	vst v63  }
0x126: {  	s2 =	simm.s32 $0x2B80;
	v58 =	vperm.xlane v17, v11;
	v18 =	vadd.s32 v3, v57  }
0x127: {  	[tilespmem:s2], [sflag:$0x2] =	stream.indirect_vreg.gather [hbm4b:s16+s3], $0x80, v19, vm0, $0xb8;
	[tilespmem:$0x1C0C0] =	vst v63  }
0x128: {  	s4 =	simm.s32 $0x2C00;
	v59 =	vperm.xlane v17, v12;
	v19 =	vadd.s32 v3, v58  }
0x129: {  	[tilespmem:s4], [sflag:$0x2] =	stream.indirect_vreg.gather [hbm4b:s16+s3], $0x80, v56, vm0, $0xb8;
	[tilespmem:$0x1C0C0] =	vst v63  }
0x12a: {  	s5 =	simm.s32 $0x2C80;
	v61 =	vperm.xlane v17, v13;
	v60 =	vadd.s32 v3, v59  }
0x12b: {  	[tilespmem:s5], [sflag:$0x2] =	stream.indirect_vreg.gather [hbm4b:s16+s3], $0x80, v18, vm0, $0xb8;
	[tilespmem:$0x1C0C0] =	vst v63  }
0x12c: {  	s7 =	simm.s32 $0x2D00;
	v62 =	vperm.xlane v17, v14;
	v18 =	vadd.s32 v3, v61  }
0x12d: {  	[tilespmem:s7], [sflag:$0x2] =	stream.indirect_vreg.gather [hbm4b:s16+s3], $0x80, v19, vm0, $0xb8;
	[tilespmem:$0x1C0C0] =	vst v63  }
0x12e: {  	v63 =	vperm.xlane v17, v15;
	s8 =	simm.s32 $0x2D80;
	v19 =	vadd.s32 v3, v62  }
0x12f: {  	[tilespmem:s8], [sflag:$0x2] =	stream.indirect_vreg.gather [hbm4b:s16+s3], $0x80, v60, vm0, $0xb8;
	[tilespmem:$0x1C0C0] =	vst v63  }
0x130: {  	s12 =	simm.s32 $0x2E00;
	v17 =	vperm.xlane v17, v16;
	v24 =	vadd.s32 v3, v63  }
0x131: {  	[tilespmem:s12], [sflag:$0x2] =	stream.indirect_vreg.gather [hbm4b:s16+s3], $0x80, v18, vm0, $0xb8;
	[tilespmem:$0x1C0C0] =	vst v63  }
0x132: {  	s15 =	simm.s32 $0x2E80;
	v17 =	vadd.s32 v3, v17  }
0x133: {  	[tilespmem:s15], [sflag:$0x2] =	stream.indirect_vreg.gather [hbm4b:s16+s3], $0x80, v19, vm0, $0xb8;
	[tilespmem:$0x1C0C0] =	vst v63  }
0x134: {  	s17 =	simm.s32 $0x2F00  }
0x135: {  	[tilespmem:s17], [sflag:$0x2] =	stream.indirect_vreg.gather [hbm4b:s16+s3], $0x80, v24, vm0, $0xb8;
	[tilespmem:$0x1C0C0] =	vst v63  }
0x136: {  	s19 =	simm.s32 $0x2F80  }
0x137: {  	[tilespmem:s19], [sflag:$0x2] =	stream.indirect_vreg.gather [hbm4b:s16+s3], $0x80, v17, vm0, $0xb8;
	[tilespmem:$0x1C0C0] =	vst v63  }
0x138: {  	v17 =	vld [tilespmem:$0x90];
	_ =	sdelay $0x4  }
0x139: {  	v18 =	vshll.u32 v17, $0x1  }
0x13a: {  	v17 =	vand.u32 $0x7, v17;
	v18 =	vand.u32 $0xFFFFFFF0, v18  }
0x13b: {  	v17 =	vor.u32 v17, v18  }
0x13c: {  	v18 =	vperm.xlane v17, v2;
	_ =	sdelay $0x1  }
0x13d: {  	v19 =	vperm.xlane v17, v1;
	v18 =	vadd.s32 v3, v18;
	_ =	sdelay $0x1  }
0x13e: {  	v25 =	vperm.xlane v17, v4;
	v19 =	vadd.s32 v3, v19;
	_ =	sdelay $0x1  }
0x13f: {  	s23 =	simm.s32 $0x3000;
	v26 =	vperm.xlane v17, v5;
	v20 =	vadd.s32 v3, v25  }
0x140: {  	[tilespmem:s23], [sflag:$0x2] =	stream.indirect_vreg.gather [hbm4b:s16+s3], $0x80, v18, vm0, $0xb8;
	[tilespmem:$0x1C0C0] =	vst v63  }
0x141: {  	s26 =	simm.s32 $0x3080;
	v27 =	vperm.xlane v17, v6;
	v18 =	vadd.s32 v3, v26  }
0x142: {  	[tilespmem:s26], [sflag:$0x2] =	stream.indirect_vreg.gather [hbm4b:s16+s3], $0x80, v19, vm0, $0xb8;
	[tilespmem:$0x1C0C0] =	vst v63  }
0x143: {  	s28 =	simm.s32 $0x3100;
	v28 =	vperm.xlane v17, v7;
	v19 =	vadd.s32 v3, v27  }
0x144: {  	[tilespmem:s28], [sflag:$0x2] =	stream.indirect_vreg.gather [hbm4b:s16+s3], $0x80, v20, vm0, $0xb8;
	[tilespmem:$0x1C0C0] =	vst v63  }
0x145: {  	s30 =	simm.s32 $0x3180;
	v30 =	vperm.xlane v17, v8;
	v29 =	vadd.s32 v3, v28  }
0x146: {  	[tilespmem:s30], [sflag:$0x2] =	stream.indirect_vreg.gather [hbm4b:s16+s3], $0x80, v18, vm0, $0xb8;
	[tilespmem:$0x1C0C0] =	vst v63  }
0x147: {  	s2 =	simm.s32 $0x3200;
	v31 =	vperm.xlane v17, v0;
	v18 =	vadd.s32 v3, v30  }
0x148: {  	[tilespmem:s2], [sflag:$0x2] =	stream.indirect_vreg.gather [hbm4b:s16+s3], $0x80, v19, vm0, $0xb8;
	[tilespmem:$0x1C0C0] =	vst v63  }
0x149: {  	s4 =	simm.s32 $0x3280;
	v32 =	vperm.xlane v17, v9;
	v19 =	vadd.s32 v3, v31  }
0x14a: {  	[tilespmem:s4], [sflag:$0x2] =	stream.indirect_vreg.gather [hbm4b:s16+s3], $0x80, v29, vm0, $0xb8;
	[tilespmem:$0x1C0C0] =	vst v63  }
0x14b: {  	s5 =	simm.s32 $0x3300;
	v34 =	vperm.xlane v17, v10;
	v33 =	vadd.s32 v3, v32  }
0x14c: {  	[tilespmem:s5], [sflag:$0x2] =	stream.indirect_vreg.gather [hbm4b:s16+s3], $0x80, v18, vm0, $0xb8;
	[tilespmem:$0x1C0C0] =	vst v63  }
0x14d: {  	s7 =	simm.s32 $0x3380;
	v35 =	vperm.xlane v17, v11;
	v18 =	vadd.s32 v3, v34  }
0x14e: {  	[tilespmem:s7], [sflag:$0x2] =	stream.indirect_vreg.gather [hbm4b:s16+s3], $0x80, v19, vm0, $0xb8;
	[tilespmem:$0x1C0C0] =	vst v63  }
0x14f: {  	s8 =	simm.s32 $0x3400;
	v36 =	vperm.xlane v17, v12;
	v19 =	vadd.s32 v3, v35  }
0x150: {  	[tilespmem:s8], [sflag:$0x2] =	stream.indirect_vreg.gather [hbm4b:s16+s3], $0x80, v33, vm0, $0xb8;
	[tilespmem:$0x1C0C0] =	vst v63  }
0x151: {  	s12 =	simm.s32 $0x3480;
	v38 =	vperm.xlane v17, v13;
	v37 =	vadd.s32 v3, v36  }
0x152: {  	[tilespmem:s12], [sflag:$0x2] =	stream.indirect_vreg.gather [hbm4b:s16+s3], $0x80, v18, vm0, $0xb8;
	[tilespmem:$0x1C0C0] =	vst v63  }
0x153: {  	s15 =	simm.s32 $0x3500;
	v39 =	vperm.xlane v17, v14;
	v18 =	vadd.s32 v3, v38  }
0x154: {  	[tilespmem:s15], [sflag:$0x2] =	stream.indirect_vreg.gather [hbm4b:s16+s3], $0x80, v19, vm0, $0xb8;
	[tilespmem:$0x1C0C0] =	vst v63  }
0x155: {  	s17 =	simm.s32 $0x3580;
	v40 =	vperm.xlane v17, v15;
	v19 =	vadd.s32 v3, v39  }
0x156: {  	[tilespmem:s17], [sflag:$0x2] =	stream.indirect_vreg.gather [hbm4b:s16+s3], $0x80, v37, vm0, $0xb8;
	[tilespmem:$0x1C0C0] =	vst v63  }
0x157: {  	s19 =	simm.s32 $0x3600;
	v17 =	vperm.xlane v17, v16;
	v41 =	vadd.s32 v3, v40  }
0x158: {  	[tilespmem:s19], [sflag:$0x2] =	stream.indirect_vreg.gather [hbm4b:s16+s3], $0x80, v18, vm0, $0xb8;
	[tilespmem:$0x1C0C0] =	vst v63  }
0x159: {  	v17 =	vadd.s32 v3, v17;
	s23 =	simm.s32 $0x3680  }
0x15a: {  	[tilespmem:s23], [sflag:$0x2] =	stream.indirect_vreg.gather [hbm4b:s16+s3], $0x80, v19, vm0, $0xb8;
	[tilespmem:$0x1C0C0] =	vst v63  }
0x15b: {  	s26 =	simm.s32 $0x3700  }
0x15c: {  	[tilespmem:s26], [sflag:$0x2] =	stream.indirect_vreg.gather [hbm4b:s16+s3], $0x80, v41, vm0, $0xb8;
	[tilespmem:$0x1C0C0] =	vst v63  }
0x15d: {  	s28 =	simm.s32 $0x3780  }
0x15e: {  	[tilespmem:s28], [sflag:$0x2] =	stream.indirect_vreg.gather [hbm4b:s16+s3], $0x80, v17, vm0, $0xb8;
	[tilespmem:$0x1C0C0] =	vst v63  }
0x15f: {  	v17 =	vld [tilespmem:$0xA0];
	_ =	sdelay $0x4  }
0x160: {  	v18 =	vshll.u32 v17, $0x1  }
0x161: {  	v17 =	vand.u32 $0x7, v17;
	v18 =	vand.u32 $0xFFFFFFF0, v18  }
0x162: {  	v17 =	vor.u32 v17, v18  }
0x163: {  	v18 =	vperm.xlane v17, v2;
	_ =	sdelay $0x1  }
0x164: {  	v19 =	vperm.xlane v17, v1;
	v18 =	vadd.s32 v3, v18;
	_ =	sdelay $0x1  }
0x165: {  	v42 =	vperm.xlane v17, v4;
	v19 =	vadd.s32 v3, v19;
	_ =	sdelay $0x1  }
0x166: {  	s30 =	simm.s32 $0x3800;
	v43 =	vperm.xlane v17, v5;
	v20 =	vadd.s32 v3, v42  }
0x167: {  	[tilespmem:s30], [sflag:$0x2] =	stream.indirect_vreg.gather [hbm4b:s16+s3], $0x80, v18, vm0, $0xb8;
	[tilespmem:$0x1C0C0] =	vst v63  }
0x168: {  	s2 =	simm.s32 $0x3880;
	v44 =	vperm.xlane v17, v6;
	v18 =	vadd.s32 v3, v43  }
0x169: {  	[tilespmem:s2], [sflag:$0x2] =	stream.indirect_vreg.gather [hbm4b:s16+s3], $0x80, v19, vm0, $0xb8;
	[tilespmem:$0x1C0C0] =	vst v63  }
0x16a: {  	s4 =	simm.s32 $0x3900;
	v45 =	vperm.xlane v17, v7;
	v19 =	vadd.s32 v3, v44  }
0x16b: {  	[tilespmem:s4], [sflag:$0x2] =	stream.indirect_vreg.gather [hbm4b:s16+s3], $0x80, v20, vm0, $0xb8;
	[tilespmem:$0x1C0C0] =	vst v63  }
0x16c: {  	s5 =	simm.s32 $0x3980;
	v47 =	vperm.xlane v17, v8;
	v46 =	vadd.s32 v3, v45  }
0x16d: {  	[tilespmem:s5], [sflag:$0x2] =	stream.indirect_vreg.gather [hbm4b:s16+s3], $0x80, v18, vm0, $0xb8;
	[tilespmem:$0x1C0C0] =	vst v63  }
0x16e: {  	s7 =	simm.s32 $0x3A00;
	v48 =	vperm.xlane v17, v0;
	v18 =	vadd.s32 v3, v47  }
0x16f: {  	[tilespmem:s7], [sflag:$0x2] =	stream.indirect_vreg.gather [hbm4b:s16+s3], $0x80, v19, vm0, $0xb8;
	[tilespmem:$0x1C0C0] =	vst v63  }
0x170: {  	s8 =	simm.s32 $0x3A80;
	v49 =	vperm.xlane v17, v9;
	v19 =	vadd.s32 v3, v48  }
0x171: {  	[tilespmem:s8], [sflag:$0x2] =	stream.indirect_vreg.gather [hbm4b:s16+s3], $0x80, v46, vm0, $0xb8;
	[tilespmem:$0x1C0C0] =	vst v63  }
0x172: {  	s12 =	simm.s32 $0x3B00;
	v51 =	vperm.xlane v17, v10;
	v50 =	vadd.s32 v3, v49  }
0x173: {  	[tilespmem:s12], [sflag:$0x2] =	stream.indirect_vreg.gather [hbm4b:s16+s3], $0x80, v18, vm0, $0xb8;
	[tilespmem:$0x1C0C0] =	vst v63  }
0x174: {  	s15 =	simm.s32 $0x3B80;
	v52 =	vperm.xlane v17, v11;
	v18 =	vadd.s32 v3, v51  }
0x175: {  	[tilespmem:s15], [sflag:$0x2] =	stream.indirect_vreg.gather [hbm4b:s16+s3], $0x80, v19, vm0, $0xb8;
	[tilespmem:$0x1C0C0] =	vst v63  }
0x176: {  	s17 =	simm.s32 $0x3C00;
	v53 =	vperm.xlane v17, v12;
	v19 =	vadd.s32 v3, v52  }
0x177: {  	[tilespmem:s17], [sflag:$0x2] =	stream.indirect_vreg.gather [hbm4b:s16+s3], $0x80, v50, vm0, $0xb8;
	[tilespmem:$0x1C0C0] =	vst v63  }
0x178: {  	s19 =	simm.s32 $0x3C80;
	v55 =	vperm.xlane v17, v13;
	v54 =	vadd.s32 v3, v53  }
0x179: {  	[tilespmem:s19], [sflag:$0x2] =	stream.indirect_vreg.gather [hbm4b:s16+s3], $0x80, v18, vm0, $0xb8;
	[tilespmem:$0x1C0C0] =	vst v63  }
0x17a: {  	s23 =	simm.s32 $0x3D00;
	v56 =	vperm.xlane v17, v14;
	v18 =	vadd.s32 v3, v55  }
0x17b: {  	[tilespmem:s23], [sflag:$0x2] =	stream.indirect_vreg.gather [hbm4b:s16+s3], $0x80, v19, vm0, $0xb8;
	[tilespmem:$0x1C0C0] =	vst v63  }
0x17c: {  	s26 =	simm.s32 $0x3D80;
	v57 =	vperm.xlane v17, v15;
	v19 =	vadd.s32 v3, v56  }
0x17d: {  	[tilespmem:s26], [sflag:$0x2] =	stream.indirect_vreg.gather [hbm4b:s16+s3], $0x80, v54, vm0, $0xb8;
	[tilespmem:$0x1C0C0] =	vst v63  }
0x17e: {  	s28 =	simm.s32 $0x3E00;
	v17 =	vperm.xlane v17, v16;
	v58 =	vadd.s32 v3, v57  }
0x17f: {  	[tilespmem:s28], [sflag:$0x2] =	stream.indirect_vreg.gather [hbm4b:s16+s3], $0x80, v18, vm0, $0xb8;
	[tilespmem:$0x1C0C0] =	vst v63  }
0x180: {  	v17 =	vadd.s32 v3, v17;
	s30 =	simm.s32 $0x3E80  }
0x181: {  	[tilespmem:s30], [sflag:$0x2] =	stream.indirect_vreg.gather [hbm4b:s16+s3], $0x80, v19, vm0, $0xb8;
	[tilespmem:$0x1C0C0] =	vst v63  }
0x182: {  	s2 =	simm.s32 $0x3F00  }
0x183: {  	[tilespmem:s2], [sflag:$0x2] =	stream.indirect_vreg.gather [hbm4b:s16+s3], $0x80, v58, vm0, $0xb8;
	[tilespmem:$0x1C0C0] =	vst v63  }
0x184: {  	s4 =	simm.s32 $0x3F80  }
0x185: {  	[tilespmem:s4], [sflag:$0x2] =	stream.indirect_vreg.gather [hbm4b:s16+s3], $0x80, v17, vm0, $0xb8;
	[tilespmem:$0x1C0C0] =	vst v63  }
0x186: {  	v17 =	vld [tilespmem:$0xB0];
	_ =	sdelay $0x4  }
0x187: {  	v18 =	vshll.u32 v17, $0x1  }
0x188: {  	v17 =	vand.u32 $0x7, v17;
	v18 =	vand.u32 $0xFFFFFFF0, v18  }
0x189: {  	v17 =	vor.u32 v17, v18  }
0x18a: {  	v18 =	vperm.xlane v17, v2;
	_ =	sdelay $0x1  }
0x18b: {  	v19 =	vperm.xlane v17, v1;
	v18 =	vadd.s32 v3, v18;
	_ =	sdelay $0x1  }
0x18c: {  	v59 =	vperm.xlane v17, v4;
	v19 =	vadd.s32 v3, v19;
	_ =	sdelay $0x1  }
0x18d: {  	s5 =	simm.s32 $0x4000;
	v60 =	vperm.xlane v17, v5;
	v20 =	vadd.s32 v3, v59  }
0x18e: {  	[tilespmem:s5], [sflag:$0x2] =	stream.indirect_vreg.gather [hbm4b:s16+s3], $0x80, v18, vm0, $0xb8;
	[tilespmem:$0x1C0C0] =	vst v63  }
0x18f: {  	s7 =	simm.s32 $0x4080;
	v61 =	vperm.xlane v17, v6;
	v18 =	vadd.s32 v3, v60  }
0x190: {  	[tilespmem:s7], [sflag:$0x2] =	stream.indirect_vreg.gather [hbm4b:s16+s3], $0x80, v19, vm0, $0xb8;
	[tilespmem:$0x1C0C0] =	vst v63  }
0x191: {  	s8 =	simm.s32 $0x4100;
	v62 =	vperm.xlane v17, v7;
	v19 =	vadd.s32 v3, v61  }
0x192: {  	[tilespmem:s8], [sflag:$0x2] =	stream.indirect_vreg.gather [hbm4b:s16+s3], $0x80, v20, vm0, $0xb8;
	[tilespmem:$0x1C0C0] =	vst v63  }
0x193: {  	s12 =	simm.s32 $0x4180;
	v24 =	vperm.xlane v17, v8;
	v63 =	vadd.s32 v3, v62  }
0x194: {  	[tilespmem:s12], [sflag:$0x2] =	stream.indirect_vreg.gather [hbm4b:s16+s3], $0x80, v18, vm0, $0xb8;
	[tilespmem:$0x1C0C0] =	vst v63  }
0x195: {  	s15 =	simm.s32 $0x4200;
	v25 =	vperm.xlane v17, v0;
	v18 =	vadd.s32 v3, v24  }
0x196: {  	[tilespmem:s15], [sflag:$0x2] =	stream.indirect_vreg.gather [hbm4b:s16+s3], $0x80, v19, vm0, $0xb8;
	[tilespmem:$0x1C0C0] =	vst v63  }
0x197: {  	s17 =	simm.s32 $0x4280;
	v26 =	vperm.xlane v17, v9;
	v19 =	vadd.s32 v3, v25  }
0x198: {  	[tilespmem:s17], [sflag:$0x2] =	stream.indirect_vreg.gather [hbm4b:s16+s3], $0x80, v63, vm0, $0xb8;
	[tilespmem:$0x1C0C0] =	vst v63  }
0x199: {  	s19 =	simm.s32 $0x4300;
	v28 =	vperm.xlane v17, v10;
	v27 =	vadd.s32 v3, v26  }
0x19a: {  	[tilespmem:s19], [sflag:$0x2] =	stream.indirect_vreg.gather [hbm4b:s16+s3], $0x80, v18, vm0, $0xb8;
	[tilespmem:$0x1C0C0] =	vst v63  }
0x19b: {  	s23 =	simm.s32 $0x4380;
	v29 =	vperm.xlane v17, v11;
	v18 =	vadd.s32 v3, v28  }
0x19c: {  	[tilespmem:s23], [sflag:$0x2] =	stream.indirect_vreg.gather [hbm4b:s16+s3], $0x80, v19, vm0, $0xb8;
	[tilespmem:$0x1C0C0] =	vst v63  }
0x19d: {  	s26 =	simm.s32 $0x4400;
	v30 =	vperm.xlane v17, v12;
	v19 =	vadd.s32 v3, v29  }
0x19e: {  	[tilespmem:s26], [sflag:$0x2] =	stream.indirect_vreg.gather [hbm4b:s16+s3], $0x80, v27, vm0, $0xb8;
	[tilespmem:$0x1C0C0] =	vst v63  }
0x19f: {  	s28 =	simm.s32 $0x4480;
	v32 =	vperm.xlane v17, v13;
	v31 =	vadd.s32 v3, v30  }
0x1a0: {  	[tilespmem:s28], [sflag:$0x2] =	stream.indirect_vreg.gather [hbm4b:s16+s3], $0x80, v18, vm0, $0xb8;
	[tilespmem:$0x1C0C0] =	vst v63  }
0x1a1: {  	s30 =	simm.s32 $0x4500;
	v33 =	vperm.xlane v17, v14;
	v18 =	vadd.s32 v3, v32  }
0x1a2: {  	[tilespmem:s30], [sflag:$0x2] =	stream.indirect_vreg.gather [hbm4b:s16+s3], $0x80, v19, vm0, $0xb8;
	[tilespmem:$0x1C0C0] =	vst v63  }
0x1a3: {  	s2 =	simm.s32 $0x4580;
	v34 =	vperm.xlane v17, v15;
	v19 =	vadd.s32 v3, v33  }
0x1a4: {  	[tilespmem:s2], [sflag:$0x2] =	stream.indirect_vreg.gather [hbm4b:s16+s3], $0x80, v31, vm0, $0xb8;
	[tilespmem:$0x1C0C0] =	vst v63  }
0x1a5: {  	s4 =	simm.s32 $0x4600;
	v17 =	vperm.xlane v17, v16;
	v35 =	vadd.s32 v3, v34  }
0x1a6: {  	[tilespmem:s4], [sflag:$0x2] =	stream.indirect_vreg.gather [hbm4b:s16+s3], $0x80, v18, vm0, $0xb8;
	[tilespmem:$0x1C0C0] =	vst v63  }
0x1a7: {  	v17 =	vadd.s32 v3, v17;
	s5 =	simm.s32 $0x4680  }
0x1a8: {  	[tilespmem:s5], [sflag:$0x2] =	stream.indirect_vreg.gather [hbm4b:s16+s3], $0x80, v19, vm0, $0xb8;
	[tilespmem:$0x1C0C0] =	vst v63  }
0x1a9: {  	s7 =	simm.s32 $0x4700  }
0x1aa: {  	[tilespmem:s7], [sflag:$0x2] =	stream.indirect_vreg.gather [hbm4b:s16+s3], $0x80, v35, vm0, $0xb8;
	[tilespmem:$0x1C0C0] =	vst v63  }
0x1ab: {  	s8 =	simm.s32 $0x4780;
	s12 =	simm.s32 $0xB  }
0x1ac: {  	[tilespmem:s8], [sflag:$0x2] =	stream.indirect_vreg.gather [hbm4b:s16+s3], $0x80, v17, vm0, $0xb8;
	[tilespmem:$0x1C0C0] =	vst v63  }
0x1ad: {  	_ =	swait.ge [sflag:s12], $0x80  }
0x1ae: {  	[sflag:s12] =	ssyncset.done $0x0  }
0x1af: {  	[sflag:s12] =	ssyncadd.s32 $0xFFFFFF80  }
0x1b0: {  	v17 =	vld [tilespmem:$0x100];
	_ =	sdelay $0x4  }
0x1b1: {  	v18 =	vshll.u32 v17, $0x1  }
0x1b2: {  	v17 =	vand.u32 $0x7, v17;
	v18 =	vand.u32 $0xFFFFFFF0, v18  }
0x1b3: {  	v17 =	vor.u32 v17, v18  }
0x1b4: {  	v18 =	vperm.xlane v17, v2;
	_ =	sdelay $0x1  }
0x1b5: {  	v19 =	vperm.xlane v17, v1;
	v18 =	vadd.s32 v3, v18;
	_ =	sdelay $0x1  }
0x1b6: {  	v36 =	vperm.xlane v17, v4;
	v19 =	vadd.s32 v3, v19;
	_ =	sdelay $0x1  }
0x1b7: {  	v37 =	vperm.xlane v17, v5;
	v20 =	vadd.s32 v3, v36  }
0x1b8: {  	[tilespmem:s9], [sflag:$0x3] =	stream.indirect_vreg.gather [hbm4b:s16+s3], $0x80, v18, vm0, $0xb8;
	[tilespmem:$0x1C0C0] =	vst v63  }
0x1b9: {  	s15 =	simm.s32 $0x4880;
	v38 =	vperm.xlane v17, v6;
	v18 =	vadd.s32 v3, v37  }
0x1ba: {  	[tilespmem:s15], [sflag:$0x3] =	stream.indirect_vreg.gather [hbm4b:s16+s3], $0x80, v19, vm0, $0xb8;
	[tilespmem:$0x1C0C0] =	vst v63  }
0x1bb: {  	s17 =	simm.s32 $0x4900;
	v39 =	vperm.xlane v17, v7;
	v19 =	vadd.s32 v3, v38  }
0x1bc: {  	[tilespmem:s17], [sflag:$0x3] =	stream.indirect_vreg.gather [hbm4b:s16+s3], $0x80, v20, vm0, $0xb8;
	[tilespmem:$0x1C0C0] =	vst v63  }
0x1bd: {  	s19 =	simm.s32 $0x4980;
	v41 =	vperm.xlane v17, v8;
	v40 =	vadd.s32 v3, v39  }
0x1be: {  	[tilespmem:s19], [sflag:$0x3] =	stream.indirect_vreg.gather [hbm4b:s16+s3], $0x80, v18, vm0, $0xb8;
	[tilespmem:$0x1C0C0] =	vst v63  }
0x1bf: {  	s23 =	simm.s32 $0x4A00;
	v42 =	vperm.xlane v17, v0;
	v18 =	vadd.s32 v3, v41  }
0x1c0: {  	[tilespmem:s23], [sflag:$0x3] =	stream.indirect_vreg.gather [hbm4b:s16+s3], $0x80, v19, vm0, $0xb8;
	[tilespmem:$0x1C0C0] =	vst v63  }
0x1c1: {  	s26 =	simm.s32 $0x4A80;
	v43 =	vperm.xlane v17, v9;
	v19 =	vadd.s32 v3, v42  }
0x1c2: {  	[tilespmem:s26], [sflag:$0x3] =	stream.indirect_vreg.gather [hbm4b:s16+s3], $0x80, v40, vm0, $0xb8;
	[tilespmem:$0x1C0C0] =	vst v63  }
0x1c3: {  	s28 =	simm.s32 $0x4B00;
	v45 =	vperm.xlane v17, v10;
	v44 =	vadd.s32 v3, v43  }
0x1c4: {  	[tilespmem:s28], [sflag:$0x3] =	stream.indirect_vreg.gather [hbm4b:s16+s3], $0x80, v18, vm0, $0xb8;
	[tilespmem:$0x1C0C0] =	vst v63  }
0x1c5: {  	s30 =	simm.s32 $0x4B80;
	v46 =	vperm.xlane v17, v11;
	v18 =	vadd.s32 v3, v45  }
0x1c6: {  	[tilespmem:s30], [sflag:$0x3] =	stream.indirect_vreg.gather [hbm4b:s16+s3], $0x80, v19, vm0, $0xb8;
	[tilespmem:$0x1C0C0] =	vst v63  }
0x1c7: {  	s2 =	simm.s32 $0x4C00;
	v47 =	vperm.xlane v17, v12;
	v19 =	vadd.s32 v3, v46  }
0x1c8: {  	[tilespmem:s2], [sflag:$0x3] =	stream.indirect_vreg.gather [hbm4b:s16+s3], $0x80, v44, vm0, $0xb8;
	[tilespmem:$0x1C0C0] =	vst v63  }
0x1c9: {  	s4 =	simm.s32 $0x4C80;
	v49 =	vperm.xlane v17, v13;
	v48 =	vadd.s32 v3, v47  }
0x1ca: {  	[tilespmem:s4], [sflag:$0x3] =	stream.indirect_vreg.gather [hbm4b:s16+s3], $0x80, v18, vm0, $0xb8;
	[tilespmem:$0x1C0C0] =	vst v63  }
0x1cb: {  	s5 =	simm.s32 $0x4D00;
	v50 =	vperm.xlane v17, v14;
	v18 =	vadd.s32 v3, v49  }
0x1cc: {  	[tilespmem:s5], [sflag:$0x3] =	stream.indirect_vreg.gather [hbm4b:s16+s3], $0x80, v19, vm0, $0xb8;
	[tilespmem:$0x1C0C0] =	vst v63  }
0x1cd: {  	s7 =	simm.s32 $0x4D80;
	v51 =	vperm.xlane v17, v15;
	v19 =	vadd.s32 v3, v50  }
0x1ce: {  	[tilespmem:s7], [sflag:$0x3] =	stream.indirect_vreg.gather [hbm4b:s16+s3], $0x80, v48, vm0, $0xb8;
	[tilespmem:$0x1C0C0] =	vst v63  }
0x1cf: {  	s8 =	simm.s32 $0x4E00;
	v17 =	vperm.xlane v17, v16;
	v52 =	vadd.s32 v3, v51  }
0x1d0: {  	[tilespmem:s8], [sflag:$0x3] =	stream.indirect_vreg.gather [hbm4b:s16+s3], $0x80, v18, vm0, $0xb8;
	[tilespmem:$0x1C0C0] =	vst v63  }
0x1d1: {  	v17 =	vadd.s32 v3, v17;
	s9 =	simm.s32 $0x4E80  }
0x1d2: {  	[tilespmem:s9], [sflag:$0x3] =	stream.indirect_vreg.gather [hbm4b:s16+s3], $0x80, v19, vm0, $0xb8;
	[tilespmem:$0x1C0C0] =	vst v63  }
0x1d3: {  	s12 =	simm.s32 $0x4F00  }
0x1d4: {  	[tilespmem:s12], [sflag:$0x3] =	stream.indirect_vreg.gather [hbm4b:s16+s3], $0x80, v52, vm0, $0xb8;
	[tilespmem:$0x1C0C0] =	vst v63  }
0x1d5: {  	s15 =	simm.s32 $0x4F80  }
0x1d6: {  	[tilespmem:s15], [sflag:$0x3] =	stream.indirect_vreg.gather [hbm4b:s16+s3], $0x80, v17, vm0, $0xb8;
	[tilespmem:$0x1C0C0] =	vst v63  }
0x1d7: {  	v17 =	vld [tilespmem:$0x110];
	_ =	sdelay $0x4  }
0x1d8: {  	v18 =	vshll.u32 v17, $0x1  }
0x1d9: {  	v17 =	vand.u32 $0x7, v17;
	v18 =	vand.u32 $0xFFFFFFF0, v18  }
0x1da: {  	v17 =	vor.u32 v17, v18  }
0x1db: {  	v18 =	vperm.xlane v17, v2;
	_ =	sdelay $0x1  }
0x1dc: {  	v19 =	vperm.xlane v17, v1;
	v18 =	vadd.s32 v3, v18;
	_ =	sdelay $0x1  }
0x1dd: {  	v53 =	vperm.xlane v17, v4;
	v19 =	vadd.s32 v3, v19;
	_ =	sdelay $0x1  }
0x1de: {  	s17 =	simm.s32 $0x5000;
	v54 =	vperm.xlane v17, v5;
	v20 =	vadd.s32 v3, v53  }
0x1df: {  	[tilespmem:s17], [sflag:$0x3] =	stream.indirect_vreg.gather [hbm4b:s16+s3], $0x80, v18, vm0, $0xb8;
	[tilespmem:$0x1C0C0] =	vst v63  }
0x1e0: {  	s19 =	simm.s32 $0x5080;
	v55 =	vperm.xlane v17, v6;
	v18 =	vadd.s32 v3, v54  }
0x1e1: {  	[tilespmem:s19], [sflag:$0x3] =	stream.indirect_vreg.gather [hbm4b:s16+s3], $0x80, v19, vm0, $0xb8;
	[tilespmem:$0x1C0C0] =	vst v63  }
0x1e2: {  	s23 =	simm.s32 $0x5100;
	v56 =	vperm.xlane v17, v7;
	v19 =	vadd.s32 v3, v55  }
0x1e3: {  	[tilespmem:s23], [sflag:$0x3] =	stream.indirect_vreg.gather [hbm4b:s16+s3], $0x80, v20, vm0, $0xb8;
	[tilespmem:$0x1C0C0] =	vst v63  }
0x1e4: {  	s26 =	simm.s32 $0x5180;
	v58 =	vperm.xlane v17, v8;
	v57 =	vadd.s32 v3, v56  }
0x1e5: {  	[tilespmem:s26], [sflag:$0x3] =	stream.indirect_vreg.gather [hbm4b:s16+s3], $0x80, v18, vm0, $0xb8;
	[tilespmem:$0x1C0C0] =	vst v63  }
0x1e6: {  	s28 =	simm.s32 $0x5200;
	v59 =	vperm.xlane v17, v0;
	v18 =	vadd.s32 v3, v58  }
0x1e7: {  	[tilespmem:s28], [sflag:$0x3] =	stream.indirect_vreg.gather [hbm4b:s16+s3], $0x80, v19, vm0, $0xb8;
	[tilespmem:$0x1C0C0] =	vst v63  }
0x1e8: {  	s30 =	simm.s32 $0x5280;
	v60 =	vperm.xlane v17, v9;
	v19 =	vadd.s32 v3, v59  }
0x1e9: {  	[tilespmem:s30], [sflag:$0x3] =	stream.indirect_vreg.gather [hbm4b:s16+s3], $0x80, v57, vm0, $0xb8;
	[tilespmem:$0x1C0C0] =	vst v63  }
0x1ea: {  	s2 =	simm.s32 $0x5300;
	v62 =	vperm.xlane v17, v10;
	v61 =	vadd.s32 v3, v60  }
0x1eb: {  	[tilespmem:s2], [sflag:$0x3] =	stream.indirect_vreg.gather [hbm4b:s16+s3], $0x80, v18, vm0, $0xb8;
	[tilespmem:$0x1C0C0] =	vst v63  }
0x1ec: {  	s4 =	simm.s32 $0x5380;
	v63 =	vperm.xlane v17, v11;
	v18 =	vadd.s32 v3, v62  }
0x1ed: {  	[tilespmem:s4], [sflag:$0x3] =	stream.indirect_vreg.gather [hbm4b:s16+s3], $0x80, v19, vm0, $0xb8;
	[tilespmem:$0x1C0C0] =	vst v63  }
0x1ee: {  	s5 =	simm.s32 $0x5400;
	v24 =	vperm.xlane v17, v12;
	v19 =	vadd.s32 v3, v63  }
0x1ef: {  	[tilespmem:s5], [sflag:$0x3] =	stream.indirect_vreg.gather [hbm4b:s16+s3], $0x80, v61, vm0, $0xb8;
	[tilespmem:$0x1C0C0] =	vst v63  }
0x1f0: {  	s7 =	simm.s32 $0x5480;
	v26 =	vperm.xlane v17, v13;
	v25 =	vadd.s32 v3, v24  }
0x1f1: {  	[tilespmem:s7], [sflag:$0x3] =	stream.indirect_vreg.gather [hbm4b:s16+s3], $0x80, v18, vm0, $0xb8;
	[tilespmem:$0x1C0C0] =	vst v63  }
0x1f2: {  	s8 =	simm.s32 $0x5500;
	v27 =	vperm.xlane v17, v14;
	v18 =	vadd.s32 v3, v26  }
0x1f3: {  	[tilespmem:s8], [sflag:$0x3] =	stream.indirect_vreg.gather [hbm4b:s16+s3], $0x80, v19, vm0, $0xb8;
	[tilespmem:$0x1C0C0] =	vst v63  }
0x1f4: {  	s9 =	simm.s32 $0x5580;
	v28 =	vperm.xlane v17, v15;
	v19 =	vadd.s32 v3, v27  }
0x1f5: {  	[tilespmem:s9], [sflag:$0x3] =	stream.indirect_vreg.gather [hbm4b:s16+s3], $0x80, v25, vm0, $0xb8;
	[tilespmem:$0x1C0C0] =	vst v63  }
0x1f6: {  	s12 =	simm.s32 $0x5600;
	v17 =	vperm.xlane v17, v16;
	v29 =	vadd.s32 v3, v28  }
0x1f7: {  	[tilespmem:s12], [sflag:$0x3] =	stream.indirect_vreg.gather [hbm4b:s16+s3], $0x80, v18, vm0, $0xb8;
	[tilespmem:$0x1C0C0] =	vst v63  }
0x1f8: {  	s15 =	simm.s32 $0x5680;
	v17 =	vadd.s32 v3, v17  }
0x1f9: {  	[tilespmem:s15], [sflag:$0x3] =	stream.indirect_vreg.gather [hbm4b:s16+s3], $0x80, v19, vm0, $0xb8;
	[tilespmem:$0x1C0C0] =	vst v63  }
0x1fa: {  	s17 =	simm.s32 $0x5700  }
0x1fb: {  	[tilespmem:s17], [sflag:$0x3] =	stream.indirect_vreg.gather [hbm4b:s16+s3], $0x80, v29, vm0, $0xb8;
	[tilespmem:$0x1C0C0] =	vst v63  }
0x1fc: {  	s19 =	simm.s32 $0x5780  }
0x1fd: {  	[tilespmem:s19], [sflag:$0x3] =	stream.indirect_vreg.gather [hbm4b:s16+s3], $0x80, v17, vm0, $0xb8;
	[tilespmem:$0x1C0C0] =	vst v63  }
0x1fe: {  	v17 =	vld [tilespmem:$0x120];
	_ =	sdelay $0x4  }
0x1ff: {  	v18 =	vshll.u32 v17, $0x1  }
0x200: {  	v17 =	vand.u32 $0x7, v17;
	v18 =	vand.u32 $0xFFFFFFF0, v18  }
0x201: {  	v17 =	vor.u32 v17, v18  }
0x202: {  	v18 =	vperm.xlane v17, v2;
	_ =	sdelay $0x1  }
0x203: {  	v19 =	vperm.xlane v17, v1;
	v18 =	vadd.s32 v3, v18;
	_ =	sdelay $0x1  }
0x204: {  	v30 =	vperm.xlane v17, v4;
	v19 =	vadd.s32 v3, v19;
	_ =	sdelay $0x1  }
0x205: {  	s23 =	simm.s32 $0x5800;
	v31 =	vperm.xlane v17, v5;
	v20 =	vadd.s32 v3, v30  }
0x206: {  	[tilespmem:s23], [sflag:$0x3] =	stream.indirect_vreg.gather [hbm4b:s16+s3], $0x80, v18, vm0, $0xb8;
	[tilespmem:$0x1C0C0] =	vst v63  }
0x207: {  	s26 =	simm.s32 $0x5880;
	v32 =	vperm.xlane v17, v6;
	v18 =	vadd.s32 v3, v31  }
0x208: {  	[tilespmem:s26], [sflag:$0x3] =	stream.indirect_vreg.gather [hbm4b:s16+s3], $0x80, v19, vm0, $0xb8;
	[tilespmem:$0x1C0C0] =	vst v63  }
0x209: {  	s28 =	simm.s32 $0x5900;
	v33 =	vperm.xlane v17, v7;
	v19 =	vadd.s32 v3, v32  }
0x20a: {  	[tilespmem:s28], [sflag:$0x3] =	stream.indirect_vreg.gather [hbm4b:s16+s3], $0x80, v20, vm0, $0xb8;
	[tilespmem:$0x1C0C0] =	vst v63  }
0x20b: {  	s30 =	simm.s32 $0x5980;
	v35 =	vperm.xlane v17, v8;
	v34 =	vadd.s32 v3, v33  }
0x20c: {  	[tilespmem:s30], [sflag:$0x3] =	stream.indirect_vreg.gather [hbm4b:s16+s3], $0x80, v18, vm0, $0xb8;
	[tilespmem:$0x1C0C0] =	vst v63  }
0x20d: {  	s2 =	simm.s32 $0x5A00;
	v36 =	vperm.xlane v17, v0;
	v18 =	vadd.s32 v3, v35  }
0x20e: {  	[tilespmem:s2], [sflag:$0x3] =	stream.indirect_vreg.gather [hbm4b:s16+s3], $0x80, v19, vm0, $0xb8;
	[tilespmem:$0x1C0C0] =	vst v63  }
0x20f: {  	s4 =	simm.s32 $0x5A80;
	v37 =	vperm.xlane v17, v9;
	v19 =	vadd.s32 v3, v36  }
0x210: {  	[tilespmem:s4], [sflag:$0x3] =	stream.indirect_vreg.gather [hbm4b:s16+s3], $0x80, v34, vm0, $0xb8;
	[tilespmem:$0x1C0C0] =	vst v63  }
0x211: {  	s5 =	simm.s32 $0x5B00;
	v39 =	vperm.xlane v17, v10;
	v38 =	vadd.s32 v3, v37  }
0x212: {  	[tilespmem:s5], [sflag:$0x3] =	stream.indirect_vreg.gather [hbm4b:s16+s3], $0x80, v18, vm0, $0xb8;
	[tilespmem:$0x1C0C0] =	vst v63  }
0x213: {  	s7 =	simm.s32 $0x5B80;
	v40 =	vperm.xlane v17, v11;
	v18 =	vadd.s32 v3, v39  }
0x214: {  	[tilespmem:s7], [sflag:$0x3] =	stream.indirect_vreg.gather [hbm4b:s16+s3], $0x80, v19, vm0, $0xb8;
	[tilespmem:$0x1C0C0] =	vst v63  }
0x215: {  	s8 =	simm.s32 $0x5C00;
	v41 =	vperm.xlane v17, v12;
	v19 =	vadd.s32 v3, v40  }
0x216: {  	[tilespmem:s8], [sflag:$0x3] =	stream.indirect_vreg.gather [hbm4b:s16+s3], $0x80, v38, vm0, $0xb8;
	[tilespmem:$0x1C0C0] =	vst v63  }
0x217: {  	s9 =	simm.s32 $0x5C80;
	v43 =	vperm.xlane v17, v13;
	v42 =	vadd.s32 v3, v41  }
0x218: {  	[tilespmem:s9], [sflag:$0x3] =	stream.indirect_vreg.gather [hbm4b:s16+s3], $0x80, v18, vm0, $0xb8;
	[tilespmem:$0x1C0C0] =	vst v63  }
0x219: {  	s12 =	simm.s32 $0x5D00;
	v44 =	vperm.xlane v17, v14;
	v18 =	vadd.s32 v3, v43  }
0x21a: {  	[tilespmem:s12], [sflag:$0x3] =	stream.indirect_vreg.gather [hbm4b:s16+s3], $0x80, v19, vm0, $0xb8;
	[tilespmem:$0x1C0C0] =	vst v63  }
0x21b: {  	s15 =	simm.s32 $0x5D80;
	v45 =	vperm.xlane v17, v15;
	v19 =	vadd.s32 v3, v44  }
0x21c: {  	[tilespmem:s15], [sflag:$0x3] =	stream.indirect_vreg.gather [hbm4b:s16+s3], $0x80, v42, vm0, $0xb8;
	[tilespmem:$0x1C0C0] =	vst v63  }
0x21d: {  	s17 =	simm.s32 $0x5E00;
	v17 =	vperm.xlane v17, v16;
	v46 =	vadd.s32 v3, v45  }
0x21e: {  	[tilespmem:s17], [sflag:$0x3] =	stream.indirect_vreg.gather [hbm4b:s16+s3], $0x80, v18, vm0, $0xb8;
	[tilespmem:$0x1C0C0] =	vst v63  }
0x21f: {  	s19 =	simm.s32 $0x5E80;
	v17 =	vadd.s32 v3, v17  }
0x220: {  	[tilespmem:s19], [sflag:$0x3] =	stream.indirect_vreg.gather [hbm4b:s16+s3], $0x80, v19, vm0, $0xb8;
	[tilespmem:$0x1C0C0] =	vst v63  }
0x221: {  	s23 =	simm.s32 $0x5F00  }
0x222: {  	[tilespmem:s23], [sflag:$0x3] =	stream.indirect_vreg.gather [hbm4b:s16+s3], $0x80, v46, vm0, $0xb8;
	[tilespmem:$0x1C0C0] =	vst v63  }
0x223: {  	s26 =	simm.s32 $0x5F80  }
0x224: {  	[tilespmem:s26], [sflag:$0x3] =	stream.indirect_vreg.gather [hbm4b:s16+s3], $0x80, v17, vm0, $0xb8;
	[tilespmem:$0x1C0C0] =	vst v63  }
0x225: {  	v17 =	vld [tilespmem:$0x130];
	_ =	sdelay $0x4  }
0x226: {  	v18 =	vshll.u32 v17, $0x1  }
0x227: {  	v17 =	vand.u32 $0x7, v17;
	v18 =	vand.u32 $0xFFFFFFF0, v18  }
0x228: {  	v17 =	vor.u32 v17, v18  }
0x229: {  	v18 =	vperm.xlane v17, v2;
	_ =	sdelay $0x1  }
0x22a: {  	v19 =	vperm.xlane v17, v1;
	v18 =	vadd.s32 v3, v18;
	_ =	sdelay $0x1  }
0x22b: {  	v47 =	vperm.xlane v17, v4;
	v19 =	vadd.s32 v3, v19;
	_ =	sdelay $0x1  }
0x22c: {  	s28 =	simm.s32 $0x6000;
	v48 =	vperm.xlane v17, v5;
	v20 =	vadd.s32 v3, v47  }
0x22d: {  	[tilespmem:s28], [sflag:$0x3] =	stream.indirect_vreg.gather [hbm4b:s16+s3], $0x80, v18, vm0, $0xb8;
	[tilespmem:$0x1C0C0] =	vst v63  }
0x22e: {  	s30 =	simm.s32 $0x6080;
	v49 =	vperm.xlane v17, v6;
	v18 =	vadd.s32 v3, v48  }
0x22f: {  	[tilespmem:s30], [sflag:$0x3] =	stream.indirect_vreg.gather [hbm4b:s16+s3], $0x80, v19, vm0, $0xb8;
	[tilespmem:$0x1C0C0] =	vst v63  }
0x230: {  	s2 =	simm.s32 $0x6100;
	v50 =	vperm.xlane v17, v7;
	v19 =	vadd.s32 v3, v49  }
0x231: {  	[tilespmem:s2], [sflag:$0x3] =	stream.indirect_vreg.gather [hbm4b:s16+s3], $0x80, v20, vm0, $0xb8;
	[tilespmem:$0x1C0C0] =	vst v63  }
0x232: {  	s4 =	simm.s32 $0x6180;
	v52 =	vperm.xlane v17, v8;
	v51 =	vadd.s32 v3, v50  }
0x233: {  	[tilespmem:s4], [sflag:$0x3] =	stream.indirect_vreg.gather [hbm4b:s16+s3], $0x80, v18, vm0, $0xb8;
	[tilespmem:$0x1C0C0] =	vst v63  }
0x234: {  	s5 =	simm.s32 $0x6200;
	v53 =	vperm.xlane v17, v0;
	v18 =	vadd.s32 v3, v52  }
0x235: {  	[tilespmem:s5], [sflag:$0x3] =	stream.indirect_vreg.gather [hbm4b:s16+s3], $0x80, v19, vm0, $0xb8;
	[tilespmem:$0x1C0C0] =	vst v63  }
0x236: {  	s7 =	simm.s32 $0x6280;
	v54 =	vperm.xlane v17, v9;
	v19 =	vadd.s32 v3, v53  }
0x237: {  	[tilespmem:s7], [sflag:$0x3] =	stream.indirect_vreg.gather [hbm4b:s16+s3], $0x80, v51, vm0, $0xb8;
	[tilespmem:$0x1C0C0] =	vst v63  }
0x238: {  	s8 =	simm.s32 $0x6300;
	v56 =	vperm.xlane v17, v10;
	v55 =	vadd.s32 v3, v54  }
0x239: {  	[tilespmem:s8], [sflag:$0x3] =	stream.indirect_vreg.gather [hbm4b:s16+s3], $0x80, v18, vm0, $0xb8;
	[tilespmem:$0x1C0C0] =	vst v63  }
0x23a: {  	s9 =	simm.s32 $0x6380;
	v57 =	vperm.xlane v17, v11;
	v18 =	vadd.s32 v3, v56  }
0x23b: {  	[tilespmem:s9], [sflag:$0x3] =	stream.indirect_vreg.gather [hbm4b:s16+s3], $0x80, v19, vm0, $0xb8;
	[tilespmem:$0x1C0C0] =	vst v63  }
0x23c: {  	s12 =	simm.s32 $0x6400;
	v58 =	vperm.xlane v17, v12;
	v19 =	vadd.s32 v3, v57  }
0x23d: {  	[tilespmem:s12], [sflag:$0x3] =	stream.indirect_vreg.gather [hbm4b:s16+s3], $0x80, v55, vm0, $0xb8;
	[tilespmem:$0x1C0C0] =	vst v63  }
0x23e: {  	s15 =	simm.s32 $0x6480;
	v60 =	vperm.xlane v17, v13;
	v59 =	vadd.s32 v3, v58  }
0x23f: {  	[tilespmem:s15], [sflag:$0x3] =	stream.indirect_vreg.gather [hbm4b:s16+s3], $0x80, v18, vm0, $0xb8;
	[tilespmem:$0x1C0C0] =	vst v63  }
0x240: {  	s17 =	simm.s32 $0x6500;
	v61 =	vperm.xlane v17, v14;
	v18 =	vadd.s32 v3, v60  }
0x241: {  	[tilespmem:s17], [sflag:$0x3] =	stream.indirect_vreg.gather [hbm4b:s16+s3], $0x80, v19, vm0, $0xb8;
	[tilespmem:$0x1C0C0] =	vst v63  }
0x242: {  	s19 =	simm.s32 $0x6580;
	v62 =	vperm.xlane v17, v15;
	v19 =	vadd.s32 v3, v61  }
0x243: {  	[tilespmem:s19], [sflag:$0x3] =	stream.indirect_vreg.gather [hbm4b:s16+s3], $0x80, v59, vm0, $0xb8;
	[tilespmem:$0x1C0C0] =	vst v63  }
0x244: {  	s23 =	simm.s32 $0x6600;
	v17 =	vperm.xlane v17, v16;
	v63 =	vadd.s32 v3, v62  }
0x245: {  	[tilespmem:s23], [sflag:$0x3] =	stream.indirect_vreg.gather [hbm4b:s16+s3], $0x80, v18, vm0, $0xb8;
	[tilespmem:$0x1C0C0] =	vst v63  }
0x246: {  	s0 =	simm.s32 $0x0;
	s29 =	simm.s32 $0x780;
	s26 =	simm.s32 $0x6680;
	v17 =	vadd.s32 v3, v17  }
0x247: {  	[tilespmem:s26], [sflag:$0x3] =	stream.indirect_vreg.gather [hbm4b:s16+s3], $0x80, v19, vm0, $0xb8;
	[tilespmem:$0x1C0C0] =	vst v63  }
0x248: {  	s31 =	simm.s32 $0x680;
	s28 =	simm.s32 $0x6700;
	s30 =	simm.s32 $0x6780  }
0x249: {  	[tilespmem:s28], [sflag:$0x3] =	stream.indirect_vreg.gather [hbm4b:s16+s3], $0x80, v63, vm0, $0xb8;
	[tilespmem:$0x1C0C0] =	vst v63  }
0x24a: {  	s2 =	simm.s32 $0x400;
	s17 =	simm.s32 $0x700;
	s19 =	simm.s32 $0x2800  }
0x24b: {  	[tilespmem:s30], [sflag:$0x3] =	stream.indirect_vreg.gather [hbm4b:s16+s3], $0x80, v17, vm0, $0xb8;
	[tilespmem:$0x1C0C0] =	vst v63  }
.LBB2_2:
0x24c: {  	s12 =	simm.s32 $0x11  }
0x24d: {  	_ =	swait.ge [sflag:s12], $0x80  }
0x24e: {  	[sflag:s12] =	ssyncset.done $0x0  }
0x24f: {  	[sflag:s12] =	ssyncadd.s32 $0xFFFFFF80  }
0x250: {  	_ =	swait.ge [sflag:s25], $0x2000  }
0x251: {  	p0 =	seq.s32 s0, $0x0;
	[sflag:s25] =	ssyncset.done $0x0  }
0x252: {  	s23 =	simm.s32 @!p0 $0x8;
	[sflag:s25] =	ssyncadd.s32 $0xFFFFE000  }
0x253: {  	_ =	swait.ge @!p0 [sflag:s23], $0x2000  }
0x254: {  	[sflag:s23] =	ssyncset.done @!p0 $0x0  }
0x255: {  	s5 =	simm.s32 $0x400;
	[sflag:s23] =	ssyncadd.s32 @!p0 $0xFFFFE000  }
0x256: {  	[spmem:s1] =	stream.indirect.scatter.add.f32 [tilespmem:s14], [sflag:$0x5], $0x80, s5, s6, $0xb8;
	[tilespmem:$0x1C0C0] =	vst v63  }
0x257: {  	s14 =	rddreg [dreg:$0x1b]  }
0x258: {  	p0 =	seq.s32 s0, $0x980;
	s28 =	sadd.s32 s0, s14  }
0x259: {  	s30 =	sadd.s32 @!p0 s0, s21;
	s7 =	sadd.s32 $0x60, s28  }
0x25a: {  	[tilespmem:s17], [sflag:$0x17] =	stream.linear.gather [hbm4b:s7+s3], $0x80, $0x38;
	[tilespmem:$0x1C0C0] =	vst v63  }
0x25b: {  	s8 =	simm.s32 $0xC;
	s23 =	simm.s32 @!p0 $0x0;
	s26 =	sadd.s32 @!p0 $0x80, s30  }
0x25c: {  	[tilespmem:s23], [sflag:$0x9] =	stream.linear.gather @!p0 [hbm4b:s26+s23], $0x80, $0x38;
	[tilespmem:$0x1C0C0] =	vst v63  }
0x25d: {  	_ =	swait.ge [sflag:s8], $0x80  }
0x25e: {  	[sflag:s8] =	ssyncset.done $0x0  }
0x25f: {  	[sflag:s8] =	ssyncadd.s32 $0xFFFFFF80  }
0x260: {  	v17 =	vld [tilespmem:$0x180];
	_ =	sdelay $0x4  }
0x261: {  	v18 =	vshll.u32 v17, $0x1  }
0x262: {  	v17 =	vand.u32 $0x7, v17;
	v18 =	vand.u32 $0xFFFFFFF0, v18  }
0x263: {  	v17 =	vor.u32 v17, v18  }
0x264: {  	v18 =	vperm.xlane v17, v2;
	_ =	sdelay $0x1  }
0x265: {  	v19 =	vperm.xlane v17, v1;
	v18 =	vadd.s32 v3, v18;
	_ =	sdelay $0x1  }
0x266: {  	v20 =	vperm.xlane v17, v4;
	v19 =	vadd.s32 v3, v19;
	_ =	sdelay $0x1  }
0x267: {  	v21 =	vperm.xlane v17, v5;
	v20 =	vadd.s32 v3, v20  }
0x268: {  	[tilespmem:s11], [sflag:$0x4] =	stream.indirect_vreg.gather [hbm4b:s16+s3], $0x80, v18, vm0, $0xb8;
	[tilespmem:$0x1C0C0] =	vst v63  }
0x269: {  	s8 =	simm.s32 $0x6880;
	v46 =	vperm.xlane v17, v6;
	v18 =	vadd.s32 v3, v21  }
0x26a: {  	[tilespmem:s8], [sflag:$0x4] =	stream.indirect_vreg.gather [hbm4b:s16+s3], $0x80, v19, vm0, $0xb8;
	[tilespmem:$0x1C0C0] =	vst v63  }
0x26b: {  	v47 =	vperm.xlane v17, v7;
	s11 =	simm.s32 $0x6900;
	v19 =	vadd.s32 v3, v46  }
0x26c: {  	[tilespmem:s11], [sflag:$0x4] =	stream.indirect_vreg.gather [hbm4b:s16+s3], $0x80, v20, vm0, $0xb8;
	[tilespmem:$0x1C0C0] =	vst v63  }
0x26d: {  	v49 =	vperm.xlane v17, v8;
	v48 =	vadd.s32 v3, v47  }
0x26e: {  	[tilespmem:s18], [sflag:$0x4] =	stream.indirect_vreg.gather [hbm4b:s16+s3], $0x80, v18, vm0, $0xb8;
	[tilespmem:$0x1C0C0] =	vst v63  }
0x26f: {  	s4 =	simm.s32 $0x6A00;
	v50 =	vperm.xlane v17, v0;
	v18 =	vadd.s32 v3, v49  }
0x270: {  	[tilespmem:s4], [sflag:$0x4] =	stream.indirect_vreg.gather [hbm4b:s16+s3], $0x80, v19, vm0, $0xb8;
	[tilespmem:$0x1C0C0] =	vst v63  }
0x271: {  	v51 =	vperm.xlane v17, v9;
	v19 =	vadd.s32 v3, v50  }
0x272: {  	[tilespmem:s24], [sflag:$0x4] =	stream.indirect_vreg.gather [hbm4b:s16+s3], $0x80, v48, vm0, $0xb8;
	[tilespmem:$0x1C0C0] =	vst v63  }
0x273: {  	s6 =	simm.s32 $0x6B00;
	v53 =	vperm.xlane v17, v10;
	v52 =	vadd.s32 v3, v51  }
0x274: {  	[tilespmem:s6], [sflag:$0x4] =	stream.indirect_vreg.gather [hbm4b:s16+s3], $0x80, v18, vm0, $0xb8;
	[tilespmem:$0x1C0C0] =	vst v63  }
0x275: {  	v54 =	vperm.xlane v17, v11;
	v18 =	vadd.s32 v3, v53  }
0x276: {  	[tilespmem:s10], [sflag:$0x4] =	stream.indirect_vreg.gather [hbm4b:s16+s3], $0x80, v19, vm0, $0xb8;
	[tilespmem:$0x1C0C0] =	vst v63  }
0x277: {  	v55 =	vperm.xlane v17, v12;
	v19 =	vadd.s32 v3, v54  }
0x278: {  	[tilespmem:s22], [sflag:$0x4] =	stream.indirect_vreg.gather [hbm4b:s16+s3], $0x80, v52, vm0, $0xb8;
	[tilespmem:$0x1C0C0] =	vst v63  }
0x279: {  	s5 =	simm.s32 $0x6C80;
	v57 =	vperm.xlane v17, v13;
	v56 =	vadd.s32 v3, v55  }
0x27a: {  	[tilespmem:s5], [sflag:$0x4] =	stream.indirect_vreg.gather [hbm4b:s16+s3], $0x80, v18, vm0, $0xb8;
	[tilespmem:$0x1C0C0] =	vst v63  }
0x27b: {  	s17 =	simm.s32 $0x6D00;
	v58 =	vperm.xlane v17, v14;
	v18 =	vadd.s32 v3, v57  }
0x27c: {  	[tilespmem:s17], [sflag:$0x4] =	stream.indirect_vreg.gather [hbm4b:s16+s3], $0x80, v19, vm0, $0xb8;
	[tilespmem:$0x1C0C0] =	vst v63  }
0x27d: {  	s7 =	simm.s32 $0x6D80;
	v59 =	vperm.xlane v17, v15;
	v19 =	vadd.s32 v3, v58  }
0x27e: {  	[tilespmem:s7], [sflag:$0x4] =	stream.indirect_vreg.gather [hbm4b:s16+s3], $0x80, v56, vm0, $0xb8;
	[tilespmem:$0x1C0C0] =	vst v63  }
0x27f: {  	s12 =	simm.s32 $0x6E00;
	v17 =	vperm.xlane v17, v16;
	v60 =	vadd.s32 v3, v59  }
0x280: {  	[tilespmem:s12], [sflag:$0x4] =	stream.indirect_vreg.gather [hbm4b:s16+s3], $0x80, v18, vm0, $0xb8;
	[tilespmem:$0x1C0C0] =	vst v63  }
0x281: {  	s26 =	simm.s32 $0x6E80;
	v17 =	vadd.s32 v3, v17  }
0x282: {  	[tilespmem:s26], [sflag:$0x4] =	stream.indirect_vreg.gather [hbm4b:s16+s3], $0x80, v19, vm0, $0xb8;
	[tilespmem:$0x1C0C0] =	vst v63  }
0x283: {  	s12 =	simm.s32 $0x6F00  }
0x284: {  	[tilespmem:s12], [sflag:$0x4] =	stream.indirect_vreg.gather [hbm4b:s16+s3], $0x80, v60, vm0, $0xb8;
	[tilespmem:$0x1C0C0] =	vst v63  }
0x285: {  	s26 =	simm.s32 $0x6F80  }
0x286: {  	[tilespmem:s26], [sflag:$0x4] =	stream.indirect_vreg.gather [hbm4b:s16+s3], $0x80, v17, vm0, $0xb8;
	[tilespmem:$0x1C0C0] =	vst v63  }
0x287: {  	v17 =	vld [tilespmem:$0x190];
	_ =	sdelay $0x4  }
0x288: {  	v18 =	vshll.u32 v17, $0x1  }
0x289: {  	v17 =	vand.u32 $0x7, v17;
	v18 =	vand.u32 $0xFFFFFFF0, v18  }
0x28a: {  	v17 =	vor.u32 v17, v18  }
0x28b: {  	v18 =	vperm.xlane v17, v2;
	_ =	sdelay $0x1  }
0x28c: {  	v19 =	vperm.xlane v17, v1;
	v18 =	vadd.s32 v3, v18;
	_ =	sdelay $0x1  }
0x28d: {  	v61 =	vperm.xlane v17, v4;
	v19 =	vadd.s32 v3, v19;
	_ =	sdelay $0x1  }
0x28e: {  	s12 =	simm.s32 $0x7000;
	v62 =	vperm.xlane v17, v5;
	v20 =	vadd.s32 v3, v61  }
0x28f: {  	[tilespmem:s12], [sflag:$0x4] =	stream.indirect_vreg.gather [hbm4b:s16+s3], $0x80, v18, vm0, $0xb8;
	[tilespmem:$0x1C0C0] =	vst v63  }
0x290: {  	s26 =	simm.s32 $0x7080;
	v63 =	vperm.xlane v17, v6;
	v18 =	vadd.s32 v3, v62  }
0x291: {  	[tilespmem:s26], [sflag:$0x4] =	stream.indirect_vreg.gather [hbm4b:s16+s3], $0x80, v19, vm0, $0xb8;
	[tilespmem:$0x1C0C0] =	vst v63  }
0x292: {  	v24 =	vperm.xlane v17, v7;
	s12 =	simm.s32 $0x7100;
	v19 =	vadd.s32 v3, v63  }
0x293: {  	[tilespmem:s12], [sflag:$0x4] =	stream.indirect_vreg.gather [hbm4b:s16+s3], $0x80, v20, vm0, $0xb8;
	[tilespmem:$0x1C0C0] =	vst v63  }
0x294: {  	v26 =	vperm.xlane v17, v8;
	v25 =	vadd.s32 v3, v24;
	s26 =	simm.s32 $0x7180  }
0x295: {  	[tilespmem:s26], [sflag:$0x4] =	stream.indirect_vreg.gather [hbm4b:s16+s3], $0x80, v18, vm0, $0xb8;
	[tilespmem:$0x1C0C0] =	vst v63  }
0x296: {  	v27 =	vperm.xlane v17, v0;
	s12 =	simm.s32 $0x7200;
	v18 =	vadd.s32 v3, v26  }
0x297: {  	[tilespmem:s12], [sflag:$0x4] =	stream.indirect_vreg.gather [hbm4b:s16+s3], $0x80, v19, vm0, $0xb8;
	[tilespmem:$0x1C0C0] =	vst v63  }
0x298: {  	v28 =	vperm.xlane v17, v9;
	s26 =	simm.s32 $0x7280;
	v19 =	vadd.s32 v3, v27  }
0x299: {  	[tilespmem:s26], [sflag:$0x4] =	stream.indirect_vreg.gather [hbm4b:s16+s3], $0x80, v25, vm0, $0xb8;
	[tilespmem:$0x1C0C0] =	vst v63  }
0x29a: {  	v30 =	vperm.xlane v17, v10;
	v29 =	vadd.s32 v3, v28;
	s12 =	simm.s32 $0x7300  }
0x29b: {  	[tilespmem:s12], [sflag:$0x4] =	stream.indirect_vreg.gather [hbm4b:s16+s3], $0x80, v18, vm0, $0xb8;
	[tilespmem:$0x1C0C0] =	vst v63  }
0x29c: {  	v31 =	vperm.xlane v17, v11;
	s26 =	simm.s32 $0x7380;
	v18 =	vadd.s32 v3, v30  }
0x29d: {  	[tilespmem:s26], [sflag:$0x4] =	stream.indirect_vreg.gather [hbm4b:s16+s3], $0x80, v19, vm0, $0xb8;
	[tilespmem:$0x1C0C0] =	vst v63  }
0x29e: {  	v32 =	vperm.xlane v17, v12;
	s12 =	simm.s32 $0x7400;
	v19 =	vadd.s32 v3, v31  }
0x29f: {  	[tilespmem:s12], [sflag:$0x4] =	stream.indirect_vreg.gather [hbm4b:s16+s3], $0x80, v29, vm0, $0xb8;
	[tilespmem:$0x1C0C0] =	vst v63  }
0x2a0: {  	v34 =	vperm.xlane v17, v13;
	v33 =	vadd.s32 v3, v32;
	s26 =	simm.s32 $0x7480  }
0x2a1: {  	[tilespmem:s26], [sflag:$0x4] =	stream.indirect_vreg.gather [hbm4b:s16+s3], $0x80, v18, vm0, $0xb8;
	[tilespmem:$0x1C0C0] =	vst v63  }
0x2a2: {  	v35 =	vperm.xlane v17, v14;
	s12 =	simm.s32 $0x7500;
	v18 =	vadd.s32 v3, v34  }
0x2a3: {  	[tilespmem:s12], [sflag:$0x4] =	stream.indirect_vreg.gather [hbm4b:s16+s3], $0x80, v19, vm0, $0xb8;
	[tilespmem:$0x1C0C0] =	vst v63  }
0x2a4: {  	v36 =	vperm.xlane v17, v15;
	s26 =	simm.s32 $0x7580;
	v19 =	vadd.s32 v3, v35  }
0x2a5: {  	[tilespmem:s26], [sflag:$0x4] =	stream.indirect_vreg.gather [hbm4b:s16+s3], $0x80, v33, vm0, $0xb8;
	[tilespmem:$0x1C0C0] =	vst v63  }
0x2a6: {  	v17 =	vperm.xlane v17, v16;
	v37 =	vadd.s32 v3, v36;
	s12 =	simm.s32 $0x7600  }
0x2a7: {  	[tilespmem:s12], [sflag:$0x4] =	stream.indirect_vreg.gather [hbm4b:s16+s3], $0x80, v18, vm0, $0xb8;
	[tilespmem:$0x1C0C0] =	vst v63  }
0x2a8: {  	v17 =	vadd.s32 v3, v17;
	s26 =	simm.s32 $0x7680  }
0x2a9: {  	[tilespmem:s26], [sflag:$0x4] =	stream.indirect_vreg.gather [hbm4b:s16+s3], $0x80, v19, vm0, $0xb8;
	[tilespmem:$0x1C0C0] =	vst v63  }
0x2aa: {  	s12 =	simm.s32 $0x7700  }
0x2ab: {  	[tilespmem:s12], [sflag:$0x4] =	stream.indirect_vreg.gather [hbm4b:s16+s3], $0x80, v37, vm0, $0xb8;
	[tilespmem:$0x1C0C0] =	vst v63  }
0x2ac: {  	s26 =	simm.s32 $0x7780  }
0x2ad: {  	[tilespmem:s26], [sflag:$0x4] =	stream.indirect_vreg.gather [hbm4b:s16+s3], $0x80, v17, vm0, $0xb8;
	[tilespmem:$0x1C0C0] =	vst v63  }
0x2ae: {  	v17 =	vld [tilespmem:$0x1A0];
	_ =	sdelay $0x4  }
0x2af: {  	v18 =	vshll.u32 v17, $0x1  }
0x2b0: {  	v17 =	vand.u32 $0x7, v17;
	v18 =	vand.u32 $0xFFFFFFF0, v18  }
0x2b1: {  	v17 =	vor.u32 v17, v18  }
0x2b2: {  	v18 =	vperm.xlane v17, v2;
	_ =	sdelay $0x1  }
0x2b3: {  	v19 =	vperm.xlane v17, v1;
	v18 =	vadd.s32 v3, v18;
	_ =	sdelay $0x1  }
0x2b4: {  	v38 =	vperm.xlane v17, v4;
	v19 =	vadd.s32 v3, v19;
	_ =	sdelay $0x1  }
0x2b5: {  	s12 =	simm.s32 $0x7800;
	v39 =	vperm.xlane v17, v5;
	v20 =	vadd.s32 v3, v38  }
0x2b6: {  	[tilespmem:s12], [sflag:$0x4] =	stream.indirect_vreg.gather [hbm4b:s16+s3], $0x80, v18, vm0, $0xb8;
	[tilespmem:$0x1C0C0] =	vst v63  }
0x2b7: {  	s26 =	simm.s32 $0x7880;
	v40 =	vperm.xlane v17, v6;
	v18 =	vadd.s32 v3, v39  }
0x2b8: {  	[tilespmem:s26], [sflag:$0x4] =	stream.indirect_vreg.gather [hbm4b:s16+s3], $0x80, v19, vm0, $0xb8;
	[tilespmem:$0x1C0C0] =	vst v63  }
0x2b9: {  	v41 =	vperm.xlane v17, v7;
	s12 =	simm.s32 $0x7900;
	v19 =	vadd.s32 v3, v40  }
0x2ba: {  	[tilespmem:s12], [sflag:$0x4] =	stream.indirect_vreg.gather [hbm4b:s16+s3], $0x80, v20, vm0, $0xb8;
	[tilespmem:$0x1C0C0] =	vst v63  }
0x2bb: {  	v43 =	vperm.xlane v17, v8;
	v42 =	vadd.s32 v3, v41;
	s26 =	simm.s32 $0x7980  }
0x2bc: {  	[tilespmem:s26], [sflag:$0x4] =	stream.indirect_vreg.gather [hbm4b:s16+s3], $0x80, v18, vm0, $0xb8;
	[tilespmem:$0x1C0C0] =	vst v63  }
0x2bd: {  	v44 =	vperm.xlane v17, v0;
	s12 =	simm.s32 $0x7A00;
	v18 =	vadd.s32 v3, v43  }
0x2be: {  	[tilespmem:s12], [sflag:$0x4] =	stream.indirect_vreg.gather [hbm4b:s16+s3], $0x80, v19, vm0, $0xb8;
	[tilespmem:$0x1C0C0] =	vst v63  }
0x2bf: {  	v45 =	vperm.xlane v17, v9;
	s26 =	simm.s32 $0x7A80;
	v19 =	vadd.s32 v3, v44  }
0x2c0: {  	[tilespmem:s26], [sflag:$0x4] =	stream.indirect_vreg.gather [hbm4b:s16+s3], $0x80, v42, vm0, $0xb8;
	[tilespmem:$0x1C0C0] =	vst v63  }
0x2c1: {  	v47 =	vperm.xlane v17, v10;
	v46 =	vadd.s32 v3, v45;
	s12 =	simm.s32 $0x7B00  }
0x2c2: {  	[tilespmem:s12], [sflag:$0x4] =	stream.indirect_vreg.gather [hbm4b:s16+s3], $0x80, v18, vm0, $0xb8;
	[tilespmem:$0x1C0C0] =	vst v63  }
0x2c3: {  	v48 =	vperm.xlane v17, v11;
	s26 =	simm.s32 $0x7B80;
	v18 =	vadd.s32 v3, v47  }
0x2c4: {  	[tilespmem:s26], [sflag:$0x4] =	stream.indirect_vreg.gather [hbm4b:s16+s3], $0x80, v19, vm0, $0xb8;
	[tilespmem:$0x1C0C0] =	vst v63  }
0x2c5: {  	v49 =	vperm.xlane v17, v12;
	s12 =	simm.s32 $0x7C00;
	v19 =	vadd.s32 v3, v48  }
0x2c6: {  	[tilespmem:s12], [sflag:$0x4] =	stream.indirect_vreg.gather [hbm4b:s16+s3], $0x80, v46, vm0, $0xb8;
	[tilespmem:$0x1C0C0] =	vst v63  }
0x2c7: {  	v51 =	vperm.xlane v17, v13;
	v50 =	vadd.s32 v3, v49;
	s26 =	simm.s32 $0x7C80  }
0x2c8: {  	[tilespmem:s26], [sflag:$0x4] =	stream.indirect_vreg.gather [hbm4b:s16+s3], $0x80, v18, vm0, $0xb8;
	[tilespmem:$0x1C0C0] =	vst v63  }
0x2c9: {  	v52 =	vperm.xlane v17, v14;
	s12 =	simm.s32 $0x7D00;
	v18 =	vadd.s32 v3, v51  }
0x2ca: {  	[tilespmem:s12], [sflag:$0x4] =	stream.indirect_vreg.gather [hbm4b:s16+s3], $0x80, v19, vm0, $0xb8;
	[tilespmem:$0x1C0C0] =	vst v63  }
0x2cb: {  	v53 =	vperm.xlane v17, v15;
	s26 =	simm.s32 $0x7D80;
	v19 =	vadd.s32 v3, v52  }
0x2cc: {  	[tilespmem:s26], [sflag:$0x4] =	stream.indirect_vreg.gather [hbm4b:s16+s3], $0x80, v50, vm0, $0xb8;
	[tilespmem:$0x1C0C0] =	vst v63  }
0x2cd: {  	v17 =	vperm.xlane v17, v16;
	v54 =	vadd.s32 v3, v53;
	s12 =	simm.s32 $0x7E00  }
0x2ce: {  	[tilespmem:s12], [sflag:$0x4] =	stream.indirect_vreg.gather [hbm4b:s16+s3], $0x80, v18, vm0, $0xb8;
	[tilespmem:$0x1C0C0] =	vst v63  }
0x2cf: {  	v17 =	vadd.s32 v3, v17;
	s26 =	simm.s32 $0x7E80  }
0x2d0: {  	[tilespmem:s26], [sflag:$0x4] =	stream.indirect_vreg.gather [hbm4b:s16+s3], $0x80, v19, vm0, $0xb8;
	[tilespmem:$0x1C0C0] =	vst v63  }
0x2d1: {  	s12 =	simm.s32 $0x7F00  }
0x2d2: {  	[tilespmem:s12], [sflag:$0x4] =	stream.indirect_vreg.gather [hbm4b:s16+s3], $0x80, v54, vm0, $0xb8;
	[tilespmem:$0x1C0C0] =	vst v63  }
0x2d3: {  	s26 =	simm.s32 $0x7F80  }
0x2d4: {  	[tilespmem:s26], [sflag:$0x4] =	stream.indirect_vreg.gather [hbm4b:s16+s3], $0x80, v17, vm0, $0xb8;
	[tilespmem:$0x1C0C0] =	vst v63  }
0x2d5: {  	v17 =	vld [tilespmem:$0x1B0];
	_ =	sdelay $0x4  }
0x2d6: {  	v18 =	vshll.u32 v17, $0x1  }
0x2d7: {  	v17 =	vand.u32 $0x7, v17;
	v18 =	vand.u32 $0xFFFFFFF0, v18  }
0x2d8: {  	v17 =	vor.u32 v17, v18  }
0x2d9: {  	v18 =	vperm.xlane v17, v2;
	_ =	sdelay $0x1  }
0x2da: {  	v19 =	vperm.xlane v17, v1;
	v18 =	vadd.s32 v3, v18;
	_ =	sdelay $0x1  }
0x2db: {  	v55 =	vperm.xlane v17, v4;
	v19 =	vadd.s32 v3, v19;
	_ =	sdelay $0x1  }
0x2dc: {  	s12 =	simm.s32 $0x8000;
	v56 =	vperm.xlane v17, v5;
	v20 =	vadd.s32 v3, v55  }
0x2dd: {  	[tilespmem:s12], [sflag:$0x4] =	stream.indirect_vreg.gather [hbm4b:s16+s3], $0x80, v18, vm0, $0xb8;
	[tilespmem:$0x1C0C0] =	vst v63  }
0x2de: {  	s26 =	simm.s32 $0x8080;
	v57 =	vperm.xlane v17, v6;
	v18 =	vadd.s32 v3, v56  }
0x2df: {  	[tilespmem:s26], [sflag:$0x4] =	stream.indirect_vreg.gather [hbm4b:s16+s3], $0x80, v19, vm0, $0xb8;
	[tilespmem:$0x1C0C0] =	vst v63  }
0x2e0: {  	v58 =	vperm.xlane v17, v7;
	s12 =	simm.s32 $0x8100;
	v19 =	vadd.s32 v3, v57  }
0x2e1: {  	[tilespmem:s12], [sflag:$0x4] =	stream.indirect_vreg.gather [hbm4b:s16+s3], $0x80, v20, vm0, $0xb8;
	[tilespmem:$0x1C0C0] =	vst v63  }
0x2e2: {  	v60 =	vperm.xlane v17, v8;
	v59 =	vadd.s32 v3, v58;
	s26 =	simm.s32 $0x8180  }
0x2e3: {  	[tilespmem:s26], [sflag:$0x4] =	stream.indirect_vreg.gather [hbm4b:s16+s3], $0x80, v18, vm0, $0xb8;
	[tilespmem:$0x1C0C0] =	vst v63  }
0x2e4: {  	v61 =	vperm.xlane v17, v0;
	s12 =	simm.s32 $0x8200;
	v18 =	vadd.s32 v3, v60  }
0x2e5: {  	[tilespmem:s12], [sflag:$0x4] =	stream.indirect_vreg.gather [hbm4b:s16+s3], $0x80, v19, vm0, $0xb8;
	[tilespmem:$0x1C0C0] =	vst v63  }
0x2e6: {  	v62 =	vperm.xlane v17, v9;
	s26 =	simm.s32 $0x8280;
	v19 =	vadd.s32 v3, v61  }
0x2e7: {  	[tilespmem:s26], [sflag:$0x4] =	stream.indirect_vreg.gather [hbm4b:s16+s3], $0x80, v59, vm0, $0xb8;
	[tilespmem:$0x1C0C0] =	vst v63  }
0x2e8: {  	v24 =	vperm.xlane v17, v10;
	v63 =	vadd.s32 v3, v62;
	s12 =	simm.s32 $0x8300  }
0x2e9: {  	[tilespmem:s12], [sflag:$0x4] =	stream.indirect_vreg.gather [hbm4b:s16+s3], $0x80, v18, vm0, $0xb8;
	[tilespmem:$0x1C0C0] =	vst v63  }
0x2ea: {  	v25 =	vperm.xlane v17, v11;
	s26 =	simm.s32 $0x8380;
	v18 =	vadd.s32 v3, v24  }
0x2eb: {  	[tilespmem:s26], [sflag:$0x4] =	stream.indirect_vreg.gather [hbm4b:s16+s3], $0x80, v19, vm0, $0xb8;
	[tilespmem:$0x1C0C0] =	vst v63  }
0x2ec: {  	v26 =	vperm.xlane v17, v12;
	s12 =	simm.s32 $0x8400;
	v19 =	vadd.s32 v3, v25  }
0x2ed: {  	[tilespmem:s12], [sflag:$0x4] =	stream.indirect_vreg.gather [hbm4b:s16+s3], $0x80, v63, vm0, $0xb8;
	[tilespmem:$0x1C0C0] =	vst v63  }
0x2ee: {  	v28 =	vperm.xlane v17, v13;
	v27 =	vadd.s32 v3, v26;
	s26 =	simm.s32 $0x8480  }
0x2ef: {  	[tilespmem:s26], [sflag:$0x4] =	stream.indirect_vreg.gather [hbm4b:s16+s3], $0x80, v18, vm0, $0xb8;
	[tilespmem:$0x1C0C0] =	vst v63  }
0x2f0: {  	v29 =	vperm.xlane v17, v14;
	s12 =	simm.s32 $0x8500;
	v18 =	vadd.s32 v3, v28  }
0x2f1: {  	[tilespmem:s12], [sflag:$0x4] =	stream.indirect_vreg.gather [hbm4b:s16+s3], $0x80, v19, vm0, $0xb8;
	[tilespmem:$0x1C0C0] =	vst v63  }
0x2f2: {  	v30 =	vperm.xlane v17, v15;
	s26 =	simm.s32 $0x8580;
	v19 =	vadd.s32 v3, v29  }
0x2f3: {  	[tilespmem:s26], [sflag:$0x4] =	stream.indirect_vreg.gather [hbm4b:s16+s3], $0x80, v27, vm0, $0xb8;
	[tilespmem:$0x1C0C0] =	vst v63  }
0x2f4: {  	v17 =	vperm.xlane v17, v16;
	v31 =	vadd.s32 v3, v30;
	s12 =	simm.s32 $0x8600  }
0x2f5: {  	[tilespmem:s12], [sflag:$0x4] =	stream.indirect_vreg.gather [hbm4b:s16+s3], $0x80, v18, vm0, $0xb8;
	[tilespmem:$0x1C0C0] =	vst v63  }
0x2f6: {  	v17 =	vadd.s32 v3, v17;
	s26 =	simm.s32 $0x8680  }
0x2f7: {  	[tilespmem:s26], [sflag:$0x4] =	stream.indirect_vreg.gather [hbm4b:s16+s3], $0x80, v19, vm0, $0xb8;
	[tilespmem:$0x1C0C0] =	vst v63  }
0x2f8: {  	s12 =	simm.s32 $0x8700  }
0x2f9: {  	[tilespmem:s12], [sflag:$0x4] =	stream.indirect_vreg.gather [hbm4b:s16+s3], $0x80, v31, vm0, $0xb8;
	[tilespmem:$0x1C0C0] =	vst v63  }
0x2fa: {  	s7 =	simm.s32 $0x12;
	s26 =	simm.s32 $0x8780  }
0x2fb: {  	[tilespmem:s26], [sflag:$0x4] =	stream.indirect_vreg.gather [hbm4b:s16+s3], $0x80, v17, vm0, $0xb8;
	[tilespmem:$0x1C0C0] =	vst v63  }
0x2fc: {  	_ =	swait.ge [sflag:s7], $0x80  }
0x2fd: {  	[sflag:s7] =	ssyncset.done $0x0  }
0x2fe: {  	[sflag:s7] =	ssyncadd.s32 $0xFFFFFF80;
	s7 =	simm.s32 $0x2  }
0x2ff: {  	_ =	swait.ge [sflag:s7], $0x2000  }
0x300: {  	[sflag:s7] =	ssyncset.done $0x0  }
0x301: {  	[sflag:s7] =	ssyncadd.s32 $0xFFFFE000  }
0x302: {  	_ =	swait.ge [sflag:s13], $0x2000  }
0x303: {  	[sflag:s13] =	ssyncset.done $0x0  }
0x304: {  	s15 =	simm.s32 $0x40;
	s26 =	simm.s32 $0x480;
	[sflag:s13] =	ssyncadd.s32 $0xFFFFE000  }
0x305: {  	[spmem:s1] =	stream.indirect.scatter.add.f32 [tilespmem:s19], [sflag:$0x6], $0x80, s26, s15, $0xb8;
	[tilespmem:$0x1C0C0] =	vst v63  }
0x306: {  	s12 =	sadd.s32 $0x70, s28  }
0x307: {  	[tilespmem:s29], [sflag:$0x18] =	stream.linear.gather [hbm4b:s12+s3], $0x80, $0x38;
	[tilespmem:$0x1C0C0] =	vst v63  }
0x308: {  	s26 =	sadd.s32 @!p0 $0x90, s30;
	s29 =	simm.s32 @!p0 $0x80  }
0x309: {  	[tilespmem:s29], [sflag:$0xA] =	stream.linear.gather @!p0 [hbm4b:s26+s23], $0x80, $0x38;
	[tilespmem:$0x1C0C0] =	vst v63  }
0x30a: {  	s29 =	simm.s32 $0xD  }
0x30b: {  	_ =	swait.ge [sflag:s29], $0x80  }
0x30c: {  	[sflag:s29] =	ssyncset.done $0x0  }
0x30d: {  	[sflag:s29] =	ssyncadd.s32 $0xFFFFFF80  }
0x30e: {  	v17 =	vld [tilespmem:$0x200];
	_ =	sdelay $0x4  }
0x30f: {  	v18 =	vshll.u32 v17, $0x1  }
0x310: {  	v17 =	vand.u32 $0x7, v17;
	v18 =	vand.u32 $0xFFFFFFF0, v18  }
0x311: {  	v17 =	vor.u32 v17, v18  }
0x312: {  	v18 =	vperm.xlane v17, v2;
	_ =	sdelay $0x1  }
0x313: {  	v19 =	vperm.xlane v17, v1;
	v18 =	vadd.s32 v3, v18;
	_ =	sdelay $0x1  }
0x314: {  	v32 =	vperm.xlane v17, v4;
	v19 =	vadd.s32 v3, v19;
	_ =	sdelay $0x1  }
0x315: {  	s9 =	simm.s32 $0x800;
	v33 =	vperm.xlane v17, v5;
	v20 =	vadd.s32 v3, v32  }
0x316: {  	[tilespmem:s9], [sflag:$0x1] =	stream.indirect_vreg.gather [hbm4b:s16+s3], $0x80, v18, vm0, $0xb8;
	[tilespmem:$0x1C0C0] =	vst v63  }
0x317: {  	s26 =	simm.s32 $0x880;
	v34 =	vperm.xlane v17, v6;
	v18 =	vadd.s32 v3, v33  }
0x318: {  	[tilespmem:s26], [sflag:$0x1] =	stream.indirect_vreg.gather [hbm4b:s16+s3], $0x80, v19, vm0, $0xb8;
	[tilespmem:$0x1C0C0] =	vst v63  }
0x319: {  	s29 =	simm.s32 $0x900;
	v35 =	vperm.xlane v17, v7;
	v19 =	vadd.s32 v3, v34  }
0x31a: {  	[tilespmem:s29], [sflag:$0x1] =	stream.indirect_vreg.gather [hbm4b:s16+s3], $0x80, v20, vm0, $0xb8;
	[tilespmem:$0x1C0C0] =	vst v63  }
0x31b: {  	s12 =	simm.s32 $0x980;
	v37 =	vperm.xlane v17, v8;
	v36 =	vadd.s32 v3, v35  }
0x31c: {  	[tilespmem:s12], [sflag:$0x1] =	stream.indirect_vreg.gather [hbm4b:s16+s3], $0x80, v18, vm0, $0xb8;
	[tilespmem:$0x1C0C0] =	vst v63  }
0x31d: {  	v38 =	vperm.xlane v17, v0;
	s26 =	simm.s32 $0xA00;
	v18 =	vadd.s32 v3, v37  }
0x31e: {  	[tilespmem:s26], [sflag:$0x1] =	stream.indirect_vreg.gather [hbm4b:s16+s3], $0x80, v19, vm0, $0xb8;
	[tilespmem:$0x1C0C0] =	vst v63  }
0x31f: {  	v39 =	vperm.xlane v17, v9;
	s29 =	simm.s32 $0xA80;
	v19 =	vadd.s32 v3, v38  }
0x320: {  	[tilespmem:s29], [sflag:$0x1] =	stream.indirect_vreg.gather [hbm4b:s16+s3], $0x80, v36, vm0, $0xb8;
	[tilespmem:$0x1C0C0] =	vst v63  }
0x321: {  	v41 =	vperm.xlane v17, v10;
	v40 =	vadd.s32 v3, v39;
	s12 =	simm.s32 $0xB00  }
0x322: {  	[tilespmem:s12], [sflag:$0x1] =	stream.indirect_vreg.gather [hbm4b:s16+s3], $0x80, v18, vm0, $0xb8;
	[tilespmem:$0x1C0C0] =	vst v63  }
0x323: {  	v42 =	vperm.xlane v17, v11;
	s26 =	simm.s32 $0xB80;
	v18 =	vadd.s32 v3, v41  }
0x324: {  	[tilespmem:s26], [sflag:$0x1] =	stream.indirect_vreg.gather [hbm4b:s16+s3], $0x80, v19, vm0, $0xb8;
	[tilespmem:$0x1C0C0] =	vst v63  }
0x325: {  	v43 =	vperm.xlane v17, v12;
	s29 =	simm.s32 $0xC00;
	v19 =	vadd.s32 v3, v42  }
0x326: {  	[tilespmem:s29], [sflag:$0x1] =	stream.indirect_vreg.gather [hbm4b:s16+s3], $0x80, v40, vm0, $0xb8;
	[tilespmem:$0x1C0C0] =	vst v63  }
0x327: {  	v45 =	vperm.xlane v17, v13;
	v44 =	vadd.s32 v3, v43;
	s12 =	simm.s32 $0xC80  }
0x328: {  	[tilespmem:s12], [sflag:$0x1] =	stream.indirect_vreg.gather [hbm4b:s16+s3], $0x80, v18, vm0, $0xb8;
	[tilespmem:$0x1C0C0] =	vst v63  }
0x329: {  	v46 =	vperm.xlane v17, v14;
	s26 =	simm.s32 $0xD00;
	v18 =	vadd.s32 v3, v45  }
0x32a: {  	[tilespmem:s26], [sflag:$0x1] =	stream.indirect_vreg.gather [hbm4b:s16+s3], $0x80, v19, vm0, $0xb8;
	[tilespmem:$0x1C0C0] =	vst v63  }
0x32b: {  	v47 =	vperm.xlane v17, v15;
	s29 =	simm.s32 $0xD80;
	v19 =	vadd.s32 v3, v46  }
0x32c: {  	[tilespmem:s29], [sflag:$0x1] =	stream.indirect_vreg.gather [hbm4b:s16+s3], $0x80, v44, vm0, $0xb8;
	[tilespmem:$0x1C0C0] =	vst v63  }
0x32d: {  	v17 =	vperm.xlane v17, v16;
	v48 =	vadd.s32 v3, v47;
	s12 =	simm.s32 $0xE00  }
0x32e: {  	[tilespmem:s12], [sflag:$0x1] =	stream.indirect_vreg.gather [hbm4b:s16+s3], $0x80, v18, vm0, $0xb8;
	[tilespmem:$0x1C0C0] =	vst v63  }
0x32f: {  	v17 =	vadd.s32 v3, v17;
	s26 =	simm.s32 $0xE80  }
0x330: {  	[tilespmem:s26], [sflag:$0x1] =	stream.indirect_vreg.gather [hbm4b:s16+s3], $0x80, v19, vm0, $0xb8;
	[tilespmem:$0x1C0C0] =	vst v63  }
0x331: {  	s29 =	simm.s32 $0xF00  }
0x332: {  	[tilespmem:s29], [sflag:$0x1] =	stream.indirect_vreg.gather [hbm4b:s16+s3], $0x80, v48, vm0, $0xb8;
	[tilespmem:$0x1C0C0] =	vst v63  }
0x333: {  	s12 =	simm.s32 $0xF80  }
0x334: {  	[tilespmem:s12], [sflag:$0x1] =	stream.indirect_vreg.gather [hbm4b:s16+s3], $0x80, v17, vm0, $0xb8;
	[tilespmem:$0x1C0C0] =	vst v63  }
0x335: {  	v17 =	vld [tilespmem:$0x210];
	_ =	sdelay $0x4  }
0x336: {  	v18 =	vshll.u32 v17, $0x1  }
0x337: {  	v17 =	vand.u32 $0x7, v17;
	v18 =	vand.u32 $0xFFFFFFF0, v18  }
0x338: {  	v17 =	vor.u32 v17, v18  }
0x339: {  	v18 =	vperm.xlane v17, v2;
	_ =	sdelay $0x1  }
0x33a: {  	v19 =	vperm.xlane v17, v1;
	v18 =	vadd.s32 v3, v18;
	_ =	sdelay $0x1  }
0x33b: {  	v49 =	vperm.xlane v17, v4;
	v19 =	vadd.s32 v3, v19;
	_ =	sdelay $0x1  }
0x33c: {  	s26 =	simm.s32 $0x1000;
	v50 =	vperm.xlane v17, v5;
	v20 =	vadd.s32 v3, v49  }
0x33d: {  	[tilespmem:s26], [sflag:$0x1] =	stream.indirect_vreg.gather [hbm4b:s16+s3], $0x80, v18, vm0, $0xb8;
	[tilespmem:$0x1C0C0] =	vst v63  }
0x33e: {  	s29 =	simm.s32 $0x1080;
	v51 =	vperm.xlane v17, v6;
	v18 =	vadd.s32 v3, v50  }
0x33f: {  	[tilespmem:s29], [sflag:$0x1] =	stream.indirect_vreg.gather [hbm4b:s16+s3], $0x80, v19, vm0, $0xb8;
	[tilespmem:$0x1C0C0] =	vst v63  }
0x340: {  	s12 =	simm.s32 $0x1100;
	v52 =	vperm.xlane v17, v7;
	v19 =	vadd.s32 v3, v51  }
0x341: {  	[tilespmem:s12], [sflag:$0x1] =	stream.indirect_vreg.gather [hbm4b:s16+s3], $0x80, v20, vm0, $0xb8;
	[tilespmem:$0x1C0C0] =	vst v63  }
0x342: {  	v54 =	vperm.xlane v17, v8;
	v53 =	vadd.s32 v3, v52;
	s26 =	simm.s32 $0x1180  }
0x343: {  	[tilespmem:s26], [sflag:$0x1] =	stream.indirect_vreg.gather [hbm4b:s16+s3], $0x80, v18, vm0, $0xb8;
	[tilespmem:$0x1C0C0] =	vst v63  }
0x344: {  	v55 =	vperm.xlane v17, v0;
	s29 =	simm.s32 $0x1200;
	v18 =	vadd.s32 v3, v54  }
0x345: {  	[tilespmem:s29], [sflag:$0x1] =	stream.indirect_vreg.gather [hbm4b:s16+s3], $0x80, v19, vm0, $0xb8;
	[tilespmem:$0x1C0C0] =	vst v63  }
0x346: {  	v56 =	vperm.xlane v17, v9;
	s12 =	simm.s32 $0x1280;
	v19 =	vadd.s32 v3, v55  }
0x347: {  	[tilespmem:s12], [sflag:$0x1] =	stream.indirect_vreg.gather [hbm4b:s16+s3], $0x80, v53, vm0, $0xb8;
	[tilespmem:$0x1C0C0] =	vst v63  }
0x348: {  	v58 =	vperm.xlane v17, v10;
	v57 =	vadd.s32 v3, v56;
	s26 =	simm.s32 $0x1300  }
0x349: {  	[tilespmem:s26], [sflag:$0x1] =	stream.indirect_vreg.gather [hbm4b:s16+s3], $0x80, v18, vm0, $0xb8;
	[tilespmem:$0x1C0C0] =	vst v63  }
0x34a: {  	v59 =	vperm.xlane v17, v11;
	s29 =	simm.s32 $0x1380;
	v18 =	vadd.s32 v3, v58  }
0x34b: {  	[tilespmem:s29], [sflag:$0x1] =	stream.indirect_vreg.gather [hbm4b:s16+s3], $0x80, v19, vm0, $0xb8;
	[tilespmem:$0x1C0C0] =	vst v63  }
0x34c: {  	v60 =	vperm.xlane v17, v12;
	s12 =	simm.s32 $0x1400;
	v19 =	vadd.s32 v3, v59  }
0x34d: {  	[tilespmem:s12], [sflag:$0x1] =	stream.indirect_vreg.gather [hbm4b:s16+s3], $0x80, v57, vm0, $0xb8;
	[tilespmem:$0x1C0C0] =	vst v63  }
0x34e: {  	v62 =	vperm.xlane v17, v13;
	v61 =	vadd.s32 v3, v60;
	s26 =	simm.s32 $0x1480  }
0x34f: {  	[tilespmem:s26], [sflag:$0x1] =	stream.indirect_vreg.gather [hbm4b:s16+s3], $0x80, v18, vm0, $0xb8;
	[tilespmem:$0x1C0C0] =	vst v63  }
0x350: {  	v63 =	vperm.xlane v17, v14;
	s29 =	simm.s32 $0x1500;
	v18 =	vadd.s32 v3, v62  }
0x351: {  	[tilespmem:s29], [sflag:$0x1] =	stream.indirect_vreg.gather [hbm4b:s16+s3], $0x80, v19, vm0, $0xb8;
	[tilespmem:$0x1C0C0] =	vst v63  }
0x352: {  	v24 =	vperm.xlane v17, v15;
	s12 =	simm.s32 $0x1580;
	v19 =	vadd.s32 v3, v63  }
0x353: {  	[tilespmem:s12], [sflag:$0x1] =	stream.indirect_vreg.gather [hbm4b:s16+s3], $0x80, v61, vm0, $0xb8;
	[tilespmem:$0x1C0C0] =	vst v63  }
0x354: {  	v17 =	vperm.xlane v17, v16;
	v25 =	vadd.s32 v3, v24;
	s26 =	simm.s32 $0x1600  }
0x355: {  	[tilespmem:s26], [sflag:$0x1] =	stream.indirect_vreg.gather [hbm4b:s16+s3], $0x80, v18, vm0, $0xb8;
	[tilespmem:$0x1C0C0] =	vst v63  }
0x356: {  	v17 =	vadd.s32 v3, v17;
	s29 =	simm.s32 $0x1680  }
0x357: {  	[tilespmem:s29], [sflag:$0x1] =	stream.indirect_vreg.gather [hbm4b:s16+s3], $0x80, v19, vm0, $0xb8;
	[tilespmem:$0x1C0C0] =	vst v63  }
0x358: {  	s12 =	simm.s32 $0x1700  }
0x359: {  	[tilespmem:s12], [sflag:$0x1] =	stream.indirect_vreg.gather [hbm4b:s16+s3], $0x80, v25, vm0, $0xb8;
	[tilespmem:$0x1C0C0] =	vst v63  }
0x35a: {  	s26 =	simm.s32 $0x1780  }
0x35b: {  	[tilespmem:s26], [sflag:$0x1] =	stream.indirect_vreg.gather [hbm4b:s16+s3], $0x80, v17, vm0, $0xb8;
	[tilespmem:$0x1C0C0] =	vst v63  }
0x35c: {  	v17 =	vld [tilespmem:$0x220];
	_ =	sdelay $0x4  }
0x35d: {  	v18 =	vshll.u32 v17, $0x1  }
0x35e: {  	v17 =	vand.u32 $0x7, v17;
	v18 =	vand.u32 $0xFFFFFFF0, v18  }
0x35f: {  	v17 =	vor.u32 v17, v18  }
0x360: {  	v18 =	vperm.xlane v17, v2;
	_ =	sdelay $0x1  }
0x361: {  	v19 =	vperm.xlane v17, v1;
	v18 =	vadd.s32 v3, v18;
	_ =	sdelay $0x1  }
0x362: {  	v26 =	vperm.xlane v17, v4;
	v19 =	vadd.s32 v3, v19;
	_ =	sdelay $0x1  }
0x363: {  	s29 =	simm.s32 $0x1800;
	v27 =	vperm.xlane v17, v5;
	v20 =	vadd.s32 v3, v26  }
0x364: {  	[tilespmem:s29], [sflag:$0x1] =	stream.indirect_vreg.gather [hbm4b:s16+s3], $0x80, v18, vm0, $0xb8;
	[tilespmem:$0x1C0C0] =	vst v63  }
0x365: {  	s12 =	simm.s32 $0x1880;
	v28 =	vperm.xlane v17, v6;
	v18 =	vadd.s32 v3, v27  }
0x366: {  	[tilespmem:s12], [sflag:$0x1] =	stream.indirect_vreg.gather [hbm4b:s16+s3], $0x80, v19, vm0, $0xb8;
	[tilespmem:$0x1C0C0] =	vst v63  }
0x367: {  	s26 =	simm.s32 $0x1900;
	v29 =	vperm.xlane v17, v7;
	v19 =	vadd.s32 v3, v28  }
0x368: {  	[tilespmem:s26], [sflag:$0x1] =	stream.indirect_vreg.gather [hbm4b:s16+s3], $0x80, v20, vm0, $0xb8;
	[tilespmem:$0x1C0C0] =	vst v63  }
0x369: {  	v31 =	vperm.xlane v17, v8;
	v30 =	vadd.s32 v3, v29;
	s29 =	simm.s32 $0x1980  }
0x36a: {  	[tilespmem:s29], [sflag:$0x1] =	stream.indirect_vreg.gather [hbm4b:s16+s3], $0x80, v18, vm0, $0xb8;
	[tilespmem:$0x1C0C0] =	vst v63  }
0x36b: {  	v32 =	vperm.xlane v17, v0;
	s12 =	simm.s32 $0x1A00;
	v18 =	vadd.s32 v3, v31  }
0x36c: {  	[tilespmem:s12], [sflag:$0x1] =	stream.indirect_vreg.gather [hbm4b:s16+s3], $0x80, v19, vm0, $0xb8;
	[tilespmem:$0x1C0C0] =	vst v63  }
0x36d: {  	v33 =	vperm.xlane v17, v9;
	s26 =	simm.s32 $0x1A80;
	v19 =	vadd.s32 v3, v32  }
0x36e: {  	[tilespmem:s26], [sflag:$0x1] =	stream.indirect_vreg.gather [hbm4b:s16+s3], $0x80, v30, vm0, $0xb8;
	[tilespmem:$0x1C0C0] =	vst v63  }
0x36f: {  	v35 =	vperm.xlane v17, v10;
	v34 =	vadd.s32 v3, v33;
	s29 =	simm.s32 $0x1B00  }
0x370: {  	[tilespmem:s29], [sflag:$0x1] =	stream.indirect_vreg.gather [hbm4b:s16+s3], $0x80, v18, vm0, $0xb8;
	[tilespmem:$0x1C0C0] =	vst v63  }
0x371: {  	v36 =	vperm.xlane v17, v11;
	s12 =	simm.s32 $0x1B80;
	v18 =	vadd.s32 v3, v35  }
0x372: {  	[tilespmem:s12], [sflag:$0x1] =	stream.indirect_vreg.gather [hbm4b:s16+s3], $0x80, v19, vm0, $0xb8;
	[tilespmem:$0x1C0C0] =	vst v63  }
0x373: {  	v37 =	vperm.xlane v17, v12;
	s26 =	simm.s32 $0x1C00;
	v19 =	vadd.s32 v3, v36  }
0x374: {  	[tilespmem:s26], [sflag:$0x1] =	stream.indirect_vreg.gather [hbm4b:s16+s3], $0x80, v34, vm0, $0xb8;
	[tilespmem:$0x1C0C0] =	vst v63  }
0x375: {  	v39 =	vperm.xlane v17, v13;
	v38 =	vadd.s32 v3, v37;
	s29 =	simm.s32 $0x1C80  }
0x376: {  	[tilespmem:s29], [sflag:$0x1] =	stream.indirect_vreg.gather [hbm4b:s16+s3], $0x80, v18, vm0, $0xb8;
	[tilespmem:$0x1C0C0] =	vst v63  }
0x377: {  	v40 =	vperm.xlane v17, v14;
	s12 =	simm.s32 $0x1D00;
	v18 =	vadd.s32 v3, v39  }
0x378: {  	[tilespmem:s12], [sflag:$0x1] =	stream.indirect_vreg.gather [hbm4b:s16+s3], $0x80, v19, vm0, $0xb8;
	[tilespmem:$0x1C0C0] =	vst v63  }
0x379: {  	v41 =	vperm.xlane v17, v15;
	s26 =	simm.s32 $0x1D80;
	v19 =	vadd.s32 v3, v40  }
0x37a: {  	[tilespmem:s26], [sflag:$0x1] =	stream.indirect_vreg.gather [hbm4b:s16+s3], $0x80, v38, vm0, $0xb8;
	[tilespmem:$0x1C0C0] =	vst v63  }
0x37b: {  	v17 =	vperm.xlane v17, v16;
	v42 =	vadd.s32 v3, v41;
	s29 =	simm.s32 $0x1E00  }
0x37c: {  	[tilespmem:s29], [sflag:$0x1] =	stream.indirect_vreg.gather [hbm4b:s16+s3], $0x80, v18, vm0, $0xb8;
	[tilespmem:$0x1C0C0] =	vst v63  }
0x37d: {  	v17 =	vadd.s32 v3, v17;
	s12 =	simm.s32 $0x1E80  }
0x37e: {  	[tilespmem:s12], [sflag:$0x1] =	stream.indirect_vreg.gather [hbm4b:s16+s3], $0x80, v19, vm0, $0xb8;
	[tilespmem:$0x1C0C0] =	vst v63  }
0x37f: {  	s26 =	simm.s32 $0x1F00  }
0x380: {  	[tilespmem:s26], [sflag:$0x1] =	stream.indirect_vreg.gather [hbm4b:s16+s3], $0x80, v42, vm0, $0xb8;
	[tilespmem:$0x1C0C0] =	vst v63  }
0x381: {  	s29 =	simm.s32 $0x1F80  }
0x382: {  	[tilespmem:s29], [sflag:$0x1] =	stream.indirect_vreg.gather [hbm4b:s16+s3], $0x80, v17, vm0, $0xb8;
	[tilespmem:$0x1C0C0] =	vst v63  }
0x383: {  	v17 =	vld [tilespmem:$0x230];
	_ =	sdelay $0x4  }
0x384: {  	v18 =	vshll.u32 v17, $0x1  }
0x385: {  	v17 =	vand.u32 $0x7, v17;
	v18 =	vand.u32 $0xFFFFFFF0, v18  }
0x386: {  	v17 =	vor.u32 v17, v18  }
0x387: {  	v18 =	vperm.xlane v17, v2;
	_ =	sdelay $0x1  }
0x388: {  	v19 =	vperm.xlane v17, v1;
	v18 =	vadd.s32 v3, v18;
	_ =	sdelay $0x1  }
0x389: {  	v43 =	vperm.xlane v17, v4;
	v19 =	vadd.s32 v3, v19;
	_ =	sdelay $0x1  }
0x38a: {  	s12 =	simm.s32 $0x2000;
	v44 =	vperm.xlane v17, v5;
	v20 =	vadd.s32 v3, v43  }
0x38b: {  	[tilespmem:s12], [sflag:$0x1] =	stream.indirect_vreg.gather [hbm4b:s16+s3], $0x80, v18, vm0, $0xb8;
	[tilespmem:$0x1C0C0] =	vst v63  }
0x38c: {  	s26 =	simm.s32 $0x2080;
	v45 =	vperm.xlane v17, v6;
	v18 =	vadd.s32 v3, v44  }
0x38d: {  	[tilespmem:s26], [sflag:$0x1] =	stream.indirect_vreg.gather [hbm4b:s16+s3], $0x80, v19, vm0, $0xb8;
	[tilespmem:$0x1C0C0] =	vst v63  }
0x38e: {  	s29 =	simm.s32 $0x2100;
	v46 =	vperm.xlane v17, v7;
	v19 =	vadd.s32 v3, v45  }
0x38f: {  	[tilespmem:s29], [sflag:$0x1] =	stream.indirect_vreg.gather [hbm4b:s16+s3], $0x80, v20, vm0, $0xb8;
	[tilespmem:$0x1C0C0] =	vst v63  }
0x390: {  	v48 =	vperm.xlane v17, v8;
	v47 =	vadd.s32 v3, v46;
	s12 =	simm.s32 $0x2180  }
0x391: {  	[tilespmem:s12], [sflag:$0x1] =	stream.indirect_vreg.gather [hbm4b:s16+s3], $0x80, v18, vm0, $0xb8;
	[tilespmem:$0x1C0C0] =	vst v63  }
0x392: {  	v49 =	vperm.xlane v17, v0;
	s26 =	simm.s32 $0x2200;
	v18 =	vadd.s32 v3, v48  }
0x393: {  	[tilespmem:s26], [sflag:$0x1] =	stream.indirect_vreg.gather [hbm4b:s16+s3], $0x80, v19, vm0, $0xb8;
	[tilespmem:$0x1C0C0] =	vst v63  }
0x394: {  	v50 =	vperm.xlane v17, v9;
	s29 =	simm.s32 $0x2280;
	v19 =	vadd.s32 v3, v49  }
0x395: {  	[tilespmem:s29], [sflag:$0x1] =	stream.indirect_vreg.gather [hbm4b:s16+s3], $0x80, v47, vm0, $0xb8;
	[tilespmem:$0x1C0C0] =	vst v63  }
0x396: {  	v52 =	vperm.xlane v17, v10;
	v51 =	vadd.s32 v3, v50;
	s12 =	simm.s32 $0x2300  }
0x397: {  	[tilespmem:s12], [sflag:$0x1] =	stream.indirect_vreg.gather [hbm4b:s16+s3], $0x80, v18, vm0, $0xb8;
	[tilespmem:$0x1C0C0] =	vst v63  }
0x398: {  	v53 =	vperm.xlane v17, v11;
	s26 =	simm.s32 $0x2380;
	v18 =	vadd.s32 v3, v52  }
0x399: {  	[tilespmem:s26], [sflag:$0x1] =	stream.indirect_vreg.gather [hbm4b:s16+s3], $0x80, v19, vm0, $0xb8;
	[tilespmem:$0x1C0C0] =	vst v63  }
0x39a: {  	v54 =	vperm.xlane v17, v12;
	s29 =	simm.s32 $0x2400;
	v19 =	vadd.s32 v3, v53  }
0x39b: {  	[tilespmem:s29], [sflag:$0x1] =	stream.indirect_vreg.gather [hbm4b:s16+s3], $0x80, v51, vm0, $0xb8;
	[tilespmem:$0x1C0C0] =	vst v63  }
0x39c: {  	v56 =	vperm.xlane v17, v13;
	v55 =	vadd.s32 v3, v54;
	s12 =	simm.s32 $0x2480  }
0x39d: {  	[tilespmem:s12], [sflag:$0x1] =	stream.indirect_vreg.gather [hbm4b:s16+s3], $0x80, v18, vm0, $0xb8;
	[tilespmem:$0x1C0C0] =	vst v63  }
0x39e: {  	v57 =	vperm.xlane v17, v14;
	s26 =	simm.s32 $0x2500;
	v18 =	vadd.s32 v3, v56  }
0x39f: {  	[tilespmem:s26], [sflag:$0x1] =	stream.indirect_vreg.gather [hbm4b:s16+s3], $0x80, v19, vm0, $0xb8;
	[tilespmem:$0x1C0C0] =	vst v63  }
0x3a0: {  	v58 =	vperm.xlane v17, v15;
	s29 =	simm.s32 $0x2580;
	v19 =	vadd.s32 v3, v57  }
0x3a1: {  	[tilespmem:s29], [sflag:$0x1] =	stream.indirect_vreg.gather [hbm4b:s16+s3], $0x80, v55, vm0, $0xb8;
	[tilespmem:$0x1C0C0] =	vst v63  }
0x3a2: {  	v17 =	vperm.xlane v17, v16;
	v59 =	vadd.s32 v3, v58;
	s12 =	simm.s32 $0x2600  }
0x3a3: {  	[tilespmem:s12], [sflag:$0x1] =	stream.indirect_vreg.gather [hbm4b:s16+s3], $0x80, v18, vm0, $0xb8;
	[tilespmem:$0x1C0C0] =	vst v63  }
0x3a4: {  	v17 =	vadd.s32 v3, v17;
	s26 =	simm.s32 $0x2680  }
0x3a5: {  	[tilespmem:s26], [sflag:$0x1] =	stream.indirect_vreg.gather [hbm4b:s16+s3], $0x80, v19, vm0, $0xb8;
	[tilespmem:$0x1C0C0] =	vst v63  }
0x3a6: {  	s29 =	simm.s32 $0x2700  }
0x3a7: {  	[tilespmem:s29], [sflag:$0x1] =	stream.indirect_vreg.gather [hbm4b:s16+s3], $0x80, v59, vm0, $0xb8;
	[tilespmem:$0x1C0C0] =	vst v63  }
0x3a8: {  	s12 =	simm.s32 $0x2780;
	s26 =	simm.s32 $0x13  }
0x3a9: {  	[tilespmem:s12], [sflag:$0x1] =	stream.indirect_vreg.gather [hbm4b:s16+s3], $0x80, v17, vm0, $0xb8;
	[tilespmem:$0x1C0C0] =	vst v63  }
0x3aa: {  	_ =	swait.ge [sflag:s26], $0x80  }
0x3ab: {  	[sflag:s26] =	ssyncset.done $0x0  }
0x3ac: {  	s29 =	simm.s32 $0x3;
	[sflag:s26] =	ssyncadd.s32 $0xFFFFFF80  }
0x3ad: {  	_ =	swait.ge [sflag:s29], $0x2000  }
0x3ae: {  	[sflag:s29] =	ssyncset.done $0x0  }
0x3af: {  	s12 =	simm.s32 $0x6;
	[sflag:s29] =	ssyncadd.s32 $0xFFFFE000  }
0x3b0: {  	_ =	swait.ge [sflag:s12], $0x2000  }
0x3b1: {  	[sflag:s12] =	ssyncset.done $0x0  }
0x3b2: {  	s9 =	simm.s32 $0x4800;
	s26 =	simm.s32 $0x500;
	[sflag:s12] =	ssyncadd.s32 $0xFFFFE000  }
0x3b3: {  	[spmem:s1] =	stream.indirect.scatter.add.f32 [tilespmem:s9], [sflag:$0x7], $0x80, s26, s15, $0xb8;
	[tilespmem:$0x1C0C0] =	vst v63  }
0x3b4: {  	s26 =	sadd.s32 @!p0 s0, s14  }
0x3b5: {  	s12 =	simm.s32 @!p0 $0x400;
	s29 =	sadd.s32 @!p0 $0x80, s26  }
0x3b6: {  	[tilespmem:s12], [sflag:$0x11] =	stream.linear.gather @!p0 [hbm4b:s29+s23], $0x80, $0x38;
	[tilespmem:$0x1C0C0] =	vst v63  }
0x3b7: {  	s12 =	sadd.s32 @!p0 $0xA0, s30;
	s29 =	simm.s32 @!p0 $0x100  }
0x3b8: {  	[tilespmem:s29], [sflag:$0xB] =	stream.linear.gather @!p0 [hbm4b:s12+s23], $0x80, $0x38;
	[tilespmem:$0x1C0C0] =	vst v63  }
0x3b9: {  	s29 =	simm.s32 $0xE  }
0x3ba: {  	_ =	swait.ge [sflag:s29], $0x80  }
0x3bb: {  	[sflag:s29] =	ssyncset.done $0x0  }
0x3bc: {  	[sflag:s29] =	ssyncadd.s32 $0xFFFFFF80  }
0x3bd: {  	v17 =	vld [tilespmem:$0x280];
	_ =	sdelay $0x4  }
0x3be: {  	v18 =	vshll.u32 v17, $0x1  }
0x3bf: {  	v17 =	vand.u32 $0x7, v17;
	v18 =	vand.u32 $0xFFFFFFF0, v18  }
0x3c0: {  	v17 =	vor.u32 v17, v18  }
0x3c1: {  	v18 =	vperm.xlane v17, v2;
	_ =	sdelay $0x1  }
0x3c2: {  	v19 =	vperm.xlane v17, v1;
	v18 =	vadd.s32 v3, v18;
	_ =	sdelay $0x1  }
0x3c3: {  	v60 =	vperm.xlane v17, v4;
	v19 =	vadd.s32 v3, v19;
	_ =	sdelay $0x1  }
0x3c4: {  	v61 =	vperm.xlane v17, v5;
	v20 =	vadd.s32 v3, v60  }
0x3c5: {  	[tilespmem:s19], [sflag:$0x2] =	stream.indirect_vreg.gather [hbm4b:s16+s3], $0x80, v18, vm0, $0xb8;
	[tilespmem:$0x1C0C0] =	vst v63  }
0x3c6: {  	s29 =	simm.s32 $0x2880;
	v62 =	vperm.xlane v17, v6;
	v18 =	vadd.s32 v3, v61  }
0x3c7: {  	[tilespmem:s29], [sflag:$0x2] =	stream.indirect_vreg.gather [hbm4b:s16+s3], $0x80, v19, vm0, $0xb8;
	[tilespmem:$0x1C0C0] =	vst v63  }
0x3c8: {  	v63 =	vperm.xlane v17, v7;
	v19 =	vadd.s32 v3, v62;
	s29 =	simm.s32 $0x2900  }
0x3c9: {  	[tilespmem:s29], [sflag:$0x2] =	stream.indirect_vreg.gather [hbm4b:s16+s3], $0x80, v20, vm0, $0xb8;
	[tilespmem:$0x1C0C0] =	vst v63  }
0x3ca: {  	v25 =	vperm.xlane v17, v8;
	v24 =	vadd.s32 v3, v63;
	s29 =	simm.s32 $0x2980  }
0x3cb: {  	[tilespmem:s29], [sflag:$0x2] =	stream.indirect_vreg.gather [hbm4b:s16+s3], $0x80, v18, vm0, $0xb8;
	[tilespmem:$0x1C0C0] =	vst v63  }
0x3cc: {  	v26 =	vperm.xlane v17, v0;
	v18 =	vadd.s32 v3, v25;
	s29 =	simm.s32 $0x2A00  }
0x3cd: {  	[tilespmem:s29], [sflag:$0x2] =	stream.indirect_vreg.gather [hbm4b:s16+s3], $0x80, v19, vm0, $0xb8;
	[tilespmem:$0x1C0C0] =	vst v63  }
0x3ce: {  	v27 =	vperm.xlane v17, v9;
	v19 =	vadd.s32 v3, v26;
	s29 =	simm.s32 $0x2A80  }
0x3cf: {  	[tilespmem:s29], [sflag:$0x2] =	stream.indirect_vreg.gather [hbm4b:s16+s3], $0x80, v24, vm0, $0xb8;
	[tilespmem:$0x1C0C0] =	vst v63  }
0x3d0: {  	v29 =	vperm.xlane v17, v10;
	v28 =	vadd.s32 v3, v27;
	s29 =	simm.s32 $0x2B00  }
0x3d1: {  	[tilespmem:s29], [sflag:$0x2] =	stream.indirect_vreg.gather [hbm4b:s16+s3], $0x80, v18, vm0, $0xb8;
	[tilespmem:$0x1C0C0] =	vst v63  }
0x3d2: {  	v30 =	vperm.xlane v17, v11;
	v18 =	vadd.s32 v3, v29;
	s29 =	simm.s32 $0x2B80  }
0x3d3: {  	[tilespmem:s29], [sflag:$0x2] =	stream.indirect_vreg.gather [hbm4b:s16+s3], $0x80, v19, vm0, $0xb8;
	[tilespmem:$0x1C0C0] =	vst v63  }
0x3d4: {  	v31 =	vperm.xlane v17, v12;
	v19 =	vadd.s32 v3, v30;
	s29 =	simm.s32 $0x2C00  }
0x3d5: {  	[tilespmem:s29], [sflag:$0x2] =	stream.indirect_vreg.gather [hbm4b:s16+s3], $0x80, v28, vm0, $0xb8;
	[tilespmem:$0x1C0C0] =	vst v63  }
0x3d6: {  	v33 =	vperm.xlane v17, v13;
	v32 =	vadd.s32 v3, v31;
	s29 =	simm.s32 $0x2C80  }
0x3d7: {  	[tilespmem:s29], [sflag:$0x2] =	stream.indirect_vreg.gather [hbm4b:s16+s3], $0x80, v18, vm0, $0xb8;
	[tilespmem:$0x1C0C0] =	vst v63  }
0x3d8: {  	v34 =	vperm.xlane v17, v14;
	v18 =	vadd.s32 v3, v33;
	s29 =	simm.s32 $0x2D00  }
0x3d9: {  	[tilespmem:s29], [sflag:$0x2] =	stream.indirect_vreg.gather [hbm4b:s16+s3], $0x80, v19, vm0, $0xb8;
	[tilespmem:$0x1C0C0] =	vst v63  }
0x3da: {  	v35 =	vperm.xlane v17, v15;
	v19 =	vadd.s32 v3, v34;
	s29 =	simm.s32 $0x2D80  }
0x3db: {  	[tilespmem:s29], [sflag:$0x2] =	stream.indirect_vreg.gather [hbm4b:s16+s3], $0x80, v32, vm0, $0xb8;
	[tilespmem:$0x1C0C0] =	vst v63  }
0x3dc: {  	v17 =	vperm.xlane v17, v16;
	v36 =	vadd.s32 v3, v35;
	s29 =	simm.s32 $0x2E00  }
0x3dd: {  	[tilespmem:s29], [sflag:$0x2] =	stream.indirect_vreg.gather [hbm4b:s16+s3], $0x80, v18, vm0, $0xb8;
	[tilespmem:$0x1C0C0] =	vst v63  }
0x3de: {  	v17 =	vadd.s32 v3, v17;
	s29 =	simm.s32 $0x2E80  }
0x3df: {  	[tilespmem:s29], [sflag:$0x2] =	stream.indirect_vreg.gather [hbm4b:s16+s3], $0x80, v19, vm0, $0xb8;
	[tilespmem:$0x1C0C0] =	vst v63  }
0x3e0: {  	s29 =	simm.s32 $0x2F00  }
0x3e1: {  	[tilespmem:s29], [sflag:$0x2] =	stream.indirect_vreg.gather [hbm4b:s16+s3], $0x80, v36, vm0, $0xb8;
	[tilespmem:$0x1C0C0] =	vst v63  }
0x3e2: {  	s29 =	simm.s32 $0x2F80  }
0x3e3: {  	[tilespmem:s29], [sflag:$0x2] =	stream.indirect_vreg.gather [hbm4b:s16+s3], $0x80, v17, vm0, $0xb8;
	[tilespmem:$0x1C0C0] =	vst v63  }
0x3e4: {  	v17 =	vld [tilespmem:$0x290];
	_ =	sdelay $0x4  }
0x3e5: {  	v18 =	vshll.u32 v17, $0x1  }
0x3e6: {  	v17 =	vand.u32 $0x7, v17;
	v18 =	vand.u32 $0xFFFFFFF0, v18  }
0x3e7: {  	v17 =	vor.u32 v17, v18  }
0x3e8: {  	v18 =	vperm.xlane v17, v2;
	_ =	sdelay $0x1  }
0x3e9: {  	v19 =	vperm.xlane v17, v1;
	v18 =	vadd.s32 v3, v18;
	_ =	sdelay $0x1  }
0x3ea: {  	v37 =	vperm.xlane v17, v4;
	v19 =	vadd.s32 v3, v19;
	_ =	sdelay $0x1  }
0x3eb: {  	s29 =	simm.s32 $0x3000;
	v38 =	vperm.xlane v17, v5;
	v20 =	vadd.s32 v3, v37  }
0x3ec: {  	[tilespmem:s29], [sflag:$0x2] =	stream.indirect_vreg.gather [hbm4b:s16+s3], $0x80, v18, vm0, $0xb8;
	[tilespmem:$0x1C0C0] =	vst v63  }
0x3ed: {  	v39 =	vperm.xlane v17, v6;
	v18 =	vadd.s32 v3, v38;
	s29 =	simm.s32 $0x3080  }
0x3ee: {  	[tilespmem:s29], [sflag:$0x2] =	stream.indirect_vreg.gather [hbm4b:s16+s3], $0x80, v19, vm0, $0xb8;
	[tilespmem:$0x1C0C0] =	vst v63  }
0x3ef: {  	v40 =	vperm.xlane v17, v7;
	v19 =	vadd.s32 v3, v39;
	s29 =	simm.s32 $0x3100  }
0x3f0: {  	[tilespmem:s29], [sflag:$0x2] =	stream.indirect_vreg.gather [hbm4b:s16+s3], $0x80, v20, vm0, $0xb8;
	[tilespmem:$0x1C0C0] =	vst v63  }
0x3f1: {  	v42 =	vperm.xlane v17, v8;
	v41 =	vadd.s32 v3, v40;
	s29 =	simm.s32 $0x3180  }
0x3f2: {  	[tilespmem:s29], [sflag:$0x2] =	stream.indirect_vreg.gather [hbm4b:s16+s3], $0x80, v18, vm0, $0xb8;
	[tilespmem:$0x1C0C0] =	vst v63  }
0x3f3: {  	v43 =	vperm.xlane v17, v0;
	v18 =	vadd.s32 v3, v42;
	s29 =	simm.s32 $0x3200  }
0x3f4: {  	[tilespmem:s29], [sflag:$0x2] =	stream.indirect_vreg.gather [hbm4b:s16+s3], $0x80, v19, vm0, $0xb8;
	[tilespmem:$0x1C0C0] =	vst v63  }
0x3f5: {  	v44 =	vperm.xlane v17, v9;
	v19 =	vadd.s32 v3, v43;
	s29 =	simm.s32 $0x3280  }
0x3f6: {  	[tilespmem:s29], [sflag:$0x2] =	stream.indirect_vreg.gather [hbm4b:s16+s3], $0x80, v41, vm0, $0xb8;
	[tilespmem:$0x1C0C0] =	vst v63  }
0x3f7: {  	v46 =	vperm.xlane v17, v10;
	v45 =	vadd.s32 v3, v44;
	s29 =	simm.s32 $0x3300  }
0x3f8: {  	[tilespmem:s29], [sflag:$0x2] =	stream.indirect_vreg.gather [hbm4b:s16+s3], $0x80, v18, vm0, $0xb8;
	[tilespmem:$0x1C0C0] =	vst v63  }
0x3f9: {  	v47 =	vperm.xlane v17, v11;
	v18 =	vadd.s32 v3, v46;
	s29 =	simm.s32 $0x3380  }
0x3fa: {  	[tilespmem:s29], [sflag:$0x2] =	stream.indirect_vreg.gather [hbm4b:s16+s3], $0x80, v19, vm0, $0xb8;
	[tilespmem:$0x1C0C0] =	vst v63  }
0x3fb: {  	v48 =	vperm.xlane v17, v12;
	v19 =	vadd.s32 v3, v47;
	s29 =	simm.s32 $0x3400  }
0x3fc: {  	[tilespmem:s29], [sflag:$0x2] =	stream.indirect_vreg.gather [hbm4b:s16+s3], $0x80, v45, vm0, $0xb8;
	[tilespmem:$0x1C0C0] =	vst v63  }
0x3fd: {  	v50 =	vperm.xlane v17, v13;
	v49 =	vadd.s32 v3, v48;
	s29 =	simm.s32 $0x3480  }
0x3fe: {  	[tilespmem:s29], [sflag:$0x2] =	stream.indirect_vreg.gather [hbm4b:s16+s3], $0x80, v18, vm0, $0xb8;
	[tilespmem:$0x1C0C0] =	vst v63  }
0x3ff: {  	v51 =	vperm.xlane v17, v14;
	v18 =	vadd.s32 v3, v50;
	s29 =	simm.s32 $0x3500  }
0x400: {  	[tilespmem:s29], [sflag:$0x2] =	stream.indirect_vreg.gather [hbm4b:s16+s3], $0x80, v19, vm0, $0xb8;
	[tilespmem:$0x1C0C0] =	vst v63  }
0x401: {  	v52 =	vperm.xlane v17, v15;
	v19 =	vadd.s32 v3, v51;
	s29 =	simm.s32 $0x3580  }
0x402: {  	[tilespmem:s29], [sflag:$0x2] =	stream.indirect_vreg.gather [hbm4b:s16+s3], $0x80, v49, vm0, $0xb8;
	[tilespmem:$0x1C0C0] =	vst v63  }
0x403: {  	v17 =	vperm.xlane v17, v16;
	v53 =	vadd.s32 v3, v52;
	s29 =	simm.s32 $0x3600  }
0x404: {  	[tilespmem:s29], [sflag:$0x2] =	stream.indirect_vreg.gather [hbm4b:s16+s3], $0x80, v18, vm0, $0xb8;
	[tilespmem:$0x1C0C0] =	vst v63  }
0x405: {  	v17 =	vadd.s32 v3, v17;
	s29 =	simm.s32 $0x3680  }
0x406: {  	[tilespmem:s29], [sflag:$0x2] =	stream.indirect_vreg.gather [hbm4b:s16+s3], $0x80, v19, vm0, $0xb8;
	[tilespmem:$0x1C0C0] =	vst v63  }
0x407: {  	s29 =	simm.s32 $0x3700  }
0x408: {  	[tilespmem:s29], [sflag:$0x2] =	stream.indirect_vreg.gather [hbm4b:s16+s3], $0x80, v53, vm0, $0xb8;
	[tilespmem:$0x1C0C0] =	vst v63  }
0x409: {  	s29 =	simm.s32 $0x3780  }
0x40a: {  	[tilespmem:s29], [sflag:$0x2] =	stream.indirect_vreg.gather [hbm4b:s16+s3], $0x80, v17, vm0, $0xb8;
	[tilespmem:$0x1C0C0] =	vst v63  }
0x40b: {  	v17 =	vld [tilespmem:$0x2A0];
	_ =	sdelay $0x4  }
0x40c: {  	v18 =	vshll.u32 v17, $0x1  }
0x40d: {  	v17 =	vand.u32 $0x7, v17;
	v18 =	vand.u32 $0xFFFFFFF0, v18  }
0x40e: {  	v17 =	vor.u32 v17, v18  }
0x40f: {  	v18 =	vperm.xlane v17, v2;
	_ =	sdelay $0x1  }
0x410: {  	v19 =	vperm.xlane v17, v1;
	v18 =	vadd.s32 v3, v18;
	_ =	sdelay $0x1  }
0x411: {  	v54 =	vperm.xlane v17, v4;
	v19 =	vadd.s32 v3, v19;
	_ =	sdelay $0x1  }
0x412: {  	s29 =	simm.s32 $0x3800;
	v55 =	vperm.xlane v17, v5;
	v20 =	vadd.s32 v3, v54  }
0x413: {  	[tilespmem:s29], [sflag:$0x2] =	stream.indirect_vreg.gather [hbm4b:s16+s3], $0x80, v18, vm0, $0xb8;
	[tilespmem:$0x1C0C0] =	vst v63  }
0x414: {  	v56 =	vperm.xlane v17, v6;
	v18 =	vadd.s32 v3, v55;
	s29 =	simm.s32 $0x3880  }
0x415: {  	[tilespmem:s29], [sflag:$0x2] =	stream.indirect_vreg.gather [hbm4b:s16+s3], $0x80, v19, vm0, $0xb8;
	[tilespmem:$0x1C0C0] =	vst v63  }
0x416: {  	v57 =	vperm.xlane v17, v7;
	v19 =	vadd.s32 v3, v56;
	s29 =	simm.s32 $0x3900  }
0x417: {  	[tilespmem:s29], [sflag:$0x2] =	stream.indirect_vreg.gather [hbm4b:s16+s3], $0x80, v20, vm0, $0xb8;
	[tilespmem:$0x1C0C0] =	vst v63  }
0x418: {  	v59 =	vperm.xlane v17, v8;
	v58 =	vadd.s32 v3, v57;
	s29 =	simm.s32 $0x3980  }
0x419: {  	[tilespmem:s29], [sflag:$0x2] =	stream.indirect_vreg.gather [hbm4b:s16+s3], $0x80, v18, vm0, $0xb8;
	[tilespmem:$0x1C0C0] =	vst v63  }
0x41a: {  	v60 =	vperm.xlane v17, v0;
	v18 =	vadd.s32 v3, v59;
	s29 =	simm.s32 $0x3A00  }
0x41b: {  	[tilespmem:s29], [sflag:$0x2] =	stream.indirect_vreg.gather [hbm4b:s16+s3], $0x80, v19, vm0, $0xb8;
	[tilespmem:$0x1C0C0] =	vst v63  }
0x41c: {  	v61 =	vperm.xlane v17, v9;
	v19 =	vadd.s32 v3, v60;
	s29 =	simm.s32 $0x3A80  }
0x41d: {  	[tilespmem:s29], [sflag:$0x2] =	stream.indirect_vreg.gather [hbm4b:s16+s3], $0x80, v58, vm0, $0xb8;
	[tilespmem:$0x1C0C0] =	vst v63  }
0x41e: {  	v63 =	vperm.xlane v17, v10;
	v62 =	vadd.s32 v3, v61;
	s29 =	simm.s32 $0x3B00  }
0x41f: {  	[tilespmem:s29], [sflag:$0x2] =	stream.indirect_vreg.gather [hbm4b:s16+s3], $0x80, v18, vm0, $0xb8;
	[tilespmem:$0x1C0C0] =	vst v63  }
0x420: {  	v24 =	vperm.xlane v17, v11;
	v18 =	vadd.s32 v3, v63;
	s29 =	simm.s32 $0x3B80  }
0x421: {  	[tilespmem:s29], [sflag:$0x2] =	stream.indirect_vreg.gather [hbm4b:s16+s3], $0x80, v19, vm0, $0xb8;
	[tilespmem:$0x1C0C0] =	vst v63  }
0x422: {  	v25 =	vperm.xlane v17, v12;
	v19 =	vadd.s32 v3, v24;
	s29 =	simm.s32 $0x3C00  }
0x423: {  	[tilespmem:s29], [sflag:$0x2] =	stream.indirect_vreg.gather [hbm4b:s16+s3], $0x80, v62, vm0, $0xb8;
	[tilespmem:$0x1C0C0] =	vst v63  }
0x424: {  	v27 =	vperm.xlane v17, v13;
	v26 =	vadd.s32 v3, v25;
	s29 =	simm.s32 $0x3C80  }
0x425: {  	[tilespmem:s29], [sflag:$0x2] =	stream.indirect_vreg.gather [hbm4b:s16+s3], $0x80, v18, vm0, $0xb8;
	[tilespmem:$0x1C0C0] =	vst v63  }
0x426: {  	v28 =	vperm.xlane v17, v14;
	v18 =	vadd.s32 v3, v27;
	s29 =	simm.s32 $0x3D00  }
0x427: {  	[tilespmem:s29], [sflag:$0x2] =	stream.indirect_vreg.gather [hbm4b:s16+s3], $0x80, v19, vm0, $0xb8;
	[tilespmem:$0x1C0C0] =	vst v63  }
0x428: {  	v29 =	vperm.xlane v17, v15;
	v19 =	vadd.s32 v3, v28;
	s29 =	simm.s32 $0x3D80  }
0x429: {  	[tilespmem:s29], [sflag:$0x2] =	stream.indirect_vreg.gather [hbm4b:s16+s3], $0x80, v26, vm0, $0xb8;
	[tilespmem:$0x1C0C0] =	vst v63  }
0x42a: {  	v17 =	vperm.xlane v17, v16;
	v30 =	vadd.s32 v3, v29;
	s29 =	simm.s32 $0x3E00  }
0x42b: {  	[tilespmem:s29], [sflag:$0x2] =	stream.indirect_vreg.gather [hbm4b:s16+s3], $0x80, v18, vm0, $0xb8;
	[tilespmem:$0x1C0C0] =	vst v63  }
0x42c: {  	v17 =	vadd.s32 v3, v17;
	s29 =	simm.s32 $0x3E80  }
0x42d: {  	[tilespmem:s29], [sflag:$0x2] =	stream.indirect_vreg.gather [hbm4b:s16+s3], $0x80, v19, vm0, $0xb8;
	[tilespmem:$0x1C0C0] =	vst v63  }
0x42e: {  	s29 =	simm.s32 $0x3F00  }
0x42f: {  	[tilespmem:s29], [sflag:$0x2] =	stream.indirect_vreg.gather [hbm4b:s16+s3], $0x80, v30, vm0, $0xb8;
	[tilespmem:$0x1C0C0] =	vst v63  }
0x430: {  	s29 =	simm.s32 $0x3F80  }
0x431: {  	[tilespmem:s29], [sflag:$0x2] =	stream.indirect_vreg.gather [hbm4b:s16+s3], $0x80, v17, vm0, $0xb8;
	[tilespmem:$0x1C0C0] =	vst v63  }
0x432: {  	v17 =	vld [tilespmem:$0x2B0];
	_ =	sdelay $0x4  }
0x433: {  	v18 =	vshll.u32 v17, $0x1  }
0x434: {  	v17 =	vand.u32 $0x7, v17;
	v18 =	vand.u32 $0xFFFFFFF0, v18  }
0x435: {  	v17 =	vor.u32 v17, v18  }
0x436: {  	v18 =	vperm.xlane v17, v2;
	_ =	sdelay $0x1  }
0x437: {  	v19 =	vperm.xlane v17, v1;
	v18 =	vadd.s32 v3, v18;
	_ =	sdelay $0x1  }
0x438: {  	v31 =	vperm.xlane v17, v4;
	v19 =	vadd.s32 v3, v19;
	_ =	sdelay $0x1  }
0x439: {  	s29 =	simm.s32 $0x4000;
	v32 =	vperm.xlane v17, v5;
	v20 =	vadd.s32 v3, v31  }
0x43a: {  	[tilespmem:s29], [sflag:$0x2] =	stream.indirect_vreg.gather [hbm4b:s16+s3], $0x80, v18, vm0, $0xb8;
	[tilespmem:$0x1C0C0] =	vst v63  }
0x43b: {  	v33 =	vperm.xlane v17, v6;
	v18 =	vadd.s32 v3, v32;
	s29 =	simm.s32 $0x4080  }
0x43c: {  	[tilespmem:s29], [sflag:$0x2] =	stream.indirect_vreg.gather [hbm4b:s16+s3], $0x80, v19, vm0, $0xb8;
	[tilespmem:$0x1C0C0] =	vst v63  }
0x43d: {  	v34 =	vperm.xlane v17, v7;
	v19 =	vadd.s32 v3, v33;
	s29 =	simm.s32 $0x4100  }
0x43e: {  	[tilespmem:s29], [sflag:$0x2] =	stream.indirect_vreg.gather [hbm4b:s16+s3], $0x80, v20, vm0, $0xb8;
	[tilespmem:$0x1C0C0] =	vst v63  }
0x43f: {  	v36 =	vperm.xlane v17, v8;
	v35 =	vadd.s32 v3, v34;
	s29 =	simm.s32 $0x4180  }
0x440: {  	[tilespmem:s29], [sflag:$0x2] =	stream.indirect_vreg.gather [hbm4b:s16+s3], $0x80, v18, vm0, $0xb8;
	[tilespmem:$0x1C0C0] =	vst v63  }
0x441: {  	v37 =	vperm.xlane v17, v0;
	v18 =	vadd.s32 v3, v36;
	s29 =	simm.s32 $0x4200  }
0x442: {  	[tilespmem:s29], [sflag:$0x2] =	stream.indirect_vreg.gather [hbm4b:s16+s3], $0x80, v19, vm0, $0xb8;
	[tilespmem:$0x1C0C0] =	vst v63  }
0x443: {  	v38 =	vperm.xlane v17, v9;
	v19 =	vadd.s32 v3, v37;
	s29 =	simm.s32 $0x4280  }
0x444: {  	[tilespmem:s29], [sflag:$0x2] =	stream.indirect_vreg.gather [hbm4b:s16+s3], $0x80, v35, vm0, $0xb8;
	[tilespmem:$0x1C0C0] =	vst v63  }
0x445: {  	v40 =	vperm.xlane v17, v10;
	v39 =	vadd.s32 v3, v38;
	s29 =	simm.s32 $0x4300  }
0x446: {  	[tilespmem:s29], [sflag:$0x2] =	stream.indirect_vreg.gather [hbm4b:s16+s3], $0x80, v18, vm0, $0xb8;
	[tilespmem:$0x1C0C0] =	vst v63  }
0x447: {  	v41 =	vperm.xlane v17, v11;
	v18 =	vadd.s32 v3, v40;
	s29 =	simm.s32 $0x4380  }
0x448: {  	[tilespmem:s29], [sflag:$0x2] =	stream.indirect_vreg.gather [hbm4b:s16+s3], $0x80, v19, vm0, $0xb8;
	[tilespmem:$0x1C0C0] =	vst v63  }
0x449: {  	v42 =	vperm.xlane v17, v12;
	v19 =	vadd.s32 v3, v41;
	s29 =	simm.s32 $0x4400  }
0x44a: {  	[tilespmem:s29], [sflag:$0x2] =	stream.indirect_vreg.gather [hbm4b:s16+s3], $0x80, v39, vm0, $0xb8;
	[tilespmem:$0x1C0C0] =	vst v63  }
0x44b: {  	v44 =	vperm.xlane v17, v13;
	v43 =	vadd.s32 v3, v42;
	s29 =	simm.s32 $0x4480  }
0x44c: {  	[tilespmem:s29], [sflag:$0x2] =	stream.indirect_vreg.gather [hbm4b:s16+s3], $0x80, v18, vm0, $0xb8;
	[tilespmem:$0x1C0C0] =	vst v63  }
0x44d: {  	v45 =	vperm.xlane v17, v14;
	v18 =	vadd.s32 v3, v44;
	s29 =	simm.s32 $0x4500  }
0x44e: {  	[tilespmem:s29], [sflag:$0x2] =	stream.indirect_vreg.gather [hbm4b:s16+s3], $0x80, v19, vm0, $0xb8;
	[tilespmem:$0x1C0C0] =	vst v63  }
0x44f: {  	v46 =	vperm.xlane v17, v15;
	v19 =	vadd.s32 v3, v45;
	s29 =	simm.s32 $0x4580  }
0x450: {  	[tilespmem:s29], [sflag:$0x2] =	stream.indirect_vreg.gather [hbm4b:s16+s3], $0x80, v43, vm0, $0xb8;
	[tilespmem:$0x1C0C0] =	vst v63  }
0x451: {  	v17 =	vperm.xlane v17, v16;
	v47 =	vadd.s32 v3, v46;
	s29 =	simm.s32 $0x4600  }
0x452: {  	[tilespmem:s29], [sflag:$0x2] =	stream.indirect_vreg.gather [hbm4b:s16+s3], $0x80, v18, vm0, $0xb8;
	[tilespmem:$0x1C0C0] =	vst v63  }
0x453: {  	v17 =	vadd.s32 v3, v17;
	s29 =	simm.s32 $0x4680  }
0x454: {  	[tilespmem:s29], [sflag:$0x2] =	stream.indirect_vreg.gather [hbm4b:s16+s3], $0x80, v19, vm0, $0xb8;
	[tilespmem:$0x1C0C0] =	vst v63  }
0x455: {  	s29 =	simm.s32 $0x4700  }
0x456: {  	[tilespmem:s29], [sflag:$0x2] =	stream.indirect_vreg.gather [hbm4b:s16+s3], $0x80, v47, vm0, $0xb8;
	[tilespmem:$0x1C0C0] =	vst v63  }
0x457: {  	s29 =	simm.s32 $0x4780  }
0x458: {  	[tilespmem:s29], [sflag:$0x2] =	stream.indirect_vreg.gather [hbm4b:s16+s3], $0x80, v17, vm0, $0xb8;
	[tilespmem:$0x1C0C0] =	vst v63  }
0x459: {  	s29 =	simm.s32 $0x14  }
0x45a: {  	_ =	swait.ge [sflag:s29], $0x80  }
0x45b: {  	[sflag:s29] =	ssyncset.done $0x0  }
0x45c: {  	[sflag:s29] =	ssyncadd.s32 $0xFFFFFF80;
	s29 =	simm.s32 $0x4  }
0x45d: {  	_ =	swait.ge [sflag:s29], $0x2000  }
0x45e: {  	[sflag:s29] =	ssyncset.done $0x0  }
0x45f: {  	[sflag:s29] =	ssyncadd.s32 $0xFFFFE000;
	s29 =	simm.s32 $0x7  }
0x460: {  	_ =	swait.ge [sflag:s29], $0x2000  }
0x461: {  	[sflag:s29] =	ssyncset.done $0x0  }
0x462: {  	[sflag:s29] =	ssyncadd.s32 $0xFFFFE000;
	s29 =	simm.s32 $0x580  }
0x463: {  	[spmem:s1] =	stream.indirect.scatter.add.f32 [tilespmem:s20], [sflag:$0x8], $0x80, s29, s15, $0xb8;
	[tilespmem:$0x1C0C0] =	vst v63  }
0x464: {  	s12 =	sadd.s32 @!p0 $0x90, s26;
	s26 =	simm.s32 @!p0 $0x480  }
0x465: {  	[tilespmem:s26], [sflag:$0x12] =	stream.linear.gather @!p0 [hbm4b:s12+s23], $0x80, $0x38;
	[tilespmem:$0x1C0C0] =	vst v63  }
0x466: {  	s12 =	sadd.s32 @!p0 $0xB0, s30;
	s26 =	simm.s32 @!p0 $0x180  }
0x467: {  	[tilespmem:s26], [sflag:$0xC] =	stream.linear.gather @!p0 [hbm4b:s12+s23], $0x80, $0x38;
	[tilespmem:$0x1C0C0] =	vst v63  }
0x468: {  	s26 =	simm.s32 $0xF  }
0x469: {  	_ =	swait.ge [sflag:s26], $0x80  }
0x46a: {  	[sflag:s26] =	ssyncset.done $0x0  }
0x46b: {  	[sflag:s26] =	ssyncadd.s32 $0xFFFFFF80  }
0x46c: {  	v17 =	vld [tilespmem:$0x300];
	_ =	sdelay $0x4  }
0x46d: {  	v18 =	vshll.u32 v17, $0x1  }
0x46e: {  	v17 =	vand.u32 $0x7, v17;
	v18 =	vand.u32 $0xFFFFFFF0, v18  }
0x46f: {  	v17 =	vor.u32 v17, v18  }
0x470: {  	v18 =	vperm.xlane v17, v2;
	_ =	sdelay $0x1  }
0x471: {  	v19 =	vperm.xlane v17, v1;
	v18 =	vadd.s32 v3, v18;
	_ =	sdelay $0x1  }
0x472: {  	v48 =	vperm.xlane v17, v4;
	v19 =	vadd.s32 v3, v19;
	_ =	sdelay $0x1  }
0x473: {  	v49 =	vperm.xlane v17, v5;
	v20 =	vadd.s32 v3, v48  }
0x474: {  	[tilespmem:s9], [sflag:$0x3] =	stream.indirect_vreg.gather [hbm4b:s16+s3], $0x80, v18, vm0, $0xb8;
	[tilespmem:$0x1C0C0] =	vst v63  }
0x475: {  	s29 =	simm.s32 $0x4880;
	v50 =	vperm.xlane v17, v6;
	v18 =	vadd.s32 v3, v49  }
0x476: {  	[tilespmem:s29], [sflag:$0x3] =	stream.indirect_vreg.gather [hbm4b:s16+s3], $0x80, v19, vm0, $0xb8;
	[tilespmem:$0x1C0C0] =	vst v63  }
0x477: {  	s26 =	simm.s32 $0x4900;
	v51 =	vperm.xlane v17, v7;
	v19 =	vadd.s32 v3, v50  }
0x478: {  	[tilespmem:s26], [sflag:$0x3] =	stream.indirect_vreg.gather [hbm4b:s16+s3], $0x80, v20, vm0, $0xb8;
	[tilespmem:$0x1C0C0] =	vst v63  }
0x479: {  	v53 =	vperm.xlane v17, v8;
	v52 =	vadd.s32 v3, v51;
	s29 =	simm.s32 $0x4980  }
0x47a: {  	[tilespmem:s29], [sflag:$0x3] =	stream.indirect_vreg.gather [hbm4b:s16+s3], $0x80, v18, vm0, $0xb8;
	[tilespmem:$0x1C0C0] =	vst v63  }
0x47b: {  	v54 =	vperm.xlane v17, v0;
	s26 =	simm.s32 $0x4A00;
	v18 =	vadd.s32 v3, v53  }
0x47c: {  	[tilespmem:s26], [sflag:$0x3] =	stream.indirect_vreg.gather [hbm4b:s16+s3], $0x80, v19, vm0, $0xb8;
	[tilespmem:$0x1C0C0] =	vst v63  }
0x47d: {  	v55 =	vperm.xlane v17, v9;
	s29 =	simm.s32 $0x4A80;
	v19 =	vadd.s32 v3, v54  }
0x47e: {  	[tilespmem:s29], [sflag:$0x3] =	stream.indirect_vreg.gather [hbm4b:s16+s3], $0x80, v52, vm0, $0xb8;
	[tilespmem:$0x1C0C0] =	vst v63  }
0x47f: {  	v57 =	vperm.xlane v17, v10;
	v56 =	vadd.s32 v3, v55;
	s26 =	simm.s32 $0x4B00  }
0x480: {  	[tilespmem:s26], [sflag:$0x3] =	stream.indirect_vreg.gather [hbm4b:s16+s3], $0x80, v18, vm0, $0xb8;
	[tilespmem:$0x1C0C0] =	vst v63  }
0x481: {  	v58 =	vperm.xlane v17, v11;
	s29 =	simm.s32 $0x4B80;
	v18 =	vadd.s32 v3, v57  }
0x482: {  	[tilespmem:s29], [sflag:$0x3] =	stream.indirect_vreg.gather [hbm4b:s16+s3], $0x80, v19, vm0, $0xb8;
	[tilespmem:$0x1C0C0] =	vst v63  }
0x483: {  	v59 =	vperm.xlane v17, v12;
	s26 =	simm.s32 $0x4C00;
	v19 =	vadd.s32 v3, v58  }
0x484: {  	[tilespmem:s26], [sflag:$0x3] =	stream.indirect_vreg.gather [hbm4b:s16+s3], $0x80, v56, vm0, $0xb8;
	[tilespmem:$0x1C0C0] =	vst v63  }
0x485: {  	v61 =	vperm.xlane v17, v13;
	v60 =	vadd.s32 v3, v59;
	s29 =	simm.s32 $0x4C80  }
0x486: {  	[tilespmem:s29], [sflag:$0x3] =	stream.indirect_vreg.gather [hbm4b:s16+s3], $0x80, v18, vm0, $0xb8;
	[tilespmem:$0x1C0C0] =	vst v63  }
0x487: {  	v62 =	vperm.xlane v17, v14;
	s26 =	simm.s32 $0x4D00;
	v18 =	vadd.s32 v3, v61  }
0x488: {  	[tilespmem:s26], [sflag:$0x3] =	stream.indirect_vreg.gather [hbm4b:s16+s3], $0x80, v19, vm0, $0xb8;
	[tilespmem:$0x1C0C0] =	vst v63  }
0x489: {  	v63 =	vperm.xlane v17, v15;
	s29 =	simm.s32 $0x4D80;
	v19 =	vadd.s32 v3, v62  }
0x48a: {  	[tilespmem:s29], [sflag:$0x3] =	stream.indirect_vreg.gather [hbm4b:s16+s3], $0x80, v60, vm0, $0xb8;
	[tilespmem:$0x1C0C0] =	vst v63  }
0x48b: {  	v17 =	vperm.xlane v17, v16;
	v24 =	vadd.s32 v3, v63;
	s26 =	simm.s32 $0x4E00  }
0x48c: {  	[tilespmem:s26], [sflag:$0x3] =	stream.indirect_vreg.gather [hbm4b:s16+s3], $0x80, v18, vm0, $0xb8;
	[tilespmem:$0x1C0C0] =	vst v63  }
0x48d: {  	v17 =	vadd.s32 v3, v17;
	s29 =	simm.s32 $0x4E80  }
0x48e: {  	[tilespmem:s29], [sflag:$0x3] =	stream.indirect_vreg.gather [hbm4b:s16+s3], $0x80, v19, vm0, $0xb8;
	[tilespmem:$0x1C0C0] =	vst v63  }
0x48f: {  	s26 =	simm.s32 $0x4F00  }
0x490: {  	[tilespmem:s26], [sflag:$0x3] =	stream.indirect_vreg.gather [hbm4b:s16+s3], $0x80, v24, vm0, $0xb8;
	[tilespmem:$0x1C0C0] =	vst v63  }
0x491: {  	s29 =	simm.s32 $0x4F80  }
0x492: {  	[tilespmem:s29], [sflag:$0x3] =	stream.indirect_vreg.gather [hbm4b:s16+s3], $0x80, v17, vm0, $0xb8;
	[tilespmem:$0x1C0C0] =	vst v63  }
0x493: {  	v17 =	vld [tilespmem:$0x310];
	_ =	sdelay $0x4  }
0x494: {  	v18 =	vshll.u32 v17, $0x1  }
0x495: {  	v17 =	vand.u32 $0x7, v17;
	v18 =	vand.u32 $0xFFFFFFF0, v18  }
0x496: {  	v17 =	vor.u32 v17, v18  }
0x497: {  	v18 =	vperm.xlane v17, v2;
	_ =	sdelay $0x1  }
0x498: {  	v19 =	vperm.xlane v17, v1;
	v18 =	vadd.s32 v3, v18;
	_ =	sdelay $0x1  }
0x499: {  	v25 =	vperm.xlane v17, v4;
	v19 =	vadd.s32 v3, v19;
	_ =	sdelay $0x1  }
0x49a: {  	s26 =	simm.s32 $0x5000;
	v26 =	vperm.xlane v17, v5;
	v20 =	vadd.s32 v3, v25  }
0x49b: {  	[tilespmem:s26], [sflag:$0x3] =	stream.indirect_vreg.gather [hbm4b:s16+s3], $0x80, v18, vm0, $0xb8;
	[tilespmem:$0x1C0C0] =	vst v63  }
0x49c: {  	s29 =	simm.s32 $0x5080;
	v27 =	vperm.xlane v17, v6;
	v18 =	vadd.s32 v3, v26  }
0x49d: {  	[tilespmem:s29], [sflag:$0x3] =	stream.indirect_vreg.gather [hbm4b:s16+s3], $0x80, v19, vm0, $0xb8;
	[tilespmem:$0x1C0C0] =	vst v63  }
0x49e: {  	v28 =	vperm.xlane v17, v7;
	s26 =	simm.s32 $0x5100;
	v19 =	vadd.s32 v3, v27  }
0x49f: {  	[tilespmem:s26], [sflag:$0x3] =	stream.indirect_vreg.gather [hbm4b:s16+s3], $0x80, v20, vm0, $0xb8;
	[tilespmem:$0x1C0C0] =	vst v63  }
0x4a0: {  	v30 =	vperm.xlane v17, v8;
	v29 =	vadd.s32 v3, v28;
	s29 =	simm.s32 $0x5180  }
0x4a1: {  	[tilespmem:s29], [sflag:$0x3] =	stream.indirect_vreg.gather [hbm4b:s16+s3], $0x80, v18, vm0, $0xb8;
	[tilespmem:$0x1C0C0] =	vst v63  }
0x4a2: {  	v31 =	vperm.xlane v17, v0;
	s26 =	simm.s32 $0x5200;
	v18 =	vadd.s32 v3, v30  }
0x4a3: {  	[tilespmem:s26], [sflag:$0x3] =	stream.indirect_vreg.gather [hbm4b:s16+s3], $0x80, v19, vm0, $0xb8;
	[tilespmem:$0x1C0C0] =	vst v63  }
0x4a4: {  	v32 =	vperm.xlane v17, v9;
	s29 =	simm.s32 $0x5280;
	v19 =	vadd.s32 v3, v31  }
0x4a5: {  	[tilespmem:s29], [sflag:$0x3] =	stream.indirect_vreg.gather [hbm4b:s16+s3], $0x80, v29, vm0, $0xb8;
	[tilespmem:$0x1C0C0] =	vst v63  }
0x4a6: {  	v34 =	vperm.xlane v17, v10;
	v33 =	vadd.s32 v3, v32;
	s26 =	simm.s32 $0x5300  }
0x4a7: {  	[tilespmem:s26], [sflag:$0x3] =	stream.indirect_vreg.gather [hbm4b:s16+s3], $0x80, v18, vm0, $0xb8;
	[tilespmem:$0x1C0C0] =	vst v63  }
0x4a8: {  	v35 =	vperm.xlane v17, v11;
	s29 =	simm.s32 $0x5380;
	v18 =	vadd.s32 v3, v34  }
0x4a9: {  	[tilespmem:s29], [sflag:$0x3] =	stream.indirect_vreg.gather [hbm4b:s16+s3], $0x80, v19, vm0, $0xb8;
	[tilespmem:$0x1C0C0] =	vst v63  }
0x4aa: {  	v36 =	vperm.xlane v17, v12;
	s26 =	simm.s32 $0x5400;
	v19 =	vadd.s32 v3, v35  }
0x4ab: {  	[tilespmem:s26], [sflag:$0x3] =	stream.indirect_vreg.gather [hbm4b:s16+s3], $0x80, v33, vm0, $0xb8;
	[tilespmem:$0x1C0C0] =	vst v63  }
0x4ac: {  	v38 =	vperm.xlane v17, v13;
	v37 =	vadd.s32 v3, v36;
	s29 =	simm.s32 $0x5480  }
0x4ad: {  	[tilespmem:s29], [sflag:$0x3] =	stream.indirect_vreg.gather [hbm4b:s16+s3], $0x80, v18, vm0, $0xb8;
	[tilespmem:$0x1C0C0] =	vst v63  }
0x4ae: {  	v39 =	vperm.xlane v17, v14;
	s26 =	simm.s32 $0x5500;
	v18 =	vadd.s32 v3, v38  }
0x4af: {  	[tilespmem:s26], [sflag:$0x3] =	stream.indirect_vreg.gather [hbm4b:s16+s3], $0x80, v19, vm0, $0xb8;
	[tilespmem:$0x1C0C0] =	vst v63  }
0x4b0: {  	v40 =	vperm.xlane v17, v15;
	s29 =	simm.s32 $0x5580;
	v19 =	vadd.s32 v3, v39  }
0x4b1: {  	[tilespmem:s29], [sflag:$0x3] =	stream.indirect_vreg.gather [hbm4b:s16+s3], $0x80, v37, vm0, $0xb8;
	[tilespmem:$0x1C0C0] =	vst v63  }
0x4b2: {  	v17 =	vperm.xlane v17, v16;
	v41 =	vadd.s32 v3, v40;
	s26 =	simm.s32 $0x5600  }
0x4b3: {  	[tilespmem:s26], [sflag:$0x3] =	stream.indirect_vreg.gather [hbm4b:s16+s3], $0x80, v18, vm0, $0xb8;
	[tilespmem:$0x1C0C0] =	vst v63  }
0x4b4: {  	v17 =	vadd.s32 v3, v17;
	s29 =	simm.s32 $0x5680  }
0x4b5: {  	[tilespmem:s29], [sflag:$0x3] =	stream.indirect_vreg.gather [hbm4b:s16+s3], $0x80, v19, vm0, $0xb8;
	[tilespmem:$0x1C0C0] =	vst v63  }
0x4b6: {  	s26 =	simm.s32 $0x5700  }
0x4b7: {  	[tilespmem:s26], [sflag:$0x3] =	stream.indirect_vreg.gather [hbm4b:s16+s3], $0x80, v41, vm0, $0xb8;
	[tilespmem:$0x1C0C0] =	vst v63  }
0x4b8: {  	s29 =	simm.s32 $0x5780  }
0x4b9: {  	[tilespmem:s29], [sflag:$0x3] =	stream.indirect_vreg.gather [hbm4b:s16+s3], $0x80, v17, vm0, $0xb8;
	[tilespmem:$0x1C0C0] =	vst v63  }
0x4ba: {  	v17 =	vld [tilespmem:$0x320];
	_ =	sdelay $0x4  }
0x4bb: {  	v18 =	vshll.u32 v17, $0x1  }
0x4bc: {  	v17 =	vand.u32 $0x7, v17;
	v18 =	vand.u32 $0xFFFFFFF0, v18  }
0x4bd: {  	v17 =	vor.u32 v17, v18  }
0x4be: {  	v18 =	vperm.xlane v17, v2;
	_ =	sdelay $0x1  }
0x4bf: {  	v19 =	vperm.xlane v17, v1;
	v18 =	vadd.s32 v3, v18;
	_ =	sdelay $0x1  }
0x4c0: {  	v42 =	vperm.xlane v17, v4;
	v19 =	vadd.s32 v3, v19;
	_ =	sdelay $0x1  }
0x4c1: {  	s26 =	simm.s32 $0x5800;
	v43 =	vperm.xlane v17, v5;
	v20 =	vadd.s32 v3, v42  }
0x4c2: {  	[tilespmem:s26], [sflag:$0x3] =	stream.indirect_vreg.gather [hbm4b:s16+s3], $0x80, v18, vm0, $0xb8;
	[tilespmem:$0x1C0C0] =	vst v63  }
0x4c3: {  	s29 =	simm.s32 $0x5880;
	v44 =	vperm.xlane v17, v6;
	v18 =	vadd.s32 v3, v43  }
0x4c4: {  	[tilespmem:s29], [sflag:$0x3] =	stream.indirect_vreg.gather [hbm4b:s16+s3], $0x80, v19, vm0, $0xb8;
	[tilespmem:$0x1C0C0] =	vst v63  }
0x4c5: {  	v45 =	vperm.xlane v17, v7;
	s26 =	simm.s32 $0x5900;
	v19 =	vadd.s32 v3, v44  }
0x4c6: {  	[tilespmem:s26], [sflag:$0x3] =	stream.indirect_vreg.gather [hbm4b:s16+s3], $0x80, v20, vm0, $0xb8;
	[tilespmem:$0x1C0C0] =	vst v63  }
0x4c7: {  	v47 =	vperm.xlane v17, v8;
	v46 =	vadd.s32 v3, v45;
	s29 =	simm.s32 $0x5980  }
0x4c8: {  	[tilespmem:s29], [sflag:$0x3] =	stream.indirect_vreg.gather [hbm4b:s16+s3], $0x80, v18, vm0, $0xb8;
	[tilespmem:$0x1C0C0] =	vst v63  }
0x4c9: {  	v48 =	vperm.xlane v17, v0;
	s26 =	simm.s32 $0x5A00;
	v18 =	vadd.s32 v3, v47  }
0x4ca: {  	[tilespmem:s26], [sflag:$0x3] =	stream.indirect_vreg.gather [hbm4b:s16+s3], $0x80, v19, vm0, $0xb8;
	[tilespmem:$0x1C0C0] =	vst v63  }
0x4cb: {  	v49 =	vperm.xlane v17, v9;
	s29 =	simm.s32 $0x5A80;
	v19 =	vadd.s32 v3, v48  }
0x4cc: {  	[tilespmem:s29], [sflag:$0x3] =	stream.indirect_vreg.gather [hbm4b:s16+s3], $0x80, v46, vm0, $0xb8;
	[tilespmem:$0x1C0C0] =	vst v63  }
0x4cd: {  	v51 =	vperm.xlane v17, v10;
	v50 =	vadd.s32 v3, v49;
	s26 =	simm.s32 $0x5B00  }
0x4ce: {  	[tilespmem:s26], [sflag:$0x3] =	stream.indirect_vreg.gather [hbm4b:s16+s3], $0x80, v18, vm0, $0xb8;
	[tilespmem:$0x1C0C0] =	vst v63  }
0x4cf: {  	v52 =	vperm.xlane v17, v11;
	s29 =	simm.s32 $0x5B80;
	v18 =	vadd.s32 v3, v51  }
0x4d0: {  	[tilespmem:s29], [sflag:$0x3] =	stream.indirect_vreg.gather [hbm4b:s16+s3], $0x80, v19, vm0, $0xb8;
	[tilespmem:$0x1C0C0] =	vst v63  }
0x4d1: {  	v53 =	vperm.xlane v17, v12;
	s26 =	simm.s32 $0x5C00;
	v19 =	vadd.s32 v3, v52  }
0x4d2: {  	[tilespmem:s26], [sflag:$0x3] =	stream.indirect_vreg.gather [hbm4b:s16+s3], $0x80, v50, vm0, $0xb8;
	[tilespmem:$0x1C0C0] =	vst v63  }
0x4d3: {  	v55 =	vperm.xlane v17, v13;
	v54 =	vadd.s32 v3, v53;
	s29 =	simm.s32 $0x5C80  }
0x4d4: {  	[tilespmem:s29], [sflag:$0x3] =	stream.indirect_vreg.gather [hbm4b:s16+s3], $0x80, v18, vm0, $0xb8;
	[tilespmem:$0x1C0C0] =	vst v63  }
0x4d5: {  	v56 =	vperm.xlane v17, v14;
	s26 =	simm.s32 $0x5D00;
	v18 =	vadd.s32 v3, v55  }
0x4d6: {  	[tilespmem:s26], [sflag:$0x3] =	stream.indirect_vreg.gather [hbm4b:s16+s3], $0x80, v19, vm0, $0xb8;
	[tilespmem:$0x1C0C0] =	vst v63  }
0x4d7: {  	v57 =	vperm.xlane v17, v15;
	s29 =	simm.s32 $0x5D80;
	v19 =	vadd.s32 v3, v56  }
0x4d8: {  	[tilespmem:s29], [sflag:$0x3] =	stream.indirect_vreg.gather [hbm4b:s16+s3], $0x80, v54, vm0, $0xb8;
	[tilespmem:$0x1C0C0] =	vst v63  }
0x4d9: {  	v17 =	vperm.xlane v17, v16;
	v58 =	vadd.s32 v3, v57;
	s26 =	simm.s32 $0x5E00  }
0x4da: {  	[tilespmem:s26], [sflag:$0x3] =	stream.indirect_vreg.gather [hbm4b:s16+s3], $0x80, v18, vm0, $0xb8;
	[tilespmem:$0x1C0C0] =	vst v63  }
0x4db: {  	v17 =	vadd.s32 v3, v17;
	s29 =	simm.s32 $0x5E80  }
0x4dc: {  	[tilespmem:s29], [sflag:$0x3] =	stream.indirect_vreg.gather [hbm4b:s16+s3], $0x80, v19, vm0, $0xb8;
	[tilespmem:$0x1C0C0] =	vst v63  }
0x4dd: {  	s26 =	simm.s32 $0x5F00  }
0x4de: {  	[tilespmem:s26], [sflag:$0x3] =	stream.indirect_vreg.gather [hbm4b:s16+s3], $0x80, v58, vm0, $0xb8;
	[tilespmem:$0x1C0C0] =	vst v63  }
0x4df: {  	s29 =	simm.s32 $0x5F80  }
0x4e0: {  	[tilespmem:s29], [sflag:$0x3] =	stream.indirect_vreg.gather [hbm4b:s16+s3], $0x80, v17, vm0, $0xb8;
	[tilespmem:$0x1C0C0] =	vst v63  }
0x4e1: {  	v17 =	vld [tilespmem:$0x330];
	_ =	sdelay $0x4  }
0x4e2: {  	v18 =	vshll.u32 v17, $0x1  }
0x4e3: {  	v17 =	vand.u32 $0x7, v17;
	v18 =	vand.u32 $0xFFFFFFF0, v18  }
0x4e4: {  	v17 =	vor.u32 v17, v18  }
0x4e5: {  	v18 =	vperm.xlane v17, v2;
	_ =	sdelay $0x1  }
0x4e6: {  	v19 =	vperm.xlane v17, v1;
	v18 =	vadd.s32 v3, v18;
	_ =	sdelay $0x1  }
0x4e7: {  	v59 =	vperm.xlane v17, v4;
	v19 =	vadd.s32 v3, v19;
	_ =	sdelay $0x1  }
0x4e8: {  	s26 =	simm.s32 $0x6000;
	v60 =	vperm.xlane v17, v5;
	v20 =	vadd.s32 v3, v59  }
0x4e9: {  	[tilespmem:s26], [sflag:$0x3] =	stream.indirect_vreg.gather [hbm4b:s16+s3], $0x80, v18, vm0, $0xb8;
	[tilespmem:$0x1C0C0] =	vst v63  }
0x4ea: {  	s29 =	simm.s32 $0x6080;
	v61 =	vperm.xlane v17, v6;
	v18 =	vadd.s32 v3, v60  }
0x4eb: {  	[tilespmem:s29], [sflag:$0x3] =	stream.indirect_vreg.gather [hbm4b:s16+s3], $0x80, v19, vm0, $0xb8;
	[tilespmem:$0x1C0C0] =	vst v63  }
0x4ec: {  	v62 =	vperm.xlane v17, v7;
	s26 =	simm.s32 $0x6100;
	v19 =	vadd.s32 v3, v61  }
0x4ed: {  	[tilespmem:s26], [sflag:$0x3] =	stream.indirect_vreg.gather [hbm4b:s16+s3], $0x80, v20, vm0, $0xb8;
	[tilespmem:$0x1C0C0] =	vst v63  }
0x4ee: {  	v24 =	vperm.xlane v17, v8;
	v63 =	vadd.s32 v3, v62;
	s29 =	simm.s32 $0x6180  }
0x4ef: {  	[tilespmem:s29], [sflag:$0x3] =	stream.indirect_vreg.gather [hbm4b:s16+s3], $0x80, v18, vm0, $0xb8;
	[tilespmem:$0x1C0C0] =	vst v63  }
0x4f0: {  	v25 =	vperm.xlane v17, v0;
	s26 =	simm.s32 $0x6200;
	v18 =	vadd.s32 v3, v24  }
0x4f1: {  	[tilespmem:s26], [sflag:$0x3] =	stream.indirect_vreg.gather [hbm4b:s16+s3], $0x80, v19, vm0, $0xb8;
	[tilespmem:$0x1C0C0] =	vst v63  }
0x4f2: {  	v26 =	vperm.xlane v17, v9;
	s29 =	simm.s32 $0x6280;
	v19 =	vadd.s32 v3, v25  }
0x4f3: {  	[tilespmem:s29], [sflag:$0x3] =	stream.indirect_vreg.gather [hbm4b:s16+s3], $0x80, v63, vm0, $0xb8;
	[tilespmem:$0x1C0C0] =	vst v63  }
0x4f4: {  	v28 =	vperm.xlane v17, v10;
	v27 =	vadd.s32 v3, v26;
	s26 =	simm.s32 $0x6300  }
0x4f5: {  	[tilespmem:s26], [sflag:$0x3] =	stream.indirect_vreg.gather [hbm4b:s16+s3], $0x80, v18, vm0, $0xb8;
	[tilespmem:$0x1C0C0] =	vst v63  }
0x4f6: {  	v29 =	vperm.xlane v17, v11;
	s29 =	simm.s32 $0x6380;
	v18 =	vadd.s32 v3, v28  }
0x4f7: {  	[tilespmem:s29], [sflag:$0x3] =	stream.indirect_vreg.gather [hbm4b:s16+s3], $0x80, v19, vm0, $0xb8;
	[tilespmem:$0x1C0C0] =	vst v63  }
0x4f8: {  	v30 =	vperm.xlane v17, v12;
	s26 =	simm.s32 $0x6400;
	v19 =	vadd.s32 v3, v29  }
0x4f9: {  	[tilespmem:s26], [sflag:$0x3] =	stream.indirect_vreg.gather [hbm4b:s16+s3], $0x80, v27, vm0, $0xb8;
	[tilespmem:$0x1C0C0] =	vst v63  }
0x4fa: {  	v32 =	vperm.xlane v17, v13;
	v31 =	vadd.s32 v3, v30;
	s29 =	simm.s32 $0x6480  }
0x4fb: {  	[tilespmem:s29], [sflag:$0x3] =	stream.indirect_vreg.gather [hbm4b:s16+s3], $0x80, v18, vm0, $0xb8;
	[tilespmem:$0x1C0C0] =	vst v63  }
0x4fc: {  	v33 =	vperm.xlane v17, v14;
	s26 =	simm.s32 $0x6500;
	v18 =	vadd.s32 v3, v32  }
0x4fd: {  	[tilespmem:s26], [sflag:$0x3] =	stream.indirect_vreg.gather [hbm4b:s16+s3], $0x80, v19, vm0, $0xb8;
	[tilespmem:$0x1C0C0] =	vst v63  }
0x4fe: {  	v34 =	vperm.xlane v17, v15;
	s29 =	simm.s32 $0x6580;
	v19 =	vadd.s32 v3, v33  }
0x4ff: {  	[tilespmem:s29], [sflag:$0x3] =	stream.indirect_vreg.gather [hbm4b:s16+s3], $0x80, v31, vm0, $0xb8;
	[tilespmem:$0x1C0C0] =	vst v63  }
0x500: {  	v17 =	vperm.xlane v17, v16;
	v35 =	vadd.s32 v3, v34;
	s26 =	simm.s32 $0x6600  }
0x501: {  	[tilespmem:s26], [sflag:$0x3] =	stream.indirect_vreg.gather [hbm4b:s16+s3], $0x80, v18, vm0, $0xb8;
	[tilespmem:$0x1C0C0] =	vst v63  }
0x502: {  	v17 =	vadd.s32 v3, v17;
	s29 =	simm.s32 $0x6680  }
0x503: {  	[tilespmem:s29], [sflag:$0x3] =	stream.indirect_vreg.gather [hbm4b:s16+s3], $0x80, v19, vm0, $0xb8;
	[tilespmem:$0x1C0C0] =	vst v63  }
0x504: {  	s26 =	simm.s32 $0x6700  }
0x505: {  	[tilespmem:s26], [sflag:$0x3] =	stream.indirect_vreg.gather [hbm4b:s16+s3], $0x80, v35, vm0, $0xb8;
	[tilespmem:$0x1C0C0] =	vst v63  }
0x506: {  	s29 =	simm.s32 $0x6780;
	s26 =	simm.s32 $0x15  }
0x507: {  	[tilespmem:s29], [sflag:$0x3] =	stream.indirect_vreg.gather [hbm4b:s16+s3], $0x80, v17, vm0, $0xb8;
	[tilespmem:$0x1C0C0] =	vst v63  }
0x508: {  	_ =	swait.ge [sflag:s26], $0x80  }
0x509: {  	[sflag:s26] =	ssyncset.done $0x0  }
0x50a: {  	[sflag:s26] =	ssyncadd.s32 $0xFFFFFF80  }
0x50b: {  	_ =	swait.ge [sflag:s25], $0x2000  }
0x50c: {  	[sflag:s25] =	ssyncset.done $0x0  }
0x50d: {  	s29 =	simm.s32 $0x8;
	[sflag:s25] =	ssyncadd.s32 $0xFFFFE000  }
0x50e: {  	_ =	swait.ge [sflag:s29], $0x2000  }
0x50f: {  	s14 =	simm.s32 $0x800;
	[sflag:s29] =	ssyncset.done $0x0  }
0x510: {  	s26 =	smov.u32 s2;
	[sflag:s29] =	ssyncadd.s32 $0xFFFFE000;
	s29 =	simm.s32 $0x600  }
0x511: {  	[spmem:s1] =	stream.indirect.scatter.add.f32 [tilespmem:s14], [sflag:$0x5], $0x80, s29, s15, $0xb8;
	[tilespmem:$0x1C0C0] =	vst v63  }
0x512: {  	s26 =	simm.s32 @p0 $0x5000;
	s15 =	rddreg [dreg:$0x1e]  }
0x513: {  	s12 =	sadd.s32 @!p0 s15, s26  }
0x514: {  	s29 =	rddreg [dreg:$0x15];
	s12 =	sshrl.u32 @!p0 s12, $0x3  }
0x515: {  	s12 =	sadd.s32 @!p0 s12, s29;
	s29 =	simm.s32 @!p0 $0x500  }
0x516: {  	[tilespmem:s29], [sflag:$0x13] =	stream.linear.gather @!p0 [hbm4b:s12+s23], $0x80, $0x38;
	[tilespmem:$0x1C0C0] =	vst v63  }
0x517: {  	s12 =	sadd.s32 @!p0 $0xC0, s30;
	s29 =	simm.s32 @!p0 $0x200  }
0x518: {  	[tilespmem:s29], [sflag:$0xD] =	stream.linear.gather @!p0 [hbm4b:s12+s23], $0x80, $0x38;
	[tilespmem:$0x1C0C0] =	vst v63  }
0x519: {  	s29 =	simm.s32 $0x10  }
0x51a: {  	_ =	swait.ge [sflag:s29], $0x80  }
0x51b: {  	[sflag:s29] =	ssyncset.done $0x0  }
0x51c: {  	[sflag:s29] =	ssyncadd.s32 $0xFFFFFF80  }
0x51d: {  	v17 =	vld [tilespmem:$0x380];
	_ =	sdelay $0x4  }
0x51e: {  	v18 =	vshll.u32 v17, $0x1  }
0x51f: {  	v17 =	vand.u32 $0x7, v17;
	v18 =	vand.u32 $0xFFFFFFF0, v18  }
0x520: {  	v17 =	vor.u32 v17, v18  }
0x521: {  	v18 =	vperm.xlane v17, v2;
	_ =	sdelay $0x1  }
0x522: {  	v19 =	vperm.xlane v17, v1;
	v18 =	vadd.s32 v3, v18;
	_ =	sdelay $0x1  }
0x523: {  	v36 =	vperm.xlane v17, v4;
	v19 =	vadd.s32 v3, v19;
	_ =	sdelay $0x1  }
0x524: {  	v37 =	vperm.xlane v17, v5;
	v20 =	vadd.s32 v3, v36  }
0x525: {  	[tilespmem:s20], [sflag:$0x4] =	stream.indirect_vreg.gather [hbm4b:s16+s3], $0x80, v18, vm0, $0xb8;
	[tilespmem:$0x1C0C0] =	vst v63  }
0x526: {  	v38 =	vperm.xlane v17, v6;
	v18 =	vadd.s32 v3, v37  }
0x527: {  	[tilespmem:s8], [sflag:$0x4] =	stream.indirect_vreg.gather [hbm4b:s16+s3], $0x80, v19, vm0, $0xb8;
	[tilespmem:$0x1C0C0] =	vst v63  }
0x528: {  	v39 =	vperm.xlane v17, v7;
	v19 =	vadd.s32 v3, v38  }
0x529: {  	[tilespmem:s11], [sflag:$0x4] =	stream.indirect_vreg.gather [hbm4b:s16+s3], $0x80, v20, vm0, $0xb8;
	[tilespmem:$0x1C0C0] =	vst v63  }
0x52a: {  	v41 =	vperm.xlane v17, v8;
	v40 =	vadd.s32 v3, v39  }
0x52b: {  	[tilespmem:s18], [sflag:$0x4] =	stream.indirect_vreg.gather [hbm4b:s16+s3], $0x80, v18, vm0, $0xb8;
	[tilespmem:$0x1C0C0] =	vst v63  }
0x52c: {  	v42 =	vperm.xlane v17, v0;
	v18 =	vadd.s32 v3, v41  }
0x52d: {  	[tilespmem:s4], [sflag:$0x4] =	stream.indirect_vreg.gather [hbm4b:s16+s3], $0x80, v19, vm0, $0xb8;
	[tilespmem:$0x1C0C0] =	vst v63  }
0x52e: {  	v43 =	vperm.xlane v17, v9;
	v19 =	vadd.s32 v3, v42  }
0x52f: {  	[tilespmem:s24], [sflag:$0x4] =	stream.indirect_vreg.gather [hbm4b:s16+s3], $0x80, v40, vm0, $0xb8;
	[tilespmem:$0x1C0C0] =	vst v63  }
0x530: {  	v45 =	vperm.xlane v17, v10;
	v44 =	vadd.s32 v3, v43  }
0x531: {  	[tilespmem:s6], [sflag:$0x4] =	stream.indirect_vreg.gather [hbm4b:s16+s3], $0x80, v18, vm0, $0xb8;
	[tilespmem:$0x1C0C0] =	vst v63  }
0x532: {  	v46 =	vperm.xlane v17, v11;
	v18 =	vadd.s32 v3, v45  }
0x533: {  	[tilespmem:s10], [sflag:$0x4] =	stream.indirect_vreg.gather [hbm4b:s16+s3], $0x80, v19, vm0, $0xb8;
	[tilespmem:$0x1C0C0] =	vst v63  }
0x534: {  	v47 =	vperm.xlane v17, v12;
	v19 =	vadd.s32 v3, v46  }
0x535: {  	[tilespmem:s22], [sflag:$0x4] =	stream.indirect_vreg.gather [hbm4b:s16+s3], $0x80, v44, vm0, $0xb8;
	[tilespmem:$0x1C0C0] =	vst v63  }
0x536: {  	v49 =	vperm.xlane v17, v13;
	v48 =	vadd.s32 v3, v47  }
0x537: {  	[tilespmem:s5], [sflag:$0x4] =	stream.indirect_vreg.gather [hbm4b:s16+s3], $0x80, v18, vm0, $0xb8;
	[tilespmem:$0x1C0C0] =	vst v63  }
0x538: {  	v50 =	vperm.xlane v17, v14;
	v18 =	vadd.s32 v3, v49  }
0x539: {  	[tilespmem:s17], [sflag:$0x4] =	stream.indirect_vreg.gather [hbm4b:s16+s3], $0x80, v19, vm0, $0xb8;
	[tilespmem:$0x1C0C0] =	vst v63  }
0x53a: {  	v51 =	vperm.xlane v17, v15;
	s11 =	simm.s32 $0x6D80;
	v19 =	vadd.s32 v3, v50  }
0x53b: {  	[tilespmem:s11], [sflag:$0x4] =	stream.indirect_vreg.gather [hbm4b:s16+s3], $0x80, v48, vm0, $0xb8;
	[tilespmem:$0x1C0C0] =	vst v63  }
0x53c: {  	s12 =	simm.s32 $0x6E00;
	v17 =	vperm.xlane v17, v16;
	v52 =	vadd.s32 v3, v51  }
0x53d: {  	[tilespmem:s12], [sflag:$0x4] =	stream.indirect_vreg.gather [hbm4b:s16+s3], $0x80, v18, vm0, $0xb8;
	[tilespmem:$0x1C0C0] =	vst v63  }
0x53e: {  	v17 =	vadd.s32 v3, v17;
	s17 =	simm.s32 $0x6E80  }
0x53f: {  	[tilespmem:s17], [sflag:$0x4] =	stream.indirect_vreg.gather [hbm4b:s16+s3], $0x80, v19, vm0, $0xb8;
	[tilespmem:$0x1C0C0] =	vst v63  }
0x540: {  	s23 =	simm.s32 $0x6F00  }
0x541: {  	[tilespmem:s23], [sflag:$0x4] =	stream.indirect_vreg.gather [hbm4b:s16+s3], $0x80, v52, vm0, $0xb8;
	[tilespmem:$0x1C0C0] =	vst v63  }
0x542: {  	s29 =	simm.s32 $0x6F80  }
0x543: {  	[tilespmem:s29], [sflag:$0x4] =	stream.indirect_vreg.gather [hbm4b:s16+s3], $0x80, v17, vm0, $0xb8;
	[tilespmem:$0x1C0C0] =	vst v63  }
0x544: {  	v17 =	vld [tilespmem:$0x390];
	_ =	sdelay $0x4  }
0x545: {  	v18 =	vshll.u32 v17, $0x1  }
0x546: {  	v17 =	vand.u32 $0x7, v17;
	v18 =	vand.u32 $0xFFFFFFF0, v18  }
0x547: {  	v17 =	vor.u32 v17, v18  }
0x548: {  	v18 =	vperm.xlane v17, v2;
	_ =	sdelay $0x1  }
0x549: {  	v19 =	vperm.xlane v17, v1;
	v18 =	vadd.s32 v3, v18;
	_ =	sdelay $0x1  }
0x54a: {  	v53 =	vperm.xlane v17, v4;
	v19 =	vadd.s32 v3, v19;
	_ =	sdelay $0x1  }
0x54b: {  	s5 =	simm.s32 $0x7000;
	v54 =	vperm.xlane v17, v5;
	v20 =	vadd.s32 v3, v53  }
0x54c: {  	[tilespmem:s5], [sflag:$0x4] =	stream.indirect_vreg.gather [hbm4b:s16+s3], $0x80, v18, vm0, $0xb8;
	[tilespmem:$0x1C0C0] =	vst v63  }
0x54d: {  	s8 =	simm.s32 $0x7080;
	v55 =	vperm.xlane v17, v6;
	v18 =	vadd.s32 v3, v54  }
0x54e: {  	[tilespmem:s8], [sflag:$0x4] =	stream.indirect_vreg.gather [hbm4b:s16+s3], $0x80, v19, vm0, $0xb8;
	[tilespmem:$0x1C0C0] =	vst v63  }
0x54f: {  	s11 =	simm.s32 $0x7100;
	v56 =	vperm.xlane v17, v7;
	v19 =	vadd.s32 v3, v55  }
0x550: {  	[tilespmem:s11], [sflag:$0x4] =	stream.indirect_vreg.gather [hbm4b:s16+s3], $0x80, v20, vm0, $0xb8;
	[tilespmem:$0x1C0C0] =	vst v63  }
0x551: {  	s12 =	simm.s32 $0x7180;
	v58 =	vperm.xlane v17, v8;
	v57 =	vadd.s32 v3, v56  }
0x552: {  	[tilespmem:s12], [sflag:$0x4] =	stream.indirect_vreg.gather [hbm4b:s16+s3], $0x80, v18, vm0, $0xb8;
	[tilespmem:$0x1C0C0] =	vst v63  }
0x553: {  	s17 =	simm.s32 $0x7200;
	v59 =	vperm.xlane v17, v0;
	v18 =	vadd.s32 v3, v58  }
0x554: {  	[tilespmem:s17], [sflag:$0x4] =	stream.indirect_vreg.gather [hbm4b:s16+s3], $0x80, v19, vm0, $0xb8;
	[tilespmem:$0x1C0C0] =	vst v63  }
0x555: {  	s23 =	simm.s32 $0x7280;
	v60 =	vperm.xlane v17, v9;
	v19 =	vadd.s32 v3, v59  }
0x556: {  	[tilespmem:s23], [sflag:$0x4] =	stream.indirect_vreg.gather [hbm4b:s16+s3], $0x80, v57, vm0, $0xb8;
	[tilespmem:$0x1C0C0] =	vst v63  }
0x557: {  	s29 =	simm.s32 $0x7300;
	v62 =	vperm.xlane v17, v10;
	v61 =	vadd.s32 v3, v60  }
0x558: {  	[tilespmem:s29], [sflag:$0x4] =	stream.indirect_vreg.gather [hbm4b:s16+s3], $0x80, v18, vm0, $0xb8;
	[tilespmem:$0x1C0C0] =	vst v63  }
0x559: {  	v63 =	vperm.xlane v17, v11;
	s5 =	simm.s32 $0x7380;
	v18 =	vadd.s32 v3, v62  }
0x55a: {  	[tilespmem:s5], [sflag:$0x4] =	stream.indirect_vreg.gather [hbm4b:s16+s3], $0x80, v19, vm0, $0xb8;
	[tilespmem:$0x1C0C0] =	vst v63  }
0x55b: {  	v24 =	vperm.xlane v17, v12;
	s8 =	simm.s32 $0x7400;
	v19 =	vadd.s32 v3, v63  }
0x55c: {  	[tilespmem:s8], [sflag:$0x4] =	stream.indirect_vreg.gather [hbm4b:s16+s3], $0x80, v61, vm0, $0xb8;
	[tilespmem:$0x1C0C0] =	vst v63  }
0x55d: {  	v26 =	vperm.xlane v17, v13;
	v25 =	vadd.s32 v3, v24;
	s11 =	simm.s32 $0x7480  }
0x55e: {  	[tilespmem:s11], [sflag:$0x4] =	stream.indirect_vreg.gather [hbm4b:s16+s3], $0x80, v18, vm0, $0xb8;
	[tilespmem:$0x1C0C0] =	vst v63  }
0x55f: {  	v27 =	vperm.xlane v17, v14;
	s12 =	simm.s32 $0x7500;
	v18 =	vadd.s32 v3, v26  }
0x560: {  	[tilespmem:s12], [sflag:$0x4] =	stream.indirect_vreg.gather [hbm4b:s16+s3], $0x80, v19, vm0, $0xb8;
	[tilespmem:$0x1C0C0] =	vst v63  }
0x561: {  	v28 =	vperm.xlane v17, v15;
	s17 =	simm.s32 $0x7580;
	v19 =	vadd.s32 v3, v27  }
0x562: {  	[tilespmem:s17], [sflag:$0x4] =	stream.indirect_vreg.gather [hbm4b:s16+s3], $0x80, v25, vm0, $0xb8;
	[tilespmem:$0x1C0C0] =	vst v63  }
0x563: {  	v17 =	vperm.xlane v17, v16;
	v29 =	vadd.s32 v3, v28;
	s23 =	simm.s32 $0x7600  }
0x564: {  	[tilespmem:s23], [sflag:$0x4] =	stream.indirect_vreg.gather [hbm4b:s16+s3], $0x80, v18, vm0, $0xb8;
	[tilespmem:$0x1C0C0] =	vst v63  }
0x565: {  	v17 =	vadd.s32 v3, v17;
	s29 =	simm.s32 $0x7680  }
0x566: {  	[tilespmem:s29], [sflag:$0x4] =	stream.indirect_vreg.gather [hbm4b:s16+s3], $0x80, v19, vm0, $0xb8;
	[tilespmem:$0x1C0C0] =	vst v63  }
0x567: {  	s5 =	simm.s32 $0x7700  }
0x568: {  	[tilespmem:s5], [sflag:$0x4] =	stream.indirect_vreg.gather [hbm4b:s16+s3], $0x80, v29, vm0, $0xb8;
	[tilespmem:$0x1C0C0] =	vst v63  }
0x569: {  	s8 =	simm.s32 $0x7780  }
0x56a: {  	[tilespmem:s8], [sflag:$0x4] =	stream.indirect_vreg.gather [hbm4b:s16+s3], $0x80, v17, vm0, $0xb8;
	[tilespmem:$0x1C0C0] =	vst v63  }
0x56b: {  	v17 =	vld [tilespmem:$0x3A0];
	_ =	sdelay $0x4  }
0x56c: {  	v18 =	vshll.u32 v17, $0x1  }
0x56d: {  	v17 =	vand.u32 $0x7, v17;
	v18 =	vand.u32 $0xFFFFFFF0, v18  }
0x56e: {  	v17 =	vor.u32 v17, v18  }
0x56f: {  	v18 =	vperm.xlane v17, v2;
	_ =	sdelay $0x1  }
0x570: {  	v19 =	vperm.xlane v17, v1;
	v18 =	vadd.s32 v3, v18;
	_ =	sdelay $0x1  }
0x571: {  	v30 =	vperm.xlane v17, v4;
	v19 =	vadd.s32 v3, v19;
	_ =	sdelay $0x1  }
0x572: {  	s11 =	simm.s32 $0x7800;
	v31 =	vperm.xlane v17, v5;
	v20 =	vadd.s32 v3, v30  }
0x573: {  	[tilespmem:s11], [sflag:$0x4] =	stream.indirect_vreg.gather [hbm4b:s16+s3], $0x80, v18, vm0, $0xb8;
	[tilespmem:$0x1C0C0] =	vst v63  }
0x574: {  	s12 =	simm.s32 $0x7880;
	v32 =	vperm.xlane v17, v6;
	v18 =	vadd.s32 v3, v31  }
0x575: {  	[tilespmem:s12], [sflag:$0x4] =	stream.indirect_vreg.gather [hbm4b:s16+s3], $0x80, v19, vm0, $0xb8;
	[tilespmem:$0x1C0C0] =	vst v63  }
0x576: {  	s17 =	simm.s32 $0x7900;
	v33 =	vperm.xlane v17, v7;
	v19 =	vadd.s32 v3, v32  }
0x577: {  	[tilespmem:s17], [sflag:$0x4] =	stream.indirect_vreg.gather [hbm4b:s16+s3], $0x80, v20, vm0, $0xb8;
	[tilespmem:$0x1C0C0] =	vst v63  }
0x578: {  	s23 =	simm.s32 $0x7980;
	v35 =	vperm.xlane v17, v8;
	v34 =	vadd.s32 v3, v33  }
0x579: {  	[tilespmem:s23], [sflag:$0x4] =	stream.indirect_vreg.gather [hbm4b:s16+s3], $0x80, v18, vm0, $0xb8;
	[tilespmem:$0x1C0C0] =	vst v63  }
0x57a: {  	s29 =	simm.s32 $0x7A00;
	v36 =	vperm.xlane v17, v0;
	v18 =	vadd.s32 v3, v35  }
0x57b: {  	[tilespmem:s29], [sflag:$0x4] =	stream.indirect_vreg.gather [hbm4b:s16+s3], $0x80, v19, vm0, $0xb8;
	[tilespmem:$0x1C0C0] =	vst v63  }
0x57c: {  	s5 =	simm.s32 $0x7A80;
	v37 =	vperm.xlane v17, v9;
	v19 =	vadd.s32 v3, v36  }
0x57d: {  	[tilespmem:s5], [sflag:$0x4] =	stream.indirect_vreg.gather [hbm4b:s16+s3], $0x80, v34, vm0, $0xb8;
	[tilespmem:$0x1C0C0] =	vst v63  }
0x57e: {  	s8 =	simm.s32 $0x7B00;
	v39 =	vperm.xlane v17, v10;
	v38 =	vadd.s32 v3, v37  }
0x57f: {  	[tilespmem:s8], [sflag:$0x4] =	stream.indirect_vreg.gather [hbm4b:s16+s3], $0x80, v18, vm0, $0xb8;
	[tilespmem:$0x1C0C0] =	vst v63  }
0x580: {  	v40 =	vperm.xlane v17, v11;
	s11 =	simm.s32 $0x7B80;
	v18 =	vadd.s32 v3, v39  }
0x581: {  	[tilespmem:s11], [sflag:$0x4] =	stream.indirect_vreg.gather [hbm4b:s16+s3], $0x80, v19, vm0, $0xb8;
	[tilespmem:$0x1C0C0] =	vst v63  }
0x582: {  	v41 =	vperm.xlane v17, v12;
	s12 =	simm.s32 $0x7C00;
	v19 =	vadd.s32 v3, v40  }
0x583: {  	[tilespmem:s12], [sflag:$0x4] =	stream.indirect_vreg.gather [hbm4b:s16+s3], $0x80, v38, vm0, $0xb8;
	[tilespmem:$0x1C0C0] =	vst v63  }
0x584: {  	v43 =	vperm.xlane v17, v13;
	v42 =	vadd.s32 v3, v41;
	s17 =	simm.s32 $0x7C80  }
0x585: {  	[tilespmem:s17], [sflag:$0x4] =	stream.indirect_vreg.gather [hbm4b:s16+s3], $0x80, v18, vm0, $0xb8;
	[tilespmem:$0x1C0C0] =	vst v63  }
0x586: {  	v44 =	vperm.xlane v17, v14;
	s23 =	simm.s32 $0x7D00;
	v18 =	vadd.s32 v3, v43  }
0x587: {  	[tilespmem:s23], [sflag:$0x4] =	stream.indirect_vreg.gather [hbm4b:s16+s3], $0x80, v19, vm0, $0xb8;
	[tilespmem:$0x1C0C0] =	vst v63  }
0x588: {  	v45 =	vperm.xlane v17, v15;
	s29 =	simm.s32 $0x7D80;
	v19 =	vadd.s32 v3, v44  }
0x589: {  	[tilespmem:s29], [sflag:$0x4] =	stream.indirect_vreg.gather [hbm4b:s16+s3], $0x80, v42, vm0, $0xb8;
	[tilespmem:$0x1C0C0] =	vst v63  }
0x58a: {  	v17 =	vperm.xlane v17, v16;
	v46 =	vadd.s32 v3, v45;
	s5 =	simm.s32 $0x7E00  }
0x58b: {  	[tilespmem:s5], [sflag:$0x4] =	stream.indirect_vreg.gather [hbm4b:s16+s3], $0x80, v18, vm0, $0xb8;
	[tilespmem:$0x1C0C0] =	vst v63  }
0x58c: {  	v17 =	vadd.s32 v3, v17;
	s8 =	simm.s32 $0x7E80  }
0x58d: {  	[tilespmem:s8], [sflag:$0x4] =	stream.indirect_vreg.gather [hbm4b:s16+s3], $0x80, v19, vm0, $0xb8;
	[tilespmem:$0x1C0C0] =	vst v63  }
0x58e: {  	s11 =	simm.s32 $0x7F00  }
0x58f: {  	[tilespmem:s11], [sflag:$0x4] =	stream.indirect_vreg.gather [hbm4b:s16+s3], $0x80, v46, vm0, $0xb8;
	[tilespmem:$0x1C0C0] =	vst v63  }
0x590: {  	s12 =	simm.s32 $0x7F80  }
0x591: {  	[tilespmem:s12], [sflag:$0x4] =	stream.indirect_vreg.gather [hbm4b:s16+s3], $0x80, v17, vm0, $0xb8;
	[tilespmem:$0x1C0C0] =	vst v63  }
0x592: {  	v17 =	vld [tilespmem:$0x3B0];
	_ =	sdelay $0x4  }
0x593: {  	v18 =	vshll.u32 v17, $0x1  }
0x594: {  	v17 =	vand.u32 $0x7, v17;
	v18 =	vand.u32 $0xFFFFFFF0, v18  }
0x595: {  	v17 =	vor.u32 v17, v18  }
0x596: {  	v18 =	vperm.xlane v17, v2;
	_ =	sdelay $0x1  }
0x597: {  	v19 =	vperm.xlane v17, v1;
	v18 =	vadd.s32 v3, v18;
	_ =	sdelay $0x1  }
0x598: {  	v47 =	vperm.xlane v17, v4;
	v19 =	vadd.s32 v3, v19;
	_ =	sdelay $0x1  }
0x599: {  	s17 =	simm.s32 $0x8000;
	v48 =	vperm.xlane v17, v5;
	v20 =	vadd.s32 v3, v47  }
0x59a: {  	[tilespmem:s17], [sflag:$0x4] =	stream.indirect_vreg.gather [hbm4b:s16+s3], $0x80, v18, vm0, $0xb8;
	[tilespmem:$0x1C0C0] =	vst v63  }
0x59b: {  	s23 =	simm.s32 $0x8080;
	v49 =	vperm.xlane v17, v6;
	v18 =	vadd.s32 v3, v48  }
0x59c: {  	[tilespmem:s23], [sflag:$0x4] =	stream.indirect_vreg.gather [hbm4b:s16+s3], $0x80, v19, vm0, $0xb8;
	[tilespmem:$0x1C0C0] =	vst v63  }
0x59d: {  	s29 =	simm.s32 $0x8100;
	v50 =	vperm.xlane v17, v7;
	v19 =	vadd.s32 v3, v49  }
0x59e: {  	[tilespmem:s29], [sflag:$0x4] =	stream.indirect_vreg.gather [hbm4b:s16+s3], $0x80, v20, vm0, $0xb8;
	[tilespmem:$0x1C0C0] =	vst v63  }
0x59f: {  	s5 =	simm.s32 $0x8180;
	v52 =	vperm.xlane v17, v8;
	v51 =	vadd.s32 v3, v50  }
0x5a0: {  	[tilespmem:s5], [sflag:$0x4] =	stream.indirect_vreg.gather [hbm4b:s16+s3], $0x80, v18, vm0, $0xb8;
	[tilespmem:$0x1C0C0] =	vst v63  }
0x5a1: {  	s8 =	simm.s32 $0x8200;
	v53 =	vperm.xlane v17, v0;
	v18 =	vadd.s32 v3, v52  }
0x5a2: {  	[tilespmem:s8], [sflag:$0x4] =	stream.indirect_vreg.gather [hbm4b:s16+s3], $0x80, v19, vm0, $0xb8;
	[tilespmem:$0x1C0C0] =	vst v63  }
0x5a3: {  	s11 =	simm.s32 $0x8280;
	v54 =	vperm.xlane v17, v9;
	v19 =	vadd.s32 v3, v53  }
0x5a4: {  	[tilespmem:s11], [sflag:$0x4] =	stream.indirect_vreg.gather [hbm4b:s16+s3], $0x80, v51, vm0, $0xb8;
	[tilespmem:$0x1C0C0] =	vst v63  }
0x5a5: {  	s12 =	simm.s32 $0x8300;
	v56 =	vperm.xlane v17, v10;
	v55 =	vadd.s32 v3, v54  }
0x5a6: {  	[tilespmem:s12], [sflag:$0x4] =	stream.indirect_vreg.gather [hbm4b:s16+s3], $0x80, v18, vm0, $0xb8;
	[tilespmem:$0x1C0C0] =	vst v63  }
0x5a7: {  	v57 =	vperm.xlane v17, v11;
	s17 =	simm.s32 $0x8380;
	v18 =	vadd.s32 v3, v56  }
0x5a8: {  	[tilespmem:s17], [sflag:$0x4] =	stream.indirect_vreg.gather [hbm4b:s16+s3], $0x80, v19, vm0, $0xb8;
	[tilespmem:$0x1C0C0] =	vst v63  }
0x5a9: {  	v58 =	vperm.xlane v17, v12;
	s23 =	simm.s32 $0x8400;
	v19 =	vadd.s32 v3, v57  }
0x5aa: {  	[tilespmem:s23], [sflag:$0x4] =	stream.indirect_vreg.gather [hbm4b:s16+s3], $0x80, v55, vm0, $0xb8;
	[tilespmem:$0x1C0C0] =	vst v63  }
0x5ab: {  	v60 =	vperm.xlane v17, v13;
	v59 =	vadd.s32 v3, v58;
	s29 =	simm.s32 $0x8480  }
0x5ac: {  	[tilespmem:s29], [sflag:$0x4] =	stream.indirect_vreg.gather [hbm4b:s16+s3], $0x80, v18, vm0, $0xb8;
	[tilespmem:$0x1C0C0] =	vst v63  }
0x5ad: {  	v61 =	vperm.xlane v17, v14;
	s5 =	simm.s32 $0x8500;
	v18 =	vadd.s32 v3, v60  }
0x5ae: {  	[tilespmem:s5], [sflag:$0x4] =	stream.indirect_vreg.gather [hbm4b:s16+s3], $0x80, v19, vm0, $0xb8;
	[tilespmem:$0x1C0C0] =	vst v63  }
0x5af: {  	v62 =	vperm.xlane v17, v15;
	s8 =	simm.s32 $0x8580;
	v19 =	vadd.s32 v3, v61  }
0x5b0: {  	[tilespmem:s8], [sflag:$0x4] =	stream.indirect_vreg.gather [hbm4b:s16+s3], $0x80, v59, vm0, $0xb8;
	[tilespmem:$0x1C0C0] =	vst v63  }
0x5b1: {  	v17 =	vperm.xlane v17, v16;
	v63 =	vadd.s32 v3, v62;
	s11 =	simm.s32 $0x8600  }
0x5b2: {  	[tilespmem:s11], [sflag:$0x4] =	stream.indirect_vreg.gather [hbm4b:s16+s3], $0x80, v18, vm0, $0xb8;
	[tilespmem:$0x1C0C0] =	vst v63  }
0x5b3: {  	v17 =	vadd.s32 v3, v17;
	s12 =	simm.s32 $0x8680  }
0x5b4: {  	[tilespmem:s12], [sflag:$0x4] =	stream.indirect_vreg.gather [hbm4b:s16+s3], $0x80, v19, vm0, $0xb8;
	[tilespmem:$0x1C0C0] =	vst v63  }
0x5b5: {  	s17 =	simm.s32 $0x8700  }
0x5b6: {  	[tilespmem:s17], [sflag:$0x4] =	stream.indirect_vreg.gather [hbm4b:s16+s3], $0x80, v63, vm0, $0xb8;
	[tilespmem:$0x1C0C0] =	vst v63  }
0x5b7: {  	s23 =	simm.s32 $0x8780;
	s29 =	simm.s32 $0x16  }
0x5b8: {  	[tilespmem:s23], [sflag:$0x4] =	stream.indirect_vreg.gather [hbm4b:s16+s3], $0x80, v17, vm0, $0xb8;
	[tilespmem:$0x1C0C0] =	vst v63  }
0x5b9: {  	_ =	swait.ge [sflag:s29], $0x80  }
0x5ba: {  	[sflag:s29] =	ssyncset.done $0x0  }
0x5bb: {  	[sflag:s29] =	ssyncadd.s32 $0xFFFFFF80  }
0x5bc: {  	_ =	swait.ge [sflag:s7], $0x2000  }
0x5bd: {  	[sflag:s7] =	ssyncset.done $0x0  }
.Ltmp2:
0x5be: {  	[sflag:s7] =	ssyncadd.s32 $0xFFFFE000;
	(pc) =	sbr.rel @p0 .LBB2_4-.Ltmp2, $4  }
0x5bf: {  	_ =	swait.ge [sflag:s13], $0x2000  }
0x5c0: {  	s30 =	simm.s32 $0x680;
	[sflag:s13] =	ssyncset.done $0x0  }
0x5c1: {  	s6 =	simm.s32 $0x40;
	s8 =	simm.s32 $0x2800;
	[sflag:s13] =	ssyncadd.s32 $0xFFFFE000  }
0x5c2: {  	[spmem:s1] =	stream.indirect.scatter.add.f32 [tilespmem:s19], [sflag:$0x6], $0x80, s31, s6, $0xb8;
	[tilespmem:$0x1C0C0] =	vst v63  }
0x5c3: {  	s12 =	sadd.s32 s15, s26  }
0x5c4: {  	s4 =	rddreg [dreg:$0x16];
	s26 =	sshrl.u32 s12, $0x3  }
0x5c5: {  	s23 =	sadd.s32 s0, s21;
	s12 =	sadd.s32 s26, s4;
	s4 =	simm.s32 $0x580  }
0x5c6: {  	[tilespmem:s4], [sflag:$0x14] =	stream.linear.gather [hbm4b:s12+s3], $0x80, $0x38;
	[tilespmem:$0x1C0C0] =	vst v63  }
0x5c7: {  	s29 =	simm.s32 $0x280;
	s7 =	simm.s32 $0x9;
	s5 =	sadd.s32 $0xD0, s23  }
0x5c8: {  	[tilespmem:s29], [sflag:$0xE] =	stream.linear.gather [hbm4b:s5+s3], $0x80, $0x38;
	[tilespmem:$0x1C0C0] =	vst v63  }
0x5c9: {  	_ =	swait.ge [sflag:s7], $0x80  }
0x5ca: {  	[sflag:s7] =	ssyncset.done $0x0  }
0x5cb: {  	[sflag:s7] =	ssyncadd.s32 $0xFFFFFF80  }
0x5cc: {  	v17 =	vld [tilespmem:$0x0];
	_ =	sdelay $0x4  }
0x5cd: {  	v18 =	vshll.u32 v17, $0x1  }
0x5ce: {  	v17 =	vand.u32 $0x7, v17;
	v18 =	vand.u32 $0xFFFFFFF0, v18  }
0x5cf: {  	v17 =	vor.u32 v17, v18  }
0x5d0: {  	v18 =	vperm.xlane v17, v2;
	_ =	sdelay $0x1  }
0x5d1: {  	v19 =	vperm.xlane v17, v1;
	v18 =	vadd.s32 v3, v18;
	_ =	sdelay $0x1  }
0x5d2: {  	v20 =	vperm.xlane v17, v4;
	v19 =	vadd.s32 v3, v19;
	_ =	sdelay $0x1  }
0x5d3: {  	v21 =	vperm.xlane v17, v5;
	v20 =	vadd.s32 v3, v20  }
0x5d4: {  	[tilespmem:s14], [sflag:$0x1] =	stream.indirect_vreg.gather [hbm4b:s16+s3], $0x80, v18, vm0, $0xb8;
	[tilespmem:$0x1C0C0] =	vst v63  }
0x5d5: {  	s11 =	simm.s32 $0x880;
	v62 =	vperm.xlane v17, v6;
	v18 =	vadd.s32 v3, v21  }
0x5d6: {  	[tilespmem:s11], [sflag:$0x1] =	stream.indirect_vreg.gather [hbm4b:s16+s3], $0x80, v19, vm0, $0xb8;
	[tilespmem:$0x1C0C0] =	vst v63  }
0x5d7: {  	s12 =	simm.s32 $0x900;
	v63 =	vperm.xlane v17, v7;
	v19 =	vadd.s32 v3, v62  }
0x5d8: {  	[tilespmem:s12], [sflag:$0x1] =	stream.indirect_vreg.gather [hbm4b:s16+s3], $0x80, v20, vm0, $0xb8;
	[tilespmem:$0x1C0C0] =	vst v63  }
0x5d9: {  	s15 =	simm.s32 $0x980;
	v25 =	vperm.xlane v17, v8;
	v24 =	vadd.s32 v3, v63  }
0x5da: {  	[tilespmem:s15], [sflag:$0x1] =	stream.indirect_vreg.gather [hbm4b:s16+s3], $0x80, v18, vm0, $0xb8;
	[tilespmem:$0x1C0C0] =	vst v63  }
0x5db: {  	s17 =	simm.s32 $0xA00;
	v26 =	vperm.xlane v17, v0;
	v18 =	vadd.s32 v3, v25  }
0x5dc: {  	[tilespmem:s17], [sflag:$0x1] =	stream.indirect_vreg.gather [hbm4b:s16+s3], $0x80, v19, vm0, $0xb8;
	[tilespmem:$0x1C0C0] =	vst v63  }
0x5dd: {  	s19 =	simm.s32 $0xA80;
	v27 =	vperm.xlane v17, v9;
	v19 =	vadd.s32 v3, v26  }
0x5de: {  	[tilespmem:s19], [sflag:$0x1] =	stream.indirect_vreg.gather [hbm4b:s16+s3], $0x80, v24, vm0, $0xb8;
	[tilespmem:$0x1C0C0] =	vst v63  }
0x5df: {  	s5 =	simm.s32 $0xB00;
	v29 =	vperm.xlane v17, v10;
	v28 =	vadd.s32 v3, v27  }
0x5e0: {  	[tilespmem:s5], [sflag:$0x1] =	stream.indirect_vreg.gather [hbm4b:s16+s3], $0x80, v18, vm0, $0xb8;
	[tilespmem:$0x1C0C0] =	vst v63  }
0x5e1: {  	s7 =	simm.s32 $0xB80;
	v30 =	vperm.xlane v17, v11;
	v18 =	vadd.s32 v3, v29  }
0x5e2: {  	[tilespmem:s7], [sflag:$0x1] =	stream.indirect_vreg.gather [hbm4b:s16+s3], $0x80, v19, vm0, $0xb8;
	[tilespmem:$0x1C0C0] =	vst v63  }
0x5e3: {  	v31 =	vperm.xlane v17, v12;
	s11 =	simm.s32 $0xC00;
	v19 =	vadd.s32 v3, v30  }
0x5e4: {  	[tilespmem:s11], [sflag:$0x1] =	stream.indirect_vreg.gather [hbm4b:s16+s3], $0x80, v28, vm0, $0xb8;
	[tilespmem:$0x1C0C0] =	vst v63  }
0x5e5: {  	v33 =	vperm.xlane v17, v13;
	v32 =	vadd.s32 v3, v31;
	s12 =	simm.s32 $0xC80  }
0x5e6: {  	[tilespmem:s12], [sflag:$0x1] =	stream.indirect_vreg.gather [hbm4b:s16+s3], $0x80, v18, vm0, $0xb8;
	[tilespmem:$0x1C0C0] =	vst v63  }
0x5e7: {  	v34 =	vperm.xlane v17, v14;
	s15 =	simm.s32 $0xD00;
	v18 =	vadd.s32 v3, v33  }
0x5e8: {  	[tilespmem:s15], [sflag:$0x1] =	stream.indirect_vreg.gather [hbm4b:s16+s3], $0x80, v19, vm0, $0xb8;
	[tilespmem:$0x1C0C0] =	vst v63  }
0x5e9: {  	v35 =	vperm.xlane v17, v15;
	s17 =	simm.s32 $0xD80;
	v19 =	vadd.s32 v3, v34  }
0x5ea: {  	[tilespmem:s17], [sflag:$0x1] =	stream.indirect_vreg.gather [hbm4b:s16+s3], $0x80, v32, vm0, $0xb8;
	[tilespmem:$0x1C0C0] =	vst v63  }
0x5eb: {  	v17 =	vperm.xlane v17, v16;
	v36 =	vadd.s32 v3, v35;
	s19 =	simm.s32 $0xE00  }
0x5ec: {  	[tilespmem:s19], [sflag:$0x1] =	stream.indirect_vreg.gather [hbm4b:s16+s3], $0x80, v18, vm0, $0xb8;
	[tilespmem:$0x1C0C0] =	vst v63  }
0x5ed: {  	v17 =	vadd.s32 v3, v17;
	s5 =	simm.s32 $0xE80  }
0x5ee: {  	[tilespmem:s5], [sflag:$0x1] =	stream.indirect_vreg.gather [hbm4b:s16+s3], $0x80, v19, vm0, $0xb8;
	[tilespmem:$0x1C0C0] =	vst v63  }
0x5ef: {  	s7 =	simm.s32 $0xF00  }
0x5f0: {  	[tilespmem:s7], [sflag:$0x1] =	stream.indirect_vreg.gather [hbm4b:s16+s3], $0x80, v36, vm0, $0xb8;
	[tilespmem:$0x1C0C0] =	vst v63  }
0x5f1: {  	s11 =	simm.s32 $0xF80  }
0x5f2: {  	[tilespmem:s11], [sflag:$0x1] =	stream.indirect_vreg.gather [hbm4b:s16+s3], $0x80, v17, vm0, $0xb8;
	[tilespmem:$0x1C0C0] =	vst v63  }
0x5f3: {  	v17 =	vld [tilespmem:$0x10];
	_ =	sdelay $0x4  }
0x5f4: {  	v18 =	vshll.u32 v17, $0x1  }
0x5f5: {  	v17 =	vand.u32 $0x7, v17;
	v18 =	vand.u32 $0xFFFFFFF0, v18  }
0x5f6: {  	v17 =	vor.u32 v17, v18  }
0x5f7: {  	v18 =	vperm.xlane v17, v2;
	_ =	sdelay $0x1  }
0x5f8: {  	v19 =	vperm.xlane v17, v1;
	v18 =	vadd.s32 v3, v18;
	_ =	sdelay $0x1  }
0x5f9: {  	v37 =	vperm.xlane v17, v4;
	v19 =	vadd.s32 v3, v19;
	_ =	sdelay $0x1  }
0x5fa: {  	s12 =	simm.s32 $0x1000;
	v38 =	vperm.xlane v17, v5;
	v20 =	vadd.s32 v3, v37  }
0x5fb: {  	[tilespmem:s12], [sflag:$0x1] =	stream.indirect_vreg.gather [hbm4b:s16+s3], $0x80, v18, vm0, $0xb8;
	[tilespmem:$0x1C0C0] =	vst v63  }
0x5fc: {  	s15 =	simm.s32 $0x1080;
	v39 =	vperm.xlane v17, v6;
	v18 =	vadd.s32 v3, v38  }
0x5fd: {  	[tilespmem:s15], [sflag:$0x1] =	stream.indirect_vreg.gather [hbm4b:s16+s3], $0x80, v19, vm0, $0xb8;
	[tilespmem:$0x1C0C0] =	vst v63  }
0x5fe: {  	s17 =	simm.s32 $0x1100;
	v40 =	vperm.xlane v17, v7;
	v19 =	vadd.s32 v3, v39  }
0x5ff: {  	[tilespmem:s17], [sflag:$0x1] =	stream.indirect_vreg.gather [hbm4b:s16+s3], $0x80, v20, vm0, $0xb8;
	[tilespmem:$0x1C0C0] =	vst v63  }
0x600: {  	s19 =	simm.s32 $0x1180;
	v42 =	vperm.xlane v17, v8;
	v41 =	vadd.s32 v3, v40  }
0x601: {  	[tilespmem:s19], [sflag:$0x1] =	stream.indirect_vreg.gather [hbm4b:s16+s3], $0x80, v18, vm0, $0xb8;
	[tilespmem:$0x1C0C0] =	vst v63  }
0x602: {  	s5 =	simm.s32 $0x1200;
	v43 =	vperm.xlane v17, v0;
	v18 =	vadd.s32 v3, v42  }
0x603: {  	[tilespmem:s5], [sflag:$0x1] =	stream.indirect_vreg.gather [hbm4b:s16+s3], $0x80, v19, vm0, $0xb8;
	[tilespmem:$0x1C0C0] =	vst v63  }
0x604: {  	s7 =	simm.s32 $0x1280;
	v44 =	vperm.xlane v17, v9;
	v19 =	vadd.s32 v3, v43  }
0x605: {  	[tilespmem:s7], [sflag:$0x1] =	stream.indirect_vreg.gather [hbm4b:s16+s3], $0x80, v41, vm0, $0xb8;
	[tilespmem:$0x1C0C0] =	vst v63  }
0x606: {  	s11 =	simm.s32 $0x1300;
	v46 =	vperm.xlane v17, v10;
	v45 =	vadd.s32 v3, v44  }
0x607: {  	[tilespmem:s11], [sflag:$0x1] =	stream.indirect_vreg.gather [hbm4b:s16+s3], $0x80, v18, vm0, $0xb8;
	[tilespmem:$0x1C0C0] =	vst v63  }
0x608: {  	v47 =	vperm.xlane v17, v11;
	s12 =	simm.s32 $0x1380;
	v18 =	vadd.s32 v3, v46  }
0x609: {  	[tilespmem:s12], [sflag:$0x1] =	stream.indirect_vreg.gather [hbm4b:s16+s3], $0x80, v19, vm0, $0xb8;
	[tilespmem:$0x1C0C0] =	vst v63  }
0x60a: {  	v48 =	vperm.xlane v17, v12;
	s15 =	simm.s32 $0x1400;
	v19 =	vadd.s32 v3, v47  }
0x60b: {  	[tilespmem:s15], [sflag:$0x1] =	stream.indirect_vreg.gather [hbm4b:s16+s3], $0x80, v45, vm0, $0xb8;
	[tilespmem:$0x1C0C0] =	vst v63  }
0x60c: {  	v50 =	vperm.xlane v17, v13;
	v49 =	vadd.s32 v3, v48;
	s17 =	simm.s32 $0x1480  }
0x60d: {  	[tilespmem:s17], [sflag:$0x1] =	stream.indirect_vreg.gather [hbm4b:s16+s3], $0x80, v18, vm0, $0xb8;
	[tilespmem:$0x1C0C0] =	vst v63  }
0x60e: {  	v51 =	vperm.xlane v17, v14;
	s19 =	simm.s32 $0x1500;
	v18 =	vadd.s32 v3, v50  }
0x60f: {  	[tilespmem:s19], [sflag:$0x1] =	stream.indirect_vreg.gather [hbm4b:s16+s3], $0x80, v19, vm0, $0xb8;
	[tilespmem:$0x1C0C0] =	vst v63  }
0x610: {  	v52 =	vperm.xlane v17, v15;
	s5 =	simm.s32 $0x1580;
	v19 =	vadd.s32 v3, v51  }
0x611: {  	[tilespmem:s5], [sflag:$0x1] =	stream.indirect_vreg.gather [hbm4b:s16+s3], $0x80, v49, vm0, $0xb8;
	[tilespmem:$0x1C0C0] =	vst v63  }
0x612: {  	v17 =	vperm.xlane v17, v16;
	v53 =	vadd.s32 v3, v52;
	s7 =	simm.s32 $0x1600  }
0x613: {  	[tilespmem:s7], [sflag:$0x1] =	stream.indirect_vreg.gather [hbm4b:s16+s3], $0x80, v18, vm0, $0xb8;
	[tilespmem:$0x1C0C0] =	vst v63  }
0x614: {  	v17 =	vadd.s32 v3, v17;
	s11 =	simm.s32 $0x1680  }
0x615: {  	[tilespmem:s11], [sflag:$0x1] =	stream.indirect_vreg.gather [hbm4b:s16+s3], $0x80, v19, vm0, $0xb8;
	[tilespmem:$0x1C0C0] =	vst v63  }
0x616: {  	s12 =	simm.s32 $0x1700  }
0x617: {  	[tilespmem:s12], [sflag:$0x1] =	stream.indirect_vreg.gather [hbm4b:s16+s3], $0x80, v53, vm0, $0xb8;
	[tilespmem:$0x1C0C0] =	vst v63  }
0x618: {  	s15 =	simm.s32 $0x1780  }
0x619: {  	[tilespmem:s15], [sflag:$0x1] =	stream.indirect_vreg.gather [hbm4b:s16+s3], $0x80, v17, vm0, $0xb8;
	[tilespmem:$0x1C0C0] =	vst v63  }
0x61a: {  	v17 =	vld [tilespmem:$0x20];
	_ =	sdelay $0x4  }
0x61b: {  	v18 =	vshll.u32 v17, $0x1  }
0x61c: {  	v17 =	vand.u32 $0x7, v17;
	v18 =	vand.u32 $0xFFFFFFF0, v18  }
0x61d: {  	v17 =	vor.u32 v17, v18  }
0x61e: {  	v18 =	vperm.xlane v17, v2;
	_ =	sdelay $0x1  }
0x61f: {  	v19 =	vperm.xlane v17, v1;
	v18 =	vadd.s32 v3, v18;
	_ =	sdelay $0x1  }
0x620: {  	v54 =	vperm.xlane v17, v4;
	v19 =	vadd.s32 v3, v19;
	_ =	sdelay $0x1  }
0x621: {  	s17 =	simm.s32 $0x1800;
	v55 =	vperm.xlane v17, v5;
	v20 =	vadd.s32 v3, v54  }
0x622: {  	[tilespmem:s17], [sflag:$0x1] =	stream.indirect_vreg.gather [hbm4b:s16+s3], $0x80, v18, vm0, $0xb8;
	[tilespmem:$0x1C0C0] =	vst v63  }
0x623: {  	s19 =	simm.s32 $0x1880;
	v56 =	vperm.xlane v17, v6;
	v18 =	vadd.s32 v3, v55  }
0x624: {  	[tilespmem:s19], [sflag:$0x1] =	stream.indirect_vreg.gather [hbm4b:s16+s3], $0x80, v19, vm0, $0xb8;
	[tilespmem:$0x1C0C0] =	vst v63  }
0x625: {  	s5 =	simm.s32 $0x1900;
	v57 =	vperm.xlane v17, v7;
	v19 =	vadd.s32 v3, v56  }
0x626: {  	[tilespmem:s5], [sflag:$0x1] =	stream.indirect_vreg.gather [hbm4b:s16+s3], $0x80, v20, vm0, $0xb8;
	[tilespmem:$0x1C0C0] =	vst v63  }
0x627: {  	s7 =	simm.s32 $0x1980;
	v59 =	vperm.xlane v17, v8;
	v58 =	vadd.s32 v3, v57  }
0x628: {  	[tilespmem:s7], [sflag:$0x1] =	stream.indirect_vreg.gather [hbm4b:s16+s3], $0x80, v18, vm0, $0xb8;
	[tilespmem:$0x1C0C0] =	vst v63  }
0x629: {  	s11 =	simm.s32 $0x1A00;
	v60 =	vperm.xlane v17, v0;
	v18 =	vadd.s32 v3, v59  }
0x62a: {  	[tilespmem:s11], [sflag:$0x1] =	stream.indirect_vreg.gather [hbm4b:s16+s3], $0x80, v19, vm0, $0xb8;
	[tilespmem:$0x1C0C0] =	vst v63  }
0x62b: {  	s12 =	simm.s32 $0x1A80;
	v61 =	vperm.xlane v17, v9;
	v19 =	vadd.s32 v3, v60  }
0x62c: {  	[tilespmem:s12], [sflag:$0x1] =	stream.indirect_vreg.gather [hbm4b:s16+s3], $0x80, v58, vm0, $0xb8;
	[tilespmem:$0x1C0C0] =	vst v63  }
0x62d: {  	s15 =	simm.s32 $0x1B00;
	v63 =	vperm.xlane v17, v10;
	v62 =	vadd.s32 v3, v61  }
0x62e: {  	[tilespmem:s15], [sflag:$0x1] =	stream.indirect_vreg.gather [hbm4b:s16+s3], $0x80, v18, vm0, $0xb8;
	[tilespmem:$0x1C0C0] =	vst v63  }
0x62f: {  	v24 =	vperm.xlane v17, v11;
	s17 =	simm.s32 $0x1B80;
	v18 =	vadd.s32 v3, v63  }
0x630: {  	[tilespmem:s17], [sflag:$0x1] =	stream.indirect_vreg.gather [hbm4b:s16+s3], $0x80, v19, vm0, $0xb8;
	[tilespmem:$0x1C0C0] =	vst v63  }
0x631: {  	v25 =	vperm.xlane v17, v12;
	s19 =	simm.s32 $0x1C00;
	v19 =	vadd.s32 v3, v24  }
0x632: {  	[tilespmem:s19], [sflag:$0x1] =	stream.indirect_vreg.gather [hbm4b:s16+s3], $0x80, v62, vm0, $0xb8;
	[tilespmem:$0x1C0C0] =	vst v63  }
0x633: {  	v27 =	vperm.xlane v17, v13;
	v26 =	vadd.s32 v3, v25;
	s5 =	simm.s32 $0x1C80  }
0x634: {  	[tilespmem:s5], [sflag:$0x1] =	stream.indirect_vreg.gather [hbm4b:s16+s3], $0x80, v18, vm0, $0xb8;
	[tilespmem:$0x1C0C0] =	vst v63  }
0x635: {  	v28 =	vperm.xlane v17, v14;
	s7 =	simm.s32 $0x1D00;
	v18 =	vadd.s32 v3, v27  }
0x636: {  	[tilespmem:s7], [sflag:$0x1] =	stream.indirect_vreg.gather [hbm4b:s16+s3], $0x80, v19, vm0, $0xb8;
	[tilespmem:$0x1C0C0] =	vst v63  }
0x637: {  	v29 =	vperm.xlane v17, v15;
	s11 =	simm.s32 $0x1D80;
	v19 =	vadd.s32 v3, v28  }
0x638: {  	[tilespmem:s11], [sflag:$0x1] =	stream.indirect_vreg.gather [hbm4b:s16+s3], $0x80, v26, vm0, $0xb8;
	[tilespmem:$0x1C0C0] =	vst v63  }
0x639: {  	v17 =	vperm.xlane v17, v16;
	v30 =	vadd.s32 v3, v29;
	s12 =	simm.s32 $0x1E00  }
0x63a: {  	[tilespmem:s12], [sflag:$0x1] =	stream.indirect_vreg.gather [hbm4b:s16+s3], $0x80, v18, vm0, $0xb8;
	[tilespmem:$0x1C0C0] =	vst v63  }
0x63b: {  	v17 =	vadd.s32 v3, v17;
	s15 =	simm.s32 $0x1E80  }
0x63c: {  	[tilespmem:s15], [sflag:$0x1] =	stream.indirect_vreg.gather [hbm4b:s16+s3], $0x80, v19, vm0, $0xb8;
	[tilespmem:$0x1C0C0] =	vst v63  }
0x63d: {  	s17 =	simm.s32 $0x1F00  }
0x63e: {  	[tilespmem:s17], [sflag:$0x1] =	stream.indirect_vreg.gather [hbm4b:s16+s3], $0x80, v30, vm0, $0xb8;
	[tilespmem:$0x1C0C0] =	vst v63  }
0x63f: {  	s19 =	simm.s32 $0x1F80  }
0x640: {  	[tilespmem:s19], [sflag:$0x1] =	stream.indirect_vreg.gather [hbm4b:s16+s3], $0x80, v17, vm0, $0xb8;
	[tilespmem:$0x1C0C0] =	vst v63  }
0x641: {  	v17 =	vld [tilespmem:$0x30];
	_ =	sdelay $0x4  }
0x642: {  	v18 =	vshll.u32 v17, $0x1  }
0x643: {  	v17 =	vand.u32 $0x7, v17;
	v18 =	vand.u32 $0xFFFFFFF0, v18  }
0x644: {  	v17 =	vor.u32 v17, v18  }
0x645: {  	v18 =	vperm.xlane v17, v2;
	_ =	sdelay $0x1  }
0x646: {  	v19 =	vperm.xlane v17, v1;
	v18 =	vadd.s32 v3, v18;
	_ =	sdelay $0x1  }
0x647: {  	v31 =	vperm.xlane v17, v4;
	v19 =	vadd.s32 v3, v19;
	_ =	sdelay $0x1  }
0x648: {  	s5 =	simm.s32 $0x2000;
	v32 =	vperm.xlane v17, v5;
	v20 =	vadd.s32 v3, v31  }
0x649: {  	[tilespmem:s5], [sflag:$0x1] =	stream.indirect_vreg.gather [hbm4b:s16+s3], $0x80, v18, vm0, $0xb8;
	[tilespmem:$0x1C0C0] =	vst v63  }
0x64a: {  	s7 =	simm.s32 $0x2080;
	v33 =	vperm.xlane v17, v6;
	v18 =	vadd.s32 v3, v32  }
0x64b: {  	[tilespmem:s7], [sflag:$0x1] =	stream.indirect_vreg.gather [hbm4b:s16+s3], $0x80, v19, vm0, $0xb8;
	[tilespmem:$0x1C0C0] =	vst v63  }
0x64c: {  	s11 =	simm.s32 $0x2100;
	v34 =	vperm.xlane v17, v7;
	v19 =	vadd.s32 v3, v33  }
0x64d: {  	[tilespmem:s11], [sflag:$0x1] =	stream.indirect_vreg.gather [hbm4b:s16+s3], $0x80, v20, vm0, $0xb8;
	[tilespmem:$0x1C0C0] =	vst v63  }
0x64e: {  	s12 =	simm.s32 $0x2180;
	v36 =	vperm.xlane v17, v8;
	v35 =	vadd.s32 v3, v34  }
0x64f: {  	[tilespmem:s12], [sflag:$0x1] =	stream.indirect_vreg.gather [hbm4b:s16+s3], $0x80, v18, vm0, $0xb8;
	[tilespmem:$0x1C0C0] =	vst v63  }
0x650: {  	s15 =	simm.s32 $0x2200;
	v37 =	vperm.xlane v17, v0;
	v18 =	vadd.s32 v3, v36  }
0x651: {  	[tilespmem:s15], [sflag:$0x1] =	stream.indirect_vreg.gather [hbm4b:s16+s3], $0x80, v19, vm0, $0xb8;
	[tilespmem:$0x1C0C0] =	vst v63  }
0x652: {  	s17 =	simm.s32 $0x2280;
	v38 =	vperm.xlane v17, v9;
	v19 =	vadd.s32 v3, v37  }
0x653: {  	[tilespmem:s17], [sflag:$0x1] =	stream.indirect_vreg.gather [hbm4b:s16+s3], $0x80, v35, vm0, $0xb8;
	[tilespmem:$0x1C0C0] =	vst v63  }
0x654: {  	s19 =	simm.s32 $0x2300;
	v40 =	vperm.xlane v17, v10;
	v39 =	vadd.s32 v3, v38  }
0x655: {  	[tilespmem:s19], [sflag:$0x1] =	stream.indirect_vreg.gather [hbm4b:s16+s3], $0x80, v18, vm0, $0xb8;
	[tilespmem:$0x1C0C0] =	vst v63  }
0x656: {  	v41 =	vperm.xlane v17, v11;
	s5 =	simm.s32 $0x2380;
	v18 =	vadd.s32 v3, v40  }
0x657: {  	[tilespmem:s5], [sflag:$0x1] =	stream.indirect_vreg.gather [hbm4b:s16+s3], $0x80, v19, vm0, $0xb8;
	[tilespmem:$0x1C0C0] =	vst v63  }
0x658: {  	v42 =	vperm.xlane v17, v12;
	s7 =	simm.s32 $0x2400;
	v19 =	vadd.s32 v3, v41  }
0x659: {  	[tilespmem:s7], [sflag:$0x1] =	stream.indirect_vreg.gather [hbm4b:s16+s3], $0x80, v39, vm0, $0xb8;
	[tilespmem:$0x1C0C0] =	vst v63  }
0x65a: {  	v44 =	vperm.xlane v17, v13;
	v43 =	vadd.s32 v3, v42;
	s11 =	simm.s32 $0x2480  }
0x65b: {  	[tilespmem:s11], [sflag:$0x1] =	stream.indirect_vreg.gather [hbm4b:s16+s3], $0x80, v18, vm0, $0xb8;
	[tilespmem:$0x1C0C0] =	vst v63  }
0x65c: {  	v45 =	vperm.xlane v17, v14;
	s12 =	simm.s32 $0x2500;
	v18 =	vadd.s32 v3, v44  }
0x65d: {  	[tilespmem:s12], [sflag:$0x1] =	stream.indirect_vreg.gather [hbm4b:s16+s3], $0x80, v19, vm0, $0xb8;
	[tilespmem:$0x1C0C0] =	vst v63  }
0x65e: {  	v46 =	vperm.xlane v17, v15;
	s15 =	simm.s32 $0x2580;
	v19 =	vadd.s32 v3, v45  }
0x65f: {  	[tilespmem:s15], [sflag:$0x1] =	stream.indirect_vreg.gather [hbm4b:s16+s3], $0x80, v43, vm0, $0xb8;
	[tilespmem:$0x1C0C0] =	vst v63  }
0x660: {  	v17 =	vperm.xlane v17, v16;
	v47 =	vadd.s32 v3, v46;
	s17 =	simm.s32 $0x2600  }
0x661: {  	[tilespmem:s17], [sflag:$0x1] =	stream.indirect_vreg.gather [hbm4b:s16+s3], $0x80, v18, vm0, $0xb8;
	[tilespmem:$0x1C0C0] =	vst v63  }
0x662: {  	v17 =	vadd.s32 v3, v17;
	s19 =	simm.s32 $0x2680  }
0x663: {  	[tilespmem:s19], [sflag:$0x1] =	stream.indirect_vreg.gather [hbm4b:s16+s3], $0x80, v19, vm0, $0xb8;
	[tilespmem:$0x1C0C0] =	vst v63  }
0x664: {  	s5 =	simm.s32 $0x2700  }
0x665: {  	[tilespmem:s5], [sflag:$0x1] =	stream.indirect_vreg.gather [hbm4b:s16+s3], $0x80, v47, vm0, $0xb8;
	[tilespmem:$0x1C0C0] =	vst v63  }
0x666: {  	s7 =	simm.s32 $0x2780;
	s11 =	simm.s32 $0x17  }
0x667: {  	[tilespmem:s7], [sflag:$0x1] =	stream.indirect_vreg.gather [hbm4b:s16+s3], $0x80, v17, vm0, $0xb8;
	[tilespmem:$0x1C0C0] =	vst v63  }
0x668: {  	_ =	swait.ge [sflag:s11], $0x80  }
0x669: {  	[sflag:s11] =	ssyncset.done $0x0  }
0x66a: {  	s12 =	simm.s32 $0x3;
	[sflag:s11] =	ssyncadd.s32 $0xFFFFFF80  }
0x66b: {  	_ =	swait.ge [sflag:s12], $0x2000  }
0x66c: {  	[sflag:s12] =	ssyncset.done $0x0  }
0x66d: {  	s15 =	simm.s32 $0x6;
	[sflag:s12] =	ssyncadd.s32 $0xFFFFE000  }
0x66e: {  	_ =	swait.ge [sflag:s15], $0x2000  }
0x66f: {  	[sflag:s15] =	ssyncset.done $0x0  }
0x670: {  	s17 =	simm.s32 $0x700;
	s19 =	rddreg [dreg:$0x17];
	[sflag:s15] =	ssyncadd.s32 $0xFFFFE000  }
0x671: {  	[spmem:s1] =	stream.indirect.scatter.add.f32 [tilespmem:s9], [sflag:$0x7], $0x80, s17, s6, $0xb8;
	[tilespmem:$0x1C0C0] =	vst v63  }
0x672: {  	s12 =	sadd.s32 s26, s19;
	s26 =	simm.s32 $0x600  }
0x673: {  	[tilespmem:s26], [sflag:$0x15] =	stream.linear.gather [hbm4b:s12+s3], $0x80, $0x38;
	[tilespmem:$0x1C0C0] =	vst v63  }
0x674: {  	s5 =	sadd.s32 $0xE0, s23;
	s7 =	simm.s32 $0x300;
	s11 =	simm.s32 $0xA  }
0x675: {  	[tilespmem:s7], [sflag:$0xF] =	stream.linear.gather [hbm4b:s5+s3], $0x80, $0x38;
	[tilespmem:$0x1C0C0] =	vst v63  }
0x676: {  	_ =	swait.ge [sflag:s11], $0x80  }
0x677: {  	[sflag:s11] =	ssyncset.done $0x0  }
0x678: {  	[sflag:s11] =	ssyncadd.s32 $0xFFFFFF80  }
0x679: {  	v17 =	vld [tilespmem:$0x80];
	_ =	sdelay $0x4  }
0x67a: {  	v18 =	vshll.u32 v17, $0x1  }
0x67b: {  	v17 =	vand.u32 $0x7, v17;
	v18 =	vand.u32 $0xFFFFFFF0, v18  }
0x67c: {  	v17 =	vor.u32 v17, v18  }
0x67d: {  	v18 =	vperm.xlane v17, v2;
	_ =	sdelay $0x1  }
0x67e: {  	v19 =	vperm.xlane v17, v1;
	v18 =	vadd.s32 v3, v18;
	_ =	sdelay $0x1  }
0x67f: {  	v48 =	vperm.xlane v17, v4;
	v19 =	vadd.s32 v3, v19;
	_ =	sdelay $0x1  }
0x680: {  	v49 =	vperm.xlane v17, v5;
	v20 =	vadd.s32 v3, v48  }
0x681: {  	[tilespmem:s8], [sflag:$0x2] =	stream.indirect_vreg.gather [hbm4b:s16+s3], $0x80, v18, vm0, $0xb8;
	[tilespmem:$0x1C0C0] =	vst v63  }
0x682: {  	s15 =	simm.s32 $0x2880;
	v50 =	vperm.xlane v17, v6;
	v18 =	vadd.s32 v3, v49  }
0x683: {  	[tilespmem:s15], [sflag:$0x2] =	stream.indirect_vreg.gather [hbm4b:s16+s3], $0x80, v19, vm0, $0xb8;
	[tilespmem:$0x1C0C0] =	vst v63  }
0x684: {  	s17 =	simm.s32 $0x2900;
	v51 =	vperm.xlane v17, v7;
	v19 =	vadd.s32 v3, v50  }
0x685: {  	[tilespmem:s17], [sflag:$0x2] =	stream.indirect_vreg.gather [hbm4b:s16+s3], $0x80, v20, vm0, $0xb8;
	[tilespmem:$0x1C0C0] =	vst v63  }
0x686: {  	s19 =	simm.s32 $0x2980;
	v53 =	vperm.xlane v17, v8;
	v52 =	vadd.s32 v3, v51  }
0x687: {  	[tilespmem:s19], [sflag:$0x2] =	stream.indirect_vreg.gather [hbm4b:s16+s3], $0x80, v18, vm0, $0xb8;
	[tilespmem:$0x1C0C0] =	vst v63  }
0x688: {  	s26 =	simm.s32 $0x2A00;
	v54 =	vperm.xlane v17, v0;
	v18 =	vadd.s32 v3, v53  }
0x689: {  	[tilespmem:s26], [sflag:$0x2] =	stream.indirect_vreg.gather [hbm4b:s16+s3], $0x80, v19, vm0, $0xb8;
	[tilespmem:$0x1C0C0] =	vst v63  }
0x68a: {  	s5 =	simm.s32 $0x2A80;
	v55 =	vperm.xlane v17, v9;
	v19 =	vadd.s32 v3, v54  }
0x68b: {  	[tilespmem:s5], [sflag:$0x2] =	stream.indirect_vreg.gather [hbm4b:s16+s3], $0x80, v52, vm0, $0xb8;
	[tilespmem:$0x1C0C0] =	vst v63  }
0x68c: {  	s7 =	simm.s32 $0x2B00;
	v57 =	vperm.xlane v17, v10;
	v56 =	vadd.s32 v3, v55  }
0x68d: {  	[tilespmem:s7], [sflag:$0x2] =	stream.indirect_vreg.gather [hbm4b:s16+s3], $0x80, v18, vm0, $0xb8;
	[tilespmem:$0x1C0C0] =	vst v63  }
0x68e: {  	v58 =	vperm.xlane v17, v11;
	s8 =	simm.s32 $0x2B80;
	v18 =	vadd.s32 v3, v57  }
0x68f: {  	[tilespmem:s8], [sflag:$0x2] =	stream.indirect_vreg.gather [hbm4b:s16+s3], $0x80, v19, vm0, $0xb8;
	[tilespmem:$0x1C0C0] =	vst v63  }
0x690: {  	s11 =	simm.s32 $0x2C00;
	v59 =	vperm.xlane v17, v12;
	v19 =	vadd.s32 v3, v58  }
0x691: {  	[tilespmem:s11], [sflag:$0x2] =	stream.indirect_vreg.gather [hbm4b:s16+s3], $0x80, v56, vm0, $0xb8;
	[tilespmem:$0x1C0C0] =	vst v63  }
0x692: {  	s12 =	simm.s32 $0x2C80;
	v61 =	vperm.xlane v17, v13;
	v60 =	vadd.s32 v3, v59  }
0x693: {  	[tilespmem:s12], [sflag:$0x2] =	stream.indirect_vreg.gather [hbm4b:s16+s3], $0x80, v18, vm0, $0xb8;
	[tilespmem:$0x1C0C0] =	vst v63  }
0x694: {  	v62 =	vperm.xlane v17, v14;
	s15 =	simm.s32 $0x2D00;
	v18 =	vadd.s32 v3, v61  }
0x695: {  	[tilespmem:s15], [sflag:$0x2] =	stream.indirect_vreg.gather [hbm4b:s16+s3], $0x80, v19, vm0, $0xb8;
	[tilespmem:$0x1C0C0] =	vst v63  }
0x696: {  	v63 =	vperm.xlane v17, v15;
	s17 =	simm.s32 $0x2D80;
	v19 =	vadd.s32 v3, v62  }
0x697: {  	[tilespmem:s17], [sflag:$0x2] =	stream.indirect_vreg.gather [hbm4b:s16+s3], $0x80, v60, vm0, $0xb8;
	[tilespmem:$0x1C0C0] =	vst v63  }
0x698: {  	v17 =	vperm.xlane v17, v16;
	v24 =	vadd.s32 v3, v63;
	s19 =	simm.s32 $0x2E00  }
0x699: {  	[tilespmem:s19], [sflag:$0x2] =	stream.indirect_vreg.gather [hbm4b:s16+s3], $0x80, v18, vm0, $0xb8;
	[tilespmem:$0x1C0C0] =	vst v63  }
0x69a: {  	v17 =	vadd.s32 v3, v17;
	s26 =	simm.s32 $0x2E80  }
0x69b: {  	[tilespmem:s26], [sflag:$0x2] =	stream.indirect_vreg.gather [hbm4b:s16+s3], $0x80, v19, vm0, $0xb8;
	[tilespmem:$0x1C0C0] =	vst v63  }
0x69c: {  	s5 =	simm.s32 $0x2F00  }
0x69d: {  	[tilespmem:s5], [sflag:$0x2] =	stream.indirect_vreg.gather [hbm4b:s16+s3], $0x80, v24, vm0, $0xb8;
	[tilespmem:$0x1C0C0] =	vst v63  }
0x69e: {  	s7 =	simm.s32 $0x2F80  }
0x69f: {  	[tilespmem:s7], [sflag:$0x2] =	stream.indirect_vreg.gather [hbm4b:s16+s3], $0x80, v17, vm0, $0xb8;
	[tilespmem:$0x1C0C0] =	vst v63  }
0x6a0: {  	v17 =	vld [tilespmem:$0x90];
	_ =	sdelay $0x4  }
0x6a1: {  	v18 =	vshll.u32 v17, $0x1  }
0x6a2: {  	v17 =	vand.u32 $0x7, v17;
	v18 =	vand.u32 $0xFFFFFFF0, v18  }
0x6a3: {  	v17 =	vor.u32 v17, v18  }
0x6a4: {  	v18 =	vperm.xlane v17, v2;
	_ =	sdelay $0x1  }
0x6a5: {  	v19 =	vperm.xlane v17, v1;
	v18 =	vadd.s32 v3, v18;
	_ =	sdelay $0x1  }
0x6a6: {  	v25 =	vperm.xlane v17, v4;
	v19 =	vadd.s32 v3, v19;
	_ =	sdelay $0x1  }
0x6a7: {  	s8 =	simm.s32 $0x3000;
	v26 =	vperm.xlane v17, v5;
	v20 =	vadd.s32 v3, v25  }
0x6a8: {  	[tilespmem:s8], [sflag:$0x2] =	stream.indirect_vreg.gather [hbm4b:s16+s3], $0x80, v18, vm0, $0xb8;
	[tilespmem:$0x1C0C0] =	vst v63  }
0x6a9: {  	s11 =	simm.s32 $0x3080;
	v27 =	vperm.xlane v17, v6;
	v18 =	vadd.s32 v3, v26  }
0x6aa: {  	[tilespmem:s11], [sflag:$0x2] =	stream.indirect_vreg.gather [hbm4b:s16+s3], $0x80, v19, vm0, $0xb8;
	[tilespmem:$0x1C0C0] =	vst v63  }
0x6ab: {  	s12 =	simm.s32 $0x3100;
	v28 =	vperm.xlane v17, v7;
	v19 =	vadd.s32 v3, v27  }
0x6ac: {  	[tilespmem:s12], [sflag:$0x2] =	stream.indirect_vreg.gather [hbm4b:s16+s3], $0x80, v20, vm0, $0xb8;
	[tilespmem:$0x1C0C0] =	vst v63  }
0x6ad: {  	s15 =	simm.s32 $0x3180;
	v30 =	vperm.xlane v17, v8;
	v29 =	vadd.s32 v3, v28  }
0x6ae: {  	[tilespmem:s15], [sflag:$0x2] =	stream.indirect_vreg.gather [hbm4b:s16+s3], $0x80, v18, vm0, $0xb8;
	[tilespmem:$0x1C0C0] =	vst v63  }
0x6af: {  	s17 =	simm.s32 $0x3200;
	v31 =	vperm.xlane v17, v0;
	v18 =	vadd.s32 v3, v30  }
0x6b0: {  	[tilespmem:s17], [sflag:$0x2] =	stream.indirect_vreg.gather [hbm4b:s16+s3], $0x80, v19, vm0, $0xb8;
	[tilespmem:$0x1C0C0] =	vst v63  }
0x6b1: {  	s19 =	simm.s32 $0x3280;
	v32 =	vperm.xlane v17, v9;
	v19 =	vadd.s32 v3, v31  }
0x6b2: {  	[tilespmem:s19], [sflag:$0x2] =	stream.indirect_vreg.gather [hbm4b:s16+s3], $0x80, v29, vm0, $0xb8;
	[tilespmem:$0x1C0C0] =	vst v63  }
0x6b3: {  	s26 =	simm.s32 $0x3300;
	v34 =	vperm.xlane v17, v10;
	v33 =	vadd.s32 v3, v32  }
0x6b4: {  	[tilespmem:s26], [sflag:$0x2] =	stream.indirect_vreg.gather [hbm4b:s16+s3], $0x80, v18, vm0, $0xb8;
	[tilespmem:$0x1C0C0] =	vst v63  }
0x6b5: {  	s5 =	simm.s32 $0x3380;
	v35 =	vperm.xlane v17, v11;
	v18 =	vadd.s32 v3, v34  }
0x6b6: {  	[tilespmem:s5], [sflag:$0x2] =	stream.indirect_vreg.gather [hbm4b:s16+s3], $0x80, v19, vm0, $0xb8;
	[tilespmem:$0x1C0C0] =	vst v63  }
0x6b7: {  	s7 =	simm.s32 $0x3400;
	v36 =	vperm.xlane v17, v12;
	v19 =	vadd.s32 v3, v35  }
0x6b8: {  	[tilespmem:s7], [sflag:$0x2] =	stream.indirect_vreg.gather [hbm4b:s16+s3], $0x80, v33, vm0, $0xb8;
	[tilespmem:$0x1C0C0] =	vst v63  }
0x6b9: {  	v38 =	vperm.xlane v17, v13;
	v37 =	vadd.s32 v3, v36;
	s8 =	simm.s32 $0x3480  }
0x6ba: {  	[tilespmem:s8], [sflag:$0x2] =	stream.indirect_vreg.gather [hbm4b:s16+s3], $0x80, v18, vm0, $0xb8;
	[tilespmem:$0x1C0C0] =	vst v63  }
0x6bb: {  	v39 =	vperm.xlane v17, v14;
	s11 =	simm.s32 $0x3500;
	v18 =	vadd.s32 v3, v38  }
0x6bc: {  	[tilespmem:s11], [sflag:$0x2] =	stream.indirect_vreg.gather [hbm4b:s16+s3], $0x80, v19, vm0, $0xb8;
	[tilespmem:$0x1C0C0] =	vst v63  }
0x6bd: {  	v40 =	vperm.xlane v17, v15;
	s12 =	simm.s32 $0x3580;
	v19 =	vadd.s32 v3, v39  }
0x6be: {  	[tilespmem:s12], [sflag:$0x2] =	stream.indirect_vreg.gather [hbm4b:s16+s3], $0x80, v37, vm0, $0xb8;
	[tilespmem:$0x1C0C0] =	vst v63  }
0x6bf: {  	v17 =	vperm.xlane v17, v16;
	v41 =	vadd.s32 v3, v40;
	s15 =	simm.s32 $0x3600  }
0x6c0: {  	[tilespmem:s15], [sflag:$0x2] =	stream.indirect_vreg.gather [hbm4b:s16+s3], $0x80, v18, vm0, $0xb8;
	[tilespmem:$0x1C0C0] =	vst v63  }
0x6c1: {  	v17 =	vadd.s32 v3, v17;
	s17 =	simm.s32 $0x3680  }
0x6c2: {  	[tilespmem:s17], [sflag:$0x2] =	stream.indirect_vreg.gather [hbm4b:s16+s3], $0x80, v19, vm0, $0xb8;
	[tilespmem:$0x1C0C0] =	vst v63  }
0x6c3: {  	s19 =	simm.s32 $0x3700  }
0x6c4: {  	[tilespmem:s19], [sflag:$0x2] =	stream.indirect_vreg.gather [hbm4b:s16+s3], $0x80, v41, vm0, $0xb8;
	[tilespmem:$0x1C0C0] =	vst v63  }
0x6c5: {  	s26 =	simm.s32 $0x3780  }
0x6c6: {  	[tilespmem:s26], [sflag:$0x2] =	stream.indirect_vreg.gather [hbm4b:s16+s3], $0x80, v17, vm0, $0xb8;
	[tilespmem:$0x1C0C0] =	vst v63  }
0x6c7: {  	v17 =	vld [tilespmem:$0xA0];
	_ =	sdelay $0x4  }
0x6c8: {  	v18 =	vshll.u32 v17, $0x1  }
0x6c9: {  	v17 =	vand.u32 $0x7, v17;
	v18 =	vand.u32 $0xFFFFFFF0, v18  }
0x6ca: {  	v17 =	vor.u32 v17, v18  }
0x6cb: {  	v18 =	vperm.xlane v17, v2;
	_ =	sdelay $0x1  }
0x6cc: {  	v19 =	vperm.xlane v17, v1;
	v18 =	vadd.s32 v3, v18;
	_ =	sdelay $0x1  }
0x6cd: {  	v42 =	vperm.xlane v17, v4;
	v19 =	vadd.s32 v3, v19;
	_ =	sdelay $0x1  }
0x6ce: {  	s5 =	simm.s32 $0x3800;
	v43 =	vperm.xlane v17, v5;
	v20 =	vadd.s32 v3, v42  }
0x6cf: {  	[tilespmem:s5], [sflag:$0x2] =	stream.indirect_vreg.gather [hbm4b:s16+s3], $0x80, v18, vm0, $0xb8;
	[tilespmem:$0x1C0C0] =	vst v63  }
0x6d0: {  	s7 =	simm.s32 $0x3880;
	v44 =	vperm.xlane v17, v6;
	v18 =	vadd.s32 v3, v43  }
0x6d1: {  	[tilespmem:s7], [sflag:$0x2] =	stream.indirect_vreg.gather [hbm4b:s16+s3], $0x80, v19, vm0, $0xb8;
	[tilespmem:$0x1C0C0] =	vst v63  }
0x6d2: {  	s8 =	simm.s32 $0x3900;
	v45 =	vperm.xlane v17, v7;
	v19 =	vadd.s32 v3, v44  }
0x6d3: {  	[tilespmem:s8], [sflag:$0x2] =	stream.indirect_vreg.gather [hbm4b:s16+s3], $0x80, v20, vm0, $0xb8;
	[tilespmem:$0x1C0C0] =	vst v63  }
0x6d4: {  	s11 =	simm.s32 $0x3980;
	v47 =	vperm.xlane v17, v8;
	v46 =	vadd.s32 v3, v45  }
0x6d5: {  	[tilespmem:s11], [sflag:$0x2] =	stream.indirect_vreg.gather [hbm4b:s16+s3], $0x80, v18, vm0, $0xb8;
	[tilespmem:$0x1C0C0] =	vst v63  }
0x6d6: {  	s12 =	simm.s32 $0x3A00;
	v48 =	vperm.xlane v17, v0;
	v18 =	vadd.s32 v3, v47  }
0x6d7: {  	[tilespmem:s12], [sflag:$0x2] =	stream.indirect_vreg.gather [hbm4b:s16+s3], $0x80, v19, vm0, $0xb8;
	[tilespmem:$0x1C0C0] =	vst v63  }
0x6d8: {  	s15 =	simm.s32 $0x3A80;
	v49 =	vperm.xlane v17, v9;
	v19 =	vadd.s32 v3, v48  }
0x6d9: {  	[tilespmem:s15], [sflag:$0x2] =	stream.indirect_vreg.gather [hbm4b:s16+s3], $0x80, v46, vm0, $0xb8;
	[tilespmem:$0x1C0C0] =	vst v63  }
0x6da: {  	s17 =	simm.s32 $0x3B00;
	v51 =	vperm.xlane v17, v10;
	v50 =	vadd.s32 v3, v49  }
0x6db: {  	[tilespmem:s17], [sflag:$0x2] =	stream.indirect_vreg.gather [hbm4b:s16+s3], $0x80, v18, vm0, $0xb8;
	[tilespmem:$0x1C0C0] =	vst v63  }
0x6dc: {  	s19 =	simm.s32 $0x3B80;
	v52 =	vperm.xlane v17, v11;
	v18 =	vadd.s32 v3, v51  }
0x6dd: {  	[tilespmem:s19], [sflag:$0x2] =	stream.indirect_vreg.gather [hbm4b:s16+s3], $0x80, v19, vm0, $0xb8;
	[tilespmem:$0x1C0C0] =	vst v63  }
0x6de: {  	s26 =	simm.s32 $0x3C00;
	v53 =	vperm.xlane v17, v12;
	v19 =	vadd.s32 v3, v52  }
0x6df: {  	[tilespmem:s26], [sflag:$0x2] =	stream.indirect_vreg.gather [hbm4b:s16+s3], $0x80, v50, vm0, $0xb8;
	[tilespmem:$0x1C0C0] =	vst v63  }
0x6e0: {  	v55 =	vperm.xlane v17, v13;
	v54 =	vadd.s32 v3, v53;
	s5 =	simm.s32 $0x3C80  }
0x6e1: {  	[tilespmem:s5], [sflag:$0x2] =	stream.indirect_vreg.gather [hbm4b:s16+s3], $0x80, v18, vm0, $0xb8;
	[tilespmem:$0x1C0C0] =	vst v63  }
0x6e2: {  	v56 =	vperm.xlane v17, v14;
	s7 =	simm.s32 $0x3D00;
	v18 =	vadd.s32 v3, v55  }
0x6e3: {  	[tilespmem:s7], [sflag:$0x2] =	stream.indirect_vreg.gather [hbm4b:s16+s3], $0x80, v19, vm0, $0xb8;
	[tilespmem:$0x1C0C0] =	vst v63  }
0x6e4: {  	v57 =	vperm.xlane v17, v15;
	s8 =	simm.s32 $0x3D80;
	v19 =	vadd.s32 v3, v56  }
0x6e5: {  	[tilespmem:s8], [sflag:$0x2] =	stream.indirect_vreg.gather [hbm4b:s16+s3], $0x80, v54, vm0, $0xb8;
	[tilespmem:$0x1C0C0] =	vst v63  }
0x6e6: {  	v17 =	vperm.xlane v17, v16;
	v58 =	vadd.s32 v3, v57;
	s11 =	simm.s32 $0x3E00  }
0x6e7: {  	[tilespmem:s11], [sflag:$0x2] =	stream.indirect_vreg.gather [hbm4b:s16+s3], $0x80, v18, vm0, $0xb8;
	[tilespmem:$0x1C0C0] =	vst v63  }
0x6e8: {  	v17 =	vadd.s32 v3, v17;
	s12 =	simm.s32 $0x3E80  }
0x6e9: {  	[tilespmem:s12], [sflag:$0x2] =	stream.indirect_vreg.gather [hbm4b:s16+s3], $0x80, v19, vm0, $0xb8;
	[tilespmem:$0x1C0C0] =	vst v63  }
0x6ea: {  	s15 =	simm.s32 $0x3F00  }
0x6eb: {  	[tilespmem:s15], [sflag:$0x2] =	stream.indirect_vreg.gather [hbm4b:s16+s3], $0x80, v58, vm0, $0xb8;
	[tilespmem:$0x1C0C0] =	vst v63  }
0x6ec: {  	s17 =	simm.s32 $0x3F80  }
0x6ed: {  	[tilespmem:s17], [sflag:$0x2] =	stream.indirect_vreg.gather [hbm4b:s16+s3], $0x80, v17, vm0, $0xb8;
	[tilespmem:$0x1C0C0] =	vst v63  }
0x6ee: {  	v17 =	vld [tilespmem:$0xB0];
	_ =	sdelay $0x4  }
0x6ef: {  	v18 =	vshll.u32 v17, $0x1  }
0x6f0: {  	v17 =	vand.u32 $0x7, v17;
	v18 =	vand.u32 $0xFFFFFFF0, v18  }
0x6f1: {  	v17 =	vor.u32 v17, v18  }
0x6f2: {  	v18 =	vperm.xlane v17, v2;
	_ =	sdelay $0x1  }
0x6f3: {  	v19 =	vperm.xlane v17, v1;
	v18 =	vadd.s32 v3, v18;
	_ =	sdelay $0x1  }
0x6f4: {  	v59 =	vperm.xlane v17, v4;
	v19 =	vadd.s32 v3, v19;
	_ =	sdelay $0x1  }
0x6f5: {  	s19 =	simm.s32 $0x4000;
	v60 =	vperm.xlane v17, v5;
	v20 =	vadd.s32 v3, v59  }
0x6f6: {  	[tilespmem:s19], [sflag:$0x2] =	stream.indirect_vreg.gather [hbm4b:s16+s3], $0x80, v18, vm0, $0xb8;
	[tilespmem:$0x1C0C0] =	vst v63  }
0x6f7: {  	s26 =	simm.s32 $0x4080;
	v61 =	vperm.xlane v17, v6;
	v18 =	vadd.s32 v3, v60  }
0x6f8: {  	[tilespmem:s26], [sflag:$0x2] =	stream.indirect_vreg.gather [hbm4b:s16+s3], $0x80, v19, vm0, $0xb8;
	[tilespmem:$0x1C0C0] =	vst v63  }
0x6f9: {  	s5 =	simm.s32 $0x4100;
	v62 =	vperm.xlane v17, v7;
	v19 =	vadd.s32 v3, v61  }
0x6fa: {  	[tilespmem:s5], [sflag:$0x2] =	stream.indirect_vreg.gather [hbm4b:s16+s3], $0x80, v20, vm0, $0xb8;
	[tilespmem:$0x1C0C0] =	vst v63  }
0x6fb: {  	s7 =	simm.s32 $0x4180;
	v24 =	vperm.xlane v17, v8;
	v63 =	vadd.s32 v3, v62  }
0x6fc: {  	[tilespmem:s7], [sflag:$0x2] =	stream.indirect_vreg.gather [hbm4b:s16+s3], $0x80, v18, vm0, $0xb8;
	[tilespmem:$0x1C0C0] =	vst v63  }
0x6fd: {  	s8 =	simm.s32 $0x4200;
	v25 =	vperm.xlane v17, v0;
	v18 =	vadd.s32 v3, v24  }
0x6fe: {  	[tilespmem:s8], [sflag:$0x2] =	stream.indirect_vreg.gather [hbm4b:s16+s3], $0x80, v19, vm0, $0xb8;
	[tilespmem:$0x1C0C0] =	vst v63  }
0x6ff: {  	s11 =	simm.s32 $0x4280;
	v26 =	vperm.xlane v17, v9;
	v19 =	vadd.s32 v3, v25  }
0x700: {  	[tilespmem:s11], [sflag:$0x2] =	stream.indirect_vreg.gather [hbm4b:s16+s3], $0x80, v63, vm0, $0xb8;
	[tilespmem:$0x1C0C0] =	vst v63  }
0x701: {  	s12 =	simm.s32 $0x4300;
	v28 =	vperm.xlane v17, v10;
	v27 =	vadd.s32 v3, v26  }
0x702: {  	[tilespmem:s12], [sflag:$0x2] =	stream.indirect_vreg.gather [hbm4b:s16+s3], $0x80, v18, vm0, $0xb8;
	[tilespmem:$0x1C0C0] =	vst v63  }
0x703: {  	s15 =	simm.s32 $0x4380;
	v29 =	vperm.xlane v17, v11;
	v18 =	vadd.s32 v3, v28  }
0x704: {  	[tilespmem:s15], [sflag:$0x2] =	stream.indirect_vreg.gather [hbm4b:s16+s3], $0x80, v19, vm0, $0xb8;
	[tilespmem:$0x1C0C0] =	vst v63  }
0x705: {  	s17 =	simm.s32 $0x4400;
	v30 =	vperm.xlane v17, v12;
	v19 =	vadd.s32 v3, v29  }
0x706: {  	[tilespmem:s17], [sflag:$0x2] =	stream.indirect_vreg.gather [hbm4b:s16+s3], $0x80, v27, vm0, $0xb8;
	[tilespmem:$0x1C0C0] =	vst v63  }
0x707: {  	v32 =	vperm.xlane v17, v13;
	v31 =	vadd.s32 v3, v30;
	s19 =	simm.s32 $0x4480  }
0x708: {  	[tilespmem:s19], [sflag:$0x2] =	stream.indirect_vreg.gather [hbm4b:s16+s3], $0x80, v18, vm0, $0xb8;
	[tilespmem:$0x1C0C0] =	vst v63  }
0x709: {  	v33 =	vperm.xlane v17, v14;
	s26 =	simm.s32 $0x4500;
	v18 =	vadd.s32 v3, v32  }
0x70a: {  	[tilespmem:s26], [sflag:$0x2] =	stream.indirect_vreg.gather [hbm4b:s16+s3], $0x80, v19, vm0, $0xb8;
	[tilespmem:$0x1C0C0] =	vst v63  }
0x70b: {  	v34 =	vperm.xlane v17, v15;
	s5 =	simm.s32 $0x4580;
	v19 =	vadd.s32 v3, v33  }
0x70c: {  	[tilespmem:s5], [sflag:$0x2] =	stream.indirect_vreg.gather [hbm4b:s16+s3], $0x80, v31, vm0, $0xb8;
	[tilespmem:$0x1C0C0] =	vst v63  }
0x70d: {  	v17 =	vperm.xlane v17, v16;
	v35 =	vadd.s32 v3, v34;
	s7 =	simm.s32 $0x4600  }
0x70e: {  	[tilespmem:s7], [sflag:$0x2] =	stream.indirect_vreg.gather [hbm4b:s16+s3], $0x80, v18, vm0, $0xb8;
	[tilespmem:$0x1C0C0] =	vst v63  }
0x70f: {  	v17 =	vadd.s32 v3, v17;
	s8 =	simm.s32 $0x4680  }
0x710: {  	[tilespmem:s8], [sflag:$0x2] =	stream.indirect_vreg.gather [hbm4b:s16+s3], $0x80, v19, vm0, $0xb8;
	[tilespmem:$0x1C0C0] =	vst v63  }
0x711: {  	s11 =	simm.s32 $0x4700  }
0x712: {  	[tilespmem:s11], [sflag:$0x2] =	stream.indirect_vreg.gather [hbm4b:s16+s3], $0x80, v35, vm0, $0xb8;
	[tilespmem:$0x1C0C0] =	vst v63  }
0x713: {  	s12 =	simm.s32 $0x4780;
	s15 =	simm.s32 $0x18  }
0x714: {  	[tilespmem:s12], [sflag:$0x2] =	stream.indirect_vreg.gather [hbm4b:s16+s3], $0x80, v17, vm0, $0xb8;
	[tilespmem:$0x1C0C0] =	vst v63  }
0x715: {  	_ =	swait.ge [sflag:s15], $0x80  }
0x716: {  	[sflag:s15] =	ssyncset.done $0x0  }
0x717: {  	s17 =	simm.s32 $0x4;
	[sflag:s15] =	ssyncadd.s32 $0xFFFFFF80  }
0x718: {  	_ =	swait.ge [sflag:s17], $0x2000  }
0x719: {  	[sflag:s17] =	ssyncset.done $0x0  }
0x71a: {  	s19 =	simm.s32 $0x7;
	[sflag:s17] =	ssyncadd.s32 $0xFFFFE000  }
0x71b: {  	_ =	swait.ge [sflag:s19], $0x2000  }
0x71c: {  	[sflag:s19] =	ssyncset.done $0x0  }
0x71d: {  	s26 =	simm.s32 $0x780;
	[sflag:s19] =	ssyncadd.s32 $0xFFFFE000  }
0x71e: {  	[spmem:s1] =	stream.indirect.scatter.add.f32 [tilespmem:s20], [sflag:$0x8], $0x80, s26, s6, $0xb8;
	[tilespmem:$0x1C0C0] =	vst v63  }
0x71f: {  	s28 =	sadd.s32 $0xD0, s28  }
0x720: {  	[tilespmem:s30], [sflag:$0x16] =	stream.linear.gather [hbm4b:s28+s3], $0x80, $0x38;
	[tilespmem:$0x1C0C0] =	vst v63  }
0x721: {  	s4 =	sadd.s32 $0xF0, s23;
	s5 =	simm.s32 $0x380;
	s7 =	simm.s32 $0xB  }
0x722: {  	[tilespmem:s5], [sflag:$0x10] =	stream.linear.gather [hbm4b:s4+s3], $0x80, $0x38;
	[tilespmem:$0x1C0C0] =	vst v63  }
0x723: {  	_ =	swait.ge [sflag:s7], $0x80  }
0x724: {  	[sflag:s7] =	ssyncset.done $0x0  }
0x725: {  	[sflag:s7] =	ssyncadd.s32 $0xFFFFFF80  }
0x726: {  	v17 =	vld [tilespmem:$0x100];
	_ =	sdelay $0x4  }
0x727: {  	v18 =	vshll.u32 v17, $0x1  }
0x728: {  	v17 =	vand.u32 $0x7, v17;
	v18 =	vand.u32 $0xFFFFFFF0, v18  }
0x729: {  	v17 =	vor.u32 v17, v18  }
0x72a: {  	v18 =	vperm.xlane v17, v2;
	_ =	sdelay $0x1  }
0x72b: {  	v19 =	vperm.xlane v17, v1;
	v18 =	vadd.s32 v3, v18;
	_ =	sdelay $0x1  }
0x72c: {  	v36 =	vperm.xlane v17, v4;
	v19 =	vadd.s32 v3, v19;
	_ =	sdelay $0x1  }
0x72d: {  	v37 =	vperm.xlane v17, v5;
	v20 =	vadd.s32 v3, v36  }
0x72e: {  	[tilespmem:s9], [sflag:$0x3] =	stream.indirect_vreg.gather [hbm4b:s16+s3], $0x80, v18, vm0, $0xb8;
	[tilespmem:$0x1C0C0] =	vst v63  }
0x72f: {  	s8 =	simm.s32 $0x4880;
	v38 =	vperm.xlane v17, v6;
	v18 =	vadd.s32 v3, v37  }
0x730: {  	[tilespmem:s8], [sflag:$0x3] =	stream.indirect_vreg.gather [hbm4b:s16+s3], $0x80, v19, vm0, $0xb8;
	[tilespmem:$0x1C0C0] =	vst v63  }
0x731: {  	v39 =	vperm.xlane v17, v7;
	s9 =	simm.s32 $0x4900;
	v19 =	vadd.s32 v3, v38  }
0x732: {  	[tilespmem:s9], [sflag:$0x3] =	stream.indirect_vreg.gather [hbm4b:s16+s3], $0x80, v20, vm0, $0xb8;
	[tilespmem:$0x1C0C0] =	vst v63  }
0x733: {  	s11 =	simm.s32 $0x4980;
	v41 =	vperm.xlane v17, v8;
	v40 =	vadd.s32 v3, v39  }
0x734: {  	[tilespmem:s11], [sflag:$0x3] =	stream.indirect_vreg.gather [hbm4b:s16+s3], $0x80, v18, vm0, $0xb8;
	[tilespmem:$0x1C0C0] =	vst v63  }
0x735: {  	s12 =	simm.s32 $0x4A00;
	v42 =	vperm.xlane v17, v0;
	v18 =	vadd.s32 v3, v41  }
0x736: {  	[tilespmem:s12], [sflag:$0x3] =	stream.indirect_vreg.gather [hbm4b:s16+s3], $0x80, v19, vm0, $0xb8;
	[tilespmem:$0x1C0C0] =	vst v63  }
0x737: {  	s15 =	simm.s32 $0x4A80;
	v43 =	vperm.xlane v17, v9;
	v19 =	vadd.s32 v3, v42  }
0x738: {  	[tilespmem:s15], [sflag:$0x3] =	stream.indirect_vreg.gather [hbm4b:s16+s3], $0x80, v40, vm0, $0xb8;
	[tilespmem:$0x1C0C0] =	vst v63  }
0x739: {  	s17 =	simm.s32 $0x4B00;
	v45 =	vperm.xlane v17, v10;
	v44 =	vadd.s32 v3, v43  }
0x73a: {  	[tilespmem:s17], [sflag:$0x3] =	stream.indirect_vreg.gather [hbm4b:s16+s3], $0x80, v18, vm0, $0xb8;
	[tilespmem:$0x1C0C0] =	vst v63  }
0x73b: {  	s19 =	simm.s32 $0x4B80;
	v46 =	vperm.xlane v17, v11;
	v18 =	vadd.s32 v3, v45  }
0x73c: {  	[tilespmem:s19], [sflag:$0x3] =	stream.indirect_vreg.gather [hbm4b:s16+s3], $0x80, v19, vm0, $0xb8;
	[tilespmem:$0x1C0C0] =	vst v63  }
0x73d: {  	s23 =	simm.s32 $0x4C00;
	v47 =	vperm.xlane v17, v12;
	v19 =	vadd.s32 v3, v46  }
0x73e: {  	[tilespmem:s23], [sflag:$0x3] =	stream.indirect_vreg.gather [hbm4b:s16+s3], $0x80, v44, vm0, $0xb8;
	[tilespmem:$0x1C0C0] =	vst v63  }
0x73f: {  	s26 =	simm.s32 $0x4C80;
	v49 =	vperm.xlane v17, v13;
	v48 =	vadd.s32 v3, v47  }
0x740: {  	[tilespmem:s26], [sflag:$0x3] =	stream.indirect_vreg.gather [hbm4b:s16+s3], $0x80, v18, vm0, $0xb8;
	[tilespmem:$0x1C0C0] =	vst v63  }
0x741: {  	s28 =	simm.s32 $0x4D00;
	v50 =	vperm.xlane v17, v14;
	v18 =	vadd.s32 v3, v49  }
0x742: {  	[tilespmem:s28], [sflag:$0x3] =	stream.indirect_vreg.gather [hbm4b:s16+s3], $0x80, v19, vm0, $0xb8;
	[tilespmem:$0x1C0C0] =	vst v63  }
0x743: {  	s30 =	simm.s32 $0x4D80;
	v51 =	vperm.xlane v17, v15;
	v19 =	vadd.s32 v3, v50  }
0x744: {  	[tilespmem:s30], [sflag:$0x3] =	stream.indirect_vreg.gather [hbm4b:s16+s3], $0x80, v48, vm0, $0xb8;
	[tilespmem:$0x1C0C0] =	vst v63  }
0x745: {  	s5 =	simm.s32 $0x4E00;
	v17 =	vperm.xlane v17, v16;
	v52 =	vadd.s32 v3, v51  }
0x746: {  	[tilespmem:s5], [sflag:$0x3] =	stream.indirect_vreg.gather [hbm4b:s16+s3], $0x80, v18, vm0, $0xb8;
	[tilespmem:$0x1C0C0] =	vst v63  }
0x747: {  	s7 =	simm.s32 $0x4E80;
	v17 =	vadd.s32 v3, v17  }
0x748: {  	[tilespmem:s7], [sflag:$0x3] =	stream.indirect_vreg.gather [hbm4b:s16+s3], $0x80, v19, vm0, $0xb8;
	[tilespmem:$0x1C0C0] =	vst v63  }
0x749: {  	s8 =	simm.s32 $0x4F00  }
0x74a: {  	[tilespmem:s8], [sflag:$0x3] =	stream.indirect_vreg.gather [hbm4b:s16+s3], $0x80, v52, vm0, $0xb8;
	[tilespmem:$0x1C0C0] =	vst v63  }
0x74b: {  	s9 =	simm.s32 $0x4F80  }
0x74c: {  	[tilespmem:s9], [sflag:$0x3] =	stream.indirect_vreg.gather [hbm4b:s16+s3], $0x80, v17, vm0, $0xb8;
	[tilespmem:$0x1C0C0] =	vst v63  }
0x74d: {  	v17 =	vld [tilespmem:$0x110];
	_ =	sdelay $0x4  }
0x74e: {  	v18 =	vshll.u32 v17, $0x1  }
0x74f: {  	v17 =	vand.u32 $0x7, v17;
	v18 =	vand.u32 $0xFFFFFFF0, v18  }
0x750: {  	v17 =	vor.u32 v17, v18  }
0x751: {  	v18 =	vperm.xlane v17, v2;
	_ =	sdelay $0x1  }
0x752: {  	v19 =	vperm.xlane v17, v1;
	v18 =	vadd.s32 v3, v18;
	_ =	sdelay $0x1  }
0x753: {  	v53 =	vperm.xlane v17, v4;
	v19 =	vadd.s32 v3, v19;
	_ =	sdelay $0x1  }
0x754: {  	s11 =	simm.s32 $0x5000;
	v54 =	vperm.xlane v17, v5;
	v20 =	vadd.s32 v3, v53  }
0x755: {  	[tilespmem:s11], [sflag:$0x3] =	stream.indirect_vreg.gather [hbm4b:s16+s3], $0x80, v18, vm0, $0xb8;
	[tilespmem:$0x1C0C0] =	vst v63  }
0x756: {  	s12 =	simm.s32 $0x5080;
	v55 =	vperm.xlane v17, v6;
	v18 =	vadd.s32 v3, v54  }
0x757: {  	[tilespmem:s12], [sflag:$0x3] =	stream.indirect_vreg.gather [hbm4b:s16+s3], $0x80, v19, vm0, $0xb8;
	[tilespmem:$0x1C0C0] =	vst v63  }
0x758: {  	s15 =	simm.s32 $0x5100;
	v56 =	vperm.xlane v17, v7;
	v19 =	vadd.s32 v3, v55  }
0x759: {  	[tilespmem:s15], [sflag:$0x3] =	stream.indirect_vreg.gather [hbm4b:s16+s3], $0x80, v20, vm0, $0xb8;
	[tilespmem:$0x1C0C0] =	vst v63  }
0x75a: {  	s17 =	simm.s32 $0x5180;
	v58 =	vperm.xlane v17, v8;
	v57 =	vadd.s32 v3, v56  }
0x75b: {  	[tilespmem:s17], [sflag:$0x3] =	stream.indirect_vreg.gather [hbm4b:s16+s3], $0x80, v18, vm0, $0xb8;
	[tilespmem:$0x1C0C0] =	vst v63  }
0x75c: {  	s19 =	simm.s32 $0x5200;
	v59 =	vperm.xlane v17, v0;
	v18 =	vadd.s32 v3, v58  }
0x75d: {  	[tilespmem:s19], [sflag:$0x3] =	stream.indirect_vreg.gather [hbm4b:s16+s3], $0x80, v19, vm0, $0xb8;
	[tilespmem:$0x1C0C0] =	vst v63  }
0x75e: {  	s23 =	simm.s32 $0x5280;
	v60 =	vperm.xlane v17, v9;
	v19 =	vadd.s32 v3, v59  }
0x75f: {  	[tilespmem:s23], [sflag:$0x3] =	stream.indirect_vreg.gather [hbm4b:s16+s3], $0x80, v57, vm0, $0xb8;
	[tilespmem:$0x1C0C0] =	vst v63  }
0x760: {  	s26 =	simm.s32 $0x5300;
	v62 =	vperm.xlane v17, v10;
	v61 =	vadd.s32 v3, v60  }
0x761: {  	[tilespmem:s26], [sflag:$0x3] =	stream.indirect_vreg.gather [hbm4b:s16+s3], $0x80, v18, vm0, $0xb8;
	[tilespmem:$0x1C0C0] =	vst v63  }
0x762: {  	s28 =	simm.s32 $0x5380;
	v63 =	vperm.xlane v17, v11;
	v18 =	vadd.s32 v3, v62  }
0x763: {  	[tilespmem:s28], [sflag:$0x3] =	stream.indirect_vreg.gather [hbm4b:s16+s3], $0x80, v19, vm0, $0xb8;
	[tilespmem:$0x1C0C0] =	vst v63  }
0x764: {  	s30 =	simm.s32 $0x5400;
	v24 =	vperm.xlane v17, v12;
	v19 =	vadd.s32 v3, v63  }
0x765: {  	[tilespmem:s30], [sflag:$0x3] =	stream.indirect_vreg.gather [hbm4b:s16+s3], $0x80, v61, vm0, $0xb8;
	[tilespmem:$0x1C0C0] =	vst v63  }
0x766: {  	s5 =	simm.s32 $0x5480;
	v26 =	vperm.xlane v17, v13;
	v25 =	vadd.s32 v3, v24  }
0x767: {  	[tilespmem:s5], [sflag:$0x3] =	stream.indirect_vreg.gather [hbm4b:s16+s3], $0x80, v18, vm0, $0xb8;
	[tilespmem:$0x1C0C0] =	vst v63  }
0x768: {  	s7 =	simm.s32 $0x5500;
	v27 =	vperm.xlane v17, v14;
	v18 =	vadd.s32 v3, v26  }
0x769: {  	[tilespmem:s7], [sflag:$0x3] =	stream.indirect_vreg.gather [hbm4b:s16+s3], $0x80, v19, vm0, $0xb8;
	[tilespmem:$0x1C0C0] =	vst v63  }
0x76a: {  	s8 =	simm.s32 $0x5580;
	v28 =	vperm.xlane v17, v15;
	v19 =	vadd.s32 v3, v27  }
0x76b: {  	[tilespmem:s8], [sflag:$0x3] =	stream.indirect_vreg.gather [hbm4b:s16+s3], $0x80, v25, vm0, $0xb8;
	[tilespmem:$0x1C0C0] =	vst v63  }
0x76c: {  	s9 =	simm.s32 $0x5600;
	v17 =	vperm.xlane v17, v16;
	v29 =	vadd.s32 v3, v28  }
0x76d: {  	[tilespmem:s9], [sflag:$0x3] =	stream.indirect_vreg.gather [hbm4b:s16+s3], $0x80, v18, vm0, $0xb8;
	[tilespmem:$0x1C0C0] =	vst v63  }
0x76e: {  	v17 =	vadd.s32 v3, v17;
	s11 =	simm.s32 $0x5680  }
0x76f: {  	[tilespmem:s11], [sflag:$0x3] =	stream.indirect_vreg.gather [hbm4b:s16+s3], $0x80, v19, vm0, $0xb8;
	[tilespmem:$0x1C0C0] =	vst v63  }
0x770: {  	s12 =	simm.s32 $0x5700  }
0x771: {  	[tilespmem:s12], [sflag:$0x3] =	stream.indirect_vreg.gather [hbm4b:s16+s3], $0x80, v29, vm0, $0xb8;
	[tilespmem:$0x1C0C0] =	vst v63  }
0x772: {  	s15 =	simm.s32 $0x5780  }
0x773: {  	[tilespmem:s15], [sflag:$0x3] =	stream.indirect_vreg.gather [hbm4b:s16+s3], $0x80, v17, vm0, $0xb8;
	[tilespmem:$0x1C0C0] =	vst v63  }
0x774: {  	v17 =	vld [tilespmem:$0x120];
	_ =	sdelay $0x4  }
0x775: {  	v18 =	vshll.u32 v17, $0x1  }
0x776: {  	v17 =	vand.u32 $0x7, v17;
	v18 =	vand.u32 $0xFFFFFFF0, v18  }
0x777: {  	v17 =	vor.u32 v17, v18  }
0x778: {  	v18 =	vperm.xlane v17, v2;
	_ =	sdelay $0x1  }
0x779: {  	v19 =	vperm.xlane v17, v1;
	v18 =	vadd.s32 v3, v18;
	_ =	sdelay $0x1  }
0x77a: {  	v30 =	vperm.xlane v17, v4;
	v19 =	vadd.s32 v3, v19;
	_ =	sdelay $0x1  }
0x77b: {  	s17 =	simm.s32 $0x5800;
	v31 =	vperm.xlane v17, v5;
	v20 =	vadd.s32 v3, v30  }
0x77c: {  	[tilespmem:s17], [sflag:$0x3] =	stream.indirect_vreg.gather [hbm4b:s16+s3], $0x80, v18, vm0, $0xb8;
	[tilespmem:$0x1C0C0] =	vst v63  }
0x77d: {  	s19 =	simm.s32 $0x5880;
	v32 =	vperm.xlane v17, v6;
	v18 =	vadd.s32 v3, v31  }
0x77e: {  	[tilespmem:s19], [sflag:$0x3] =	stream.indirect_vreg.gather [hbm4b:s16+s3], $0x80, v19, vm0, $0xb8;
	[tilespmem:$0x1C0C0] =	vst v63  }
0x77f: {  	s23 =	simm.s32 $0x5900;
	v33 =	vperm.xlane v17, v7;
	v19 =	vadd.s32 v3, v32  }
0x780: {  	[tilespmem:s23], [sflag:$0x3] =	stream.indirect_vreg.gather [hbm4b:s16+s3], $0x80, v20, vm0, $0xb8;
	[tilespmem:$0x1C0C0] =	vst v63  }
0x781: {  	s26 =	simm.s32 $0x5980;
	v35 =	vperm.xlane v17, v8;
	v34 =	vadd.s32 v3, v33  }
0x782: {  	[tilespmem:s26], [sflag:$0x3] =	stream.indirect_vreg.gather [hbm4b:s16+s3], $0x80, v18, vm0, $0xb8;
	[tilespmem:$0x1C0C0] =	vst v63  }
0x783: {  	s28 =	simm.s32 $0x5A00;
	v36 =	vperm.xlane v17, v0;
	v18 =	vadd.s32 v3, v35  }
0x784: {  	[tilespmem:s28], [sflag:$0x3] =	stream.indirect_vreg.gather [hbm4b:s16+s3], $0x80, v19, vm0, $0xb8;
	[tilespmem:$0x1C0C0] =	vst v63  }
0x785: {  	s30 =	simm.s32 $0x5A80;
	v37 =	vperm.xlane v17, v9;
	v19 =	vadd.s32 v3, v36  }
0x786: {  	[tilespmem:s30], [sflag:$0x3] =	stream.indirect_vreg.gather [hbm4b:s16+s3], $0x80, v34, vm0, $0xb8;
	[tilespmem:$0x1C0C0] =	vst v63  }
0x787: {  	s5 =	simm.s32 $0x5B00;
	v39 =	vperm.xlane v17, v10;
	v38 =	vadd.s32 v3, v37  }
0x788: {  	[tilespmem:s5], [sflag:$0x3] =	stream.indirect_vreg.gather [hbm4b:s16+s3], $0x80, v18, vm0, $0xb8;
	[tilespmem:$0x1C0C0] =	vst v63  }
0x789: {  	s7 =	simm.s32 $0x5B80;
	v40 =	vperm.xlane v17, v11;
	v18 =	vadd.s32 v3, v39  }
0x78a: {  	[tilespmem:s7], [sflag:$0x3] =	stream.indirect_vreg.gather [hbm4b:s16+s3], $0x80, v19, vm0, $0xb8;
	[tilespmem:$0x1C0C0] =	vst v63  }
0x78b: {  	s8 =	simm.s32 $0x5C00;
	v41 =	vperm.xlane v17, v12;
	v19 =	vadd.s32 v3, v40  }
0x78c: {  	[tilespmem:s8], [sflag:$0x3] =	stream.indirect_vreg.gather [hbm4b:s16+s3], $0x80, v38, vm0, $0xb8;
	[tilespmem:$0x1C0C0] =	vst v63  }
0x78d: {  	s9 =	simm.s32 $0x5C80;
	v43 =	vperm.xlane v17, v13;
	v42 =	vadd.s32 v3, v41  }
0x78e: {  	[tilespmem:s9], [sflag:$0x3] =	stream.indirect_vreg.gather [hbm4b:s16+s3], $0x80, v18, vm0, $0xb8;
	[tilespmem:$0x1C0C0] =	vst v63  }
0x78f: {  	s11 =	simm.s32 $0x5D00;
	v44 =	vperm.xlane v17, v14;
	v18 =	vadd.s32 v3, v43  }
0x790: {  	[tilespmem:s11], [sflag:$0x3] =	stream.indirect_vreg.gather [hbm4b:s16+s3], $0x80, v19, vm0, $0xb8;
	[tilespmem:$0x1C0C0] =	vst v63  }
0x791: {  	s12 =	simm.s32 $0x5D80;
	v45 =	vperm.xlane v17, v15;
	v19 =	vadd.s32 v3, v44  }
0x792: {  	[tilespmem:s12], [sflag:$0x3] =	stream.indirect_vreg.gather [hbm4b:s16+s3], $0x80, v42, vm0, $0xb8;
	[tilespmem:$0x1C0C0] =	vst v63  }
0x793: {  	s15 =	simm.s32 $0x5E00;
	v17 =	vperm.xlane v17, v16;
	v46 =	vadd.s32 v3, v45  }
0x794: {  	[tilespmem:s15], [sflag:$0x3] =	stream.indirect_vreg.gather [hbm4b:s16+s3], $0x80, v18, vm0, $0xb8;
	[tilespmem:$0x1C0C0] =	vst v63  }
0x795: {  	v17 =	vadd.s32 v3, v17;
	s17 =	simm.s32 $0x5E80  }
0x796: {  	[tilespmem:s17], [sflag:$0x3] =	stream.indirect_vreg.gather [hbm4b:s16+s3], $0x80, v19, vm0, $0xb8;
	[tilespmem:$0x1C0C0] =	vst v63  }
0x797: {  	s19 =	simm.s32 $0x5F00  }
0x798: {  	[tilespmem:s19], [sflag:$0x3] =	stream.indirect_vreg.gather [hbm4b:s16+s3], $0x80, v46, vm0, $0xb8;
	[tilespmem:$0x1C0C0] =	vst v63  }
0x799: {  	s23 =	simm.s32 $0x5F80  }
0x79a: {  	[tilespmem:s23], [sflag:$0x3] =	stream.indirect_vreg.gather [hbm4b:s16+s3], $0x80, v17, vm0, $0xb8;
	[tilespmem:$0x1C0C0] =	vst v63  }
0x79b: {  	v17 =	vld [tilespmem:$0x130];
	_ =	sdelay $0x4  }
0x79c: {  	v18 =	vshll.u32 v17, $0x1  }
0x79d: {  	v17 =	vand.u32 $0x7, v17;
	v18 =	vand.u32 $0xFFFFFFF0, v18  }
0x79e: {  	v17 =	vor.u32 v17, v18  }
0x79f: {  	v18 =	vperm.xlane v17, v2;
	_ =	sdelay $0x1  }
0x7a0: {  	v19 =	vperm.xlane v17, v1;
	v18 =	vadd.s32 v3, v18;
	_ =	sdelay $0x1  }
0x7a1: {  	v47 =	vperm.xlane v17, v4;
	v19 =	vadd.s32 v3, v19;
	_ =	sdelay $0x1  }
0x7a2: {  	s26 =	simm.s32 $0x6000;
	v48 =	vperm.xlane v17, v5;
	v20 =	vadd.s32 v3, v47  }
0x7a3: {  	[tilespmem:s26], [sflag:$0x3] =	stream.indirect_vreg.gather [hbm4b:s16+s3], $0x80, v18, vm0, $0xb8;
	[tilespmem:$0x1C0C0] =	vst v63  }
0x7a4: {  	s28 =	simm.s32 $0x6080;
	v49 =	vperm.xlane v17, v6;
	v18 =	vadd.s32 v3, v48  }
0x7a5: {  	[tilespmem:s28], [sflag:$0x3] =	stream.indirect_vreg.gather [hbm4b:s16+s3], $0x80, v19, vm0, $0xb8;
	[tilespmem:$0x1C0C0] =	vst v63  }
0x7a6: {  	s30 =	simm.s32 $0x6100;
	v50 =	vperm.xlane v17, v7;
	v19 =	vadd.s32 v3, v49  }
0x7a7: {  	[tilespmem:s30], [sflag:$0x3] =	stream.indirect_vreg.gather [hbm4b:s16+s3], $0x80, v20, vm0, $0xb8;
	[tilespmem:$0x1C0C0] =	vst v63  }
0x7a8: {  	s5 =	simm.s32 $0x6180;
	v52 =	vperm.xlane v17, v8;
	v51 =	vadd.s32 v3, v50  }
0x7a9: {  	[tilespmem:s5], [sflag:$0x3] =	stream.indirect_vreg.gather [hbm4b:s16+s3], $0x80, v18, vm0, $0xb8;
	[tilespmem:$0x1C0C0] =	vst v63  }
0x7aa: {  	s7 =	simm.s32 $0x6200;
	v53 =	vperm.xlane v17, v0;
	v18 =	vadd.s32 v3, v52  }
0x7ab: {  	[tilespmem:s7], [sflag:$0x3] =	stream.indirect_vreg.gather [hbm4b:s16+s3], $0x80, v19, vm0, $0xb8;
	[tilespmem:$0x1C0C0] =	vst v63  }
0x7ac: {  	s8 =	simm.s32 $0x6280;
	v54 =	vperm.xlane v17, v9;
	v19 =	vadd.s32 v3, v53  }
0x7ad: {  	[tilespmem:s8], [sflag:$0x3] =	stream.indirect_vreg.gather [hbm4b:s16+s3], $0x80, v51, vm0, $0xb8;
	[tilespmem:$0x1C0C0] =	vst v63  }
0x7ae: {  	s9 =	simm.s32 $0x6300;
	v56 =	vperm.xlane v17, v10;
	v55 =	vadd.s32 v3, v54  }
0x7af: {  	[tilespmem:s9], [sflag:$0x3] =	stream.indirect_vreg.gather [hbm4b:s16+s3], $0x80, v18, vm0, $0xb8;
	[tilespmem:$0x1C0C0] =	vst v63  }
0x7b0: {  	s11 =	simm.s32 $0x6380;
	v57 =	vperm.xlane v17, v11;
	v18 =	vadd.s32 v3, v56  }
0x7b1: {  	[tilespmem:s11], [sflag:$0x3] =	stream.indirect_vreg.gather [hbm4b:s16+s3], $0x80, v19, vm0, $0xb8;
	[tilespmem:$0x1C0C0] =	vst v63  }
0x7b2: {  	s12 =	simm.s32 $0x6400;
	v58 =	vperm.xlane v17, v12;
	v19 =	vadd.s32 v3, v57  }
0x7b3: {  	[tilespmem:s12], [sflag:$0x3] =	stream.indirect_vreg.gather [hbm4b:s16+s3], $0x80, v55, vm0, $0xb8;
	[tilespmem:$0x1C0C0] =	vst v63  }
0x7b4: {  	s15 =	simm.s32 $0x6480;
	v60 =	vperm.xlane v17, v13;
	v59 =	vadd.s32 v3, v58  }
0x7b5: {  	[tilespmem:s15], [sflag:$0x3] =	stream.indirect_vreg.gather [hbm4b:s16+s3], $0x80, v18, vm0, $0xb8;
	[tilespmem:$0x1C0C0] =	vst v63  }
0x7b6: {  	s17 =	simm.s32 $0x6500;
	v61 =	vperm.xlane v17, v14;
	v18 =	vadd.s32 v3, v60  }
0x7b7: {  	[tilespmem:s17], [sflag:$0x3] =	stream.indirect_vreg.gather [hbm4b:s16+s3], $0x80, v19, vm0, $0xb8;
	[tilespmem:$0x1C0C0] =	vst v63  }
0x7b8: {  	s19 =	simm.s32 $0x6580;
	v19 =	vadd.s32 v3, v61  }
0x7b9: {  	v62 =	vperm.xlane v17, v15;
	[tilespmem:s19], [sflag:$0x3] =	stream.indirect_vreg.gather [hbm4b:s16+s3], $0x80, v59, vm0, $0xb8;
	[tilespmem:$0x1C0C0] =	vst v63  }
0x7ba: {  	s23 =	simm.s32 $0x6600  }
0x7bb: {  	v17 =	vperm.xlane v17, v16;
	v63 =	vadd.s32 v3, v62;
	[tilespmem:s23], [sflag:$0x3] =	stream.indirect_vreg.gather [hbm4b:s16+s3], $0x80, v18, vm0, $0xb8;
	[tilespmem:$0x1C0C0] =	vst v63  }
0x7bc: {  	s2 =	sadd.s32 $0x400, s2;
	s26 =	simm.s32 $0x6680  }
0x7bd: {  	v17 =	vadd.s32 v3, v17;
	[tilespmem:s26], [sflag:$0x3] =	stream.indirect_vreg.gather [hbm4b:s16+s3], $0x80, v19, vm0, $0xb8;
	[tilespmem:$0x1C0C0] =	vst v63  }
.Ltmp3:
0x7be: {  	s0 =	sadd.s32 $0x80, s0;
	s31 =	simm.s32 $0x680;
	(pc) =	sbr.rel .LBB2_2-.Ltmp3, $4  }
0x7bf: {  	s29 =	simm.s32 $0x780;
	s28 =	simm.s32 $0x6700;
	s30 =	simm.s32 $0x6780  }
0x7c0: {  	[tilespmem:s28], [sflag:$0x3] =	stream.indirect_vreg.gather [hbm4b:s16+s3], $0x80, v63, vm0, $0xb8;
	[tilespmem:$0x1C0C0] =	vst v63  }
0x7c1: {  	s11 =	simm.s32 $0x6800;
	s17 =	simm.s32 $0x700;
	s19 =	simm.s32 $0x2800  }
0x7c2: {  	[tilespmem:s30], [sflag:$0x3] =	stream.indirect_vreg.gather [hbm4b:s16+s3], $0x80, v17, vm0, $0xb8;
	[tilespmem:$0x1C0C0] =	vst v63  }
.LBB2_5:
0x7c3: {  	_ =	sfence.sel $0x180000  }
0x7c4: {  	[bflag:$0x0] =	sbarrier.arrive $0xFFFF  }
0x7c5: {  	_ =	strace $0x90000047  }
0x7c6: {  	s0 =	stileid.u32;
	[bflag:$0x2] =	sbarrier.arrive $0xFFFF  }
0x7c7: {  	p0 =	sne.s32 s0, $0x0;
	s0 =	rddreg [dreg:$0x4]  }
0x7c8: {  	s0 =	sadd.s32 @!p0 $0x100000, s0  }
0x7c9: {  	[sflag:s0] =	ssyncadd.tile.s32 @!p0 $0x1;
	_ =	shalt  }
.Lfunc_end2:
_tile_overlayer_lowered:
.L_overlay_start_2:
0x7ca: {  	(tag) =	ssettag $0x2  }
0x7cb: {  	s0 =	rddreg [dreg:$0x0];
	s2 =	stileid.u32  }
0x7cc: {  	s1 =	rddreg [dreg:$0x1];
	p0 =	sne.s32 s2, $0x0  }
0x7cd: {  	s3 =	rddreg [dreg:$0x2];
	[bflag:$0x3] =	sbarrier.arrive $0xFFFF;
	s2 =	simm.s32 @!p0 $0x1C19  }
0x7ce: {  	[timem:s3], [sflag:s2] =	dma.local @!p0 [hbm:s0], s1  }
0x7cf: {  	s0 =	simm.s32 @!p0 $0x19  }
0x7d0: {  	_ =	swait.ge @!p0 [sflag:s0], s1  }
0x7d1: {  	s1 =	ssub.s32 @!p0 $0x0, s1;
	[sflag:s0] =	ssyncset.done @!p0 $0x0  }
0x7d2: {  	[sflag:s0] =	ssyncadd.s32 @!p0 s1  }
0x7d3: {  	[bflag:$0x3] =	sbarrier.arrive $0xFFFF  }
0x7d4: {  	_ =	shalt  }

</sc_bundles>
